<compile_context>
chip_gen: v7x
topology: tpu7x:2x2x1
jax: 0.10.2.dev20260603
libtpu: 0.0.44.dev20260713+nightly
codegen_flags: <defaults>
</compile_context>

<pallas_src>
import functools

import jax
import jax.numpy as jnp
from jax import lax
from jax.experimental import pallas as pl
from jax.experimental.pallas import tpu as pltpu
from jax.experimental.pallas import tpu_sc as plsc

N = 10000
E = 160000
LATENT = 64
STEPS = 3

NC = 2
NS = 16
NW = NC * NS
CH = 128
E_PAD = ((E + NW * CH - 1) // (NW * CH)) * (NW * CH)
BLK_E = 2048
GRID_E = E_PAD // BLK_E
PBLK_E = BLK_E // 2
BLK_EE = 1000
BLK_N = 2000
GRID_N = N // BLK_N
ACC_ROWS = ((N + NS - 1) // NS + 1) * NS
ROWS_PER_TILE = ACC_ROWS // NS
PROWS_PER_TILE = ROWS_PER_TILE // 2

_G_TOT_CH = 2 * E_PAD // CH
_G_NCH = _G_TOT_CH // NW
_G_GRP = 2
_G_NGRP = _G_NCH // _G_GRP
_G_ROWS = _G_GRP * CH
_S_PER_W = E_PAD // NW
_S_NCH = _S_PER_W // CH
_S_GRP = 2
_S_NGRP = _S_NCH // _S_GRP
_S_ROWS = _S_GRP * CH


def _bd2(w):
    a, b = w.shape
    z = jnp.zeros((2 * a, 2 * b), jnp.float32)
    return z.at[:a, :b].set(w).at[a:, b:].set(w)


def _t2(b):
    return jnp.tile(b.reshape(1, -1), (1, 2))


def _m64():
    return _bd2(jnp.full((LATENT, LATENT), 1.0 / LATENT, jnp.float32))


def _ln(h, g, beta):
    mu = jnp.mean(h, axis=-1, keepdims=True)
    var = jnp.mean((h - mu) ** 2, axis=-1, keepdims=True)
    return (h - mu) * jax.lax.rsqrt(var + 1e-5) * g + beta


def _ln2(h, m_ref, g2, beta2):
    m = m_ref[...]
    mu = jnp.dot(h, m, preferred_element_type=jnp.float32)
    ex2 = jnp.dot(h * h, m, preferred_element_type=jnp.float32)
    var = ex2 - mu * mu
    return (h - mu) * jax.lax.rsqrt(var + 1e-5) * g2 + beta2


def _relu(v):
    return jnp.maximum(v, 0.0)


def _bdot(a, w):
    return jnp.dot(a.astype(jnp.bfloat16), w.astype(jnp.bfloat16),
                   preferred_element_type=jnp.float32)


def _fdot(a, w):
    return jnp.dot(a, w, preferred_element_type=jnp.float32,
                   precision=jax.lax.Precision.HIGHEST)



def _enc_node_body(x_ref, w1_ref, b1_ref, w2_ref, b2_ref, g_ref, beta_ref,
                   o_ref):
    h = _relu(_fdot(x_ref[...], w1_ref[...]) + b1_ref[...])
    h = _relu(_fdot(h, w2_ref[...]) + b2_ref[...])
    o_ref[...] = _ln(h, g_ref[...], beta_ref[...])


def _enc_edge_body(x_ref, w1_ref, b1_ref, w2_ref, b2_ref, m_ref, g_ref,
                   beta_ref, o_ref):
    h = _relu(_bdot(x_ref[...], w1_ref[...]) + b1_ref[...])
    h = _relu(_bdot(h, w2_ref[...]) + b2_ref[...])
    o_ref[...] = _ln2(h, m_ref, g_ref[...], beta_ref[...])


def _edge_body(a_ref, b_ref, ne_ref, ws_ref, wd_ref, w1c_ref, b1_ref,
               w2_ref, b2_ref, m_ref, g_ref, beta_ref, msg_ref, neo_ref):
    a = a_ref[...]
    b = b_ref[...]
    ne = ne_ref[...]
    s = _bdot(a + b, ws_ref[...])
    dd = _bdot(a - b, wd_ref[...])
    pc = _bdot(ne, w1c_ref[...]) + b1_ref[...]
    u = 0.5 * (s + dd) + pc
    v = 0.5 * (s - dd) + pc
    w2 = w2_ref[...]
    b2 = b2_ref[...]
    g = g_ref[...]
    beta = beta_ref[...]
    hu = _relu(_bdot(_relu(u), w2) + b2)
    hv = _relu(_bdot(_relu(v), w2) + b2)
    msg_ref[...] = _ln2(hu, m_ref, g, beta)
    neo_ref[...] = ne + _ln2(hv, m_ref, g, beta)


def _node_body(p0_ref, p1_ref, nx_ref, w1a_ref, w1b_ref, b1_ref,
               w2_ref, b2_ref, g_ref, beta_ref, nxo_ref):
    aggr = p0_ref[0] + p1_ref[0]
    nx = nx_ref[...]
    u = _fdot(aggr, w1a_ref[...]) + _fdot(nx, w1b_ref[...]) + b1_ref[...]
    h = _relu(_fdot(_relu(u), w2_ref[...]) + b2_ref[...])
    nxo_ref[...] = nx + _ln(h, g_ref[...], beta_ref[...])


def _gru(xv, wr, wz, wn, cr, cz, cn, hn):
    r = jax.nn.sigmoid(_fdot(xv, wr) + cr)
    z = jax.nn.sigmoid(_fdot(xv, wz) + cz)
    n = jnp.tanh(_fdot(xv, wn) + cn + r * hn)
    return (1.0 - z) * n


def _decode_body(nx_ref, s_ref,
                 wr1_ref, wz1_ref, wn1_ref, cr1_ref, cz1_ref, cn1_ref, hn1_ref,
                 wr2_ref, wz2_ref, wn2_ref, cr2_ref, cz2_ref, cn2_ref, hn2_ref,
                 dw1a_ref, dw1b_ref, dw1c_ref, db1_ref, w2p_ref, b2p_ref,
                 o_ref):
    nx = nx_ref[...]
    h1 = _gru(nx, wr1_ref[...], wz1_ref[...], wn1_ref[...],
              cr1_ref[...], cz1_ref[...], cn1_ref[...], hn1_ref[...])
    h2 = _gru(h1, wr2_ref[...], wz2_ref[...], wn2_ref[...],
              cr2_ref[...], cz2_ref[...], cn2_ref[...], hn2_ref[...])
    hh = _relu(_fdot(h1, dw1a_ref[...]) + _fdot(h2, dw1b_ref[...]) +
               _fdot(s_ref[...], dw1c_ref[...]) + db1_ref[...])
    o_ref[...] = _fdot(hh, w2p_ref[...]) + b2p_ref[...]


def _full_spec(shape):
    return pl.BlockSpec(shape, lambda i: (0,) * len(shape))


def _row_spec(blk, width):
    return pl.BlockSpec((blk, width), lambda i: (i, 0))


def _run_enc_node(x, p):
    return pl.pallas_call(
        _enc_node_body,
        grid=(GRID_N,),
        in_specs=[
            _row_spec(BLK_N, 128),
            _full_spec((128, LATENT)), _full_spec((1, LATENT)),
            _full_spec((LATENT, LATENT)), _full_spec((1, LATENT)),
            _full_spec((1, LATENT)), _full_spec((1, LATENT)),
        ],
        out_specs=_row_spec(BLK_N, LATENT),
        out_shape=jax.ShapeDtypeStruct((N, LATENT), jnp.float32),
    )(x, p["W1"], p["b1"].reshape(1, -1), p["W2"], p["b2"].reshape(1, -1),
      p["g"].reshape(1, -1), p["beta"].reshape(1, -1))


def _run_enc_edge(ea2, p):
    fin = ea2.shape[1]
    return pl.pallas_call(
        _enc_edge_body,
        grid=(E // 2 // BLK_EE,),
        in_specs=[
            _row_spec(BLK_EE, fin),
            _full_spec((fin, 128)), _full_spec((1, 128)),
            _full_spec((128, 128)), _full_spec((1, 128)),
            _full_spec((128, 128)),
            _full_spec((1, 128)), _full_spec((1, 128)),
        ],
        out_specs=_row_spec(BLK_EE, 128),
        out_shape=jax.ShapeDtypeStruct((E_PAD // 2, 128), jnp.float32),
    )(ea2, _bd2(p["W1"]), _t2(p["b1"]), _bd2(p["W2"]), _t2(p["b2"]),
      _m64(), _t2(p["g"]), _t2(p["beta"]))


def _run_edge(gathered, ne2, p):
    w1a = p["W1"][:LATENT]
    w1b = p["W1"][LATENT:2 * LATENT]
    w1c = p["W1"][2 * LATENT:]
    return pl.pallas_call(
        _edge_body,
        grid=(GRID_E,),
        in_specs=[
            pl.BlockSpec((PBLK_E, 128), lambda i: (2 * i, 0)),
            pl.BlockSpec((PBLK_E, 128), lambda i: (2 * i + 1, 0)),
            _row_spec(PBLK_E, 128),
            _full_spec((128, 128)), _full_spec((128, 128)),
            _full_spec((128, 128)), _full_spec((1, 128)),
            _full_spec((128, 128)), _full_spec((1, 128)),
            _full_spec((128, 128)),
            _full_spec((1, 128)), _full_spec((1, 128)),
        ],
        out_specs=[_row_spec(PBLK_E, 128), _row_spec(PBLK_E, 128)],
        out_shape=[jax.ShapeDtypeStruct((E_PAD // 2, 128), jnp.float32),
                   jax.ShapeDtypeStruct((E_PAD // 2, 128), jnp.float32)],
    )(gathered, gathered, ne2, _bd2(w1a + w1b), _bd2(w1a - w1b), _bd2(w1c),
      _t2(p["b1"]), _bd2(p["W2"]), _t2(p["b2"]),
      _m64(), _t2(p["g"]), _t2(p["beta"]))


def _run_node(partials2, nx, p):
    w1a = p["W1"][:LATENT]
    w1b = p["W1"][LATENT:]
    return pl.pallas_call(
        _node_body,
        grid=(GRID_N,),
        in_specs=[
            pl.BlockSpec((1, BLK_N, LATENT), lambda i: (0, i, 0)),
            pl.BlockSpec((1, BLK_N, LATENT), lambda i: (1, i, 0)),
            _row_spec(BLK_N, LATENT),
            _full_spec((LATENT, LATENT)), _full_spec((LATENT, LATENT)),
            _full_spec((1, LATENT)),
            _full_spec((LATENT, LATENT)), _full_spec((1, LATENT)),
            _full_spec((1, LATENT)), _full_spec((1, LATENT)),
        ],
        out_specs=_row_spec(BLK_N, LATENT),
        out_shape=jax.ShapeDtypeStruct((N, LATENT), jnp.float32),
    )(partials2, partials2, nx, w1a, w1b, p["b1"].reshape(1, -1),
      p["W2"], p["b2"].reshape(1, -1), p["g"].reshape(1, -1),
      p["beta"].reshape(1, -1))


def _gru_args(p):
    wr = p["Wih"][:, :LATENT]
    wz = p["Wih"][:, LATENT:2 * LATENT]
    wn = p["Wih"][:, 2 * LATENT:]
    cr = (p["bih"][:LATENT] + p["bhh"][:LATENT]).reshape(1, -1)
    cz = (p["bih"][LATENT:2 * LATENT] + p["bhh"][LATENT:2 * LATENT]).reshape(1, -1)
    cn = p["bih"][2 * LATENT:].reshape(1, -1)
    hn = p["bhh"][2 * LATENT:].reshape(1, -1)
    return wr, wz, wn, cr, cz, cn, hn


def _run_decode(nx, s, params):
    g1 = _gru_args(params["gru1"])
    g2 = _gru_args(params["gru2"])
    dec = params["dec"]
    dw1a = dec["W1"][:LATENT]
    dw1b = dec["W1"][LATENT:2 * LATENT]
    dw1c = dec["W1"][2 * LATENT:]
    out_dim = dec["W2"].shape[1]
    w2p = jnp.zeros((LATENT, 128), jnp.float32).at[:, :out_dim].set(dec["W2"])
    b2p = jnp.zeros((1, 128), jnp.float32).at[:, :out_dim].set(dec["b2"])
    gru_specs = [_full_spec((LATENT, LATENT))] * 3 + [_full_spec((1, LATENT))] * 4
    out_pad = pl.pallas_call(
        _decode_body,
        grid=(GRID_N,),
        in_specs=[_row_spec(BLK_N, LATENT), _row_spec(BLK_N, LATENT)]
                 + gru_specs + gru_specs
                 + [_full_spec((LATENT, LATENT))] * 3
                 + [_full_spec((1, LATENT)),
                    _full_spec((LATENT, 128)), _full_spec((1, 128))],
        out_specs=_row_spec(BLK_N, 128),
        out_shape=jax.ShapeDtypeStruct((N, 128), jnp.float32),
    )(nx, s, *g1, *g2, dw1a, dw1b, dw1c, dec["b1"].reshape(1, -1), w2p, b2p)
    return out_pad[:, :out_dim]



def _pack_repack(src64, dst128, nrows128):
    @pl.loop(0, nrows128)
    def _rows(i):
        for j in range(8):
            v = src64[2 * i + (j // 4), pl.ds((j % 4) * 16, 16)]
            dst128[i, pl.ds(j * 16, 16)] = v


def _unpack_repack(src128, dst64, nrows128):
    @pl.loop(0, nrows128)
    def _rows(i):
        for j in range(8):
            v = src128[i, pl.ds(j * 16, 16)]
            dst64[2 * i + (j // 4), pl.ds((j % 4) * 16, 16)] = v


@functools.cache
def _sc_kernels():
    mesh = plsc.VectorSubcoreMesh(core_axis_name="c", subcore_axis_name="s",
                                  num_cores=NC, num_subcores=NS)

    @functools.partial(
        pl.kernel,
        out_type=jax.ShapeDtypeStruct((E_PAD, 128), jnp.float32),
        mesh=mesh,
        scratch_types=[
            pltpu.VMEM((_G_NCH, CH), jnp.int32),
            pltpu.VMEM((_G_ROWS, LATENT), jnp.float32),
            pltpu.VMEM((_G_ROWS, LATENT), jnp.float32),
            pltpu.VMEM((_G_ROWS // 2, 128), jnp.float32),
            pltpu.VMEM((_G_ROWS // 2, 128), jnp.float32),
            pltpu.SemaphoreType.DMA((2,)),
            pltpu.SemaphoreType.DMA((2,)),
        ],
        compiler_params=pltpu.CompilerParams(use_tc_tiling_on_sc=False),
    )
    def gather_k(table_hbm, idx_hbm, out_hbm, idx_v, bo0, bo1, st0, st1,
                 gsem, wsem):
        wid = lax.axis_index("s") * NC + lax.axis_index("c")
        pltpu.sync_copy(idx_hbm.at[wid], idx_v)
        base = wid * _G_NCH * CH // 2
        bo = (bo0, bo1)
        st = (st0, st1)

        def fire(g, buf):
            for q in range(_G_GRP):
                pltpu.async_copy(table_hbm.at[idx_v.at[g * _G_GRP + q]],
                                 bo[buf].at[pl.ds(q * CH, CH)], gsem.at[buf])

        fire(0, 0)

        @pl.loop(0, _G_NGRP, step=2)
        def _grp(g0):
            for p in range(2):
                g = g0 + p
                pltpu.make_async_copy(table_hbm.at[pl.ds(0, _G_ROWS)],
                                      bo[p], gsem.at[p]).wait()

                @pl.when(g + 1 < _G_NGRP)
                def _():
                    fire(g + 1, 1 - p)

                @pl.when(g >= 2)
                def _():
                    pltpu.make_async_copy(st[p],
                                          out_hbm.at[pl.ds(0, _G_ROWS // 2)],
                                          wsem.at[p]).wait()

                _pack_repack(bo[p], st[p], _G_ROWS // 2)
                pltpu.async_copy(
                    st[p],
                    out_hbm.at[pl.ds(base + g * (_G_ROWS // 2), _G_ROWS // 2)],
                    wsem.at[p])

        pltpu.make_async_copy(st[0], out_hbm.at[pl.ds(0, _G_ROWS // 2)],
                              wsem.at[0]).wait()
        pltpu.make_async_copy(st[1], out_hbm.at[pl.ds(0, _G_ROWS // 2)],
                              wsem.at[1]).wait()

    @functools.partial(
        pl.kernel,
        out_type=jax.ShapeDtypeStruct((NC, ACC_ROWS, LATENT), jnp.float32),
        mesh=mesh,
        scratch_types=[
            pltpu.VMEM((_S_NCH, CH), jnp.int32),
            pltpu.VMEM((_S_ROWS // 2, 128), jnp.float32),
            pltpu.VMEM((_S_ROWS // 2, 128), jnp.float32),
            pltpu.VMEM((_S_ROWS, LATENT), jnp.float32),
            pltpu.VMEM_SHARED((ACC_ROWS, LATENT), jnp.float32),
            pltpu.SemaphoreType.DMA((2,)),
        ],
        compiler_params=pltpu.CompilerParams(use_tc_tiling_on_sc=False),
    )
    def scatter_k(msg_hbm, idx_hbm, zeros_hbm, out_hbm, idx_v, st0, st1,
                  bounce, acc_sh, lsem):
        cid = lax.axis_index("c")
        sid = lax.axis_index("s")
        wid = sid * NC + cid
        pltpu.sync_copy(zeros_hbm.at[pl.ds(sid * ROWS_PER_TILE, ROWS_PER_TILE)],
                        acc_sh.at[pl.ds(sid * ROWS_PER_TILE, ROWS_PER_TILE)])
        pltpu.sync_copy(idx_hbm.at[wid], idx_v)
        plsc.subcore_barrier()
        base = wid * _S_PER_W // 2
        st = (st0, st1)

        def fire(g, buf):
            pltpu.async_copy(
                msg_hbm.at[pl.ds(base + g * (_S_ROWS // 2), _S_ROWS // 2)],
                st[buf], lsem.at[buf])

        fire(0, 0)

        @pl.loop(0, _S_NGRP, step=2)
        def _grp(g0):
            for p in range(2):
                g = g0 + p
                pltpu.make_async_copy(msg_hbm.at[pl.ds(0, _S_ROWS // 2)],
                                      st[p], lsem.at[p]).wait()

                @pl.when(g + 1 < _S_NGRP)
                def _():
                    fire(g + 1, 1 - p)

                _unpack_repack(st[p], bounce, _S_ROWS // 2)
                for q in range(_S_GRP):
                    pltpu.sync_copy(bounce.at[pl.ds(q * CH, CH)],
                                    acc_sh.at[idx_v.at[g * _S_GRP + q]],
                                    add=True)

        plsc.subcore_barrier()
        pltpu.sync_copy(acc_sh.at[pl.ds(sid * ROWS_PER_TILE, ROWS_PER_TILE)],
                        out_hbm.at[cid, pl.ds(sid * ROWS_PER_TILE,
                                              ROWS_PER_TILE)])

    return gather_k, scatter_k


def _sc_gather(table, gidx):
    return _sc_kernels()[0](table, gidx)


def _sc_scatter(msg2, sidx, zeros_acc):
    return _sc_kernels()[1](msg2, sidx, zeros_acc)



def kernel(x, edge_attr, params, edge_index):
    row = edge_index[0].astype(jnp.int32)
    col = edge_index[1].astype(jnp.int32)
    pad = E_PAD - E
    zero_idx = jnp.zeros((pad,), jnp.int32)
    col_b = jnp.concatenate([col, zero_idx]).reshape(GRID_E, BLK_E // CH, CH)
    row_b = jnp.concatenate([row, zero_idx]).reshape(GRID_E, BLK_E // CH, CH)
    gidx = jnp.stack([col_b, row_b], axis=1).reshape(NW, _G_NCH, CH)
    sidx = jnp.concatenate([col, jnp.full((pad,), N, jnp.int32)]).reshape(
        NW, _S_NCH, CH)
    zeros_acc = jnp.zeros((ACC_ROWS, LATENT), jnp.float32)

    node_lat = _run_enc_node(x, params["node_enc"])
    ea2 = edge_attr.reshape(E // 2, 2 * edge_attr.shape[1])
    ne2 = _run_enc_edge(ea2, params["edge_enc"])

    nx = node_lat
    for _ in range(STEPS):
        gathered = _sc_gather(nx, gidx)
        msg2, ne2 = _run_edge(gathered, ne2, params["edge_net"])
        partials2 = _sc_scatter(msg2, sidx, zeros_acc)
        nx = _run_node(partials2, nx, params["node_net"])

    return _run_decode(nx, node_lat, params)

# --- scband reference (transcript-rebuilt; emitter-appended) ---
"""Pipeline reference for scband-encode-process-decode-7224134992357 (READ-ONLY COPY).

The authoritative reference and input builder live on the scoring server;
editing this copy changes nothing except your own understanding.
"""

import jax, jax.numpy as jnp
import numpy as np

N = 10000
E = 160000
NODE_FEAT = 128
EDGE_FEAT = 16
LATENT = 64
OUT = 3
STEPS = 3

def _lin_init(key, fi, fo):
    k1, k2 = jax.random.split(key)
    s = 1.0 / np.sqrt(fi)
    W = jax.random.uniform(k1, (fi, fo), jnp.float32, -s, s)
    b = jax.random.uniform(k2, (fo,), jnp.float32, -s, s)
    return W, b

def _mlp_init(key, in_size, L):
    k1, k2 = jax.random.split(key)
    W1, b1 = _lin_init(k1, in_size, L)
    W2, b2 = _lin_init(k2, L, L)
    return {"W1": W1, "b1": b1, "W2": W2, "b2": b2, "g": jnp.ones((L,), jnp.float32), "beta": jnp.zeros((L,), jnp.float32)}

def _gru_init(key, L):
    k1, k2, k3, k4 = jax.random.split(key, 4)
    s = 1.0 / np.sqrt(L)
    return {"Wih": jax.random.uniform(k1, (L, 3 * L), jnp.float32, -s, s),
            "Whh": jax.random.uniform(k2, (L, 3 * L), jnp.float32, -s, s),
            "bih": jax.random.uniform(k3, (3 * L,), jnp.float32, -s, s),
            "bhh": jax.random.uniform(k4, (3 * L,), jnp.float32, -s, s)}

def _mlp(p, x):
    h = jax.nn.relu(x @ p["W1"] + p["b1"])
    h = jax.nn.relu(h @ p["W2"] + p["b2"])
    mu = jnp.mean(h, axis=-1, keepdims=True)
    var = jnp.var(h, axis=-1, keepdims=True)
    return (h - mu) / jnp.sqrt(var + 1e-5) * p["g"] + p["beta"]

def _gru_step(p, x):
    # single-timestep GRU with h0 = 0 (PyTorch gate layout: r, z, n)
    gi = x @ p["Wih"] + p["bih"]
    i_r, i_z, i_n = jnp.split(gi, 3, axis=-1)
    h_r, h_z, h_n = jnp.split(p["bhh"], 3)
    r = jax.nn.sigmoid(i_r + h_r)
    z = jax.nn.sigmoid(i_z + h_z)
    n = jnp.tanh(i_n + r * h_n)
    return (1.0 - z) * n

def setup_inputs(seed: int = 0):
    key = jax.random.key(seed)
    ks = jax.random.split(key, 10)
    x = jax.random.normal(ks[0], (N, NODE_FEAT), jnp.float32)
    edge_index = jax.random.randint(ks[1], (2, E), 0, N, dtype=jnp.int32)
    edge_attr = jax.random.normal(ks[2], (E, EDGE_FEAT), jnp.float32)
    dW1, db1 = _lin_init(jax.random.fold_in(ks[3], 0), 3 * LATENT, LATENT)
    dW2, db2 = _lin_init(jax.random.fold_in(ks[3], 1), LATENT, OUT)
    params = {
        "node_enc": _mlp_init(ks[4], NODE_FEAT, LATENT),
        "edge_enc": _mlp_init(ks[5], EDGE_FEAT, LATENT),
        "edge_net": _mlp_init(ks[6], 3 * LATENT, LATENT),
        "node_net": _mlp_init(ks[7], 2 * LATENT, LATENT),
        "gru1": _gru_init(ks[8], LATENT),
        "gru2": _gru_init(ks[9], LATENT),
        "dec": {"W1": dW1, "b1": db1, "W2": dW2, "b2": db2},
    }
    return {"x": x, "edge_attr": edge_attr, "params": params, "edge_index": edge_index}

def _forward(x, edge_attr, params, edge_index):
    node_lat = _mlp(params["node_enc"], x)
    edge_lat = _mlp(params["edge_enc"], edge_attr)
    S = node_lat  # window == 1, so the temporal-slicing block reduces to the encoded node features
    row = edge_index[0]
    col = edge_index[1]
    nx = node_lat
    ne = edge_lat
    for _ in range(STEPS):
        # PyG propagate (aggr='add'): x_i = x[col] (target), x_j = x[row] (source)
        msg = _mlp(params["edge_net"], jnp.concatenate([nx[col], nx[row], ne], axis=-1))
        aggr = jnp.zeros_like(nx).at[col].add(msg)
        upd = _mlp(params["node_net"], jnp.concatenate([aggr, nx], axis=-1))
        new_e = _mlp(params["edge_net"], jnp.concatenate([nx[row], nx[col], ne], axis=-1))
        nx = upd + nx
        ne = new_e + ne
    h1 = _gru_step(params["gru1"], nx)
    h2 = _gru_step(params["gru2"], h1)
    h = jnp.concatenate([h1, h2, S], axis=-1)
    h = jax.nn.relu(h @ params["dec"]["W1"] + params["dec"]["b1"])
    return h @ params["dec"]["W2"] + params["dec"]["b2"]

def reference(x, edge_attr, params, edge_index):
    return _forward(x, edge_attr, params, edge_index)

if __name__ == "__main__":
    import jax
    _d = setup_inputs()
    print(jax.jit(kernel)(*tuple(_d.values())))

</pallas_src>

<mosaic_0001>
#map = affine_map<(d0, d1) -> (0, 0)>
#map1 = affine_map<(d0, d1) -> (0, 0, 0)>
module attributes {stable_mosaic.version = 14 : i64} {
  func.func @gather_k(%arg0: i32, %arg1: i32, %arg2: memref<10000x64xf32, #tpu.memory_space<hbm>>, %arg3: memref<32x80x128xi32, #tpu.memory_space<hbm>>, %arg4: memref<163840x128xf32, #tpu.memory_space<hbm>>, %arg5: memref<80x128xi32, #tpu.memory_space<vmem>>, %arg6: memref<256x64xf32, #tpu.memory_space<vmem>>, %arg7: memref<256x64xf32, #tpu.memory_space<vmem>>, %arg8: memref<128x128xf32, #tpu.memory_space<vmem>>, %arg9: memref<128x128xf32, #tpu.memory_space<vmem>>, %arg10: memref<2x!tpu.dma_semaphore, #tpu.memory_space<semaphore_mem>>, %arg11: memref<2x!tpu.dma_semaphore, #tpu.memory_space<semaphore_mem>>) attributes {dimension_semantics = [#tpu.dimension_semantics<core_parallel>, #tpu.dimension_semantics<subcore_parallel>], iteration_bounds = array<i64: 2, 16>, scalar_prefetch = 0 : i64, scratch_operands = 7 : i64, tpu.core_type = #tpu.core_type<sc_vector_subcore>, window_params = [{transform_indices = #map}, {transform_indices = #map1}, {transform_indices = #map}]} {
    %mul3A = arith.constant 2 : i32
    %mul3A_0 = arith.muli %arg1, %mul3A : i32
    %add3A = arith.addi %mul3A_0, %arg0 : i32
    "tpu.region"() ({
      %run_scoped3A = tpu.sem_alloc : memref<!tpu.dma_semaphore, #tpu.memory_space<semaphore_mem>>
      %dma_start3A_67 = arith.constant 0 : i32
      %dma_start3A_68 = arith.constant 0 : i32
      %dma_start3A_69 = tpu.memref_slice %arg3[%add3A, %dma_start3A_67, %dma_start3A_68] : memref<32x80x128xi32, #tpu.memory_space<hbm>> -> memref<1x80x128xi32, #tpu.memory_space<hbm>>
      %dma_start3A_70 = tpu.memref_squeeze %dma_start3A_69 : memref<1x80x128xi32, #tpu.memory_space<hbm>> -> memref<80x128xi32, #tpu.memory_space<hbm>>
      %dma_start3A_71 = arith.constant 0 : i32
      %dma_start3A_72 = arith.constant 0 : i32
      %dma_start3A_73 = tpu.memref_slice %arg3[%add3A, %dma_start3A_71, %dma_start3A_72] : memref<32x80x128xi32, #tpu.memory_space<hbm>> -> memref<1x80x128xi32, #tpu.memory_space<hbm>>
      %dma_start3A_74 = tpu.memref_squeeze %dma_start3A_73 : memref<1x80x128xi32, #tpu.memory_space<hbm>> -> memref<80x128xi32, #tpu.memory_space<hbm>>
      tpu.enqueue_dma source(%dma_start3A_74 : memref<80x128xi32, #tpu.memory_space<hbm>>) target(%arg5 : memref<80x128xi32, #tpu.memory_space<vmem>>) target_semaphore(%run_scoped3A : memref<!tpu.dma_semaphore, #tpu.memory_space<semaphore_mem>>)
      %dma_wait3A_75 = arith.constant 0 : i32
      %dma_wait3A_76 = arith.constant 0 : i32
      %dma_wait3A_77 = tpu.memref_slice %arg3[%add3A, %dma_wait3A_75, %dma_wait3A_76] : memref<32x80x128xi32, #tpu.memory_space<hbm>> -> memref<1x80x128xi32, #tpu.memory_space<hbm>>
      %dma_wait3A_78 = tpu.memref_squeeze %dma_wait3A_77 : memref<1x80x128xi32, #tpu.memory_space<hbm>> -> memref<80x128xi32, #tpu.memory_space<hbm>>
      %dma_wait3A_79 = arith.constant 0 : i32
      %dma_wait3A_80 = arith.constant 0 : i32
      %dma_wait3A_81 = tpu.memref_slice %arg3[%add3A, %dma_wait3A_79, %dma_wait3A_80] : memref<32x80x128xi32, #tpu.memory_space<hbm>> -> memref<1x80x128xi32, #tpu.memory_space<hbm>>
      %dma_wait3A_82 = tpu.memref_squeeze %dma_wait3A_81 : memref<1x80x128xi32, #tpu.memory_space<hbm>> -> memref<80x128xi32, #tpu.memory_space<hbm>>
      tpu.wait_dma2 semaphore(%run_scoped3A : memref<!tpu.dma_semaphore, #tpu.memory_space<semaphore_mem>>) src(%dma_wait3A_82 : memref<80x128xi32, #tpu.memory_space<hbm>>) dst(%arg5 : memref<80x128xi32, #tpu.memory_space<vmem>>)
      tpu.yield
    }) : () -> ()
    %mul3A_1 = arith.constant 80 : i32
    %mul3A_2 = arith.muli %add3A, %mul3A_1 : i32
    %mul3A_3 = arith.constant 128 : i32
    %mul3A_4 = arith.muli %mul3A_2, %mul3A_3 : i32
    %jit3A = arith.constant 2 : i32
    %div3A = arith.divsi %mul3A_4, %jit3A : i32
    %sign3A = arith.constant 0 : i32
    %sign3A_5 = arith.cmpi sgt, %mul3A_4, %sign3A : i32
    %sign3A_6 = arith.extui %sign3A_5 : i1 to i32
    %sign3A_7 = arith.constant 0 : i32
    %sign3A_8 = arith.cmpi slt, %mul3A_4, %sign3A_7 : i32
    %sign3A_9 = arith.extui %sign3A_8 : i1 to i32
    %sign3A_10 = arith.subi %sign3A_6, %sign3A_9 : i32
    %sign3A_11 = arith.constant 0 : i32
    %sign3A_12 = arith.cmpi sgt, %jit3A, %sign3A_11 : i32
    %sign3A_13 = arith.extui %sign3A_12 : i1 to i32
    %sign3A_14 = arith.constant 0 : i32
    %sign3A_15 = arith.cmpi slt, %jit3A, %sign3A_14 : i32
    %sign3A_16 = arith.extui %sign3A_15 : i1 to i32
    %sign3A_17 = arith.subi %sign3A_13, %sign3A_16 : i32
    %ne3A = arith.cmpi ne, %sign3A_10, %sign3A_17 : i32
    %rem3A = arith.remsi %mul3A_4, %jit3A : i32
    %ne3A_18 = arith.constant 0 : i32
    %ne3A_19 = arith.cmpi ne, %rem3A, %ne3A_18 : i32
    %and3A = arith.andi %ne3A, %ne3A_19 : i1
    %sub3A = arith.constant 1 : i32
    %sub3A_20 = arith.subi %div3A, %sub3A : i32
    %select_n3A = arith.select %and3A, %sub3A_20, %div3A : i32
    %dma_start3A = arith.constant 0 : i32
    %dma_start3A_21 = arith.constant 0 : i32
    %dma_start3A_22 = arith.constant 0 : i32
    %dma_start3A_23 = arith.constant 0 : i32
    %dma_start3A_24 = tpu.memref_slice %arg6[%dma_start3A_22, %dma_start3A_23] : memref<256x64xf32, #tpu.memory_space<vmem>> -> memref<128x64xf32, #tpu.memory_space<vmem>>
    %dma_start3A_25 = arith.constant 0 : i32
    %dma_start3A_26 = tpu.memref_slice %arg5[%dma_start3A, %dma_start3A_25] : memref<80x128xi32, #tpu.memory_space<vmem>> -> memref<1x128xi32, #tpu.memory_space<vmem>>
    %dma_start3A_27 = tpu.memref_squeeze %dma_start3A_26 : memref<1x128xi32, #tpu.memory_space<vmem>> -> memref<128xi32, #tpu.memory_space<vmem>>
    %dma_start3A_28 = arith.constant 0 : i32
    %dma_start3A_29 = arith.constant 0 : i32
    %dma_start3A_30 = tpu.memref_slice %arg2[%dma_start3A_28, %dma_start3A_29] : memref<10000x64xf32, #tpu.memory_space<hbm>> -> memref<10000x64xf32, #tpu.memory_space<hbm>>
    %dma_start3A_31 = tpu.memref_slice %arg10[%dma_start3A_21] : memref<2x!tpu.dma_semaphore, #tpu.memory_space<semaphore_mem>> -> memref<1x!tpu.dma_semaphore, #tpu.memory_space<semaphore_mem>>
    %dma_start3A_32 = tpu.memref_squeeze %dma_start3A_31 : memref<1x!tpu.dma_semaphore, #tpu.memory_space<semaphore_mem>> -> memref<!tpu.dma_semaphore, #tpu.memory_space<semaphore_mem>>
    tpu.enqueue_indirect_dma source(%dma_start3A_30 : memref<10000x64xf32, #tpu.memory_space<hbm>>) target(%dma_start3A_24 : memref<128x64xf32, #tpu.memory_space<vmem>>) offsets(%dma_start3A_27 : memref<128xi32, #tpu.memory_space<vmem>>) semaphore(%dma_start3A_32 : memref<!tpu.dma_semaphore, #tpu.memory_space<semaphore_mem>>)
    %dma_start3A_33 = arith.constant 1 : i32
    %dma_start3A_34 = arith.constant 0 : i32
    %dma_start3A_35 = arith.constant 128 : i32
    %dma_start3A_36 = arith.constant 0 : i32
    %dma_start3A_37 = tpu.memref_slice %arg6[%dma_start3A_35, %dma_start3A_36] : memref<256x64xf32, #tpu.memory_space<vmem>> -> memref<128x64xf32, #tpu.memory_space<vmem>>
    %dma_start3A_38 = arith.constant 0 : i32
    %dma_start3A_39 = tpu.memref_slice %arg5[%dma_start3A_33, %dma_start3A_38] : memref<80x128xi32, #tpu.memory_space<vmem>> -> memref<1x128xi32, #tpu.memory_space<vmem>>
    %dma_start3A_40 = tpu.memref_squeeze %dma_start3A_39 : memref<1x128xi32, #tpu.memory_space<vmem>> -> memref<128xi32, #tpu.memory_space<vmem>>
    %dma_start3A_41 = arith.constant 0 : i32
    %dma_start3A_42 = arith.constant 0 : i32
    %dma_start3A_43 = tpu.memref_slice %arg2[%dma_start3A_41, %dma_start3A_42] : memref<10000x64xf32, #tpu.memory_space<hbm>> -> memref<10000x64xf32, #tpu.memory_space<hbm>>
    %dma_start3A_44 = tpu.memref_slice %arg10[%dma_start3A_34] : memref<2x!tpu.dma_semaphore, #tpu.memory_space<semaphore_mem>> -> memref<1x!tpu.dma_semaphore, #tpu.memory_space<semaphore_mem>>
    %dma_start3A_45 = tpu.memref_squeeze %dma_start3A_44 : memref<1x!tpu.dma_semaphore, #tpu.memory_space<semaphore_mem>> -> memref<!tpu.dma_semaphore, #tpu.memory_space<semaphore_mem>>
    tpu.enqueue_indirect_dma source(%dma_start3A_43 : memref<10000x64xf32, #tpu.memory_space<hbm>>) target(%dma_start3A_37 : memref<128x64xf32, #tpu.memory_space<vmem>>) offsets(%dma_start3A_40 : memref<128xi32, #tpu.memory_space<vmem>>) semaphore(%dma_start3A_45 : memref<!tpu.dma_semaphore, #tpu.memory_space<semaphore_mem>>)
    %scan3A = arith.constant 0 : i32
    %scan3A_46 = arith.constant 20 : i32
    %scan3A_47 = arith.addi %scan3A, %scan3A_46 : i32
    %scan3A_48 = arith.constant 1 : i32
    scf.for %scan3A_67 = %scan3A to %scan3A_47 step %scan3A_48  : i32 {
      %mul3A_68 = arith.constant 2 : i32
      %mul3A_69 = arith.muli %scan3A_67, %mul3A_68 : i32
      %add3A_70 = arith.constant 0 : i32
      %add3A_71 = arith.addi %add3A_70, %mul3A_69 : i32
      %add3A_72 = arith.constant 0 : i32
      %add3A_73 = arith.addi %add3A_71, %add3A_72 : i32
      %dma_wait3A_74 = arith.constant 0 : i32
      %dma_wait3A_75 = arith.constant 0 : i32
      %dma_wait3A_76 = arith.constant 0 : i32
      %dma_wait3A_77 = tpu.memref_slice %arg2[%dma_wait3A_75, %dma_wait3A_76] : memref<10000x64xf32, #tpu.memory_space<hbm>> -> memref<256x64xf32, #tpu.memory_space<hbm>>
      %dma_wait3A_78 = tpu.memref_slice %arg10[%dma_wait3A_74] : memref<2x!tpu.dma_semaphore, #tpu.memory_space<semaphore_mem>> -> memref<1x!tpu.dma_semaphore, #tpu.memory_space<semaphore_mem>>
      %dma_wait3A_79 = tpu.memref_squeeze %dma_wait3A_78 : memref<1x!tpu.dma_semaphore, #tpu.memory_space<semaphore_mem>> -> memref<!tpu.dma_semaphore, #tpu.memory_space<semaphore_mem>>
      %dma_wait3A_80 = arith.constant 0 : i32
      %dma_wait3A_81 = arith.constant 0 : i32
      %dma_wait3A_82 = tpu.memref_slice %arg2[%dma_wait3A_80, %dma_wait3A_81] : memref<10000x64xf32, #tpu.memory_space<hbm>> -> memref<256x64xf32, #tpu.memory_space<hbm>>
      tpu.wait_dma2 semaphore(%dma_wait3A_79 : memref<!tpu.dma_semaphore, #tpu.memory_space<semaphore_mem>>) src(%dma_wait3A_82 : memref<256x64xf32, #tpu.memory_space<hbm>>) dst(%arg6 : memref<256x64xf32, #tpu.memory_space<vmem>>)
      %add3A_83 = arith.constant 1 : i32
      %add3A_84 = arith.addi %add3A_73, %add3A_83 : i32
      %lt3A = arith.constant 40 : i32
      %lt3A_85 = arith.cmpi slt, %add3A_84, %lt3A : i32
      %convert_element_type3A = arith.extui %lt3A_85 : i1 to i32
      %cond3A = arith.constant 0 : i32
      %cond3A_86 = arith.cmpi ne, %convert_element_type3A, %cond3A : i32
      scf.if %cond3A_86 {
        %add3A_144 = arith.constant 1 : i32
        %add3A_145 = arith.addi %add3A_73, %add3A_144 : i32
        %mul3A_146 = arith.constant 2 : i32
        %mul3A_147 = arith.muli %add3A_145, %mul3A_146 : i32
        %add3A_148 = arith.constant 0 : i32
        %add3A_149 = arith.addi %mul3A_147, %add3A_148 : i32
        %dma_start3A_150 = arith.constant 1 : i32
        %dma_start3A_151 = arith.constant 0 : i32
        %dma_start3A_152 = arith.constant 0 : i32
        %dma_start3A_153 = tpu.memref_slice %arg7[%dma_start3A_151, %dma_start3A_152] : memref<256x64xf32, #tpu.memory_space<vmem>> -> memref<128x64xf32, #tpu.memory_space<vmem>>
        %dma_start3A_154 = arith.constant 0 : i32
        %dma_start3A_155 = tpu.memref_slice %arg5[%add3A_149, %dma_start3A_154] : memref<80x128xi32, #tpu.memory_space<vmem>> -> memref<1x128xi32, #tpu.memory_space<vmem>>
        %dma_start3A_156 = tpu.memref_squeeze %dma_start3A_155 : memref<1x128xi32, #tpu.memory_space<vmem>> -> memref<128xi32, #tpu.memory_space<vmem>>
        %dma_start3A_157 = arith.constant 0 : i32
        %dma_start3A_158 = arith.constant 0 : i32
        %dma_start3A_159 = tpu.memref_slice %arg2[%dma_start3A_157, %dma_start3A_158] : memref<10000x64xf32, #tpu.memory_space<hbm>> -> memref<10000x64xf32, #tpu.memory_space<hbm>>
        %dma_start3A_160 = tpu.memref_slice %arg10[%dma_start3A_150] : memref<2x!tpu.dma_semaphore, #tpu.memory_space<semaphore_mem>> -> memref<1x!tpu.dma_semaphore, #tpu.memory_space<semaphore_mem>>
        %dma_start3A_161 = tpu.memref_squeeze %dma_start3A_160 : memref<1x!tpu.dma_semaphore, #tpu.memory_space<semaphore_mem>> -> memref<!tpu.dma_semaphore, #tpu.memory_space<semaphore_mem>>
        tpu.enqueue_indirect_dma source(%dma_start3A_159 : memref<10000x64xf32, #tpu.memory_space<hbm>>) target(%dma_start3A_153 : memref<128x64xf32, #tpu.memory_space<vmem>>) offsets(%dma_start3A_156 : memref<128xi32, #tpu.memory_space<vmem>>) semaphore(%dma_start3A_161 : memref<!tpu.dma_semaphore, #tpu.memory_space<semaphore_mem>>)
        %mul3A_162 = arith.constant 2 : i32
        %mul3A_163 = arith.muli %add3A_145, %mul3A_162 : i32
        %add3A_164 = arith.constant 1 : i32
        %add3A_165 = arith.addi %mul3A_163, %add3A_164 : i32
        %dma_start3A_166 = arith.constant 1 : i32
        %dma_start3A_167 = arith.constant 128 : i32
        %dma_start3A_168 = arith.constant 0 : i32
        %dma_start3A_169 = tpu.memref_slice %arg7[%dma_start3A_167, %dma_start3A_168] : memref<256x64xf32, #tpu.memory_space<vmem>> -> memref<128x64xf32, #tpu.memory_space<vmem>>
        %dma_start3A_170 = arith.constant 0 : i32
        %dma_start3A_171 = tpu.memref_slice %arg5[%add3A_165, %dma_start3A_170] : memref<80x128xi32, #tpu.memory_space<vmem>> -> memref<1x128xi32, #tpu.memory_space<vmem>>
        %dma_start3A_172 = tpu.memref_squeeze %dma_start3A_171 : memref<1x128xi32, #tpu.memory_space<vmem>> -> memref<128xi32, #tpu.memory_space<vmem>>
        %dma_start3A_173 = arith.constant 0 : i32
        %dma_start3A_174 = arith.constant 0 : i32
        %dma_start3A_175 = tpu.memref_slice %arg2[%dma_start3A_173, %dma_start3A_174] : memref<10000x64xf32, #tpu.memory_space<hbm>> -> memref<10000x64xf32, #tpu.memory_space<hbm>>
        %dma_start3A_176 = tpu.memref_slice %arg10[%dma_start3A_166] : memref<2x!tpu.dma_semaphore, #tpu.memory_space<semaphore_mem>> -> memref<1x!tpu.dma_semaphore, #tpu.memory_space<semaphore_mem>>
        %dma_start3A_177 = tpu.memref_squeeze %dma_start3A_176 : memref<1x!tpu.dma_semaphore, #tpu.memory_space<semaphore_mem>> -> memref<!tpu.dma_semaphore, #tpu.memory_space<semaphore_mem>>
        tpu.enqueue_indirect_dma source(%dma_start3A_175 : memref<10000x64xf32, #tpu.memory_space<hbm>>) target(%dma_start3A_169 : memref<128x64xf32, #tpu.memory_space<vmem>>) offsets(%dma_start3A_172 : memref<128xi32, #tpu.memory_space<vmem>>) semaphore(%dma_start3A_177 : memref<!tpu.dma_semaphore, #tpu.memory_space<semaphore_mem>>)
      } else {
      }
      %ge3A = arith.constant 2 : i32
      %ge3A_87 = arith.cmpi sge, %add3A_73, %ge3A : i32
      %convert_element_type3A_88 = arith.extui %ge3A_87 : i1 to i32
      %cond3A_89 = arith.constant 0 : i32
      %cond3A_90 = arith.cmpi ne, %convert_element_type3A_88, %cond3A_89 : i32
      scf.if %cond3A_90 {
        %dma_wait3A_144 = arith.constant 0 : i32
        %dma_wait3A_145 = arith.constant 0 : i32
        %dma_wait3A_146 = arith.constant 0 : i32
        %dma_wait3A_147 = tpu.memref_slice %arg4[%dma_wait3A_145, %dma_wait3A_146] : memref<163840x128xf32, #tpu.memory_space<hbm>> -> memref<128x128xf32, #tpu.memory_space<hbm>>
        %dma_wait3A_148 = tpu.memref_slice %arg11[%dma_wait3A_144] : memref<2x!tpu.dma_semaphore, #tpu.memory_space<semaphore_mem>> -> memref<1x!tpu.dma_semaphore, #tpu.memory_space<semaphore_mem>>
        %dma_wait3A_149 = tpu.memref_squeeze %dma_wait3A_148 : memref<1x!tpu.dma_semaphore, #tpu.memory_space<semaphore_mem>> -> memref<!tpu.dma_semaphore, #tpu.memory_space<semaphore_mem>>
        %dma_wait3A_150 = arith.constant 0 : i32
        %dma_wait3A_151 = arith.constant 0 : i32
        %dma_wait3A_152 = tpu.memref_slice %arg4[%dma_wait3A_150, %dma_wait3A_151] : memref<163840x128xf32, #tpu.memory_space<hbm>> -> memref<128x128xf32, #tpu.memory_space<hbm>>
        tpu.wait_dma2 semaphore(%dma_wait3A_149 : memref<!tpu.dma_semaphore, #tpu.memory_space<semaphore_mem>>) src(%arg8 : memref<128x128xf32, #tpu.memory_space<vmem>>) dst(%dma_wait3A_152 : memref<128x128xf32, #tpu.memory_space<hbm>>)
      } else {
      }
      %scan3A_91 = arith.constant 0 : i32
      %scan3A_92 = arith.constant 128 : i32
      %scan3A_93 = arith.addi %scan3A_91, %scan3A_92 : i32
      %scan3A_94 = arith.constant 1 : i32
      scf.for %scan3A_144 = %scan3A_91 to %scan3A_93 step %scan3A_94  : i32 {
        %mul3A_145 = arith.constant 1 : i32
        %mul3A_146 = arith.muli %scan3A_144, %mul3A_145 : i32
        %add3A_147 = arith.constant 0 : i32
        %add3A_148 = arith.addi %add3A_147, %mul3A_146 : i32
        %mul3A_149 = arith.constant 2 : i32
        %mul3A_150 = arith.muli %mul3A_149, %add3A_148 : i32
        %add3A_151 = arith.constant 0 : i32
        %add3A_152 = arith.addi %mul3A_150, %add3A_151 : i32
        %get3A = arith.index_cast %add3A_152 : i32 to index
        %get3A_153 = arith.constant 0 : index
        %get3A_154 = tpu.vector_load %arg6[%get3A, %get3A_153] {strides = array<i32>} : memref<256x64xf32, #tpu.memory_space<vmem>>, vector<1x16xf32>,
        %get3A_155 = vector.shape_cast %get3A_154 : vector<1x16xf32> to vector<16xf32>
        %swap3A = arith.index_cast %add3A_148 : i32 to index
        %swap3A_156 = arith.constant 0 : index
        %swap3A_157 = tpu.vector_load %arg8[%swap3A, %swap3A_156] {strides = array<i32>} : memref<128x128xf32, #tpu.memory_space<vmem>>, vector<1x16xf32>,
        %swap3A_158 = vector.shape_cast %swap3A_157 : vector<1x16xf32> to vector<16xf32>
        %swap3A_159 = vector.shape_cast %get3A_155 : vector<16xf32> to vector<1x16xf32>
        tpu.vector_store %arg8[%swap3A, %swap3A_156], %swap3A_159 {strides = array<i32>} : memref<128x128xf32, #tpu.memory_space<vmem>>, vector<1x16xf32>,
        %mul3A_160 = arith.constant 2 : i32
        %mul3A_161 = arith.muli %mul3A_160, %add3A_148 : i32
        %add3A_162 = arith.constant 0 : i32
        %add3A_163 = arith.addi %mul3A_161, %add3A_162 : i32
        %get3A_164 = arith.index_cast %add3A_163 : i32 to index
        %get3A_165 = arith.constant 16 : index
        %get3A_166 = tpu.vector_load %arg6[%get3A_164, %get3A_165] {strides = array<i32>} : memref<256x64xf32, #tpu.memory_space<vmem>>, vector<1x16xf32>,
        %get3A_167 = vector.shape_cast %get3A_166 : vector<1x16xf32> to vector<16xf32>
        %swap3A_168 = arith.index_cast %add3A_148 : i32 to index
        %swap3A_169 = arith.constant 16 : index
        %swap3A_170 = tpu.vector_load %arg8[%swap3A_168, %swap3A_169] {strides = array<i32>} : memref<128x128xf32, #tpu.memory_space<vmem>>, vector<1x16xf32>,
        %swap3A_171 = vector.shape_cast %swap3A_170 : vector<1x16xf32> to vector<16xf32>
        %swap3A_172 = vector.shape_cast %get3A_167 : vector<16xf32> to vector<1x16xf32>
        tpu.vector_store %arg8[%swap3A_168, %swap3A_169], %swap3A_172 {strides = array<i32>} : memref<128x128xf32, #tpu.memory_space<vmem>>, vector<1x16xf32>,
        %mul3A_173 = arith.constant 2 : i32
        %mul3A_174 = arith.muli %mul3A_173, %add3A_148 : i32
        %add3A_175 = arith.constant 0 : i32
        %add3A_176 = arith.addi %mul3A_174, %add3A_175 : i32
        %get3A_177 = arith.index_cast %add3A_176 : i32 to index
        %get3A_178 = arith.constant 32 : index
        %get3A_179 = tpu.vector_load %arg6[%get3A_177, %get3A_178] {strides = array<i32>} : memref<256x64xf32, #tpu.memory_space<vmem>>, vector<1x16xf32>,
        %get3A_180 = vector.shape_cast %get3A_179 : vector<1x16xf32> to vector<16xf32>
        %swap3A_181 = arith.index_cast %add3A_148 : i32 to index
        %swap3A_182 = arith.constant 32 : index
        %swap3A_183 = tpu.vector_load %arg8[%swap3A_181, %swap3A_182] {strides = array<i32>} : memref<128x128xf32, #tpu.memory_space<vmem>>, vector<1x16xf32>,
        %swap3A_184 = vector.shape_cast %swap3A_183 : vector<1x16xf32> to vector<16xf32>
        %swap3A_185 = vector.shape_cast %get3A_180 : vector<16xf32> to vector<1x16xf32>
        tpu.vector_store %arg8[%swap3A_181, %swap3A_182], %swap3A_185 {strides = array<i32>} : memref<128x128xf32, #tpu.memory_space<vmem>>, vector<1x16xf32>,
        %mul3A_186 = arith.constant 2 : i32
        %mul3A_187 = arith.muli %mul3A_186, %add3A_148 : i32
        %add3A_188 = arith.constant 0 : i32
        %add3A_189 = arith.addi %mul3A_187, %add3A_188 : i32
        %get3A_190 = arith.index_cast %add3A_189 : i32 to index
        %get3A_191 = arith.constant 48 : index
        %get3A_192 = tpu.vector_load %arg6[%get3A_190, %get3A_191] {strides = array<i32>} : memref<256x64xf32, #tpu.memory_space<vmem>>, vector<1x16xf32>,
        %get3A_193 = vector.shape_cast %get3A_192 : vector<1x16xf32> to vector<16xf32>
        %swap3A_194 = arith.index_cast %add3A_148 : i32 to index
        %swap3A_195 = arith.constant 48 : index
        %swap3A_196 = tpu.vector_load %arg8[%swap3A_194, %swap3A_195] {strides = array<i32>} : memref<128x128xf32, #tpu.memory_space<vmem>>, vector<1x16xf32>,
        %swap3A_197 = vector.shape_cast %swap3A_196 : vector<1x16xf32> to vector<16xf32>
        %swap3A_198 = vector.shape_cast %get3A_193 : vector<16xf32> to vector<1x16xf32>
        tpu.vector_store %arg8[%swap3A_194, %swap3A_195], %swap3A_198 {strides = array<i32>} : memref<128x128xf32, #tpu.memory_space<vmem>>, vector<1x16xf32>,
        %mul3A_199 = arith.constant 2 : i32
        %mul3A_200 = arith.muli %mul3A_199, %add3A_148 : i32
        %add3A_201 = arith.constant 1 : i32
        %add3A_202 = arith.addi %mul3A_200, %add3A_201 : i32
        %get3A_203 = arith.index_cast %add3A_202 : i32 to index
        %get3A_204 = arith.constant 0 : index
        %get3A_205 = tpu.vector_load %arg6[%get3A_203, %get3A_204] {strides = array<i32>} : memref<256x64xf32, #tpu.memory_space<vmem>>, vector<1x16xf32>,
        %get3A_206 = vector.shape_cast %get3A_205 : vector<1x16xf32> to vector<16xf32>
        %swap3A_207 = arith.index_cast %add3A_148 : i32 to index
        %swap3A_208 = arith.constant 64 : index
        %swap3A_209 = tpu.vector_load %arg8[%swap3A_207, %swap3A_208] {strides = array<i32>} : memref<128x128xf32, #tpu.memory_space<vmem>>, vector<1x16xf32>,
        %swap3A_210 = vector.shape_cast %swap3A_209 : vector<1x16xf32> to vector<16xf32>
        %swap3A_211 = vector.shape_cast %get3A_206 : vector<16xf32> to vector<1x16xf32>
        tpu.vector_store %arg8[%swap3A_207, %swap3A_208], %swap3A_211 {strides = array<i32>} : memref<128x128xf32, #tpu.memory_space<vmem>>, vector<1x16xf32>,
        %mul3A_212 = arith.constant 2 : i32
        %mul3A_213 = arith.muli %mul3A_212, %add3A_148 : i32
        %add3A_214 = arith.constant 1 : i32
        %add3A_215 = arith.addi %mul3A_213, %add3A_214 : i32
        %get3A_216 = arith.index_cast %add3A_215 : i32 to index
        %get3A_217 = arith.constant 16 : index
        %get3A_218 = tpu.vector_load %arg6[%get3A_216, %get3A_217] {strides = array<i32>} : memref<256x64xf32, #tpu.memory_space<vmem>>, vector<1x16xf32>,
        %get3A_219 = vector.shape_cast %get3A_218 : vector<1x16xf32> to vector<16xf32>
        %swap3A_220 = arith.index_cast %add3A_148 : i32 to index
        %swap3A_221 = arith.constant 80 : index
        %swap3A_222 = tpu.vector_load %arg8[%swap3A_220, %swap3A_221] {strides = array<i32>} : memref<128x128xf32, #tpu.memory_space<vmem>>, vector<1x16xf32>,
        %swap3A_223 = vector.shape_cast %swap3A_222 : vector<1x16xf32> to vector<16xf32>
        %swap3A_224 = vector.shape_cast %get3A_219 : vector<16xf32> to vector<1x16xf32>
        tpu.vector_store %arg8[%swap3A_220, %swap3A_221], %swap3A_224 {strides = array<i32>} : memref<128x128xf32, #tpu.memory_space<vmem>>, vector<1x16xf32>,
        %mul3A_225 = arith.constant 2 : i32
        %mul3A_226 = arith.muli %mul3A_225, %add3A_148 : i32
        %add3A_227 = arith.constant 1 : i32
        %add3A_228 = arith.addi %mul3A_226, %add3A_227 : i32
        %get3A_229 = arith.index_cast %add3A_228 : i32 to index
        %get3A_230 = arith.constant 32 : index
        %get3A_231 = tpu.vector_load %arg6[%get3A_229, %get3A_230] {strides = array<i32>} : memref<256x64xf32, #tpu.memory_space<vmem>>, vector<1x16xf32>,
        %get3A_232 = vector.shape_cast %get3A_231 : vector<1x16xf32> to vector<16xf32>
        %swap3A_233 = arith.index_cast %add3A_148 : i32 to index
        %swap3A_234 = arith.constant 96 : index
        %swap3A_235 = tpu.vector_load %arg8[%swap3A_233, %swap3A_234] {strides = array<i32>} : memref<128x128xf32, #tpu.memory_space<vmem>>, vector<1x16xf32>,
        %swap3A_236 = vector.shape_cast %swap3A_235 : vector<1x16xf32> to vector<16xf32>
        %swap3A_237 = vector.shape_cast %get3A_232 : vector<16xf32> to vector<1x16xf32>
        tpu.vector_store %arg8[%swap3A_233, %swap3A_234], %swap3A_237 {strides = array<i32>} : memref<128x128xf32, #tpu.memory_space<vmem>>, vector<1x16xf32>,
        %mul3A_238 = arith.constant 2 : i32
        %mul3A_239 = arith.muli %mul3A_238, %add3A_148 : i32
        %add3A_240 = arith.constant 1 : i32
        %add3A_241 = arith.addi %mul3A_239, %add3A_240 : i32
        %get3A_242 = arith.index_cast %add3A_241 : i32 to index
        %get3A_243 = arith.constant 48 : index
        %get3A_244 = tpu.vector_load %arg6[%get3A_242, %get3A_243] {strides = array<i32>} : memref<256x64xf32, #tpu.memory_space<vmem>>, vector<1x16xf32>,
        %get3A_245 = vector.shape_cast %get3A_244 : vector<1x16xf32> to vector<16xf32>
        %swap3A_246 = arith.index_cast %add3A_148 : i32 to index
        %swap3A_247 = arith.constant 112 : index
        %swap3A_248 = tpu.vector_load %arg8[%swap3A_246, %swap3A_247] {strides = array<i32>} : memref<128x128xf32, #tpu.memory_space<vmem>>, vector<1x16xf32>,
        %swap3A_249 = vector.shape_cast %swap3A_248 : vector<1x16xf32> to vector<16xf32>
        %swap3A_250 = vector.shape_cast %get3A_245 : vector<16xf32> to vector<1x16xf32>
        tpu.vector_store %arg8[%swap3A_246, %swap3A_247], %swap3A_250 {strides = array<i32>} : memref<128x128xf32, #tpu.memory_space<vmem>>, vector<1x16xf32>,
      }
      %scan3A_95 = arith.constant 128 : i32
      %mul3A_96 = arith.constant 128 : i32
      %mul3A_97 = arith.muli %add3A_73, %mul3A_96 : i32
      %add3A_98 = arith.addi %select_n3A, %mul3A_97 : i32
      %dma_start3A_99 = arith.constant 0 : i32
      %dma_start3A_100 = arith.constant 0 : i32
      %dma_start3A_101 = tpu.memref_slice %arg4[%add3A_98, %dma_start3A_100] : memref<163840x128xf32, #tpu.memory_space<hbm>> -> memref<128x128xf32, #tpu.memory_space<hbm>>
      %dma_start3A_102 = tpu.memref_slice %arg11[%dma_start3A_99] : memref<2x!tpu.dma_semaphore, #tpu.memory_space<semaphore_mem>> -> memref<1x!tpu.dma_semaphore, #tpu.memory_space<semaphore_mem>>
      %dma_start3A_103 = tpu.memref_squeeze %dma_start3A_102 : memref<1x!tpu.dma_semaphore, #tpu.memory_space<semaphore_mem>> -> memref<!tpu.dma_semaphore, #tpu.memory_space<semaphore_mem>>
      %dma_start3A_104 = arith.constant 0 : i32
      %dma_start3A_105 = tpu.memref_slice %arg4[%add3A_98, %dma_start3A_104] : memref<163840x128xf32, #tpu.memory_space<hbm>> -> memref<128x128xf32, #tpu.memory_space<hbm>>
      tpu.enqueue_dma source(%arg8 : memref<128x128xf32, #tpu.memory_space<vmem>>) target(%dma_start3A_105 : memref<128x128xf32, #tpu.memory_space<hbm>>) target_semaphore(%dma_start3A_103 : memref<!tpu.dma_semaphore, #tpu.memory_space<semaphore_mem>>)
      %add3A_106 = arith.constant 1 : i32
      %add3A_107 = arith.addi %add3A_71, %add3A_106 : i32
      %dma_wait3A_108 = arith.constant 1 : i32
      %dma_wait3A_109 = arith.constant 0 : i32
      %dma_wait3A_110 = arith.constant 0 : i32
      %dma_wait3A_111 = tpu.memref_slice %arg2[%dma_wait3A_109, %dma_wait3A_110] : memref<10000x64xf32, #tpu.memory_space<hbm>> -> memref<256x64xf32, #tpu.memory_space<hbm>>
      %dma_wait3A_112 = tpu.memref_slice %arg10[%dma_wait3A_108] : memref<2x!tpu.dma_semaphore, #tpu.memory_space<semaphore_mem>> -> memref<1x!tpu.dma_semaphore, #tpu.memory_space<semaphore_mem>>
      %dma_wait3A_113 = tpu.memref_squeeze %dma_wait3A_112 : memref<1x!tpu.dma_semaphore, #tpu.memory_space<semaphore_mem>> -> memref<!tpu.dma_semaphore, #tpu.memory_space<semaphore_mem>>
      %dma_wait3A_114 = arith.constant 0 : i32
      %dma_wait3A_115 = arith.constant 0 : i32
      %dma_wait3A_116 = tpu.memref_slice %arg2[%dma_wait3A_114, %dma_wait3A_115] : memref<10000x64xf32, #tpu.memory_space<hbm>> -> memref<256x64xf32, #tpu.memory_space<hbm>>
      tpu.wait_dma2 semaphore(%dma_wait3A_113 : memref<!tpu.dma_semaphore, #tpu.memory_space<semaphore_mem>>) src(%dma_wait3A_116 : memref<256x64xf32, #tpu.memory_space<hbm>>) dst(%arg7 : memref<256x64xf32, #tpu.memory_space<vmem>>)
      %add3A_117 = arith.constant 1 : i32
      %add3A_118 = arith.addi %add3A_107, %add3A_117 : i32
      %lt3A_119 = arith.constant 40 : i32
      %lt3A_120 = arith.cmpi slt, %add3A_118, %lt3A_119 : i32
      %convert_element_type3A_121 = arith.extui %lt3A_120 : i1 to i32
      %cond3A_122 = arith.constant 0 : i32
      %cond3A_123 = arith.cmpi ne, %convert_element_type3A_121, %cond3A_122 : i32
      scf.if %cond3A_123 {
        %add3A_144 = arith.constant 1 : i32
        %add3A_145 = arith.addi %add3A_107, %add3A_144 : i32
        %mul3A_146 = arith.constant 2 : i32
        %mul3A_147 = arith.muli %add3A_145, %mul3A_146 : i32
        %add3A_148 = arith.constant 0 : i32
        %add3A_149 = arith.addi %mul3A_147, %add3A_148 : i32
        %dma_start3A_150 = arith.constant 0 : i32
        %dma_start3A_151 = arith.constant 0 : i32
        %dma_start3A_152 = arith.constant 0 : i32
        %dma_start3A_153 = tpu.memref_slice %arg6[%dma_start3A_151, %dma_start3A_152] : memref<256x64xf32, #tpu.memory_space<vmem>> -> memref<128x64xf32, #tpu.memory_space<vmem>>
        %dma_start3A_154 = arith.constant 0 : i32
        %dma_start3A_155 = tpu.memref_slice %arg5[%add3A_149, %dma_start3A_154] : memref<80x128xi32, #tpu.memory_space<vmem>> -> memref<1x128xi32, #tpu.memory_space<vmem>>
        %dma_start3A_156 = tpu.memref_squeeze %dma_start3A_155 : memref<1x128xi32, #tpu.memory_space<vmem>> -> memref<128xi32, #tpu.memory_space<vmem>>
        %dma_start3A_157 = arith.constant 0 : i32
        %dma_start3A_158 = arith.constant 0 : i32
        %dma_start3A_159 = tpu.memref_slice %arg2[%dma_start3A_157, %dma_start3A_158] : memref<10000x64xf32, #tpu.memory_space<hbm>> -> memref<10000x64xf32, #tpu.memory_space<hbm>>
        %dma_start3A_160 = tpu.memref_slice %arg10[%dma_start3A_150] : memref<2x!tpu.dma_semaphore, #tpu.memory_space<semaphore_mem>> -> memref<1x!tpu.dma_semaphore, #tpu.memory_space<semaphore_mem>>
        %dma_start3A_161 = tpu.memref_squeeze %dma_start3A_160 : memref<1x!tpu.dma_semaphore, #tpu.memory_space<semaphore_mem>> -> memref<!tpu.dma_semaphore, #tpu.memory_space<semaphore_mem>>
        tpu.enqueue_indirect_dma source(%dma_start3A_159 : memref<10000x64xf32, #tpu.memory_space<hbm>>) target(%dma_start3A_153 : memref<128x64xf32, #tpu.memory_space<vmem>>) offsets(%dma_start3A_156 : memref<128xi32, #tpu.memory_space<vmem>>) semaphore(%dma_start3A_161 : memref<!tpu.dma_semaphore, #tpu.memory_space<semaphore_mem>>)
        %mul3A_162 = arith.constant 2 : i32
        %mul3A_163 = arith.muli %add3A_145, %mul3A_162 : i32
        %add3A_164 = arith.constant 1 : i32
        %add3A_165 = arith.addi %mul3A_163, %add3A_164 : i32
        %dma_start3A_166 = arith.constant 0 : i32
        %dma_start3A_167 = arith.constant 128 : i32
        %dma_start3A_168 = arith.constant 0 : i32
        %dma_start3A_169 = tpu.memref_slice %arg6[%dma_start3A_167, %dma_start3A_168] : memref<256x64xf32, #tpu.memory_space<vmem>> -> memref<128x64xf32, #tpu.memory_space<vmem>>
        %dma_start3A_170 = arith.constant 0 : i32
        %dma_start3A_171 = tpu.memref_slice %arg5[%add3A_165, %dma_start3A_170] : memref<80x128xi32, #tpu.memory_space<vmem>> -> memref<1x128xi32, #tpu.memory_space<vmem>>
        %dma_start3A_172 = tpu.memref_squeeze %dma_start3A_171 : memref<1x128xi32, #tpu.memory_space<vmem>> -> memref<128xi32, #tpu.memory_space<vmem>>
        %dma_start3A_173 = arith.constant 0 : i32
        %dma_start3A_174 = arith.constant 0 : i32
        %dma_start3A_175 = tpu.memref_slice %arg2[%dma_start3A_173, %dma_start3A_174] : memref<10000x64xf32, #tpu.memory_space<hbm>> -> memref<10000x64xf32, #tpu.memory_space<hbm>>
        %dma_start3A_176 = tpu.memref_slice %arg10[%dma_start3A_166] : memref<2x!tpu.dma_semaphore, #tpu.memory_space<semaphore_mem>> -> memref<1x!tpu.dma_semaphore, #tpu.memory_space<semaphore_mem>>
        %dma_start3A_177 = tpu.memref_squeeze %dma_start3A_176 : memref<1x!tpu.dma_semaphore, #tpu.memory_space<semaphore_mem>> -> memref<!tpu.dma_semaphore, #tpu.memory_space<semaphore_mem>>
        tpu.enqueue_indirect_dma source(%dma_start3A_175 : memref<10000x64xf32, #tpu.memory_space<hbm>>) target(%dma_start3A_169 : memref<128x64xf32, #tpu.memory_space<vmem>>) offsets(%dma_start3A_172 : memref<128xi32, #tpu.memory_space<vmem>>) semaphore(%dma_start3A_177 : memref<!tpu.dma_semaphore, #tpu.memory_space<semaphore_mem>>)
      } else {
      }
      %ge3A_124 = arith.constant 2 : i32
      %ge3A_125 = arith.cmpi sge, %add3A_107, %ge3A_124 : i32
      %convert_element_type3A_126 = arith.extui %ge3A_125 : i1 to i32
      %cond3A_127 = arith.constant 0 : i32
      %cond3A_128 = arith.cmpi ne, %convert_element_type3A_126, %cond3A_127 : i32
      scf.if %cond3A_128 {
        %dma_wait3A_144 = arith.constant 1 : i32
        %dma_wait3A_145 = arith.constant 0 : i32
        %dma_wait3A_146 = arith.constant 0 : i32
        %dma_wait3A_147 = tpu.memref_slice %arg4[%dma_wait3A_145, %dma_wait3A_146] : memref<163840x128xf32, #tpu.memory_space<hbm>> -> memref<128x128xf32, #tpu.memory_space<hbm>>
        %dma_wait3A_148 = tpu.memref_slice %arg11[%dma_wait3A_144] : memref<2x!tpu.dma_semaphore, #tpu.memory_space<semaphore_mem>> -> memref<1x!tpu.dma_semaphore, #tpu.memory_space<semaphore_mem>>
        %dma_wait3A_149 = tpu.memref_squeeze %dma_wait3A_148 : memref<1x!tpu.dma_semaphore, #tpu.memory_space<semaphore_mem>> -> memref<!tpu.dma_semaphore, #tpu.memory_space<semaphore_mem>>
        %dma_wait3A_150 = arith.constant 0 : i32
        %dma_wait3A_151 = arith.constant 0 : i32
        %dma_wait3A_152 = tpu.memref_slice %arg4[%dma_wait3A_150, %dma_wait3A_151] : memref<163840x128xf32, #tpu.memory_space<hbm>> -> memref<128x128xf32, #tpu.memory_space<hbm>>
        tpu.wait_dma2 semaphore(%dma_wait3A_149 : memref<!tpu.dma_semaphore, #tpu.memory_space<semaphore_mem>>) src(%arg9 : memref<128x128xf32, #tpu.memory_space<vmem>>) dst(%dma_wait3A_152 : memref<128x128xf32, #tpu.memory_space<hbm>>)
      } else {
      }
      %scan3A_129 = arith.constant 0 : i32
      %scan3A_130 = arith.constant 128 : i32
      %scan3A_131 = arith.addi %scan3A_129, %scan3A_130 : i32
      %scan3A_132 = arith.constant 1 : i32
      scf.for %scan3A_144 = %scan3A_129 to %scan3A_131 step %scan3A_132  : i32 {
        %mul3A_145 = arith.constant 1 : i32
        %mul3A_146 = arith.muli %scan3A_144, %mul3A_145 : i32
        %add3A_147 = arith.constant 0 : i32
        %add3A_148 = arith.addi %add3A_147, %mul3A_146 : i32
        %mul3A_149 = arith.constant 2 : i32
        %mul3A_150 = arith.muli %mul3A_149, %add3A_148 : i32
        %add3A_151 = arith.constant 0 : i32
        %add3A_152 = arith.addi %mul3A_150, %add3A_151 : i32
        %get3A = arith.index_cast %add3A_152 : i32 to index
        %get3A_153 = arith.constant 0 : index
        %get3A_154 = tpu.vector_load %arg7[%get3A, %get3A_153] {strides = array<i32>} : memref<256x64xf32, #tpu.memory_space<vmem>>, vector<1x16xf32>,
        %get3A_155 = vector.shape_cast %get3A_154 : vector<1x16xf32> to vector<16xf32>
        %swap3A = arith.index_cast %add3A_148 : i32 to index
        %swap3A_156 = arith.constant 0 : index
        %swap3A_157 = tpu.vector_load %arg9[%swap3A, %swap3A_156] {strides = array<i32>} : memref<128x128xf32, #tpu.memory_space<vmem>>, vector<1x16xf32>,
        %swap3A_158 = vector.shape_cast %swap3A_157 : vector<1x16xf32> to vector<16xf32>
        %swap3A_159 = vector.shape_cast %get3A_155 : vector<16xf32> to vector<1x16xf32>
        tpu.vector_store %arg9[%swap3A, %swap3A_156], %swap3A_159 {strides = array<i32>} : memref<128x128xf32, #tpu.memory_space<vmem>>, vector<1x16xf32>,
        %mul3A_160 = arith.constant 2 : i32
        %mul3A_161 = arith.muli %mul3A_160, %add3A_148 : i32
        %add3A_162 = arith.constant 0 : i32
        %add3A_163 = arith.addi %mul3A_161, %add3A_162 : i32
        %get3A_164 = arith.index_cast %add3A_163 : i32 to index
        %get3A_165 = arith.constant 16 : index
        %get3A_166 = tpu.vector_load %arg7[%get3A_164, %get3A_165] {strides = array<i32>} : memref<256x64xf32, #tpu.memory_space<vmem>>, vector<1x16xf32>,
        %get3A_167 = vector.shape_cast %get3A_166 : vector<1x16xf32> to vector<16xf32>
        %swap3A_168 = arith.index_cast %add3A_148 : i32 to index
        %swap3A_169 = arith.constant 16 : index
        %swap3A_170 = tpu.vector_load %arg9[%swap3A_168, %swap3A_169] {strides = array<i32>} : memref<128x128xf32, #tpu.memory_space<vmem>>, vector<1x16xf32>,
        %swap3A_171 = vector.shape_cast %swap3A_170 : vector<1x16xf32> to vector<16xf32>
        %swap3A_172 = vector.shape_cast %get3A_167 : vector<16xf32> to vector<1x16xf32>
        tpu.vector_store %arg9[%swap3A_168, %swap3A_169], %swap3A_172 {strides = array<i32>} : memref<128x128xf32, #tpu.memory_space<vmem>>, vector<1x16xf32>,
        %mul3A_173 = arith.constant 2 : i32
        %mul3A_174 = arith.muli %mul3A_173, %add3A_148 : i32
        %add3A_175 = arith.constant 0 : i32
        %add3A_176 = arith.addi %mul3A_174, %add3A_175 : i32
        %get3A_177 = arith.index_cast %add3A_176 : i32 to index
        %get3A_178 = arith.constant 32 : index
        %get3A_179 = tpu.vector_load %arg7[%get3A_177, %get3A_178] {strides = array<i32>} : memref<256x64xf32, #tpu.memory_space<vmem>>, vector<1x16xf32>,
        %get3A_180 = vector.shape_cast %get3A_179 : vector<1x16xf32> to vector<16xf32>
        %swap3A_181 = arith.index_cast %add3A_148 : i32 to index
        %swap3A_182 = arith.constant 32 : index
        %swap3A_183 = tpu.vector_load %arg9[%swap3A_181, %swap3A_182] {strides = array<i32>} : memref<128x128xf32, #tpu.memory_space<vmem>>, vector<1x16xf32>,
        %swap3A_184 = vector.shape_cast %swap3A_183 : vector<1x16xf32> to vector<16xf32>
        %swap3A_185 = vector.shape_cast %get3A_180 : vector<16xf32> to vector<1x16xf32>
        tpu.vector_store %arg9[%swap3A_181, %swap3A_182], %swap3A_185 {strides = array<i32>} : memref<128x128xf32, #tpu.memory_space<vmem>>, vector<1x16xf32>,
        %mul3A_186 = arith.constant 2 : i32
        %mul3A_187 = arith.muli %mul3A_186, %add3A_148 : i32
        %add3A_188 = arith.constant 0 : i32
        %add3A_189 = arith.addi %mul3A_187, %add3A_188 : i32
        %get3A_190 = arith.index_cast %add3A_189 : i32 to index
        %get3A_191 = arith.constant 48 : index
        %get3A_192 = tpu.vector_load %arg7[%get3A_190, %get3A_191] {strides = array<i32>} : memref<256x64xf32, #tpu.memory_space<vmem>>, vector<1x16xf32>,
        %get3A_193 = vector.shape_cast %get3A_192 : vector<1x16xf32> to vector<16xf32>
        %swap3A_194 = arith.index_cast %add3A_148 : i32 to index
        %swap3A_195 = arith.constant 48 : index
        %swap3A_196 = tpu.vector_load %arg9[%swap3A_194, %swap3A_195] {strides = array<i32>} : memref<128x128xf32, #tpu.memory_space<vmem>>, vector<1x16xf32>,
        %swap3A_197 = vector.shape_cast %swap3A_196 : vector<1x16xf32> to vector<16xf32>
        %swap3A_198 = vector.shape_cast %get3A_193 : vector<16xf32> to vector<1x16xf32>
        tpu.vector_store %arg9[%swap3A_194, %swap3A_195], %swap3A_198 {strides = array<i32>} : memref<128x128xf32, #tpu.memory_space<vmem>>, vector<1x16xf32>,
        %mul3A_199 = arith.constant 2 : i32
        %mul3A_200 = arith.muli %mul3A_199, %add3A_148 : i32
        %add3A_201 = arith.constant 1 : i32
        %add3A_202 = arith.addi %mul3A_200, %add3A_201 : i32
        %get3A_203 = arith.index_cast %add3A_202 : i32 to index
        %get3A_204 = arith.constant 0 : index
        %get3A_205 = tpu.vector_load %arg7[%get3A_203, %get3A_204] {strides = array<i32>} : memref<256x64xf32, #tpu.memory_space<vmem>>, vector<1x16xf32>,
        %get3A_206 = vector.shape_cast %get3A_205 : vector<1x16xf32> to vector<16xf32>
        %swap3A_207 = arith.index_cast %add3A_148 : i32 to index
        %swap3A_208 = arith.constant 64 : index
        %swap3A_209 = tpu.vector_load %arg9[%swap3A_207, %swap3A_208] {strides = array<i32>} : memref<128x128xf32, #tpu.memory_space<vmem>>, vector<1x16xf32>,
        %swap3A_210 = vector.shape_cast %swap3A_209 : vector<1x16xf32> to vector<16xf32>
        %swap3A_211 = vector.shape_cast %get3A_206 : vector<16xf32> to vector<1x16xf32>
        tpu.vector_store %arg9[%swap3A_207, %swap3A_208], %swap3A_211 {strides = array<i32>} : memref<128x128xf32, #tpu.memory_space<vmem>>, vector<1x16xf32>,
        %mul3A_212 = arith.constant 2 : i32
        %mul3A_213 = arith.muli %mul3A_212, %add3A_148 : i32
        %add3A_214 = arith.constant 1 : i32
        %add3A_215 = arith.addi %mul3A_213, %add3A_214 : i32
        %get3A_216 = arith.index_cast %add3A_215 : i32 to index
        %get3A_217 = arith.constant 16 : index
        %get3A_218 = tpu.vector_load %arg7[%get3A_216, %get3A_217] {strides = array<i32>} : memref<256x64xf32, #tpu.memory_space<vmem>>, vector<1x16xf32>,
        %get3A_219 = vector.shape_cast %get3A_218 : vector<1x16xf32> to vector<16xf32>
        %swap3A_220 = arith.index_cast %add3A_148 : i32 to index
        %swap3A_221 = arith.constant 80 : index
        %swap3A_222 = tpu.vector_load %arg9[%swap3A_220, %swap3A_221] {strides = array<i32>} : memref<128x128xf32, #tpu.memory_space<vmem>>, vector<1x16xf32>,
        %swap3A_223 = vector.shape_cast %swap3A_222 : vector<1x16xf32> to vector<16xf32>
        %swap3A_224 = vector.shape_cast %get3A_219 : vector<16xf32> to vector<1x16xf32>
        tpu.vector_store %arg9[%swap3A_220, %swap3A_221], %swap3A_224 {strides = array<i32>} : memref<128x128xf32, #tpu.memory_space<vmem>>, vector<1x16xf32>,
        %mul3A_225 = arith.constant 2 : i32
        %mul3A_226 = arith.muli %mul3A_225, %add3A_148 : i32
        %add3A_227 = arith.constant 1 : i32
        %add3A_228 = arith.addi %mul3A_226, %add3A_227 : i32
        %get3A_229 = arith.index_cast %add3A_228 : i32 to index
        %get3A_230 = arith.constant 32 : index
        %get3A_231 = tpu.vector_load %arg7[%get3A_229, %get3A_230] {strides = array<i32>} : memref<256x64xf32, #tpu.memory_space<vmem>>, vector<1x16xf32>,
        %get3A_232 = vector.shape_cast %get3A_231 : vector<1x16xf32> to vector<16xf32>
        %swap3A_233 = arith.index_cast %add3A_148 : i32 to index
        %swap3A_234 = arith.constant 96 : index
        %swap3A_235 = tpu.vector_load %arg9[%swap3A_233, %swap3A_234] {strides = array<i32>} : memref<128x128xf32, #tpu.memory_space<vmem>>, vector<1x16xf32>,
        %swap3A_236 = vector.shape_cast %swap3A_235 : vector<1x16xf32> to vector<16xf32>
        %swap3A_237 = vector.shape_cast %get3A_232 : vector<16xf32> to vector<1x16xf32>
        tpu.vector_store %arg9[%swap3A_233, %swap3A_234], %swap3A_237 {strides = array<i32>} : memref<128x128xf32, #tpu.memory_space<vmem>>, vector<1x16xf32>,
        %mul3A_238 = arith.constant 2 : i32
        %mul3A_239 = arith.muli %mul3A_238, %add3A_148 : i32
        %add3A_240 = arith.constant 1 : i32
        %add3A_241 = arith.addi %mul3A_239, %add3A_240 : i32
        %get3A_242 = arith.index_cast %add3A_241 : i32 to index
        %get3A_243 = arith.constant 48 : index
        %get3A_244 = tpu.vector_load %arg7[%get3A_242, %get3A_243] {strides = array<i32>} : memref<256x64xf32, #tpu.memory_space<vmem>>, vector<1x16xf32>,
        %get3A_245 = vector.shape_cast %get3A_244 : vector<1x16xf32> to vector<16xf32>
        %swap3A_246 = arith.index_cast %add3A_148 : i32 to index
        %swap3A_247 = arith.constant 112 : index
        %swap3A_248 = tpu.vector_load %arg9[%swap3A_246, %swap3A_247] {strides = array<i32>} : memref<128x128xf32, #tpu.memory_space<vmem>>, vector<1x16xf32>,
        %swap3A_249 = vector.shape_cast %swap3A_248 : vector<1x16xf32> to vector<16xf32>
        %swap3A_250 = vector.shape_cast %get3A_245 : vector<16xf32> to vector<1x16xf32>
        tpu.vector_store %arg9[%swap3A_246, %swap3A_247], %swap3A_250 {strides = array<i32>} : memref<128x128xf32, #tpu.memory_space<vmem>>, vector<1x16xf32>,
      }
      %scan3A_133 = arith.constant 128 : i32
      %mul3A_134 = arith.constant 128 : i32
      %mul3A_135 = arith.muli %add3A_107, %mul3A_134 : i32
      %add3A_136 = arith.addi %select_n3A, %mul3A_135 : i32
      %dma_start3A_137 = arith.constant 1 : i32
      %dma_start3A_138 = arith.constant 0 : i32
      %dma_start3A_139 = tpu.memref_slice %arg4[%add3A_136, %dma_start3A_138] : memref<163840x128xf32, #tpu.memory_space<hbm>> -> memref<128x128xf32, #tpu.memory_space<hbm>>
      %dma_start3A_140 = tpu.memref_slice %arg11[%dma_start3A_137] : memref<2x!tpu.dma_semaphore, #tpu.memory_space<semaphore_mem>> -> memref<1x!tpu.dma_semaphore, #tpu.memory_space<semaphore_mem>>
      %dma_start3A_141 = tpu.memref_squeeze %dma_start3A_140 : memref<1x!tpu.dma_semaphore, #tpu.memory_space<semaphore_mem>> -> memref<!tpu.dma_semaphore, #tpu.memory_space<semaphore_mem>>
      %dma_start3A_142 = arith.constant 0 : i32
      %dma_start3A_143 = tpu.memref_slice %arg4[%add3A_136, %dma_start3A_142] : memref<163840x128xf32, #tpu.memory_space<hbm>> -> memref<128x128xf32, #tpu.memory_space<hbm>>
      tpu.enqueue_dma source(%arg9 : memref<128x128xf32, #tpu.memory_space<vmem>>) target(%dma_start3A_143 : memref<128x128xf32, #tpu.memory_space<hbm>>) target_semaphore(%dma_start3A_141 : memref<!tpu.dma_semaphore, #tpu.memory_space<semaphore_mem>>)
    }
    %scan3A_49 = arith.constant 20 : i32
    %dma_wait3A = arith.constant 0 : i32
    %dma_wait3A_50 = arith.constant 0 : i32
    %dma_wait3A_51 = arith.constant 0 : i32
    %dma_wait3A_52 = tpu.memref_slice %arg4[%dma_wait3A_50, %dma_wait3A_51] : memref<163840x128xf32, #tpu.memory_space<hbm>> -> memref<128x128xf32, #tpu.memory_space<hbm>>
    %dma_wait3A_53 = tpu.memref_slice %arg11[%dma_wait3A] : memref<2x!tpu.dma_semaphore, #tpu.memory_space<semaphore_mem>> -> memref<1x!tpu.dma_semaphore, #tpu.memory_space<semaphore_mem>>
    %dma_wait3A_54 = tpu.memref_squeeze %dma_wait3A_53 : memref<1x!tpu.dma_semaphore, #tpu.memory_space<semaphore_mem>> -> memref<!tpu.dma_semaphore, #tpu.memory_space<semaphore_mem>>
    %dma_wait3A_55 = arith.constant 0 : i32
    %dma_wait3A_56 = arith.constant 0 : i32
    %dma_wait3A_57 = tpu.memref_slice %arg4[%dma_wait3A_55, %dma_wait3A_56] : memref<163840x128xf32, #tpu.memory_space<hbm>> -> memref<128x128xf32, #tpu.memory_space<hbm>>
    tpu.wait_dma2 semaphore(%dma_wait3A_54 : memref<!tpu.dma_semaphore, #tpu.memory_space<semaphore_mem>>) src(%arg8 : memref<128x128xf32, #tpu.memory_space<vmem>>) dst(%dma_wait3A_57 : memref<128x128xf32, #tpu.memory_space<hbm>>)
    %dma_wait3A_58 = arith.constant 1 : i32
    %dma_wait3A_59 = arith.constant 0 : i32
    %dma_wait3A_60 = arith.constant 0 : i32
    %dma_wait3A_61 = tpu.memref_slice %arg4[%dma_wait3A_59, %dma_wait3A_60] : memref<163840x128xf32, #tpu.memory_space<hbm>> -> memref<128x128xf32, #tpu.memory_space<hbm>>
    %dma_wait3A_62 = tpu.memref_slice %arg11[%dma_wait3A_58] : memref<2x!tpu.dma_semaphore, #tpu.memory_space<semaphore_mem>> -> memref<1x!tpu.dma_semaphore, #tpu.memory_space<semaphore_mem>>
    %dma_wait3A_63 = tpu.memref_squeeze %dma_wait3A_62 : memref<1x!tpu.dma_semaphore, #tpu.memory_space<semaphore_mem>> -> memref<!tpu.dma_semaphore, #tpu.memory_space<semaphore_mem>>
    %dma_wait3A_64 = arith.constant 0 : i32
    %dma_wait3A_65 = arith.constant 0 : i32
    %dma_wait3A_66 = tpu.memref_slice %arg4[%dma_wait3A_64, %dma_wait3A_65] : memref<163840x128xf32, #tpu.memory_space<hbm>> -> memref<128x128xf32, #tpu.memory_space<hbm>>
    tpu.wait_dma2 semaphore(%dma_wait3A_63 : memref<!tpu.dma_semaphore, #tpu.memory_space<semaphore_mem>>) src(%arg9 : memref<128x128xf32, #tpu.memory_space<vmem>>) dst(%dma_wait3A_66 : memref<128x128xf32, #tpu.memory_space<hbm>>)
    return
  }
}

#map = affine_map<(d0, d1) -> (0, 0)>
#map1 = affine_map<(d0, d1) -> (0, 0, 0)>
module attributes {stable_mosaic.version = 14 : i64} {
  func.func @gather_k(%arg0: i32, %arg1: i32, %arg2: memref<10000x64xf32, #tpu.memory_space<hbm>>, %arg3: memref<32x80x128xi32, #tpu.memory_space<hbm>>, %arg4: memref<163840x128xf32, #tpu.memory_space<hbm>>, %arg5: memref<80x128xi32, #tpu.memory_space<vmem>>, %arg6: memref<256x64xf32, #tpu.memory_space<vmem>>, %arg7: memref<256x64xf32, #tpu.memory_space<vmem>>, %arg8: memref<128x128xf32, #tpu.memory_space<vmem>>, %arg9: memref<128x128xf32, #tpu.memory_space<vmem>>, %arg10: memref<2x!tpu.dma_semaphore, #tpu.memory_space<semaphore_mem>>, %arg11: memref<2x!tpu.dma_semaphore, #tpu.memory_space<semaphore_mem>>) attributes {dimension_semantics = [#tpu.dimension_semantics<core_parallel>, #tpu.dimension_semantics<subcore_parallel>], iteration_bounds = array<i64: 2, 16>, scalar_prefetch = 0 : i64, scratch_operands = 7 : i64, tpu.core_type = #tpu.core_type<sc_vector_subcore>, window_params = [{transform_indices = #map}, {transform_indices = #map1}, {transform_indices = #map}]} {
    %mul3A = arith.constant 2 : i32
    %mul3A_0 = arith.muli %arg1, %mul3A : i32
    %add3A = arith.addi %mul3A_0, %arg0 : i32
    "tpu.region"() ({
      %run_scoped3A = tpu.sem_alloc : memref<!tpu.dma_semaphore, #tpu.memory_space<semaphore_mem>>
      %dma_start3A_67 = arith.constant 0 : i32
      %dma_start3A_68 = arith.constant 0 : i32
      %dma_start3A_69 = tpu.memref_slice %arg3[%add3A, %dma_start3A_67, %dma_start3A_68] : memref<32x80x128xi32, #tpu.memory_space<hbm>> -> memref<1x80x128xi32, #tpu.memory_space<hbm>>
      %dma_start3A_70 = tpu.memref_squeeze %dma_start3A_69 : memref<1x80x128xi32, #tpu.memory_space<hbm>> -> memref<80x128xi32, #tpu.memory_space<hbm>>
      %dma_start3A_71 = arith.constant 0 : i32
      %dma_start3A_72 = arith.constant 0 : i32
      %dma_start3A_73 = tpu.memref_slice %arg3[%add3A, %dma_start3A_71, %dma_start3A_72] : memref<32x80x128xi32, #tpu.memory_space<hbm>> -> memref<1x80x128xi32, #tpu.memory_space<hbm>>
      %dma_start3A_74 = tpu.memref_squeeze %dma_start3A_73 : memref<1x80x128xi32, #tpu.memory_space<hbm>> -> memref<80x128xi32, #tpu.memory_space<hbm>>
      tpu.enqueue_dma source(%dma_start3A_74 : memref<80x128xi32, #tpu.memory_space<hbm>>) target(%arg5 : memref<80x128xi32, #tpu.memory_space<vmem>>) target_semaphore(%run_scoped3A : memref<!tpu.dma_semaphore, #tpu.memory_space<semaphore_mem>>)
      %dma_wait3A_75 = arith.constant 0 : i32
      %dma_wait3A_76 = arith.constant 0 : i32
      %dma_wait3A_77 = tpu.memref_slice %arg3[%add3A, %dma_wait3A_75, %dma_wait3A_76] : memref<32x80x128xi32, #tpu.memory_space<hbm>> -> memref<1x80x128xi32, #tpu.memory_space<hbm>>
      %dma_wait3A_78 = tpu.memref_squeeze %dma_wait3A_77 : memref<1x80x128xi32, #tpu.memory_space<hbm>> -> memref<80x128xi32, #tpu.memory_space<hbm>>
      %dma_wait3A_79 = arith.constant 0 : i32
      %dma_wait3A_80 = arith.constant 0 : i32
      %dma_wait3A_81 = tpu.memref_slice %arg3[%add3A, %dma_wait3A_79, %dma_wait3A_80] : memref<32x80x128xi32, #tpu.memory_space<hbm>> -> memref<1x80x128xi32, #tpu.memory_space<hbm>>
      %dma_wait3A_82 = tpu.memref_squeeze %dma_wait3A_81 : memref<1x80x128xi32, #tpu.memory_space<hbm>> -> memref<80x128xi32, #tpu.memory_space<hbm>>
      tpu.wait_dma2 semaphore(%run_scoped3A : memref<!tpu.dma_semaphore, #tpu.memory_space<semaphore_mem>>) src(%dma_wait3A_82 : memref<80x128xi32, #tpu.memory_space<hbm>>) dst(%arg5 : memref<80x128xi32, #tpu.memory_space<vmem>>)
      tpu.yield
    }) : () -> ()
    %mul3A_1 = arith.constant 80 : i32
    %mul3A_2 = arith.muli %add3A, %mul3A_1 : i32
    %mul3A_3 = arith.constant 128 : i32
    %mul3A_4 = arith.muli %mul3A_2, %mul3A_3 : i32
    %jit3A = arith.constant 2 : i32
    %div3A = arith.divsi %mul3A_4, %jit3A : i32
    %sign3A = arith.constant 0 : i32
    %sign3A_5 = arith.cmpi sgt, %mul3A_4, %sign3A : i32
    %sign3A_6 = arith.extui %sign3A_5 : i1 to i32
    %sign3A_7 = arith.constant 0 : i32
    %sign3A_8 = arith.cmpi slt, %mul3A_4, %sign3A_7 : i32
    %sign3A_9 = arith.extui %sign3A_8 : i1 to i32
    %sign3A_10 = arith.subi %sign3A_6, %sign3A_9 : i32
    %sign3A_11 = arith.constant 0 : i32
    %sign3A_12 = arith.cmpi sgt, %jit3A, %sign3A_11 : i32
    %sign3A_13 = arith.extui %sign3A_12 : i1 to i32
    %sign3A_14 = arith.constant 0 : i32
    %sign3A_15 = arith.cmpi slt, %jit3A, %sign3A_14 : i32
    %sign3A_16 = arith.extui %sign3A_15 : i1 to i32
    %sign3A_17 = arith.subi %sign3A_13, %sign3A_16 : i32
    %ne3A = arith.cmpi ne, %sign3A_10, %sign3A_17 : i32
    %rem3A = arith.remsi %mul3A_4, %jit3A : i32
    %ne3A_18 = arith.constant 0 : i32
    %ne3A_19 = arith.cmpi ne, %rem3A, %ne3A_18 : i32
    %and3A = arith.andi %ne3A, %ne3A_19 : i1
    %sub3A = arith.constant 1 : i32
    %sub3A_20 = arith.subi %div3A, %sub3A : i32
    %select_n3A = arith.select %and3A, %sub3A_20, %div3A : i32
    %dma_start3A = arith.constant 0 : i32
    %dma_start3A_21 = arith.constant 0 : i32
    %dma_start3A_22 = arith.constant 0 : i32
    %dma_start3A_23 = arith.constant 0 : i32
    %dma_start3A_24 = tpu.memref_slice %arg6[%dma_start3A_22, %dma_start3A_23] : memref<256x64xf32, #tpu.memory_space<vmem>> -> memref<128x64xf32, #tpu.memory_space<vmem>>
    %dma_start3A_25 = arith.constant 0 : i32
    %dma_start3A_26 = tpu.memref_slice %arg5[%dma_start3A, %dma_start3A_25] : memref<80x128xi32, #tpu.memory_space<vmem>> -> memref<1x128xi32, #tpu.memory_space<vmem>>
    %dma_start3A_27 = tpu.memref_squeeze %dma_start3A_26 : memref<1x128xi32, #tpu.memory_space<vmem>> -> memref<128xi32, #tpu.memory_space<vmem>>
    %dma_start3A_28 = arith.constant 0 : i32
    %dma_start3A_29 = arith.constant 0 : i32
    %dma_start3A_30 = tpu.memref_slice %arg2[%dma_start3A_28, %dma_start3A_29] : memref<10000x64xf32, #tpu.memory_space<hbm>> -> memref<10000x64xf32, #tpu.memory_space<hbm>>
    %dma_start3A_31 = tpu.memref_slice %arg10[%dma_start3A_21] : memref<2x!tpu.dma_semaphore, #tpu.memory_space<semaphore_mem>> -> memref<1x!tpu.dma_semaphore, #tpu.memory_space<semaphore_mem>>
    %dma_start3A_32 = tpu.memref_squeeze %dma_start3A_31 : memref<1x!tpu.dma_semaphore, #tpu.memory_space<semaphore_mem>> -> memref<!tpu.dma_semaphore, #tpu.memory_space<semaphore_mem>>
    tpu.enqueue_indirect_dma source(%dma_start3A_30 : memref<10000x64xf32, #tpu.memory_space<hbm>>) target(%dma_start3A_24 : memref<128x64xf32, #tpu.memory_space<vmem>>) offsets(%dma_start3A_27 : memref<128xi32, #tpu.memory_space<vmem>>) semaphore(%dma_start3A_32 : memref<!tpu.dma_semaphore, #tpu.memory_space<semaphore_mem>>)
    %dma_start3A_33 = arith.constant 1 : i32
    %dma_start3A_34 = arith.constant 0 : i32
    %dma_start3A_35 = arith.constant 128 : i32
    %dma_start3A_36 = arith.constant 0 : i32
    %dma_start3A_37 = tpu.memref_slice %arg6[%dma_start3A_35, %dma_start3A_36] : memref<256x64xf32, #tpu.memory_space<vmem>> -> memref<128x64xf32, #tpu.memory_space<vmem>>
    %dma_start3A_38 = arith.constant 0 : i32
    %dma_start3A_39 = tpu.memref_slice %arg5[%dma_start3A_33, %dma_start3A_38] : memref<80x128xi32, #tpu.memory_space<vmem>> -> memref<1x128xi32, #tpu.memory_space<vmem>>
    %dma_start3A_40 = tpu.memref_squeeze %dma_start3A_39 : memref<1x128xi32, #tpu.memory_space<vmem>> -> memref<128xi32, #tpu.memory_space<vmem>>
    %dma_start3A_41 = arith.constant 0 : i32
    %dma_start3A_42 = arith.constant 0 : i32
    %dma_start3A_43 = tpu.memref_slice %arg2[%dma_start3A_41, %dma_start3A_42] : memref<10000x64xf32, #tpu.memory_space<hbm>> -> memref<10000x64xf32, #tpu.memory_space<hbm>>
    %dma_start3A_44 = tpu.memref_slice %arg10[%dma_start3A_34] : memref<2x!tpu.dma_semaphore, #tpu.memory_space<semaphore_mem>> -> memref<1x!tpu.dma_semaphore, #tpu.memory_space<semaphore_mem>>
    %dma_start3A_45 = tpu.memref_squeeze %dma_start3A_44 : memref<1x!tpu.dma_semaphore, #tpu.memory_space<semaphore_mem>> -> memref<!tpu.dma_semaphore, #tpu.memory_space<semaphore_mem>>
    tpu.enqueue_indirect_dma source(%dma_start3A_43 : memref<10000x64xf32, #tpu.memory_space<hbm>>) target(%dma_start3A_37 : memref<128x64xf32, #tpu.memory_space<vmem>>) offsets(%dma_start3A_40 : memref<128xi32, #tpu.memory_space<vmem>>) semaphore(%dma_start3A_45 : memref<!tpu.dma_semaphore, #tpu.memory_space<semaphore_mem>>)
    %scan3A = arith.constant 0 : i32
    %scan3A_46 = arith.constant 20 : i32
    %scan3A_47 = arith.addi %scan3A, %scan3A_46 : i32
    %scan3A_48 = arith.constant 1 : i32
    scf.for %scan3A_67 = %scan3A to %scan3A_47 step %scan3A_48  : i32 {
      %mul3A_68 = arith.constant 2 : i32
      %mul3A_69 = arith.muli %scan3A_67, %mul3A_68 : i32
      %add3A_70 = arith.constant 0 : i32
      %add3A_71 = arith.addi %add3A_70, %mul3A_69 : i32
      %add3A_72 = arith.constant 0 : i32
      %add3A_73 = arith.addi %add3A_71, %add3A_72 : i32
      %dma_wait3A_74 = arith.constant 0 : i32
      %dma_wait3A_75 = arith.constant 0 : i32
      %dma_wait3A_76 = arith.constant 0 : i32
      %dma_wait3A_77 = tpu.memref_slice %arg2[%dma_wait3A_75, %dma_wait3A_76] : memref<10000x64xf32, #tpu.memory_space<hbm>> -> memref<256x64xf32, #tpu.memory_space<hbm>>
      %dma_wait3A_78 = tpu.memref_slice %arg10[%dma_wait3A_74] : memref<2x!tpu.dma_semaphore, #tpu.memory_space<semaphore_mem>> -> memref<1x!tpu.dma_semaphore, #tpu.memory_space<semaphore_mem>>
      %dma_wait3A_79 = tpu.memref_squeeze %dma_wait3A_78 : memref<1x!tpu.dma_semaphore, #tpu.memory_space<semaphore_mem>> -> memref<!tpu.dma_semaphore, #tpu.memory_space<semaphore_mem>>
      %dma_wait3A_80 = arith.constant 0 : i32
      %dma_wait3A_81 = arith.constant 0 : i32
      %dma_wait3A_82 = tpu.memref_slice %arg2[%dma_wait3A_80, %dma_wait3A_81] : memref<10000x64xf32, #tpu.memory_space<hbm>> -> memref<256x64xf32, #tpu.memory_space<hbm>>
      tpu.wait_dma2 semaphore(%dma_wait3A_79 : memref<!tpu.dma_semaphore, #tpu.memory_space<semaphore_mem>>) src(%dma_wait3A_82 : memref<256x64xf32, #tpu.memory_space<hbm>>) dst(%arg6 : memref<256x64xf32, #tpu.memory_space<vmem>>)
      %add3A_83 = arith.constant 1 : i32
      %add3A_84 = arith.addi %add3A_73, %add3A_83 : i32
      %lt3A = arith.constant 40 : i32
      %lt3A_85 = arith.cmpi slt, %add3A_84, %lt3A : i32
      %convert_element_type3A = arith.extui %lt3A_85 : i1 to i32
      %cond3A = arith.constant 0 : i32
      %cond3A_86 = arith.cmpi ne, %convert_element_type3A, %cond3A : i32
      scf.if %cond3A_86 {
        %add3A_144 = arith.constant 1 : i32
        %add3A_145 = arith.addi %add3A_73, %add3A_144 : i32
        %mul3A_146 = arith.constant 2 : i32
        %mul3A_147 = arith.muli %add3A_145, %mul3A_146 : i32
        %add3A_148 = arith.constant 0 : i32
        %add3A_149 = arith.addi %mul3A_147, %add3A_148 : i32
        %dma_start3A_150 = arith.constant 1 : i32
        %dma_start3A_151 = arith.constant 0 : i32
        %dma_start3A_152 = arith.constant 0 : i32
        %dma_start3A_153 = tpu.memref_slice %arg7[%dma_start3A_151, %dma_start3A_152] : memref<256x64xf32, #tpu.memory_space<vmem>> -> memref<128x64xf32, #tpu.memory_space<vmem>>
        %dma_start3A_154 = arith.constant 0 : i32
        %dma_start3A_155 = tpu.memref_slice %arg5[%add3A_149, %dma_start3A_154] : memref<80x128xi32, #tpu.memory_space<vmem>> -> memref<1x128xi32, #tpu.memory_space<vmem>>
        %dma_start3A_156 = tpu.memref_squeeze %dma_start3A_155 : memref<1x128xi32, #tpu.memory_space<vmem>> -> memref<128xi32, #tpu.memory_space<vmem>>
        %dma_start3A_157 = arith.constant 0 : i32
        %dma_start3A_158 = arith.constant 0 : i32
        %dma_start3A_159 = tpu.memref_slice %arg2[%dma_start3A_157, %dma_start3A_158] : memref<10000x64xf32, #tpu.memory_space<hbm>> -> memref<10000x64xf32, #tpu.memory_space<hbm>>
        %dma_start3A_160 = tpu.memref_slice %arg10[%dma_start3A_150] : memref<2x!tpu.dma_semaphore, #tpu.memory_space<semaphore_mem>> -> memref<1x!tpu.dma_semaphore, #tpu.memory_space<semaphore_mem>>
        %dma_start3A_161 = tpu.memref_squeeze %dma_start3A_160 : memref<1x!tpu.dma_semaphore, #tpu.memory_space<semaphore_mem>> -> memref<!tpu.dma_semaphore, #tpu.memory_space<semaphore_mem>>
        tpu.enqueue_indirect_dma source(%dma_start3A_159 : memref<10000x64xf32, #tpu.memory_space<hbm>>) target(%dma_start3A_153 : memref<128x64xf32, #tpu.memory_space<vmem>>) offsets(%dma_start3A_156 : memref<128xi32, #tpu.memory_space<vmem>>) semaphore(%dma_start3A_161 : memref<!tpu.dma_semaphore, #tpu.memory_space<semaphore_mem>>)
        %mul3A_162 = arith.constant 2 : i32
        %mul3A_163 = arith.muli %add3A_145, %mul3A_162 : i32
        %add3A_164 = arith.constant 1 : i32
        %add3A_165 = arith.addi %mul3A_163, %add3A_164 : i32
        %dma_start3A_166 = arith.constant 1 : i32
        %dma_start3A_167 = arith.constant 128 : i32
        %dma_start3A_168 = arith.constant 0 : i32
        %dma_start3A_169 = tpu.memref_slice %arg7[%dma_start3A_167, %dma_start3A_168] : memref<256x64xf32, #tpu.memory_space<vmem>> -> memref<128x64xf32, #tpu.memory_space<vmem>>
        %dma_start3A_170 = arith.constant 0 : i32
        %dma_start3A_171 = tpu.memref_slice %arg5[%add3A_165, %dma_start3A_170] : memref<80x128xi32, #tpu.memory_space<vmem>> -> memref<1x128xi32, #tpu.memory_space<vmem>>
        %dma_start3A_172 = tpu.memref_squeeze %dma_start3A_171 : memref<1x128xi32, #tpu.memory_space<vmem>> -> memref<128xi32, #tpu.memory_space<vmem>>
        %dma_start3A_173 = arith.constant 0 : i32
        %dma_start3A_174 = arith.constant 0 : i32
        %dma_start3A_175 = tpu.memref_slice %arg2[%dma_start3A_173, %dma_start3A_174] : memref<10000x64xf32, #tpu.memory_space<hbm>> -> memref<10000x64xf32, #tpu.memory_space<hbm>>
        %dma_start3A_176 = tpu.memref_slice %arg10[%dma_start3A_166] : memref<2x!tpu.dma_semaphore, #tpu.memory_space<semaphore_mem>> -> memref<1x!tpu.dma_semaphore, #tpu.memory_space<semaphore_mem>>
        %dma_start3A_177 = tpu.memref_squeeze %dma_start3A_176 : memref<1x!tpu.dma_semaphore, #tpu.memory_space<semaphore_mem>> -> memref<!tpu.dma_semaphore, #tpu.memory_space<semaphore_mem>>
        tpu.enqueue_indirect_dma source(%dma_start3A_175 : memref<10000x64xf32, #tpu.memory_space<hbm>>) target(%dma_start3A_169 : memref<128x64xf32, #tpu.memory_space<vmem>>) offsets(%dma_start3A_172 : memref<128xi32, #tpu.memory_space<vmem>>) semaphore(%dma_start3A_177 : memref<!tpu.dma_semaphore, #tpu.memory_space<semaphore_mem>>)
      } else {
      }
      %ge3A = arith.constant 2 : i32
      %ge3A_87 = arith.cmpi sge, %add3A_73, %ge3A : i32
      %convert_element_type3A_88 = arith.extui %ge3A_87 : i1 to i32
      %cond3A_89 = arith.constant 0 : i32
      %cond3A_90 = arith.cmpi ne, %convert_element_type3A_88, %cond3A_89 : i32
      scf.if %cond3A_90 {
        %dma_wait3A_144 = arith.constant 0 : i32
        %dma_wait3A_145 = arith.constant 0 : i32
        %dma_wait3A_146 = arith.constant 0 : i32
        %dma_wait3A_147 = tpu.memref_slice %arg4[%dma_wait3A_145, %dma_wait3A_146] : memref<163840x128xf32, #tpu.memory_space<hbm>> -> memref<128x128xf32, #tpu.memory_space<hbm>>
        %dma_wait3A_148 = tpu.memref_slice %arg11[%dma_wait3A_144] : memref<2x!tpu.dma_semaphore, #tpu.memory_space<semaphore_mem>> -> memref<1x!tpu.dma_semaphore, #tpu.memory_space<semaphore_mem>>
        %dma_wait3A_149 = tpu.memref_squeeze %dma_wait3A_148 : memref<1x!tpu.dma_semaphore, #tpu.memory_space<semaphore_mem>> -> memref<!tpu.dma_semaphore, #tpu.memory_space<semaphore_mem>>
        %dma_wait3A_150 = arith.constant 0 : i32
        %dma_wait3A_151 = arith.constant 0 : i32
        %dma_wait3A_152 = tpu.memref_slice %arg4[%dma_wait3A_150, %dma_wait3A_151] : memref<163840x128xf32, #tpu.memory_space<hbm>> -> memref<128x128xf32, #tpu.memory_space<hbm>>
        tpu.wait_dma2 semaphore(%dma_wait3A_149 : memref<!tpu.dma_semaphore, #tpu.memory_space<semaphore_mem>>) src(%arg8 : memref<128x128xf32, #tpu.memory_space<vmem>>) dst(%dma_wait3A_152 : memref<128x128xf32, #tpu.memory_space<hbm>>)
      } else {
      }
      %scan3A_91 = arith.constant 0 : i32
      %scan3A_92 = arith.constant 128 : i32
      %scan3A_93 = arith.addi %scan3A_91, %scan3A_92 : i32
      %scan3A_94 = arith.constant 1 : i32
      scf.for %scan3A_144 = %scan3A_91 to %scan3A_93 step %scan3A_94  : i32 {
        %mul3A_145 = arith.constant 1 : i32
        %mul3A_146 = arith.muli %scan3A_144, %mul3A_145 : i32
        %add3A_147 = arith.constant 0 : i32
        %add3A_148 = arith.addi %add3A_147, %mul3A_146 : i32
        %mul3A_149 = arith.constant 2 : i32
        %mul3A_150 = arith.muli %mul3A_149, %add3A_148 : i32
        %add3A_151 = arith.constant 0 : i32
        %add3A_152 = arith.addi %mul3A_150, %add3A_151 : i32
        %get3A = arith.index_cast %add3A_152 : i32 to index
        %get3A_153 = arith.constant 0 : index
        %get3A_154 = tpu.vector_load %arg6[%get3A, %get3A_153] {strides = array<i32>} : memref<256x64xf32, #tpu.memory_space<vmem>>, vector<1x16xf32>,
        %get3A_155 = vector.shape_cast %get3A_154 : vector<1x16xf32> to vector<16xf32>
        %swap3A = arith.index_cast %add3A_148 : i32 to index
        %swap3A_156 = arith.constant 0 : index
        %swap3A_157 = tpu.vector_load %arg8[%swap3A, %swap3A_156] {strides = array<i32>} : memref<128x128xf32, #tpu.memory_space<vmem>>, vector<1x16xf32>,
        %swap3A_158 = vector.shape_cast %swap3A_157 : vector<1x16xf32> to vector<16xf32>
        %swap3A_159 = vector.shape_cast %get3A_155 : vector<16xf32> to vector<1x16xf32>
        tpu.vector_store %arg8[%swap3A, %swap3A_156], %swap3A_159 {strides = array<i32>} : memref<128x128xf32, #tpu.memory_space<vmem>>, vector<1x16xf32>,
        %mul3A_160 = arith.constant 2 : i32
        %mul3A_161 = arith.muli %mul3A_160, %add3A_148 : i32
        %add3A_162 = arith.constant 0 : i32
        %add3A_163 = arith.addi %mul3A_161, %add3A_162 : i32
        %get3A_164 = arith.index_cast %add3A_163 : i32 to index
        %get3A_165 = arith.constant 16 : index
        %get3A_166 = tpu.vector_load %arg6[%get3A_164, %get3A_165] {strides = array<i32>} : memref<256x64xf32, #tpu.memory_space<vmem>>, vector<1x16xf32>,
        %get3A_167 = vector.shape_cast %get3A_166 : vector<1x16xf32> to vector<16xf32>
        %swap3A_168 = arith.index_cast %add3A_148 : i32 to index
        %swap3A_169 = arith.constant 16 : index
        %swap3A_170 = tpu.vector_load %arg8[%swap3A_168, %swap3A_169] {strides = array<i32>} : memref<128x128xf32, #tpu.memory_space<vmem>>, vector<1x16xf32>,
        %swap3A_171 = vector.shape_cast %swap3A_170 : vector<1x16xf32> to vector<16xf32>
        %swap3A_172 = vector.shape_cast %get3A_167 : vector<16xf32> to vector<1x16xf32>
        tpu.vector_store %arg8[%swap3A_168, %swap3A_169], %swap3A_172 {strides = array<i32>} : memref<128x128xf32, #tpu.memory_space<vmem>>, vector<1x16xf32>,
        %mul3A_173 = arith.constant 2 : i32
        %mul3A_174 = arith.muli %mul3A_173, %add3A_148 : i32
        %add3A_175 = arith.constant 0 : i32
        %add3A_176 = arith.addi %mul3A_174, %add3A_175 : i32
        %get3A_177 = arith.index_cast %add3A_176 : i32 to index
        %get3A_178 = arith.constant 32 : index
        %get3A_179 = tpu.vector_load %arg6[%get3A_177, %get3A_178] {strides = array<i32>} : memref<256x64xf32, #tpu.memory_space<vmem>>, vector<1x16xf32>,
        %get3A_180 = vector.shape_cast %get3A_179 : vector<1x16xf32> to vector<16xf32>
        %swap3A_181 = arith.index_cast %add3A_148 : i32 to index
        %swap3A_182 = arith.constant 32 : index
        %swap3A_183 = tpu.vector_load %arg8[%swap3A_181, %swap3A_182] {strides = array<i32>} : memref<128x128xf32, #tpu.memory_space<vmem>>, vector<1x16xf32>,
        %swap3A_184 = vector.shape_cast %swap3A_183 : vector<1x16xf32> to vector<16xf32>
        %swap3A_185 = vector.shape_cast %get3A_180 : vector<16xf32> to vector<1x16xf32>
        tpu.vector_store %arg8[%swap3A_181, %swap3A_182], %swap3A_185 {strides = array<i32>} : memref<128x128xf32, #tpu.memory_space<vmem>>, vector<1x16xf32>,
        %mul3A_186 = arith.constant 2 : i32
        %mul3A_187 = arith.muli %mul3A_186, %add3A_148 : i32
        %add3A_188 = arith.constant 0 : i32
        %add3A_189 = arith.addi %mul3A_187, %add3A_188 : i32
        %get3A_190 = arith.index_cast %add3A_189 : i32 to index
        %get3A_191 = arith.constant 48 : index
        %get3A_192 = tpu.vector_load %arg6[%get3A_190, %get3A_191] {strides = array<i32>} : memref<256x64xf32, #tpu.memory_space<vmem>>, vector<1x16xf32>,
        %get3A_193 = vector.shape_cast %get3A_192 : vector<1x16xf32> to vector<16xf32>
        %swap3A_194 = arith.index_cast %add3A_148 : i32 to index
        %swap3A_195 = arith.constant 48 : index
        %swap3A_196 = tpu.vector_load %arg8[%swap3A_194, %swap3A_195] {strides = array<i32>} : memref<128x128xf32, #tpu.memory_space<vmem>>, vector<1x16xf32>,
        %swap3A_197 = vector.shape_cast %swap3A_196 : vector<1x16xf32> to vector<16xf32>
        %swap3A_198 = vector.shape_cast %get3A_193 : vector<16xf32> to vector<1x16xf32>
        tpu.vector_store %arg8[%swap3A_194, %swap3A_195], %swap3A_198 {strides = array<i32>} : memref<128x128xf32, #tpu.memory_space<vmem>>, vector<1x16xf32>,
        %mul3A_199 = arith.constant 2 : i32
        %mul3A_200 = arith.muli %mul3A_199, %add3A_148 : i32
        %add3A_201 = arith.constant 1 : i32
        %add3A_202 = arith.addi %mul3A_200, %add3A_201 : i32
        %get3A_203 = arith.index_cast %add3A_202 : i32 to index
        %get3A_204 = arith.constant 0 : index
        %get3A_205 = tpu.vector_load %arg6[%get3A_203, %get3A_204] {strides = array<i32>} : memref<256x64xf32, #tpu.memory_space<vmem>>, vector<1x16xf32>,
        %get3A_206 = vector.shape_cast %get3A_205 : vector<1x16xf32> to vector<16xf32>
        %swap3A_207 = arith.index_cast %add3A_148 : i32 to index
        %swap3A_208 = arith.constant 64 : index
        %swap3A_209 = tpu.vector_load %arg8[%swap3A_207, %swap3A_208] {strides = array<i32>} : memref<128x128xf32, #tpu.memory_space<vmem>>, vector<1x16xf32>,
        %swap3A_210 = vector.shape_cast %swap3A_209 : vector<1x16xf32> to vector<16xf32>
        %swap3A_211 = vector.shape_cast %get3A_206 : vector<16xf32> to vector<1x16xf32>
        tpu.vector_store %arg8[%swap3A_207, %swap3A_208], %swap3A_211 {strides = array<i32>} : memref<128x128xf32, #tpu.memory_space<vmem>>, vector<1x16xf32>,
        %mul3A_212 = arith.constant 2 : i32
        %mul3A_213 = arith.muli %mul3A_212, %add3A_148 : i32
        %add3A_214 = arith.constant 1 : i32
        %add3A_215 = arith.addi %mul3A_213, %add3A_214 : i32
        %get3A_216 = arith.index_cast %add3A_215 : i32 to index
        %get3A_217 = arith.constant 16 : index
        %get3A_218 = tpu.vector_load %arg6[%get3A_216, %get3A_217] {strides = array<i32>} : memref<256x64xf32, #tpu.memory_space<vmem>>, vector<1x16xf32>,
        %get3A_219 = vector.shape_cast %get3A_218 : vector<1x16xf32> to vector<16xf32>
        %swap3A_220 = arith.index_cast %add3A_148 : i32 to index
        %swap3A_221 = arith.constant 80 : index
        %swap3A_222 = tpu.vector_load %arg8[%swap3A_220, %swap3A_221] {strides = array<i32>} : memref<128x128xf32, #tpu.memory_space<vmem>>, vector<1x16xf32>,
        %swap3A_223 = vector.shape_cast %swap3A_222 : vector<1x16xf32> to vector<16xf32>
        %swap3A_224 = vector.shape_cast %get3A_219 : vector<16xf32> to vector<1x16xf32>
        tpu.vector_store %arg8[%swap3A_220, %swap3A_221], %swap3A_224 {strides = array<i32>} : memref<128x128xf32, #tpu.memory_space<vmem>>, vector<1x16xf32>,
        %mul3A_225 = arith.constant 2 : i32
        %mul3A_226 = arith.muli %mul3A_225, %add3A_148 : i32
        %add3A_227 = arith.constant 1 : i32
        %add3A_228 = arith.addi %mul3A_226, %add3A_227 : i32
        %get3A_229 = arith.index_cast %add3A_228 : i32 to index
        %get3A_230 = arith.constant 32 : index
        %get3A_231 = tpu.vector_load %arg6[%get3A_229, %get3A_230] {strides = array<i32>} : memref<256x64xf32, #tpu.memory_space<vmem>>, vector<1x16xf32>,
        %get3A_232 = vector.shape_cast %get3A_231 : vector<1x16xf32> to vector<16xf32>
        %swap3A_233 = arith.index_cast %add3A_148 : i32 to index
        %swap3A_234 = arith.constant 96 : index
        %swap3A_235 = tpu.vector_load %arg8[%swap3A_233, %swap3A_234] {strides = array<i32>} : memref<128x128xf32, #tpu.memory_space<vmem>>, vector<1x16xf32>,
        %swap3A_236 = vector.shape_cast %swap3A_235 : vector<1x16xf32> to vector<16xf32>
        %swap3A_237 = vector.shape_cast %get3A_232 : vector<16xf32> to vector<1x16xf32>
        tpu.vector_store %arg8[%swap3A_233, %swap3A_234], %swap3A_237 {strides = array<i32>} : memref<128x128xf32, #tpu.memory_space<vmem>>, vector<1x16xf32>,
        %mul3A_238 = arith.constant 2 : i32
        %mul3A_239 = arith.muli %mul3A_238, %add3A_148 : i32
        %add3A_240 = arith.constant 1 : i32
        %add3A_241 = arith.addi %mul3A_239, %add3A_240 : i32
        %get3A_242 = arith.index_cast %add3A_241 : i32 to index
        %get3A_243 = arith.constant 48 : index
        %get3A_244 = tpu.vector_load %arg6[%get3A_242, %get3A_243] {strides = array<i32>} : memref<256x64xf32, #tpu.memory_space<vmem>>, vector<1x16xf32>,
        %get3A_245 = vector.shape_cast %get3A_244 : vector<1x16xf32> to vector<16xf32>
        %swap3A_246 = arith.index_cast %add3A_148 : i32 to index
        %swap3A_247 = arith.constant 112 : index
        %swap3A_248 = tpu.vector_load %arg8[%swap3A_246, %swap3A_247] {strides = array<i32>} : memref<128x128xf32, #tpu.memory_space<vmem>>, vector<1x16xf32>,
        %swap3A_249 = vector.shape_cast %swap3A_248 : vector<1x16xf32> to vector<16xf32>
        %swap3A_250 = vector.shape_cast %get3A_245 : vector<16xf32> to vector<1x16xf32>
        tpu.vector_store %arg8[%swap3A_246, %swap3A_247], %swap3A_250 {strides = array<i32>} : memref<128x128xf32, #tpu.memory_space<vmem>>, vector<1x16xf32>,
      }
      %scan3A_95 = arith.constant 128 : i32
      %mul3A_96 = arith.constant 128 : i32
      %mul3A_97 = arith.muli %add3A_73, %mul3A_96 : i32
      %add3A_98 = arith.addi %select_n3A, %mul3A_97 : i32
      %dma_start3A_99 = arith.constant 0 : i32
      %dma_start3A_100 = arith.constant 0 : i32
      %dma_start3A_101 = tpu.memref_slice %arg4[%add3A_98, %dma_start3A_100] : memref<163840x128xf32, #tpu.memory_space<hbm>> -> memref<128x128xf32, #tpu.memory_space<hbm>>
      %dma_start3A_102 = tpu.memref_slice %arg11[%dma_start3A_99] : memref<2x!tpu.dma_semaphore, #tpu.memory_space<semaphore_mem>> -> memref<1x!tpu.dma_semaphore, #tpu.memory_space<semaphore_mem>>
      %dma_start3A_103 = tpu.memref_squeeze %dma_start3A_102 : memref<1x!tpu.dma_semaphore, #tpu.memory_space<semaphore_mem>> -> memref<!tpu.dma_semaphore, #tpu.memory_space<semaphore_mem>>
      %dma_start3A_104 = arith.constant 0 : i32
      %dma_start3A_105 = tpu.memref_slice %arg4[%add3A_98, %dma_start3A_104] : memref<163840x128xf32, #tpu.memory_space<hbm>> -> memref<128x128xf32, #tpu.memory_space<hbm>>
      tpu.enqueue_dma source(%arg8 : memref<128x128xf32, #tpu.memory_space<vmem>>) target(%dma_start3A_105 : memref<128x128xf32, #tpu.memory_space<hbm>>) target_semaphore(%dma_start3A_103 : memref<!tpu.dma_semaphore, #tpu.memory_space<semaphore_mem>>)
      %add3A_106 = arith.constant 1 : i32
      %add3A_107 = arith.addi %add3A_71, %add3A_106 : i32
      %dma_wait3A_108 = arith.constant 1 : i32
      %dma_wait3A_109 = arith.constant 0 : i32
      %dma_wait3A_110 = arith.constant 0 : i32
      %dma_wait3A_111 = tpu.memref_slice %arg2[%dma_wait3A_109, %dma_wait3A_110] : memref<10000x64xf32, #tpu.memory_space<hbm>> -> memref<256x64xf32, #tpu.memory_space<hbm>>
      %dma_wait3A_112 = tpu.memref_slice %arg10[%dma_wait3A_108] : memref<2x!tpu.dma_semaphore, #tpu.memory_space<semaphore_mem>> -> memref<1x!tpu.dma_semaphore, #tpu.memory_space<semaphore_mem>>
      %dma_wait3A_113 = tpu.memref_squeeze %dma_wait3A_112 : memref<1x!tpu.dma_semaphore, #tpu.memory_space<semaphore_mem>> -> memref<!tpu.dma_semaphore, #tpu.memory_space<semaphore_mem>>
      %dma_wait3A_114 = arith.constant 0 : i32
      %dma_wait3A_115 = arith.constant 0 : i32
      %dma_wait3A_116 = tpu.memref_slice %arg2[%dma_wait3A_114, %dma_wait3A_115] : memref<10000x64xf32, #tpu.memory_space<hbm>> -> memref<256x64xf32, #tpu.memory_space<hbm>>
      tpu.wait_dma2 semaphore(%dma_wait3A_113 : memref<!tpu.dma_semaphore, #tpu.memory_space<semaphore_mem>>) src(%dma_wait3A_116 : memref<256x64xf32, #tpu.memory_space<hbm>>) dst(%arg7 : memref<256x64xf32, #tpu.memory_space<vmem>>)
      %add3A_117 = arith.constant 1 : i32
      %add3A_118 = arith.addi %add3A_107, %add3A_117 : i32
      %lt3A_119 = arith.constant 40 : i32
      %lt3A_120 = arith.cmpi slt, %add3A_118, %lt3A_119 : i32
      %convert_element_type3A_121 = arith.extui %lt3A_120 : i1 to i32
      %cond3A_122 = arith.constant 0 : i32
      %cond3A_123 = arith.cmpi ne, %convert_element_type3A_121, %cond3A_122 : i32
      scf.if %cond3A_123 {
        %add3A_144 = arith.constant 1 : i32
        %add3A_145 = arith.addi %add3A_107, %add3A_144 : i32
        %mul3A_146 = arith.constant 2 : i32
        %mul3A_147 = arith.muli %add3A_145, %mul3A_146 : i32
        %add3A_148 = arith.constant 0 : i32
        %add3A_149 = arith.addi %mul3A_147, %add3A_148 : i32
        %dma_start3A_150 = arith.constant 0 : i32
        %dma_start3A_151 = arith.constant 0 : i32
        %dma_start3A_152 = arith.constant 0 : i32
        %dma_start3A_153 = tpu.memref_slice %arg6[%dma_start3A_151, %dma_start3A_152] : memref<256x64xf32, #tpu.memory_space<vmem>> -> memref<128x64xf32, #tpu.memory_space<vmem>>
        %dma_start3A_154 = arith.constant 0 : i32
        %dma_start3A_155 = tpu.memref_slice %arg5[%add3A_149, %dma_start3A_154] : memref<80x128xi32, #tpu.memory_space<vmem>> -> memref<1x128xi32, #tpu.memory_space<vmem>>
        %dma_start3A_156 = tpu.memref_squeeze %dma_start3A_155 : memref<1x128xi32, #tpu.memory_space<vmem>> -> memref<128xi32, #tpu.memory_space<vmem>>
        %dma_start3A_157 = arith.constant 0 : i32
        %dma_start3A_158 = arith.constant 0 : i32
        %dma_start3A_159 = tpu.memref_slice %arg2[%dma_start3A_157, %dma_start3A_158] : memref<10000x64xf32, #tpu.memory_space<hbm>> -> memref<10000x64xf32, #tpu.memory_space<hbm>>
        %dma_start3A_160 = tpu.memref_slice %arg10[%dma_start3A_150] : memref<2x!tpu.dma_semaphore, #tpu.memory_space<semaphore_mem>> -> memref<1x!tpu.dma_semaphore, #tpu.memory_space<semaphore_mem>>
        %dma_start3A_161 = tpu.memref_squeeze %dma_start3A_160 : memref<1x!tpu.dma_semaphore, #tpu.memory_space<semaphore_mem>> -> memref<!tpu.dma_semaphore, #tpu.memory_space<semaphore_mem>>
        tpu.enqueue_indirect_dma source(%dma_start3A_159 : memref<10000x64xf32, #tpu.memory_space<hbm>>) target(%dma_start3A_153 : memref<128x64xf32, #tpu.memory_space<vmem>>) offsets(%dma_start3A_156 : memref<128xi32, #tpu.memory_space<vmem>>) semaphore(%dma_start3A_161 : memref<!tpu.dma_semaphore, #tpu.memory_space<semaphore_mem>>)
        %mul3A_162 = arith.constant 2 : i32
        %mul3A_163 = arith.muli %add3A_145, %mul3A_162 : i32
        %add3A_164 = arith.constant 1 : i32
        %add3A_165 = arith.addi %mul3A_163, %add3A_164 : i32
        %dma_start3A_166 = arith.constant 0 : i32
        %dma_start3A_167 = arith.constant 128 : i32
        %dma_start3A_168 = arith.constant 0 : i32
        %dma_start3A_169 = tpu.memref_slice %arg6[%dma_start3A_167, %dma_start3A_168] : memref<256x64xf32, #tpu.memory_space<vmem>> -> memref<128x64xf32, #tpu.memory_space<vmem>>
        %dma_start3A_170 = arith.constant 0 : i32
        %dma_start3A_171 = tpu.memref_slice %arg5[%add3A_165, %dma_start3A_170] : memref<80x128xi32, #tpu.memory_space<vmem>> -> memref<1x128xi32, #tpu.memory_space<vmem>>
        %dma_start3A_172 = tpu.memref_squeeze %dma_start3A_171 : memref<1x128xi32, #tpu.memory_space<vmem>> -> memref<128xi32, #tpu.memory_space<vmem>>
        %dma_start3A_173 = arith.constant 0 : i32
        %dma_start3A_174 = arith.constant 0 : i32
        %dma_start3A_175 = tpu.memref_slice %arg2[%dma_start3A_173, %dma_start3A_174] : memref<10000x64xf32, #tpu.memory_space<hbm>> -> memref<10000x64xf32, #tpu.memory_space<hbm>>
        %dma_start3A_176 = tpu.memref_slice %arg10[%dma_start3A_166] : memref<2x!tpu.dma_semaphore, #tpu.memory_space<semaphore_mem>> -> memref<1x!tpu.dma_semaphore, #tpu.memory_space<semaphore_mem>>
        %dma_start3A_177 = tpu.memref_squeeze %dma_start3A_176 : memref<1x!tpu.dma_semaphore, #tpu.memory_space<semaphore_mem>> -> memref<!tpu.dma_semaphore, #tpu.memory_space<semaphore_mem>>
        tpu.enqueue_indirect_dma source(%dma_start3A_175 : memref<10000x64xf32, #tpu.memory_space<hbm>>) target(%dma_start3A_169 : memref<128x64xf32, #tpu.memory_space<vmem>>) offsets(%dma_start3A_172 : memref<128xi32, #tpu.memory_space<vmem>>) semaphore(%dma_start3A_177 : memref<!tpu.dma_semaphore, #tpu.memory_space<semaphore_mem>>)
      } else {
      }
      %ge3A_124 = arith.constant 2 : i32
      %ge3A_125 = arith.cmpi sge, %add3A_107, %ge3A_124 : i32
      %convert_element_type3A_126 = arith.extui %ge3A_125 : i1 to i32
      %cond3A_127 = arith.constant 0 : i32
      %cond3A_128 = arith.cmpi ne, %convert_element_type3A_126, %cond3A_127 : i32
      scf.if %cond3A_128 {
        %dma_wait3A_144 = arith.constant 1 : i32
        %dma_wait3A_145 = arith.constant 0 : i32
        %dma_wait3A_146 = arith.constant 0 : i32
        %dma_wait3A_147 = tpu.memref_slice %arg4[%dma_wait3A_145, %dma_wait3A_146] : memref<163840x128xf32, #tpu.memory_space<hbm>> -> memref<128x128xf32, #tpu.memory_space<hbm>>
        %dma_wait3A_148 = tpu.memref_slice %arg11[%dma_wait3A_144] : memref<2x!tpu.dma_semaphore, #tpu.memory_space<semaphore_mem>> -> memref<1x!tpu.dma_semaphore, #tpu.memory_space<semaphore_mem>>
        %dma_wait3A_149 = tpu.memref_squeeze %dma_wait3A_148 : memref<1x!tpu.dma_semaphore, #tpu.memory_space<semaphore_mem>> -> memref<!tpu.dma_semaphore, #tpu.memory_space<semaphore_mem>>
        %dma_wait3A_150 = arith.constant 0 : i32
        %dma_wait3A_151 = arith.constant 0 : i32
        %dma_wait3A_152 = tpu.memref_slice %arg4[%dma_wait3A_150, %dma_wait3A_151] : memref<163840x128xf32, #tpu.memory_space<hbm>> -> memref<128x128xf32, #tpu.memory_space<hbm>>
        tpu.wait_dma2 semaphore(%dma_wait3A_149 : memref<!tpu.dma_semaphore, #tpu.memory_space<semaphore_mem>>) src(%arg9 : memref<128x128xf32, #tpu.memory_space<vmem>>) dst(%dma_wait3A_152 : memref<128x128xf32, #tpu.memory_space<hbm>>)
      } else {
      }
      %scan3A_129 = arith.constant 0 : i32
      %scan3A_130 = arith.constant 128 : i32
      %scan3A_131 = arith.addi %scan3A_129, %scan3A_130 : i32
      %scan3A_132 = arith.constant 1 : i32
      scf.for %scan3A_144 = %scan3A_129 to %scan3A_131 step %scan3A_132  : i32 {
        %mul3A_145 = arith.constant 1 : i32
        %mul3A_146 = arith.muli %scan3A_144, %mul3A_145 : i32
        %add3A_147 = arith.constant 0 : i32
        %add3A_148 = arith.addi %add3A_147, %mul3A_146 : i32
        %mul3A_149 = arith.constant 2 : i32
        %mul3A_150 = arith.muli %mul3A_149, %add3A_148 : i32
        %add3A_151 = arith.constant 0 : i32
        %add3A_152 = arith.addi %mul3A_150, %add3A_151 : i32
        %get3A = arith.index_cast %add3A_152 : i32 to index
        %get3A_153 = arith.constant 0 : index
        %get3A_154 = tpu.vector_load %arg7[%get3A, %get3A_153] {strides = array<i32>} : memref<256x64xf32, #tpu.memory_space<vmem>>, vector<1x16xf32>,
        %get3A_155 = vector.shape_cast %get3A_154 : vector<1x16xf32> to vector<16xf32>
        %swap3A = arith.index_cast %add3A_148 : i32 to index
        %swap3A_156 = arith.constant 0 : index
        %swap3A_157 = tpu.vector_load %arg9[%swap3A, %swap3A_156] {strides = array<i32>} : memref<128x128xf32, #tpu.memory_space<vmem>>, vector<1x16xf32>,
        %swap3A_158 = vector.shape_cast %swap3A_157 : vector<1x16xf32> to vector<16xf32>
        %swap3A_159 = vector.shape_cast %get3A_155 : vector<16xf32> to vector<1x16xf32>
        tpu.vector_store %arg9[%swap3A, %swap3A_156], %swap3A_159 {strides = array<i32>} : memref<128x128xf32, #tpu.memory_space<vmem>>, vector<1x16xf32>,
        %mul3A_160 = arith.constant 2 : i32
        %mul3A_161 = arith.muli %mul3A_160, %add3A_148 : i32
        %add3A_162 = arith.constant 0 : i32
        %add3A_163 = arith.addi %mul3A_161, %add3A_162 : i32
        %get3A_164 = arith.index_cast %add3A_163 : i32 to index
        %get3A_165 = arith.constant 16 : index
        %get3A_166 = tpu.vector_load %arg7[%get3A_164, %get3A_165] {strides = array<i32>} : memref<256x64xf32, #tpu.memory_space<vmem>>, vector<1x16xf32>,
        %get3A_167 = vector.shape_cast %get3A_166 : vector<1x16xf32> to vector<16xf32>
        %swap3A_168 = arith.index_cast %add3A_148 : i32 to index
        %swap3A_169 = arith.constant 16 : index
        %swap3A_170 = tpu.vector_load %arg9[%swap3A_168, %swap3A_169] {strides = array<i32>} : memref<128x128xf32, #tpu.memory_space<vmem>>, vector<1x16xf32>,
        %swap3A_171 = vector.shape_cast %swap3A_170 : vector<1x16xf32> to vector<16xf32>
        %swap3A_172 = vector.shape_cast %get3A_167 : vector<16xf32> to vector<1x16xf32>
        tpu.vector_store %arg9[%swap3A_168, %swap3A_169], %swap3A_172 {strides = array<i32>} : memref<128x128xf32, #tpu.memory_space<vmem>>, vector<1x16xf32>,
        %mul3A_173 = arith.constant 2 : i32
        %mul3A_174 = arith.muli %mul3A_173, %add3A_148 : i32
        %add3A_175 = arith.constant 0 : i32
        %add3A_176 = arith.addi %mul3A_174, %add3A_175 : i32
        %get3A_177 = arith.index_cast %add3A_176 : i32 to index
        %get3A_178 = arith.constant 32 : index
        %get3A_179 = tpu.vector_load %arg7[%get3A_177, %get3A_178] {strides = array<i32>} : memref<256x64xf32, #tpu.memory_space<vmem>>, vector<1x16xf32>,
        %get3A_180 = vector.shape_cast %get3A_179 : vector<1x16xf32> to vector<16xf32>
        %swap3A_181 = arith.index_cast %add3A_148 : i32 to index
        %swap3A_182 = arith.constant 32 : index
        %swap3A_183 = tpu.vector_load %arg9[%swap3A_181, %swap3A_182] {strides = array<i32>} : memref<128x128xf32, #tpu.memory_space<vmem>>, vector<1x16xf32>,
        %swap3A_184 = vector.shape_cast %swap3A_183 : vector<1x16xf32> to vector<16xf32>
        %swap3A_185 = vector.shape_cast %get3A_180 : vector<16xf32> to vector<1x16xf32>
        tpu.vector_store %arg9[%swap3A_181, %swap3A_182], %swap3A_185 {strides = array<i32>} : memref<128x128xf32, #tpu.memory_space<vmem>>, vector<1x16xf32>,
        %mul3A_186 = arith.constant 2 : i32
        %mul3A_187 = arith.muli %mul3A_186, %add3A_148 : i32
        %add3A_188 = arith.constant 0 : i32
        %add3A_189 = arith.addi %mul3A_187, %add3A_188 : i32
        %get3A_190 = arith.index_cast %add3A_189 : i32 to index
        %get3A_191 = arith.constant 48 : index
        %get3A_192 = tpu.vector_load %arg7[%get3A_190, %get3A_191] {strides = array<i32>} : memref<256x64xf32, #tpu.memory_space<vmem>>, vector<1x16xf32>,
        %get3A_193 = vector.shape_cast %get3A_192 : vector<1x16xf32> to vector<16xf32>
        %swap3A_194 = arith.index_cast %add3A_148 : i32 to index
        %swap3A_195 = arith.constant 48 : index
        %swap3A_196 = tpu.vector_load %arg9[%swap3A_194, %swap3A_195] {strides = array<i32>} : memref<128x128xf32, #tpu.memory_space<vmem>>, vector<1x16xf32>,
        %swap3A_197 = vector.shape_cast %swap3A_196 : vector<1x16xf32> to vector<16xf32>
        %swap3A_198 = vector.shape_cast %get3A_193 : vector<16xf32> to vector<1x16xf32>
        tpu.vector_store %arg9[%swap3A_194, %swap3A_195], %swap3A_198 {strides = array<i32>} : memref<128x128xf32, #tpu.memory_space<vmem>>, vector<1x16xf32>,
        %mul3A_199 = arith.constant 2 : i32
        %mul3A_200 = arith.muli %mul3A_199, %add3A_148 : i32
        %add3A_201 = arith.constant 1 : i32
        %add3A_202 = arith.addi %mul3A_200, %add3A_201 : i32
        %get3A_203 = arith.index_cast %add3A_202 : i32 to index
        %get3A_204 = arith.constant 0 : index
        %get3A_205 = tpu.vector_load %arg7[%get3A_203, %get3A_204] {strides = array<i32>} : memref<256x64xf32, #tpu.memory_space<vmem>>, vector<1x16xf32>,
        %get3A_206 = vector.shape_cast %get3A_205 : vector<1x16xf32> to vector<16xf32>
        %swap3A_207 = arith.index_cast %add3A_148 : i32 to index
        %swap3A_208 = arith.constant 64 : index
        %swap3A_209 = tpu.vector_load %arg9[%swap3A_207, %swap3A_208] {strides = array<i32>} : memref<128x128xf32, #tpu.memory_space<vmem>>, vector<1x16xf32>,
        %swap3A_210 = vector.shape_cast %swap3A_209 : vector<1x16xf32> to vector<16xf32>
        %swap3A_211 = vector.shape_cast %get3A_206 : vector<16xf32> to vector<1x16xf32>
        tpu.vector_store %arg9[%swap3A_207, %swap3A_208], %swap3A_211 {strides = array<i32>} : memref<128x128xf32, #tpu.memory_space<vmem>>, vector<1x16xf32>,
        %mul3A_212 = arith.constant 2 : i32
        %mul3A_213 = arith.muli %mul3A_212, %add3A_148 : i32
        %add3A_214 = arith.constant 1 : i32
        %add3A_215 = arith.addi %mul3A_213, %add3A_214 : i32
        %get3A_216 = arith.index_cast %add3A_215 : i32 to index
        %get3A_217 = arith.constant 16 : index
        %get3A_218 = tpu.vector_load %arg7[%get3A_216, %get3A_217] {strides = array<i32>} : memref<256x64xf32, #tpu.memory_space<vmem>>, vector<1x16xf32>,
        %get3A_219 = vector.shape_cast %get3A_218 : vector<1x16xf32> to vector<16xf32>
        %swap3A_220 = arith.index_cast %add3A_148 : i32 to index
        %swap3A_221 = arith.constant 80 : index
        %swap3A_222 = tpu.vector_load %arg9[%swap3A_220, %swap3A_221] {strides = array<i32>} : memref<128x128xf32, #tpu.memory_space<vmem>>, vector<1x16xf32>,
        %swap3A_223 = vector.shape_cast %swap3A_222 : vector<1x16xf32> to vector<16xf32>
        %swap3A_224 = vector.shape_cast %get3A_219 : vector<16xf32> to vector<1x16xf32>
        tpu.vector_store %arg9[%swap3A_220, %swap3A_221], %swap3A_224 {strides = array<i32>} : memref<128x128xf32, #tpu.memory_space<vmem>>, vector<1x16xf32>,
        %mul3A_225 = arith.constant 2 : i32
        %mul3A_226 = arith.muli %mul3A_225, %add3A_148 : i32
        %add3A_227 = arith.constant 1 : i32
        %add3A_228 = arith.addi %mul3A_226, %add3A_227 : i32
        %get3A_229 = arith.index_cast %add3A_228 : i32 to index
        %get3A_230 = arith.constant 32 : index
        %get3A_231 = tpu.vector_load %arg7[%get3A_229, %get3A_230] {strides = array<i32>} : memref<256x64xf32, #tpu.memory_space<vmem>>, vector<1x16xf32>,
        %get3A_232 = vector.shape_cast %get3A_231 : vector<1x16xf32> to vector<16xf32>
        %swap3A_233 = arith.index_cast %add3A_148 : i32 to index
        %swap3A_234 = arith.constant 96 : index
        %swap3A_235 = tpu.vector_load %arg9[%swap3A_233, %swap3A_234] {strides = array<i32>} : memref<128x128xf32, #tpu.memory_space<vmem>>, vector<1x16xf32>,
        %swap3A_236 = vector.shape_cast %swap3A_235 : vector<1x16xf32> to vector<16xf32>
        %swap3A_237 = vector.shape_cast %get3A_232 : vector<16xf32> to vector<1x16xf32>
        tpu.vector_store %arg9[%swap3A_233, %swap3A_234], %swap3A_237 {strides = array<i32>} : memref<128x128xf32, #tpu.memory_space<vmem>>, vector<1x16xf32>,
        %mul3A_238 = arith.constant 2 : i32
        %mul3A_239 = arith.muli %mul3A_238, %add3A_148 : i32
        %add3A_240 = arith.constant 1 : i32
        %add3A_241 = arith.addi %mul3A_239, %add3A_240 : i32
        %get3A_242 = arith.index_cast %add3A_241 : i32 to index
        %get3A_243 = arith.constant 48 : index
        %get3A_244 = tpu.vector_load %arg7[%get3A_242, %get3A_243] {strides = array<i32>} : memref<256x64xf32, #tpu.memory_space<vmem>>, vector<1x16xf32>,
        %get3A_245 = vector.shape_cast %get3A_244 : vector<1x16xf32> to vector<16xf32>
        %swap3A_246 = arith.index_cast %add3A_148 : i32 to index
        %swap3A_247 = arith.constant 112 : index
        %swap3A_248 = tpu.vector_load %arg9[%swap3A_246, %swap3A_247] {strides = array<i32>} : memref<128x128xf32, #tpu.memory_space<vmem>>, vector<1x16xf32>,
        %swap3A_249 = vector.shape_cast %swap3A_248 : vector<1x16xf32> to vector<16xf32>
        %swap3A_250 = vector.shape_cast %get3A_245 : vector<16xf32> to vector<1x16xf32>
        tpu.vector_store %arg9[%swap3A_246, %swap3A_247], %swap3A_250 {strides = array<i32>} : memref<128x128xf32, #tpu.memory_space<vmem>>, vector<1x16xf32>,
      }
      %scan3A_133 = arith.constant 128 : i32
      %mul3A_134 = arith.constant 128 : i32
      %mul3A_135 = arith.muli %add3A_107, %mul3A_134 : i32
      %add3A_136 = arith.addi %select_n3A, %mul3A_135 : i32
      %dma_start3A_137 = arith.constant 1 : i32
      %dma_start3A_138 = arith.constant 0 : i32
      %dma_start3A_139 = tpu.memref_slice %arg4[%add3A_136, %dma_start3A_138] : memref<163840x128xf32, #tpu.memory_space<hbm>> -> memref<128x128xf32, #tpu.memory_space<hbm>>
      %dma_start3A_140 = tpu.memref_slice %arg11[%dma_start3A_137] : memref<2x!tpu.dma_semaphore, #tpu.memory_space<semaphore_mem>> -> memref<1x!tpu.dma_semaphore, #tpu.memory_space<semaphore_mem>>
      %dma_start3A_141 = tpu.memref_squeeze %dma_start3A_140 : memref<1x!tpu.dma_semaphore, #tpu.memory_space<semaphore_mem>> -> memref<!tpu.dma_semaphore, #tpu.memory_space<semaphore_mem>>
      %dma_start3A_142 = arith.constant 0 : i32
      %dma_start3A_143 = tpu.memref_slice %arg4[%add3A_136, %dma_start3A_142] : memref<163840x128xf32, #tpu.memory_space<hbm>> -> memref<128x128xf32, #tpu.memory_space<hbm>>
      tpu.enqueue_dma source(%arg9 : memref<128x128xf32, #tpu.memory_space<vmem>>) target(%dma_start3A_143 : memref<128x128xf32, #tpu.memory_space<hbm>>) target_semaphore(%dma_start3A_141 : memref<!tpu.dma_semaphore, #tpu.memory_space<semaphore_mem>>)
    }
    %scan3A_49 = arith.constant 20 : i32
    %dma_wait3A = arith.constant 0 : i32
    %dma_wait3A_50 = arith.constant 0 : i32
    %dma_wait3A_51 = arith.constant 0 : i32
    %dma_wait3A_52 = tpu.memref_slice %arg4[%dma_wait3A_50, %dma_wait3A_51] : memref<163840x128xf32, #tpu.memory_space<hbm>> -> memref<128x128xf32, #tpu.memory_space<hbm>>
    %dma_wait3A_53 = tpu.memref_slice %arg11[%dma_wait3A] : memref<2x!tpu.dma_semaphore, #tpu.memory_space<semaphore_mem>> -> memref<1x!tpu.dma_semaphore, #tpu.memory_space<semaphore_mem>>
    %dma_wait3A_54 = tpu.memref_squeeze %dma_wait3A_53 : memref<1x!tpu.dma_semaphore, #tpu.memory_space<semaphore_mem>> -> memref<!tpu.dma_semaphore, #tpu.memory_space<semaphore_mem>>
    %dma_wait3A_55 = arith.constant 0 : i32
    %dma_wait3A_56 = arith.constant 0 : i32
    %dma_wait3A_57 = tpu.memref_slice %arg4[%dma_wait3A_55, %dma_wait3A_56] : memref<163840x128xf32, #tpu.memory_space<hbm>> -> memref<128x128xf32, #tpu.memory_space<hbm>>
    tpu.wait_dma2 semaphore(%dma_wait3A_54 : memref<!tpu.dma_semaphore, #tpu.memory_space<semaphore_mem>>) src(%arg8 : memref<128x128xf32, #tpu.memory_space<vmem>>) dst(%dma_wait3A_57 : memref<128x128xf32, #tpu.memory_space<hbm>>)
    %dma_wait3A_58 = arith.constant 1 : i32
    %dma_wait3A_59 = arith.constant 0 : i32
    %dma_wait3A_60 = arith.constant 0 : i32
    %dma_wait3A_61 = tpu.memref_slice %arg4[%dma_wait3A_59, %dma_wait3A_60] : memref<163840x128xf32, #tpu.memory_space<hbm>> -> memref<128x128xf32, #tpu.memory_space<hbm>>
    %dma_wait3A_62 = tpu.memref_slice %arg11[%dma_wait3A_58] : memref<2x!tpu.dma_semaphore, #tpu.memory_space<semaphore_mem>> -> memref<1x!tpu.dma_semaphore, #tpu.memory_space<semaphore_mem>>
    %dma_wait3A_63 = tpu.memref_squeeze %dma_wait3A_62 : memref<1x!tpu.dma_semaphore, #tpu.memory_space<semaphore_mem>> -> memref<!tpu.dma_semaphore, #tpu.memory_space<semaphore_mem>>
    %dma_wait3A_64 = arith.constant 0 : i32
    %dma_wait3A_65 = arith.constant 0 : i32
    %dma_wait3A_66 = tpu.memref_slice %arg4[%dma_wait3A_64, %dma_wait3A_65] : memref<163840x128xf32, #tpu.memory_space<hbm>> -> memref<128x128xf32, #tpu.memory_space<hbm>>
    tpu.wait_dma2 semaphore(%dma_wait3A_63 : memref<!tpu.dma_semaphore, #tpu.memory_space<semaphore_mem>>) src(%arg9 : memref<128x128xf32, #tpu.memory_space<vmem>>) dst(%dma_wait3A_66 : memref<128x128xf32, #tpu.memory_space<hbm>>)
    return
  }
}

#map = affine_map<(d0, d1) -> (0, 0)>
#map1 = affine_map<(d0, d1) -> (0, 0, 0)>
module attributes {stable_mosaic.version = 14 : i64} {
  func.func @scatter_k(%arg0: i32, %arg1: i32, %arg2: memref<81920x128xf32, #tpu.memory_space<hbm>>, %arg3: memref<32x40x128xi32, #tpu.memory_space<hbm>>, %arg4: memref<10016x64xf32, #tpu.memory_space<hbm>>, %arg5: memref<2x10016x64xf32, #tpu.memory_space<hbm>>, %arg6: memref<40x128xi32, #tpu.memory_space<vmem>>, %arg7: memref<128x128xf32, #tpu.memory_space<vmem>>, %arg8: memref<128x128xf32, #tpu.memory_space<vmem>>, %arg9: memref<256x64xf32, #tpu.memory_space<vmem>>, %arg10: memref<10016x64xf32, #tpu.memory_space<vmem_shared>>, %arg11: memref<2x!tpu.dma_semaphore, #tpu.memory_space<semaphore_mem>>) attributes {dimension_semantics = [#tpu.dimension_semantics<core_parallel>, #tpu.dimension_semantics<subcore_parallel>], iteration_bounds = array<i64: 2, 16>, scalar_prefetch = 0 : i64, scratch_operands = 6 : i64, tpu.core_type = #tpu.core_type<sc_vector_subcore>, window_params = [{transform_indices = #map}, {transform_indices = #map1}, {transform_indices = #map}, {transform_indices = #map1}]} {
    %mul3A = arith.constant 2 : i32
    %mul3A_0 = arith.muli %arg1, %mul3A : i32
    %add3A = arith.addi %mul3A_0, %arg0 : i32
    %mul3A_1 = arith.constant 626 : i32
    %mul3A_2 = arith.muli %arg1, %mul3A_1 : i32
    %mul3A_3 = arith.constant 626 : i32
    %mul3A_4 = arith.muli %arg1, %mul3A_3 : i32
    "tpu.region"() ({
      %run_scoped3A = tpu.sem_alloc : memref<!tpu.dma_semaphore, #tpu.memory_space<semaphore_mem>>
      %dma_start3A_40 = arith.constant 0 : i32
      %dma_start3A_41 = tpu.memref_slice %arg10[%mul3A_4, %dma_start3A_40] : memref<10016x64xf32, #tpu.memory_space<vmem_shared>> -> memref<626x64xf32, #tpu.memory_space<vmem_shared>>
      %dma_start3A_42 = arith.constant 0 : i32
      %dma_start3A_43 = tpu.memref_slice %arg4[%mul3A_2, %dma_start3A_42] : memref<10016x64xf32, #tpu.memory_space<hbm>> -> memref<626x64xf32, #tpu.memory_space<hbm>>
      tpu.enqueue_dma source(%dma_start3A_43 : memref<626x64xf32, #tpu.memory_space<hbm>>) target(%dma_start3A_41 : memref<626x64xf32, #tpu.memory_space<vmem_shared>>) target_semaphore(%run_scoped3A : memref<!tpu.dma_semaphore, #tpu.memory_space<semaphore_mem>>)
      %dma_wait3A = arith.constant 0 : i32
      %dma_wait3A_44 = tpu.memref_slice %arg10[%mul3A_4, %dma_wait3A] : memref<10016x64xf32, #tpu.memory_space<vmem_shared>> -> memref<626x64xf32, #tpu.memory_space<vmem_shared>>
      %dma_wait3A_45 = arith.constant 0 : i32
      %dma_wait3A_46 = tpu.memref_slice %arg4[%mul3A_2, %dma_wait3A_45] : memref<10016x64xf32, #tpu.memory_space<hbm>> -> memref<626x64xf32, #tpu.memory_space<hbm>>
      tpu.wait_dma2 semaphore(%run_scoped3A : memref<!tpu.dma_semaphore, #tpu.memory_space<semaphore_mem>>) src(%dma_wait3A_46 : memref<626x64xf32, #tpu.memory_space<hbm>>) dst(%dma_wait3A_44 : memref<626x64xf32, #tpu.memory_space<vmem_shared>>)
      tpu.yield
    }) : () -> ()
    "tpu.region"() ({
      %run_scoped3A = tpu.sem_alloc : memref<!tpu.dma_semaphore, #tpu.memory_space<semaphore_mem>>
      %dma_start3A_40 = arith.constant 0 : i32
      %dma_start3A_41 = arith.constant 0 : i32
      %dma_start3A_42 = tpu.memref_slice %arg3[%add3A, %dma_start3A_40, %dma_start3A_41] : memref<32x40x128xi32, #tpu.memory_space<hbm>> -> memref<1x40x128xi32, #tpu.memory_space<hbm>>
      %dma_start3A_43 = tpu.memref_squeeze %dma_start3A_42 : memref<1x40x128xi32, #tpu.memory_space<hbm>> -> memref<40x128xi32, #tpu.memory_space<hbm>>
      %dma_start3A_44 = arith.constant 0 : i32
      %dma_start3A_45 = arith.constant 0 : i32
      %dma_start3A_46 = tpu.memref_slice %arg3[%add3A, %dma_start3A_44, %dma_start3A_45] : memref<32x40x128xi32, #tpu.memory_space<hbm>> -> memref<1x40x128xi32, #tpu.memory_space<hbm>>
      %dma_start3A_47 = tpu.memref_squeeze %dma_start3A_46 : memref<1x40x128xi32, #tpu.memory_space<hbm>> -> memref<40x128xi32, #tpu.memory_space<hbm>>
      tpu.enqueue_dma source(%dma_start3A_47 : memref<40x128xi32, #tpu.memory_space<hbm>>) target(%arg6 : memref<40x128xi32, #tpu.memory_space<vmem>>) target_semaphore(%run_scoped3A : memref<!tpu.dma_semaphore, #tpu.memory_space<semaphore_mem>>)
      %dma_wait3A = arith.constant 0 : i32
      %dma_wait3A_48 = arith.constant 0 : i32
      %dma_wait3A_49 = tpu.memref_slice %arg3[%add3A, %dma_wait3A, %dma_wait3A_48] : memref<32x40x128xi32, #tpu.memory_space<hbm>> -> memref<1x40x128xi32, #tpu.memory_space<hbm>>
      %dma_wait3A_50 = tpu.memref_squeeze %dma_wait3A_49 : memref<1x40x128xi32, #tpu.memory_space<hbm>> -> memref<40x128xi32, #tpu.memory_space<hbm>>
      %dma_wait3A_51 = arith.constant 0 : i32
      %dma_wait3A_52 = arith.constant 0 : i32
      %dma_wait3A_53 = tpu.memref_slice %arg3[%add3A, %dma_wait3A_51, %dma_wait3A_52] : memref<32x40x128xi32, #tpu.memory_space<hbm>> -> memref<1x40x128xi32, #tpu.memory_space<hbm>>
      %dma_wait3A_54 = tpu.memref_squeeze %dma_wait3A_53 : memref<1x40x128xi32, #tpu.memory_space<hbm>> -> memref<40x128xi32, #tpu.memory_space<hbm>>
      tpu.wait_dma2 semaphore(%run_scoped3A : memref<!tpu.dma_semaphore, #tpu.memory_space<semaphore_mem>>) src(%dma_wait3A_54 : memref<40x128xi32, #tpu.memory_space<hbm>>) dst(%arg6 : memref<40x128xi32, #tpu.memory_space<vmem>>)
      tpu.yield
    }) : () -> ()
    %barrier3A = arith.constant 0 : index
    tpu.barrier barrier_id(%barrier3A)
    %mul3A_5 = arith.constant 5120 : i32
    %mul3A_6 = arith.muli %add3A, %mul3A_5 : i32
    %jit3A = arith.constant 2 : i32
    %div3A = arith.divsi %mul3A_6, %jit3A : i32
    %sign3A = arith.constant 0 : i32
    %sign3A_7 = arith.cmpi sgt, %mul3A_6, %sign3A : i32
    %sign3A_8 = arith.extui %sign3A_7 : i1 to i32
    %sign3A_9 = arith.constant 0 : i32
    %sign3A_10 = arith.cmpi slt, %mul3A_6, %sign3A_9 : i32
    %sign3A_11 = arith.extui %sign3A_10 : i1 to i32
    %sign3A_12 = arith.subi %sign3A_8, %sign3A_11 : i32
    %sign3A_13 = arith.constant 0 : i32
    %sign3A_14 = arith.cmpi sgt, %jit3A, %sign3A_13 : i32
    %sign3A_15 = arith.extui %sign3A_14 : i1 to i32
    %sign3A_16 = arith.constant 0 : i32
    %sign3A_17 = arith.cmpi slt, %jit3A, %sign3A_16 : i32
    %sign3A_18 = arith.extui %sign3A_17 : i1 to i32
    %sign3A_19 = arith.subi %sign3A_15, %sign3A_18 : i32
    %ne3A = arith.cmpi ne, %sign3A_12, %sign3A_19 : i32
    %rem3A = arith.remsi %mul3A_6, %jit3A : i32
    %ne3A_20 = arith.constant 0 : i32
    %ne3A_21 = arith.cmpi ne, %rem3A, %ne3A_20 : i32
    %and3A = arith.andi %ne3A, %ne3A_21 : i1
    %sub3A = arith.constant 1 : i32
    %sub3A_22 = arith.subi %div3A, %sub3A : i32
    %select_n3A = arith.select %and3A, %sub3A_22, %div3A : i32
    %add3A_23 = arith.constant 0 : i32
    %add3A_24 = arith.addi %select_n3A, %add3A_23 : i32
    %dma_start3A = arith.constant 0 : i32
    %dma_start3A_25 = arith.constant 0 : i32
    %dma_start3A_26 = tpu.memref_slice %arg2[%add3A_24, %dma_start3A_25] : memref<81920x128xf32, #tpu.memory_space<hbm>> -> memref<128x128xf32, #tpu.memory_space<hbm>>
    %dma_start3A_27 = tpu.memref_slice %arg11[%dma_start3A] : memref<2x!tpu.dma_semaphore, #tpu.memory_space<semaphore_mem>> -> memref<1x!tpu.dma_semaphore, #tpu.memory_space<semaphore_mem>>
    %dma_start3A_28 = tpu.memref_squeeze %dma_start3A_27 : memref<1x!tpu.dma_semaphore, #tpu.memory_space<semaphore_mem>> -> memref<!tpu.dma_semaphore, #tpu.memory_space<semaphore_mem>>
    %dma_start3A_29 = arith.constant 0 : i32
    %dma_start3A_30 = tpu.memref_slice %arg2[%add3A_24, %dma_start3A_29] : memref<81920x128xf32, #tpu.memory_space<hbm>> -> memref<128x128xf32, #tpu.memory_space<hbm>>
    tpu.enqueue_dma source(%dma_start3A_30 : memref<128x128xf32, #tpu.memory_space<hbm>>) target(%arg7 : memref<128x128xf32, #tpu.memory_space<vmem>>) target_semaphore(%dma_start3A_28 : memref<!tpu.dma_semaphore, #tpu.memory_space<semaphore_mem>>)
    %scan3A = arith.constant 0 : i32
    %scan3A_31 = arith.constant 10 : i32
    %scan3A_32 = arith.addi %scan3A, %scan3A_31 : i32
    %scan3A_33 = arith.constant 1 : i32
    scf.for %scan3A_40 = %scan3A to %scan3A_32 step %scan3A_33  : i32 {
      %mul3A_41 = arith.constant 2 : i32
      %mul3A_42 = arith.muli %scan3A_40, %mul3A_41 : i32
      %add3A_43 = arith.constant 0 : i32
      %add3A_44 = arith.addi %add3A_43, %mul3A_42 : i32
      %add3A_45 = arith.constant 0 : i32
      %add3A_46 = arith.addi %add3A_44, %add3A_45 : i32
      %dma_wait3A = arith.constant 0 : i32
      %dma_wait3A_47 = arith.constant 0 : i32
      %dma_wait3A_48 = arith.constant 0 : i32
      %dma_wait3A_49 = tpu.memref_slice %arg2[%dma_wait3A_47, %dma_wait3A_48] : memref<81920x128xf32, #tpu.memory_space<hbm>> -> memref<128x128xf32, #tpu.memory_space<hbm>>
      %dma_wait3A_50 = tpu.memref_slice %arg11[%dma_wait3A] : memref<2x!tpu.dma_semaphore, #tpu.memory_space<semaphore_mem>> -> memref<1x!tpu.dma_semaphore, #tpu.memory_space<semaphore_mem>>
      %dma_wait3A_51 = tpu.memref_squeeze %dma_wait3A_50 : memref<1x!tpu.dma_semaphore, #tpu.memory_space<semaphore_mem>> -> memref<!tpu.dma_semaphore, #tpu.memory_space<semaphore_mem>>
      %dma_wait3A_52 = arith.constant 0 : i32
      %dma_wait3A_53 = arith.constant 0 : i32
      %dma_wait3A_54 = tpu.memref_slice %arg2[%dma_wait3A_52, %dma_wait3A_53] : memref<81920x128xf32, #tpu.memory_space<hbm>> -> memref<128x128xf32, #tpu.memory_space<hbm>>
      tpu.wait_dma2 semaphore(%dma_wait3A_51 : memref<!tpu.dma_semaphore, #tpu.memory_space<semaphore_mem>>) src(%dma_wait3A_54 : memref<128x128xf32, #tpu.memory_space<hbm>>) dst(%arg7 : memref<128x128xf32, #tpu.memory_space<vmem>>)
      %add3A_55 = arith.constant 1 : i32
      %add3A_56 = arith.addi %add3A_46, %add3A_55 : i32
      %lt3A = arith.constant 20 : i32
      %lt3A_57 = arith.cmpi slt, %add3A_56, %lt3A : i32
      %convert_element_type3A = arith.extui %lt3A_57 : i1 to i32
      %cond3A = arith.constant 0 : i32
      %cond3A_58 = arith.cmpi ne, %convert_element_type3A, %cond3A : i32
      scf.if %cond3A_58 {
        %add3A_103 = arith.constant 1 : i32
        %add3A_104 = arith.addi %add3A_46, %add3A_103 : i32
        %mul3A_105 = arith.constant 128 : i32
        %mul3A_106 = arith.muli %add3A_104, %mul3A_105 : i32
        %add3A_107 = arith.addi %select_n3A, %mul3A_106 : i32
        %dma_start3A_108 = arith.constant 1 : i32
        %dma_start3A_109 = arith.constant 0 : i32
        %dma_start3A_110 = tpu.memref_slice %arg2[%add3A_107, %dma_start3A_109] : memref<81920x128xf32, #tpu.memory_space<hbm>> -> memref<128x128xf32, #tpu.memory_space<hbm>>
        %dma_start3A_111 = tpu.memref_slice %arg11[%dma_start3A_108] : memref<2x!tpu.dma_semaphore, #tpu.memory_space<semaphore_mem>> -> memref<1x!tpu.dma_semaphore, #tpu.memory_space<semaphore_mem>>
        %dma_start3A_112 = tpu.memref_squeeze %dma_start3A_111 : memref<1x!tpu.dma_semaphore, #tpu.memory_space<semaphore_mem>> -> memref<!tpu.dma_semaphore, #tpu.memory_space<semaphore_mem>>
        %dma_start3A_113 = arith.constant 0 : i32
        %dma_start3A_114 = tpu.memref_slice %arg2[%add3A_107, %dma_start3A_113] : memref<81920x128xf32, #tpu.memory_space<hbm>> -> memref<128x128xf32, #tpu.memory_space<hbm>>
        tpu.enqueue_dma source(%dma_start3A_114 : memref<128x128xf32, #tpu.memory_space<hbm>>) target(%arg8 : memref<128x128xf32, #tpu.memory_space<vmem>>) target_semaphore(%dma_start3A_112 : memref<!tpu.dma_semaphore, #tpu.memory_space<semaphore_mem>>)
      } else {
      }
      %scan3A_59 = arith.constant 0 : i32
      %scan3A_60 = arith.constant 128 : i32
      %scan3A_61 = arith.addi %scan3A_59, %scan3A_60 : i32
      %scan3A_62 = arith.constant 1 : i32
      scf.for %scan3A_103 = %scan3A_59 to %scan3A_61 step %scan3A_62  : i32 {
        %mul3A_104 = arith.constant 1 : i32
        %mul3A_105 = arith.muli %scan3A_103, %mul3A_104 : i32
        %add3A_106 = arith.constant 0 : i32
        %add3A_107 = arith.addi %add3A_106, %mul3A_105 : i32
        %get3A = arith.index_cast %add3A_107 : i32 to index
        %get3A_108 = arith.constant 0 : index
        %get3A_109 = tpu.vector_load %arg7[%get3A, %get3A_108] {strides = array<i32>} : memref<128x128xf32, #tpu.memory_space<vmem>>, vector<1x16xf32>,
        %get3A_110 = vector.shape_cast %get3A_109 : vector<1x16xf32> to vector<16xf32>
        %mul3A_111 = arith.constant 2 : i32
        %mul3A_112 = arith.muli %mul3A_111, %add3A_107 : i32
        %add3A_113 = arith.constant 0 : i32
        %add3A_114 = arith.addi %mul3A_112, %add3A_113 : i32
        %swap3A = arith.index_cast %add3A_114 : i32 to index
        %swap3A_115 = arith.constant 0 : index
        %swap3A_116 = tpu.vector_load %arg9[%swap3A, %swap3A_115] {strides = array<i32>} : memref<256x64xf32, #tpu.memory_space<vmem>>, vector<1x16xf32>,
        %swap3A_117 = vector.shape_cast %swap3A_116 : vector<1x16xf32> to vector<16xf32>
        %swap3A_118 = vector.shape_cast %get3A_110 : vector<16xf32> to vector<1x16xf32>
        tpu.vector_store %arg9[%swap3A, %swap3A_115], %swap3A_118 {strides = array<i32>} : memref<256x64xf32, #tpu.memory_space<vmem>>, vector<1x16xf32>,
        %get3A_119 = arith.index_cast %add3A_107 : i32 to index
        %get3A_120 = arith.constant 16 : index
        %get3A_121 = tpu.vector_load %arg7[%get3A_119, %get3A_120] {strides = array<i32>} : memref<128x128xf32, #tpu.memory_space<vmem>>, vector<1x16xf32>,
        %get3A_122 = vector.shape_cast %get3A_121 : vector<1x16xf32> to vector<16xf32>
        %mul3A_123 = arith.constant 2 : i32
        %mul3A_124 = arith.muli %mul3A_123, %add3A_107 : i32
        %add3A_125 = arith.constant 0 : i32
        %add3A_126 = arith.addi %mul3A_124, %add3A_125 : i32
        %swap3A_127 = arith.index_cast %add3A_126 : i32 to index
        %swap3A_128 = arith.constant 16 : index
        %swap3A_129 = tpu.vector_load %arg9[%swap3A_127, %swap3A_128] {strides = array<i32>} : memref<256x64xf32, #tpu.memory_space<vmem>>, vector<1x16xf32>,
        %swap3A_130 = vector.shape_cast %swap3A_129 : vector<1x16xf32> to vector<16xf32>
        %swap3A_131 = vector.shape_cast %get3A_122 : vector<16xf32> to vector<1x16xf32>
        tpu.vector_store %arg9[%swap3A_127, %swap3A_128], %swap3A_131 {strides = array<i32>} : memref<256x64xf32, #tpu.memory_space<vmem>>, vector<1x16xf32>,
        %get3A_132 = arith.index_cast %add3A_107 : i32 to index
        %get3A_133 = arith.constant 32 : index
        %get3A_134 = tpu.vector_load %arg7[%get3A_132, %get3A_133] {strides = array<i32>} : memref<128x128xf32, #tpu.memory_space<vmem>>, vector<1x16xf32>,
        %get3A_135 = vector.shape_cast %get3A_134 : vector<1x16xf32> to vector<16xf32>
        %mul3A_136 = arith.constant 2 : i32
        %mul3A_137 = arith.muli %mul3A_136, %add3A_107 : i32
        %add3A_138 = arith.constant 0 : i32
        %add3A_139 = arith.addi %mul3A_137, %add3A_138 : i32
        %swap3A_140 = arith.index_cast %add3A_139 : i32 to index
        %swap3A_141 = arith.constant 32 : index
        %swap3A_142 = tpu.vector_load %arg9[%swap3A_140, %swap3A_141] {strides = array<i32>} : memref<256x64xf32, #tpu.memory_space<vmem>>, vector<1x16xf32>,
        %swap3A_143 = vector.shape_cast %swap3A_142 : vector<1x16xf32> to vector<16xf32>
        %swap3A_144 = vector.shape_cast %get3A_135 : vector<16xf32> to vector<1x16xf32>
        tpu.vector_store %arg9[%swap3A_140, %swap3A_141], %swap3A_144 {strides = array<i32>} : memref<256x64xf32, #tpu.memory_space<vmem>>, vector<1x16xf32>,
        %get3A_145 = arith.index_cast %add3A_107 : i32 to index
        %get3A_146 = arith.constant 48 : index
        %get3A_147 = tpu.vector_load %arg7[%get3A_145, %get3A_146] {strides = array<i32>} : memref<128x128xf32, #tpu.memory_space<vmem>>, vector<1x16xf32>,
        %get3A_148 = vector.shape_cast %get3A_147 : vector<1x16xf32> to vector<16xf32>
        %mul3A_149 = arith.constant 2 : i32
        %mul3A_150 = arith.muli %mul3A_149, %add3A_107 : i32
        %add3A_151 = arith.constant 0 : i32
        %add3A_152 = arith.addi %mul3A_150, %add3A_151 : i32
        %swap3A_153 = arith.index_cast %add3A_152 : i32 to index
        %swap3A_154 = arith.constant 48 : index
        %swap3A_155 = tpu.vector_load %arg9[%swap3A_153, %swap3A_154] {strides = array<i32>} : memref<256x64xf32, #tpu.memory_space<vmem>>, vector<1x16xf32>,
        %swap3A_156 = vector.shape_cast %swap3A_155 : vector<1x16xf32> to vector<16xf32>
        %swap3A_157 = vector.shape_cast %get3A_148 : vector<16xf32> to vector<1x16xf32>
        tpu.vector_store %arg9[%swap3A_153, %swap3A_154], %swap3A_157 {strides = array<i32>} : memref<256x64xf32, #tpu.memory_space<vmem>>, vector<1x16xf32>,
        %get3A_158 = arith.index_cast %add3A_107 : i32 to index
        %get3A_159 = arith.constant 64 : index
        %get3A_160 = tpu.vector_load %arg7[%get3A_158, %get3A_159] {strides = array<i32>} : memref<128x128xf32, #tpu.memory_space<vmem>>, vector<1x16xf32>,
        %get3A_161 = vector.shape_cast %get3A_160 : vector<1x16xf32> to vector<16xf32>
        %mul3A_162 = arith.constant 2 : i32
        %mul3A_163 = arith.muli %mul3A_162, %add3A_107 : i32
        %add3A_164 = arith.constant 1 : i32
        %add3A_165 = arith.addi %mul3A_163, %add3A_164 : i32
        %swap3A_166 = arith.index_cast %add3A_165 : i32 to index
        %swap3A_167 = arith.constant 0 : index
        %swap3A_168 = tpu.vector_load %arg9[%swap3A_166, %swap3A_167] {strides = array<i32>} : memref<256x64xf32, #tpu.memory_space<vmem>>, vector<1x16xf32>,
        %swap3A_169 = vector.shape_cast %swap3A_168 : vector<1x16xf32> to vector<16xf32>
        %swap3A_170 = vector.shape_cast %get3A_161 : vector<16xf32> to vector<1x16xf32>
        tpu.vector_store %arg9[%swap3A_166, %swap3A_167], %swap3A_170 {strides = array<i32>} : memref<256x64xf32, #tpu.memory_space<vmem>>, vector<1x16xf32>,
        %get3A_171 = arith.index_cast %add3A_107 : i32 to index
        %get3A_172 = arith.constant 80 : index
        %get3A_173 = tpu.vector_load %arg7[%get3A_171, %get3A_172] {strides = array<i32>} : memref<128x128xf32, #tpu.memory_space<vmem>>, vector<1x16xf32>,
        %get3A_174 = vector.shape_cast %get3A_173 : vector<1x16xf32> to vector<16xf32>
        %mul3A_175 = arith.constant 2 : i32
        %mul3A_176 = arith.muli %mul3A_175, %add3A_107 : i32
        %add3A_177 = arith.constant 1 : i32
        %add3A_178 = arith.addi %mul3A_176, %add3A_177 : i32
        %swap3A_179 = arith.index_cast %add3A_178 : i32 to index
        %swap3A_180 = arith.constant 16 : index
        %swap3A_181 = tpu.vector_load %arg9[%swap3A_179, %swap3A_180] {strides = array<i32>} : memref<256x64xf32, #tpu.memory_space<vmem>>, vector<1x16xf32>,
        %swap3A_182 = vector.shape_cast %swap3A_181 : vector<1x16xf32> to vector<16xf32>
        %swap3A_183 = vector.shape_cast %get3A_174 : vector<16xf32> to vector<1x16xf32>
        tpu.vector_store %arg9[%swap3A_179, %swap3A_180], %swap3A_183 {strides = array<i32>} : memref<256x64xf32, #tpu.memory_space<vmem>>, vector<1x16xf32>,
        %get3A_184 = arith.index_cast %add3A_107 : i32 to index
        %get3A_185 = arith.constant 96 : index
        %get3A_186 = tpu.vector_load %arg7[%get3A_184, %get3A_185] {strides = array<i32>} : memref<128x128xf32, #tpu.memory_space<vmem>>, vector<1x16xf32>,
        %get3A_187 = vector.shape_cast %get3A_186 : vector<1x16xf32> to vector<16xf32>
        %mul3A_188 = arith.constant 2 : i32
        %mul3A_189 = arith.muli %mul3A_188, %add3A_107 : i32
        %add3A_190 = arith.constant 1 : i32
        %add3A_191 = arith.addi %mul3A_189, %add3A_190 : i32
        %swap3A_192 = arith.index_cast %add3A_191 : i32 to index
        %swap3A_193 = arith.constant 32 : index
        %swap3A_194 = tpu.vector_load %arg9[%swap3A_192, %swap3A_193] {strides = array<i32>} : memref<256x64xf32, #tpu.memory_space<vmem>>, vector<1x16xf32>,
        %swap3A_195 = vector.shape_cast %swap3A_194 : vector<1x16xf32> to vector<16xf32>
        %swap3A_196 = vector.shape_cast %get3A_187 : vector<16xf32> to vector<1x16xf32>
        tpu.vector_store %arg9[%swap3A_192, %swap3A_193], %swap3A_196 {strides = array<i32>} : memref<256x64xf32, #tpu.memory_space<vmem>>, vector<1x16xf32>,
        %get3A_197 = arith.index_cast %add3A_107 : i32 to index
        %get3A_198 = arith.constant 112 : index
        %get3A_199 = tpu.vector_load %arg7[%get3A_197, %get3A_198] {strides = array<i32>} : memref<128x128xf32, #tpu.memory_space<vmem>>, vector<1x16xf32>,
        %get3A_200 = vector.shape_cast %get3A_199 : vector<1x16xf32> to vector<16xf32>
        %mul3A_201 = arith.constant 2 : i32
        %mul3A_202 = arith.muli %mul3A_201, %add3A_107 : i32
        %add3A_203 = arith.constant 1 : i32
        %add3A_204 = arith.addi %mul3A_202, %add3A_203 : i32
        %swap3A_205 = arith.index_cast %add3A_204 : i32 to index
        %swap3A_206 = arith.constant 48 : index
        %swap3A_207 = tpu.vector_load %arg9[%swap3A_205, %swap3A_206] {strides = array<i32>} : memref<256x64xf32, #tpu.memory_space<vmem>>, vector<1x16xf32>,
        %swap3A_208 = vector.shape_cast %swap3A_207 : vector<1x16xf32> to vector<16xf32>
        %swap3A_209 = vector.shape_cast %get3A_200 : vector<16xf32> to vector<1x16xf32>
        tpu.vector_store %arg9[%swap3A_205, %swap3A_206], %swap3A_209 {strides = array<i32>} : memref<256x64xf32, #tpu.memory_space<vmem>>, vector<1x16xf32>,
      }
      %scan3A_63 = arith.constant 128 : i32
      %mul3A_64 = arith.constant 2 : i32
      %mul3A_65 = arith.muli %add3A_46, %mul3A_64 : i32
      %add3A_66 = arith.constant 0 : i32
      %add3A_67 = arith.addi %mul3A_65, %add3A_66 : i32
      "tpu.region"() ({
        %run_scoped3A = tpu.sem_alloc : memref<!tpu.dma_semaphore, #tpu.memory_space<semaphore_mem>>
        %dma_start3A_103 = arith.constant 0 : i32
        %dma_start3A_104 = arith.constant 0 : i32
        %dma_start3A_105 = tpu.memref_slice %arg9[%dma_start3A_103, %dma_start3A_104] : memref<256x64xf32, #tpu.memory_space<vmem>> -> memref<128x64xf32, #tpu.memory_space<vmem>>
        %dma_start3A_106 = arith.constant 0 : i32
        %dma_start3A_107 = tpu.memref_slice %arg6[%add3A_67, %dma_start3A_106] : memref<40x128xi32, #tpu.memory_space<vmem>> -> memref<1x128xi32, #tpu.memory_space<vmem>>
        %dma_start3A_108 = tpu.memref_squeeze %dma_start3A_107 : memref<1x128xi32, #tpu.memory_space<vmem>> -> memref<128xi32, #tpu.memory_space<vmem>>
        %dma_start3A_109 = arith.constant 0 : i32
        %dma_start3A_110 = arith.constant 0 : i32
        %dma_start3A_111 = tpu.memref_slice %arg10[%dma_start3A_109, %dma_start3A_110] : memref<10016x64xf32, #tpu.memory_space<vmem_shared>> -> memref<10016x64xf32, #tpu.memory_space<vmem_shared>>
        tpu.enqueue_indirect_dma source(%dma_start3A_105 : memref<128x64xf32, #tpu.memory_space<vmem>>) target(%dma_start3A_111 : memref<10016x64xf32, #tpu.memory_space<vmem_shared>>) offsets(%dma_start3A_108 : memref<128xi32, #tpu.memory_space<vmem>>) semaphore(%run_scoped3A : memref<!tpu.dma_semaphore, #tpu.memory_space<semaphore_mem>>) {add = true}
        %dma_wait3A_112 = arith.constant 0 : i32
        %dma_wait3A_113 = arith.constant 0 : i32
        %dma_wait3A_114 = tpu.memref_slice %arg9[%dma_wait3A_112, %dma_wait3A_113] : memref<256x64xf32, #tpu.memory_space<vmem>> -> memref<128x64xf32, #tpu.memory_space<vmem>>
        %dma_wait3A_115 = arith.constant 0 : i32
        %dma_wait3A_116 = tpu.memref_slice %arg6[%add3A_67, %dma_wait3A_115] : memref<40x128xi32, #tpu.memory_space<vmem>> -> memref<1x128xi32, #tpu.memory_space<vmem>>
        %dma_wait3A_117 = tpu.memref_squeeze %dma_wait3A_116 : memref<1x128xi32, #tpu.memory_space<vmem>> -> memref<128xi32, #tpu.memory_space<vmem>>
        %dma_wait3A_118 = arith.constant 0 : i32
        %dma_wait3A_119 = arith.constant 0 : i32
        %dma_wait3A_120 = tpu.memref_slice %arg10[%dma_wait3A_118, %dma_wait3A_119] : memref<10016x64xf32, #tpu.memory_space<vmem_shared>> -> memref<10016x64xf32, #tpu.memory_space<vmem_shared>>
        tpu.wait_indirect_dma semaphore(%run_scoped3A : memref<!tpu.dma_semaphore, #tpu.memory_space<semaphore_mem>>) src(%dma_wait3A_114 : memref<128x64xf32, #tpu.memory_space<vmem>>) dst(%dma_wait3A_120 : memref<10016x64xf32, #tpu.memory_space<vmem_shared>>)
        tpu.yield
      }) : () -> ()
      %mul3A_68 = arith.constant 2 : i32
      %mul3A_69 = arith.muli %add3A_46, %mul3A_68 : i32
      %add3A_70 = arith.constant 1 : i32
      %add3A_71 = arith.addi %mul3A_69, %add3A_70 : i32
      "tpu.region"() ({
        %run_scoped3A = tpu.sem_alloc : memref<!tpu.dma_semaphore, #tpu.memory_space<semaphore_mem>>
        %dma_start3A_103 = arith.constant 128 : i32
        %dma_start3A_104 = arith.constant 0 : i32
        %dma_start3A_105 = tpu.memref_slice %arg9[%dma_start3A_103, %dma_start3A_104] : memref<256x64xf32, #tpu.memory_space<vmem>> -> memref<128x64xf32, #tpu.memory_space<vmem>>
        %dma_start3A_106 = arith.constant 0 : i32
        %dma_start3A_107 = tpu.memref_slice %arg6[%add3A_71, %dma_start3A_106] : memref<40x128xi32, #tpu.memory_space<vmem>> -> memref<1x128xi32, #tpu.memory_space<vmem>>
        %dma_start3A_108 = tpu.memref_squeeze %dma_start3A_107 : memref<1x128xi32, #tpu.memory_space<vmem>> -> memref<128xi32, #tpu.memory_space<vmem>>
        %dma_start3A_109 = arith.constant 0 : i32
        %dma_start3A_110 = arith.constant 0 : i32
        %dma_start3A_111 = tpu.memref_slice %arg10[%dma_start3A_109, %dma_start3A_110] : memref<10016x64xf32, #tpu.memory_space<vmem_shared>> -> memref<10016x64xf32, #tpu.memory_space<vmem_shared>>
        tpu.enqueue_indirect_dma source(%dma_start3A_105 : memref<128x64xf32, #tpu.memory_space<vmem>>) target(%dma_start3A_111 : memref<10016x64xf32, #tpu.memory_space<vmem_shared>>) offsets(%dma_start3A_108 : memref<128xi32, #tpu.memory_space<vmem>>) semaphore(%run_scoped3A : memref<!tpu.dma_semaphore, #tpu.memory_space<semaphore_mem>>) {add = true}
        %dma_wait3A_112 = arith.constant 128 : i32
        %dma_wait3A_113 = arith.constant 0 : i32
        %dma_wait3A_114 = tpu.memref_slice %arg9[%dma_wait3A_112, %dma_wait3A_113] : memref<256x64xf32, #tpu.memory_space<vmem>> -> memref<128x64xf32, #tpu.memory_space<vmem>>
        %dma_wait3A_115 = arith.constant 0 : i32
        %dma_wait3A_116 = tpu.memref_slice %arg6[%add3A_71, %dma_wait3A_115] : memref<40x128xi32, #tpu.memory_space<vmem>> -> memref<1x128xi32, #tpu.memory_space<vmem>>
        %dma_wait3A_117 = tpu.memref_squeeze %dma_wait3A_116 : memref<1x128xi32, #tpu.memory_space<vmem>> -> memref<128xi32, #tpu.memory_space<vmem>>
        %dma_wait3A_118 = arith.constant 0 : i32
        %dma_wait3A_119 = arith.constant 0 : i32
        %dma_wait3A_120 = tpu.memref_slice %arg10[%dma_wait3A_118, %dma_wait3A_119] : memref<10016x64xf32, #tpu.memory_space<vmem_shared>> -> memref<10016x64xf32, #tpu.memory_space<vmem_shared>>
        tpu.wait_indirect_dma semaphore(%run_scoped3A : memref<!tpu.dma_semaphore, #tpu.memory_space<semaphore_mem>>) src(%dma_wait3A_114 : memref<128x64xf32, #tpu.memory_space<vmem>>) dst(%dma_wait3A_120 : memref<10016x64xf32, #tpu.memory_space<vmem_shared>>)
        tpu.yield
      }) : () -> ()
      %add3A_72 = arith.constant 1 : i32
      %add3A_73 = arith.addi %add3A_44, %add3A_72 : i32
      %dma_wait3A_74 = arith.constant 1 : i32
      %dma_wait3A_75 = arith.constant 0 : i32
      %dma_wait3A_76 = arith.constant 0 : i32
      %dma_wait3A_77 = tpu.memref_slice %arg2[%dma_wait3A_75, %dma_wait3A_76] : memref<81920x128xf32, #tpu.memory_space<hbm>> -> memref<128x128xf32, #tpu.memory_space<hbm>>
      %dma_wait3A_78 = tpu.memref_slice %arg11[%dma_wait3A_74] : memref<2x!tpu.dma_semaphore, #tpu.memory_space<semaphore_mem>> -> memref<1x!tpu.dma_semaphore, #tpu.memory_space<semaphore_mem>>
      %dma_wait3A_79 = tpu.memref_squeeze %dma_wait3A_78 : memref<1x!tpu.dma_semaphore, #tpu.memory_space<semaphore_mem>> -> memref<!tpu.dma_semaphore, #tpu.memory_space<semaphore_mem>>
      %dma_wait3A_80 = arith.constant 0 : i32
      %dma_wait3A_81 = arith.constant 0 : i32
      %dma_wait3A_82 = tpu.memref_slice %arg2[%dma_wait3A_80, %dma_wait3A_81] : memref<81920x128xf32, #tpu.memory_space<hbm>> -> memref<128x128xf32, #tpu.memory_space<hbm>>
      tpu.wait_dma2 semaphore(%dma_wait3A_79 : memref<!tpu.dma_semaphore, #tpu.memory_space<semaphore_mem>>) src(%dma_wait3A_82 : memref<128x128xf32, #tpu.memory_space<hbm>>) dst(%arg8 : memref<128x128xf32, #tpu.memory_space<vmem>>)
      %add3A_83 = arith.constant 1 : i32
      %add3A_84 = arith.addi %add3A_73, %add3A_83 : i32
      %lt3A_85 = arith.constant 20 : i32
      %lt3A_86 = arith.cmpi slt, %add3A_84, %lt3A_85 : i32
      %convert_element_type3A_87 = arith.extui %lt3A_86 : i1 to i32
      %cond3A_88 = arith.constant 0 : i32
      %cond3A_89 = arith.cmpi ne, %convert_element_type3A_87, %cond3A_88 : i32
      scf.if %cond3A_89 {
        %add3A_103 = arith.constant 1 : i32
        %add3A_104 = arith.addi %add3A_73, %add3A_103 : i32
        %mul3A_105 = arith.constant 128 : i32
        %mul3A_106 = arith.muli %add3A_104, %mul3A_105 : i32
        %add3A_107 = arith.addi %select_n3A, %mul3A_106 : i32
        %dma_start3A_108 = arith.constant 0 : i32
        %dma_start3A_109 = arith.constant 0 : i32
        %dma_start3A_110 = tpu.memref_slice %arg2[%add3A_107, %dma_start3A_109] : memref<81920x128xf32, #tpu.memory_space<hbm>> -> memref<128x128xf32, #tpu.memory_space<hbm>>
        %dma_start3A_111 = tpu.memref_slice %arg11[%dma_start3A_108] : memref<2x!tpu.dma_semaphore, #tpu.memory_space<semaphore_mem>> -> memref<1x!tpu.dma_semaphore, #tpu.memory_space<semaphore_mem>>
        %dma_start3A_112 = tpu.memref_squeeze %dma_start3A_111 : memref<1x!tpu.dma_semaphore, #tpu.memory_space<semaphore_mem>> -> memref<!tpu.dma_semaphore, #tpu.memory_space<semaphore_mem>>
        %dma_start3A_113 = arith.constant 0 : i32
        %dma_start3A_114 = tpu.memref_slice %arg2[%add3A_107, %dma_start3A_113] : memref<81920x128xf32, #tpu.memory_space<hbm>> -> memref<128x128xf32, #tpu.memory_space<hbm>>
        tpu.enqueue_dma source(%dma_start3A_114 : memref<128x128xf32, #tpu.memory_space<hbm>>) target(%arg7 : memref<128x128xf32, #tpu.memory_space<vmem>>) target_semaphore(%dma_start3A_112 : memref<!tpu.dma_semaphore, #tpu.memory_space<semaphore_mem>>)
      } else {
      }
      %scan3A_90 = arith.constant 0 : i32
      %scan3A_91 = arith.constant 128 : i32
      %scan3A_92 = arith.addi %scan3A_90, %scan3A_91 : i32
      %scan3A_93 = arith.constant 1 : i32
      scf.for %scan3A_103 = %scan3A_90 to %scan3A_92 step %scan3A_93  : i32 {
        %mul3A_104 = arith.constant 1 : i32
        %mul3A_105 = arith.muli %scan3A_103, %mul3A_104 : i32
        %add3A_106 = arith.constant 0 : i32
        %add3A_107 = arith.addi %add3A_106, %mul3A_105 : i32
        %get3A = arith.index_cast %add3A_107 : i32 to index
        %get3A_108 = arith.constant 0 : index
        %get3A_109 = tpu.vector_load %arg8[%get3A, %get3A_108] {strides = array<i32>} : memref<128x128xf32, #tpu.memory_space<vmem>>, vector<1x16xf32>,
        %get3A_110 = vector.shape_cast %get3A_109 : vector<1x16xf32> to vector<16xf32>
        %mul3A_111 = arith.constant 2 : i32
        %mul3A_112 = arith.muli %mul3A_111, %add3A_107 : i32
        %add3A_113 = arith.constant 0 : i32
        %add3A_114 = arith.addi %mul3A_112, %add3A_113 : i32
        %swap3A = arith.index_cast %add3A_114 : i32 to index
        %swap3A_115 = arith.constant 0 : index
        %swap3A_116 = tpu.vector_load %arg9[%swap3A, %swap3A_115] {strides = array<i32>} : memref<256x64xf32, #tpu.memory_space<vmem>>, vector<1x16xf32>,
        %swap3A_117 = vector.shape_cast %swap3A_116 : vector<1x16xf32> to vector<16xf32>
        %swap3A_118 = vector.shape_cast %get3A_110 : vector<16xf32> to vector<1x16xf32>
        tpu.vector_store %arg9[%swap3A, %swap3A_115], %swap3A_118 {strides = array<i32>} : memref<256x64xf32, #tpu.memory_space<vmem>>, vector<1x16xf32>,
        %get3A_119 = arith.index_cast %add3A_107 : i32 to index
        %get3A_120 = arith.constant 16 : index
        %get3A_121 = tpu.vector_load %arg8[%get3A_119, %get3A_120] {strides = array<i32>} : memref<128x128xf32, #tpu.memory_space<vmem>>, vector<1x16xf32>,
        %get3A_122 = vector.shape_cast %get3A_121 : vector<1x16xf32> to vector<16xf32>
        %mul3A_123 = arith.constant 2 : i32
        %mul3A_124 = arith.muli %mul3A_123, %add3A_107 : i32
        %add3A_125 = arith.constant 0 : i32
        %add3A_126 = arith.addi %mul3A_124, %add3A_125 : i32
        %swap3A_127 = arith.index_cast %add3A_126 : i32 to index
        %swap3A_128 = arith.constant 16 : index
        %swap3A_129 = tpu.vector_load %arg9[%swap3A_127, %swap3A_128] {strides = array<i32>} : memref<256x64xf32, #tpu.memory_space<vmem>>, vector<1x16xf32>,
        %swap3A_130 = vector.shape_cast %swap3A_129 : vector<1x16xf32> to vector<16xf32>
        %swap3A_131 = vector.shape_cast %get3A_122 : vector<16xf32> to vector<1x16xf32>
        tpu.vector_store %arg9[%swap3A_127, %swap3A_128], %swap3A_131 {strides = array<i32>} : memref<256x64xf32, #tpu.memory_space<vmem>>, vector<1x16xf32>,
        %get3A_132 = arith.index_cast %add3A_107 : i32 to index
        %get3A_133 = arith.constant 32 : index
        %get3A_134 = tpu.vector_load %arg8[%get3A_132, %get3A_133] {strides = array<i32>} : memref<128x128xf32, #tpu.memory_space<vmem>>, vector<1x16xf32>,
        %get3A_135 = vector.shape_cast %get3A_134 : vector<1x16xf32> to vector<16xf32>
        %mul3A_136 = arith.constant 2 : i32
        %mul3A_137 = arith.muli %mul3A_136, %add3A_107 : i32
        %add3A_138 = arith.constant 0 : i32
        %add3A_139 = arith.addi %mul3A_137, %add3A_138 : i32
        %swap3A_140 = arith.index_cast %add3A_139 : i32 to index
        %swap3A_141 = arith.constant 32 : index
        %swap3A_142 = tpu.vector_load %arg9[%swap3A_140, %swap3A_141] {strides = array<i32>} : memref<256x64xf32, #tpu.memory_space<vmem>>, vector<1x16xf32>,
        %swap3A_143 = vector.shape_cast %swap3A_142 : vector<1x16xf32> to vector<16xf32>
        %swap3A_144 = vector.shape_cast %get3A_135 : vector<16xf32> to vector<1x16xf32>
        tpu.vector_store %arg9[%swap3A_140, %swap3A_141], %swap3A_144 {strides = array<i32>} : memref<256x64xf32, #tpu.memory_space<vmem>>, vector<1x16xf32>,
        %get3A_145 = arith.index_cast %add3A_107 : i32 to index
        %get3A_146 = arith.constant 48 : index
        %get3A_147 = tpu.vector_load %arg8[%get3A_145, %get3A_146] {strides = array<i32>} : memref<128x128xf32, #tpu.memory_space<vmem>>, vector<1x16xf32>,
        %get3A_148 = vector.shape_cast %get3A_147 : vector<1x16xf32> to vector<16xf32>
        %mul3A_149 = arith.constant 2 : i32
        %mul3A_150 = arith.muli %mul3A_149, %add3A_107 : i32
        %add3A_151 = arith.constant 0 : i32
        %add3A_152 = arith.addi %mul3A_150, %add3A_151 : i32
        %swap3A_153 = arith.index_cast %add3A_152 : i32 to index
        %swap3A_154 = arith.constant 48 : index
        %swap3A_155 = tpu.vector_load %arg9[%swap3A_153, %swap3A_154] {strides = array<i32>} : memref<256x64xf32, #tpu.memory_space<vmem>>, vector<1x16xf32>,
        %swap3A_156 = vector.shape_cast %swap3A_155 : vector<1x16xf32> to vector<16xf32>
        %swap3A_157 = vector.shape_cast %get3A_148 : vector<16xf32> to vector<1x16xf32>
        tpu.vector_store %arg9[%swap3A_153, %swap3A_154], %swap3A_157 {strides = array<i32>} : memref<256x64xf32, #tpu.memory_space<vmem>>, vector<1x16xf32>,
        %get3A_158 = arith.index_cast %add3A_107 : i32 to index
        %get3A_159 = arith.constant 64 : index
        %get3A_160 = tpu.vector_load %arg8[%get3A_158, %get3A_159] {strides = array<i32>} : memref<128x128xf32, #tpu.memory_space<vmem>>, vector<1x16xf32>,
        %get3A_161 = vector.shape_cast %get3A_160 : vector<1x16xf32> to vector<16xf32>
        %mul3A_162 = arith.constant 2 : i32
        %mul3A_163 = arith.muli %mul3A_162, %add3A_107 : i32
        %add3A_164 = arith.constant 1 : i32
        %add3A_165 = arith.addi %mul3A_163, %add3A_164 : i32
        %swap3A_166 = arith.index_cast %add3A_165 : i32 to index
        %swap3A_167 = arith.constant 0 : index
        %swap3A_168 = tpu.vector_load %arg9[%swap3A_166, %swap3A_167] {strides = array<i32>} : memref<256x64xf32, #tpu.memory_space<vmem>>, vector<1x16xf32>,
        %swap3A_169 = vector.shape_cast %swap3A_168 : vector<1x16xf32> to vector<16xf32>
        %swap3A_170 = vector.shape_cast %get3A_161 : vector<16xf32> to vector<1x16xf32>
        tpu.vector_store %arg9[%swap3A_166, %swap3A_167], %swap3A_170 {strides = array<i32>} : memref<256x64xf32, #tpu.memory_space<vmem>>, vector<1x16xf32>,
        %get3A_171 = arith.index_cast %add3A_107 : i32 to index
        %get3A_172 = arith.constant 80 : index
        %get3A_173 = tpu.vector_load %arg8[%get3A_171, %get3A_172] {strides = array<i32>} : memref<128x128xf32, #tpu.memory_space<vmem>>, vector<1x16xf32>,
        %get3A_174 = vector.shape_cast %get3A_173 : vector<1x16xf32> to vector<16xf32>
        %mul3A_175 = arith.constant 2 : i32
        %mul3A_176 = arith.muli %mul3A_175, %add3A_107 : i32
        %add3A_177 = arith.constant 1 : i32
        %add3A_178 = arith.addi %mul3A_176, %add3A_177 : i32
        %swap3A_179 = arith.index_cast %add3A_178 : i32 to index
        %swap3A_180 = arith.constant 16 : index
        %swap3A_181 = tpu.vector_load %arg9[%swap3A_179, %swap3A_180] {strides = array<i32>} : memref<256x64xf32, #tpu.memory_space<vmem>>, vector<1x16xf32>,
        %swap3A_182 = vector.shape_cast %swap3A_181 : vector<1x16xf32> to vector<16xf32>
        %swap3A_183 = vector.shape_cast %get3A_174 : vector<16xf32> to vector<1x16xf32>
        tpu.vector_store %arg9[%swap3A_179, %swap3A_180], %swap3A_183 {strides = array<i32>} : memref<256x64xf32, #tpu.memory_space<vmem>>, vector<1x16xf32>,
        %get3A_184 = arith.index_cast %add3A_107 : i32 to index
        %get3A_185 = arith.constant 96 : index
        %get3A_186 = tpu.vector_load %arg8[%get3A_184, %get3A_185] {strides = array<i32>} : memref<128x128xf32, #tpu.memory_space<vmem>>, vector<1x16xf32>,
        %get3A_187 = vector.shape_cast %get3A_186 : vector<1x16xf32> to vector<16xf32>
        %mul3A_188 = arith.constant 2 : i32
        %mul3A_189 = arith.muli %mul3A_188, %add3A_107 : i32
        %add3A_190 = arith.constant 1 : i32
        %add3A_191 = arith.addi %mul3A_189, %add3A_190 : i32
        %swap3A_192 = arith.index_cast %add3A_191 : i32 to index
        %swap3A_193 = arith.constant 32 : index
        %swap3A_194 = tpu.vector_load %arg9[%swap3A_192, %swap3A_193] {strides = array<i32>} : memref<256x64xf32, #tpu.memory_space<vmem>>, vector<1x16xf32>,
        %swap3A_195 = vector.shape_cast %swap3A_194 : vector<1x16xf32> to vector<16xf32>
        %swap3A_196 = vector.shape_cast %get3A_187 : vector<16xf32> to vector<1x16xf32>
        tpu.vector_store %arg9[%swap3A_192, %swap3A_193], %swap3A_196 {strides = array<i32>} : memref<256x64xf32, #tpu.memory_space<vmem>>, vector<1x16xf32>,
        %get3A_197 = arith.index_cast %add3A_107 : i32 to index
        %get3A_198 = arith.constant 112 : index
        %get3A_199 = tpu.vector_load %arg8[%get3A_197, %get3A_198] {strides = array<i32>} : memref<128x128xf32, #tpu.memory_space<vmem>>, vector<1x16xf32>,
        %get3A_200 = vector.shape_cast %get3A_199 : vector<1x16xf32> to vector<16xf32>
        %mul3A_201 = arith.constant 2 : i32
        %mul3A_202 = arith.muli %mul3A_201, %add3A_107 : i32
        %add3A_203 = arith.constant 1 : i32
        %add3A_204 = arith.addi %mul3A_202, %add3A_203 : i32
        %swap3A_205 = arith.index_cast %add3A_204 : i32 to index
        %swap3A_206 = arith.constant 48 : index
        %swap3A_207 = tpu.vector_load %arg9[%swap3A_205, %swap3A_206] {strides = array<i32>} : memref<256x64xf32, #tpu.memory_space<vmem>>, vector<1x16xf32>,
        %swap3A_208 = vector.shape_cast %swap3A_207 : vector<1x16xf32> to vector<16xf32>
        %swap3A_209 = vector.shape_cast %get3A_200 : vector<16xf32> to vector<1x16xf32>
        tpu.vector_store %arg9[%swap3A_205, %swap3A_206], %swap3A_209 {strides = array<i32>} : memref<256x64xf32, #tpu.memory_space<vmem>>, vector<1x16xf32>,
      }
      %scan3A_94 = arith.constant 128 : i32
      %mul3A_95 = arith.constant 2 : i32
      %mul3A_96 = arith.muli %add3A_73, %mul3A_95 : i32
      %add3A_97 = arith.constant 0 : i32
      %add3A_98 = arith.addi %mul3A_96, %add3A_97 : i32
      "tpu.region"() ({
        %run_scoped3A = tpu.sem_alloc : memref<!tpu.dma_semaphore, #tpu.memory_space<semaphore_mem>>
        %dma_start3A_103 = arith.constant 0 : i32
        %dma_start3A_104 = arith.constant 0 : i32
        %dma_start3A_105 = tpu.memref_slice %arg9[%dma_start3A_103, %dma_start3A_104] : memref<256x64xf32, #tpu.memory_space<vmem>> -> memref<128x64xf32, #tpu.memory_space<vmem>>
        %dma_start3A_106 = arith.constant 0 : i32
        %dma_start3A_107 = tpu.memref_slice %arg6[%add3A_98, %dma_start3A_106] : memref<40x128xi32, #tpu.memory_space<vmem>> -> memref<1x128xi32, #tpu.memory_space<vmem>>
        %dma_start3A_108 = tpu.memref_squeeze %dma_start3A_107 : memref<1x128xi32, #tpu.memory_space<vmem>> -> memref<128xi32, #tpu.memory_space<vmem>>
        %dma_start3A_109 = arith.constant 0 : i32
        %dma_start3A_110 = arith.constant 0 : i32
        %dma_start3A_111 = tpu.memref_slice %arg10[%dma_start3A_109, %dma_start3A_110] : memref<10016x64xf32, #tpu.memory_space<vmem_shared>> -> memref<10016x64xf32, #tpu.memory_space<vmem_shared>>
        tpu.enqueue_indirect_dma source(%dma_start3A_105 : memref<128x64xf32, #tpu.memory_space<vmem>>) target(%dma_start3A_111 : memref<10016x64xf32, #tpu.memory_space<vmem_shared>>) offsets(%dma_start3A_108 : memref<128xi32, #tpu.memory_space<vmem>>) semaphore(%run_scoped3A : memref<!tpu.dma_semaphore, #tpu.memory_space<semaphore_mem>>) {add = true}
        %dma_wait3A_112 = arith.constant 0 : i32
        %dma_wait3A_113 = arith.constant 0 : i32
        %dma_wait3A_114 = tpu.memref_slice %arg9[%dma_wait3A_112, %dma_wait3A_113] : memref<256x64xf32, #tpu.memory_space<vmem>> -> memref<128x64xf32, #tpu.memory_space<vmem>>
        %dma_wait3A_115 = arith.constant 0 : i32
        %dma_wait3A_116 = tpu.memref_slice %arg6[%add3A_98, %dma_wait3A_115] : memref<40x128xi32, #tpu.memory_space<vmem>> -> memref<1x128xi32, #tpu.memory_space<vmem>>
        %dma_wait3A_117 = tpu.memref_squeeze %dma_wait3A_116 : memref<1x128xi32, #tpu.memory_space<vmem>> -> memref<128xi32, #tpu.memory_space<vmem>>
        %dma_wait3A_118 = arith.constant 0 : i32
        %dma_wait3A_119 = arith.constant 0 : i32
        %dma_wait3A_120 = tpu.memref_slice %arg10[%dma_wait3A_118, %dma_wait3A_119] : memref<10016x64xf32, #tpu.memory_space<vmem_shared>> -> memref<10016x64xf32, #tpu.memory_space<vmem_shared>>
        tpu.wait_indirect_dma semaphore(%run_scoped3A : memref<!tpu.dma_semaphore, #tpu.memory_space<semaphore_mem>>) src(%dma_wait3A_114 : memref<128x64xf32, #tpu.memory_space<vmem>>) dst(%dma_wait3A_120 : memref<10016x64xf32, #tpu.memory_space<vmem_shared>>)
        tpu.yield
      }) : () -> ()
      %mul3A_99 = arith.constant 2 : i32
      %mul3A_100 = arith.muli %add3A_73, %mul3A_99 : i32
      %add3A_101 = arith.constant 1 : i32
      %add3A_102 = arith.addi %mul3A_100, %add3A_101 : i32
      "tpu.region"() ({
        %run_scoped3A = tpu.sem_alloc : memref<!tpu.dma_semaphore, #tpu.memory_space<semaphore_mem>>
        %dma_start3A_103 = arith.constant 128 : i32
        %dma_start3A_104 = arith.constant 0 : i32
        %dma_start3A_105 = tpu.memref_slice %arg9[%dma_start3A_103, %dma_start3A_104] : memref<256x64xf32, #tpu.memory_space<vmem>> -> memref<128x64xf32, #tpu.memory_space<vmem>>
        %dma_start3A_106 = arith.constant 0 : i32
        %dma_start3A_107 = tpu.memref_slice %arg6[%add3A_102, %dma_start3A_106] : memref<40x128xi32, #tpu.memory_space<vmem>> -> memref<1x128xi32, #tpu.memory_space<vmem>>
        %dma_start3A_108 = tpu.memref_squeeze %dma_start3A_107 : memref<1x128xi32, #tpu.memory_space<vmem>> -> memref<128xi32, #tpu.memory_space<vmem>>
        %dma_start3A_109 = arith.constant 0 : i32
        %dma_start3A_110 = arith.constant 0 : i32
        %dma_start3A_111 = tpu.memref_slice %arg10[%dma_start3A_109, %dma_start3A_110] : memref<10016x64xf32, #tpu.memory_space<vmem_shared>> -> memref<10016x64xf32, #tpu.memory_space<vmem_shared>>
        tpu.enqueue_indirect_dma source(%dma_start3A_105 : memref<128x64xf32, #tpu.memory_space<vmem>>) target(%dma_start3A_111 : memref<10016x64xf32, #tpu.memory_space<vmem_shared>>) offsets(%dma_start3A_108 : memref<128xi32, #tpu.memory_space<vmem>>) semaphore(%run_scoped3A : memref<!tpu.dma_semaphore, #tpu.memory_space<semaphore_mem>>) {add = true}
        %dma_wait3A_112 = arith.constant 128 : i32
        %dma_wait3A_113 = arith.constant 0 : i32
        %dma_wait3A_114 = tpu.memref_slice %arg9[%dma_wait3A_112, %dma_wait3A_113] : memref<256x64xf32, #tpu.memory_space<vmem>> -> memref<128x64xf32, #tpu.memory_space<vmem>>
        %dma_wait3A_115 = arith.constant 0 : i32
        %dma_wait3A_116 = tpu.memref_slice %arg6[%add3A_102, %dma_wait3A_115] : memref<40x128xi32, #tpu.memory_space<vmem>> -> memref<1x128xi32, #tpu.memory_space<vmem>>
        %dma_wait3A_117 = tpu.memref_squeeze %dma_wait3A_116 : memref<1x128xi32, #tpu.memory_space<vmem>> -> memref<128xi32, #tpu.memory_space<vmem>>
        %dma_wait3A_118 = arith.constant 0 : i32
        %dma_wait3A_119 = arith.constant 0 : i32
        %dma_wait3A_120 = tpu.memref_slice %arg10[%dma_wait3A_118, %dma_wait3A_119] : memref<10016x64xf32, #tpu.memory_space<vmem_shared>> -> memref<10016x64xf32, #tpu.memory_space<vmem_shared>>
        tpu.wait_indirect_dma semaphore(%run_scoped3A : memref<!tpu.dma_semaphore, #tpu.memory_space<semaphore_mem>>) src(%dma_wait3A_114 : memref<128x64xf32, #tpu.memory_space<vmem>>) dst(%dma_wait3A_120 : memref<10016x64xf32, #tpu.memory_space<vmem_shared>>)
        tpu.yield
      }) : () -> ()
    }
    %scan3A_34 = arith.constant 10 : i32
    %barrier3A_35 = arith.constant 0 : index
    tpu.barrier barrier_id(%barrier3A_35)
    %mul3A_36 = arith.constant 626 : i32
    %mul3A_37 = arith.muli %arg1, %mul3A_36 : i32
    %mul3A_38 = arith.constant 626 : i32
    %mul3A_39 = arith.muli %arg1, %mul3A_38 : i32
    "tpu.region"() ({
      %run_scoped3A = tpu.sem_alloc : memref<!tpu.dma_semaphore, #tpu.memory_space<semaphore_mem>>
      %dma_start3A_40 = arith.constant 0 : i32
      %dma_start3A_41 = tpu.memref_slice %arg5[%arg0, %mul3A_39, %dma_start3A_40] : memref<2x10016x64xf32, #tpu.memory_space<hbm>> -> memref<1x626x64xf32, #tpu.memory_space<hbm>>
      %dma_start3A_42 = tpu.memref_squeeze %dma_start3A_41 : memref<1x626x64xf32, #tpu.memory_space<hbm>> -> memref<626x64xf32, #tpu.memory_space<hbm>>
      %dma_start3A_43 = arith.constant 0 : i32
      %dma_start3A_44 = tpu.memref_slice %arg10[%mul3A_37, %dma_start3A_43] : memref<10016x64xf32, #tpu.memory_space<vmem_shared>> -> memref<626x64xf32, #tpu.memory_space<vmem_shared>>
      tpu.enqueue_dma source(%dma_start3A_44 : memref<626x64xf32, #tpu.memory_space<vmem_shared>>) target(%dma_start3A_42 : memref<626x64xf32, #tpu.memory_space<hbm>>) target_semaphore(%run_scoped3A : memref<!tpu.dma_semaphore, #tpu.memory_space<semaphore_mem>>)
      %dma_wait3A = arith.constant 0 : i32
      %dma_wait3A_45 = tpu.memref_slice %arg5[%arg0, %mul3A_39, %dma_wait3A] : memref<2x10016x64xf32, #tpu.memory_space<hbm>> -> memref<1x626x64xf32, #tpu.memory_space<hbm>>
      %dma_wait3A_46 = tpu.memref_squeeze %dma_wait3A_45 : memref<1x626x64xf32, #tpu.memory_space<hbm>> -> memref<626x64xf32, #tpu.memory_space<hbm>>
      %dma_wait3A_47 = arith.constant 0 : i32
      %dma_wait3A_48 = tpu.memref_slice %arg10[%mul3A_37, %dma_wait3A_47] : memref<10016x64xf32, #tpu.memory_space<vmem_shared>> -> memref<626x64xf32, #tpu.memory_space<vmem_shared>>
      tpu.wait_dma2 semaphore(%run_scoped3A : memref<!tpu.dma_semaphore, #tpu.memory_space<semaphore_mem>>) src(%dma_wait3A_48 : memref<626x64xf32, #tpu.memory_space<vmem_shared>>) dst(%dma_wait3A_46 : memref<626x64xf32, #tpu.memory_space<hbm>>)
      tpu.yield
    }) : () -> ()
    return
  }
}

#map = affine_map<(d0, d1) -> (0, 0)>
#map1 = affine_map<(d0, d1) -> (0, 0, 0)>
module attributes {stable_mosaic.version = 14 : i64} {
  func.func @scatter_k(%arg0: i32, %arg1: i32, %arg2: memref<81920x128xf32, #tpu.memory_space<hbm>>, %arg3: memref<32x40x128xi32, #tpu.memory_space<hbm>>, %arg4: memref<10016x64xf32, #tpu.memory_space<hbm>>, %arg5: memref<2x10016x64xf32, #tpu.memory_space<hbm>>, %arg6: memref<40x128xi32, #tpu.memory_space<vmem>>, %arg7: memref<128x128xf32, #tpu.memory_space<vmem>>, %arg8: memref<128x128xf32, #tpu.memory_space<vmem>>, %arg9: memref<256x64xf32, #tpu.memory_space<vmem>>, %arg10: memref<10016x64xf32, #tpu.memory_space<vmem_shared>>, %arg11: memref<2x!tpu.dma_semaphore, #tpu.memory_space<semaphore_mem>>) attributes {dimension_semantics = [#tpu.dimension_semantics<core_parallel>, #tpu.dimension_semantics<subcore_parallel>], iteration_bounds = array<i64: 2, 16>, scalar_prefetch = 0 : i64, scratch_operands = 6 : i64, tpu.core_type = #tpu.core_type<sc_vector_subcore>, window_params = [{transform_indices = #map}, {transform_indices = #map1}, {transform_indices = #map}, {transform_indices = #map1}]} {
    %mul3A = arith.constant 2 : i32
    %mul3A_0 = arith.muli %arg1, %mul3A : i32
    %add3A = arith.addi %mul3A_0, %arg0 : i32
    %mul3A_1 = arith.constant 626 : i32
    %mul3A_2 = arith.muli %arg1, %mul3A_1 : i32
    %mul3A_3 = arith.constant 626 : i32
    %mul3A_4 = arith.muli %arg1, %mul3A_3 : i32
    "tpu.region"() ({
      %run_scoped3A = tpu.sem_alloc : memref<!tpu.dma_semaphore, #tpu.memory_space<semaphore_mem>>
      %dma_start3A_40 = arith.constant 0 : i32
      %dma_start3A_41 = tpu.memref_slice %arg10[%mul3A_4, %dma_start3A_40] : memref<10016x64xf32, #tpu.memory_space<vmem_shared>> -> memref<626x64xf32, #tpu.memory_space<vmem_shared>>
      %dma_start3A_42 = arith.constant 0 : i32
      %dma_start3A_43 = tpu.memref_slice %arg4[%mul3A_2, %dma_start3A_42] : memref<10016x64xf32, #tpu.memory_space<hbm>> -> memref<626x64xf32, #tpu.memory_space<hbm>>
      tpu.enqueue_dma source(%dma_start3A_43 : memref<626x64xf32, #tpu.memory_space<hbm>>) target(%dma_start3A_41 : memref<626x64xf32, #tpu.memory_space<vmem_shared>>) target_semaphore(%run_scoped3A : memref<!tpu.dma_semaphore, #tpu.memory_space<semaphore_mem>>)
      %dma_wait3A = arith.constant 0 : i32
      %dma_wait3A_44 = tpu.memref_slice %arg10[%mul3A_4, %dma_wait3A] : memref<10016x64xf32, #tpu.memory_space<vmem_shared>> -> memref<626x64xf32, #tpu.memory_space<vmem_shared>>
      %dma_wait3A_45 = arith.constant 0 : i32
      %dma_wait3A_46 = tpu.memref_slice %arg4[%mul3A_2, %dma_wait3A_45] : memref<10016x64xf32, #tpu.memory_space<hbm>> -> memref<626x64xf32, #tpu.memory_space<hbm>>
      tpu.wait_dma2 semaphore(%run_scoped3A : memref<!tpu.dma_semaphore, #tpu.memory_space<semaphore_mem>>) src(%dma_wait3A_46 : memref<626x64xf32, #tpu.memory_space<hbm>>) dst(%dma_wait3A_44 : memref<626x64xf32, #tpu.memory_space<vmem_shared>>)
      tpu.yield
    }) : () -> ()
    "tpu.region"() ({
      %run_scoped3A = tpu.sem_alloc : memref<!tpu.dma_semaphore, #tpu.memory_space<semaphore_mem>>
      %dma_start3A_40 = arith.constant 0 : i32
      %dma_start3A_41 = arith.constant 0 : i32
      %dma_start3A_42 = tpu.memref_slice %arg3[%add3A, %dma_start3A_40, %dma_start3A_41] : memref<32x40x128xi32, #tpu.memory_space<hbm>> -> memref<1x40x128xi32, #tpu.memory_space<hbm>>
      %dma_start3A_43 = tpu.memref_squeeze %dma_start3A_42 : memref<1x40x128xi32, #tpu.memory_space<hbm>> -> memref<40x128xi32, #tpu.memory_space<hbm>>
      %dma_start3A_44 = arith.constant 0 : i32
      %dma_start3A_45 = arith.constant 0 : i32
      %dma_start3A_46 = tpu.memref_slice %arg3[%add3A, %dma_start3A_44, %dma_start3A_45] : memref<32x40x128xi32, #tpu.memory_space<hbm>> -> memref<1x40x128xi32, #tpu.memory_space<hbm>>
      %dma_start3A_47 = tpu.memref_squeeze %dma_start3A_46 : memref<1x40x128xi32, #tpu.memory_space<hbm>> -> memref<40x128xi32, #tpu.memory_space<hbm>>
      tpu.enqueue_dma source(%dma_start3A_47 : memref<40x128xi32, #tpu.memory_space<hbm>>) target(%arg6 : memref<40x128xi32, #tpu.memory_space<vmem>>) target_semaphore(%run_scoped3A : memref<!tpu.dma_semaphore, #tpu.memory_space<semaphore_mem>>)
      %dma_wait3A = arith.constant 0 : i32
      %dma_wait3A_48 = arith.constant 0 : i32
      %dma_wait3A_49 = tpu.memref_slice %arg3[%add3A, %dma_wait3A, %dma_wait3A_48] : memref<32x40x128xi32, #tpu.memory_space<hbm>> -> memref<1x40x128xi32, #tpu.memory_space<hbm>>
      %dma_wait3A_50 = tpu.memref_squeeze %dma_wait3A_49 : memref<1x40x128xi32, #tpu.memory_space<hbm>> -> memref<40x128xi32, #tpu.memory_space<hbm>>
      %dma_wait3A_51 = arith.constant 0 : i32
      %dma_wait3A_52 = arith.constant 0 : i32
      %dma_wait3A_53 = tpu.memref_slice %arg3[%add3A, %dma_wait3A_51, %dma_wait3A_52] : memref<32x40x128xi32, #tpu.memory_space<hbm>> -> memref<1x40x128xi32, #tpu.memory_space<hbm>>
      %dma_wait3A_54 = tpu.memref_squeeze %dma_wait3A_53 : memref<1x40x128xi32, #tpu.memory_space<hbm>> -> memref<40x128xi32, #tpu.memory_space<hbm>>
      tpu.wait_dma2 semaphore(%run_scoped3A : memref<!tpu.dma_semaphore, #tpu.memory_space<semaphore_mem>>) src(%dma_wait3A_54 : memref<40x128xi32, #tpu.memory_space<hbm>>) dst(%arg6 : memref<40x128xi32, #tpu.memory_space<vmem>>)
      tpu.yield
    }) : () -> ()
    %barrier3A = arith.constant 0 : index
    tpu.barrier barrier_id(%barrier3A)
    %mul3A_5 = arith.constant 5120 : i32
    %mul3A_6 = arith.muli %add3A, %mul3A_5 : i32
    %jit3A = arith.constant 2 : i32
    %div3A = arith.divsi %mul3A_6, %jit3A : i32
    %sign3A = arith.constant 0 : i32
    %sign3A_7 = arith.cmpi sgt, %mul3A_6, %sign3A : i32
    %sign3A_8 = arith.extui %sign3A_7 : i1 to i32
    %sign3A_9 = arith.constant 0 : i32
    %sign3A_10 = arith.cmpi slt, %mul3A_6, %sign3A_9 : i32
    %sign3A_11 = arith.extui %sign3A_10 : i1 to i32
    %sign3A_12 = arith.subi %sign3A_8, %sign3A_11 : i32
    %sign3A_13 = arith.constant 0 : i32
    %sign3A_14 = arith.cmpi sgt, %jit3A, %sign3A_13 : i32
    %sign3A_15 = arith.extui %sign3A_14 : i1 to i32
    %sign3A_16 = arith.constant 0 : i32
    %sign3A_17 = arith.cmpi slt, %jit3A, %sign3A_16 : i32
    %sign3A_18 = arith.extui %sign3A_17 : i1 to i32
    %sign3A_19 = arith.subi %sign3A_15, %sign3A_18 : i32
    %ne3A = arith.cmpi ne, %sign3A_12, %sign3A_19 : i32
    %rem3A = arith.remsi %mul3A_6, %jit3A : i32
    %ne3A_20 = arith.constant 0 : i32
    %ne3A_21 = arith.cmpi ne, %rem3A, %ne3A_20 : i32
    %and3A = arith.andi %ne3A, %ne3A_21 : i1
    %sub3A = arith.constant 1 : i32
    %sub3A_22 = arith.subi %div3A, %sub3A : i32
    %select_n3A = arith.select %and3A, %sub3A_22, %div3A : i32
    %add3A_23 = arith.constant 0 : i32
    %add3A_24 = arith.addi %select_n3A, %add3A_23 : i32
    %dma_start3A = arith.constant 0 : i32
    %dma_start3A_25 = arith.constant 0 : i32
    %dma_start3A_26 = tpu.memref_slice %arg2[%add3A_24, %dma_start3A_25] : memref<81920x128xf32, #tpu.memory_space<hbm>> -> memref<128x128xf32, #tpu.memory_space<hbm>>
    %dma_start3A_27 = tpu.memref_slice %arg11[%dma_start3A] : memref<2x!tpu.dma_semaphore, #tpu.memory_space<semaphore_mem>> -> memref<1x!tpu.dma_semaphore, #tpu.memory_space<semaphore_mem>>
    %dma_start3A_28 = tpu.memref_squeeze %dma_start3A_27 : memref<1x!tpu.dma_semaphore, #tpu.memory_space<semaphore_mem>> -> memref<!tpu.dma_semaphore, #tpu.memory_space<semaphore_mem>>
    %dma_start3A_29 = arith.constant 0 : i32
    %dma_start3A_30 = tpu.memref_slice %arg2[%add3A_24, %dma_start3A_29] : memref<81920x128xf32, #tpu.memory_space<hbm>> -> memref<128x128xf32, #tpu.memory_space<hbm>>
    tpu.enqueue_dma source(%dma_start3A_30 : memref<128x128xf32, #tpu.memory_space<hbm>>) target(%arg7 : memref<128x128xf32, #tpu.memory_space<vmem>>) target_semaphore(%dma_start3A_28 : memref<!tpu.dma_semaphore, #tpu.memory_space<semaphore_mem>>)
    %scan3A = arith.constant 0 : i32
    %scan3A_31 = arith.constant 10 : i32
    %scan3A_32 = arith.addi %scan3A, %scan3A_31 : i32
    %scan3A_33 = arith.constant 1 : i32
    scf.for %scan3A_40 = %scan3A to %scan3A_32 step %scan3A_33  : i32 {
      %mul3A_41 = arith.constant 2 : i32
      %mul3A_42 = arith.muli %scan3A_40, %mul3A_41 : i32
      %add3A_43 = arith.constant 0 : i32
      %add3A_44 = arith.addi %add3A_43, %mul3A_42 : i32
      %add3A_45 = arith.constant 0 : i32
      %add3A_46 = arith.addi %add3A_44, %add3A_45 : i32
      %dma_wait3A = arith.constant 0 : i32
      %dma_wait3A_47 = arith.constant 0 : i32
      %dma_wait3A_48 = arith.constant 0 : i32
      %dma_wait3A_49 = tpu.memref_slice %arg2[%dma_wait3A_47, %dma_wait3A_48] : memref<81920x128xf32, #tpu.memory_space<hbm>> -> memref<128x128xf32, #tpu.memory_space<hbm>>
      %dma_wait3A_50 = tpu.memref_slice %arg11[%dma_wait3A] : memref<2x!tpu.dma_semaphore, #tpu.memory_space<semaphore_mem>> -> memref<1x!tpu.dma_semaphore, #tpu.memory_space<semaphore_mem>>
      %dma_wait3A_51 = tpu.memref_squeeze %dma_wait3A_50 : memref<1x!tpu.dma_semaphore, #tpu.memory_space<semaphore_mem>> -> memref<!tpu.dma_semaphore, #tpu.memory_space<semaphore_mem>>
      %dma_wait3A_52 = arith.constant 0 : i32
      %dma_wait3A_53 = arith.constant 0 : i32
      %dma_wait3A_54 = tpu.memref_slice %arg2[%dma_wait3A_52, %dma_wait3A_53] : memref<81920x128xf32, #tpu.memory_space<hbm>> -> memref<128x128xf32, #tpu.memory_space<hbm>>
      tpu.wait_dma2 semaphore(%dma_wait3A_51 : memref<!tpu.dma_semaphore, #tpu.memory_space<semaphore_mem>>) src(%dma_wait3A_54 : memref<128x128xf32, #tpu.memory_space<hbm>>) dst(%arg7 : memref<128x128xf32, #tpu.memory_space<vmem>>)
      %add3A_55 = arith.constant 1 : i32
      %add3A_56 = arith.addi %add3A_46, %add3A_55 : i32
      %lt3A = arith.constant 20 : i32
      %lt3A_57 = arith.cmpi slt, %add3A_56, %lt3A : i32
      %convert_element_type3A = arith.extui %lt3A_57 : i1 to i32
      %cond3A = arith.constant 0 : i32
      %cond3A_58 = arith.cmpi ne, %convert_element_type3A, %cond3A : i32
      scf.if %cond3A_58 {
        %add3A_103 = arith.constant 1 : i32
        %add3A_104 = arith.addi %add3A_46, %add3A_103 : i32
        %mul3A_105 = arith.constant 128 : i32
        %mul3A_106 = arith.muli %add3A_104, %mul3A_105 : i32
        %add3A_107 = arith.addi %select_n3A, %mul3A_106 : i32
        %dma_start3A_108 = arith.constant 1 : i32
        %dma_start3A_109 = arith.constant 0 : i32
        %dma_start3A_110 = tpu.memref_slice %arg2[%add3A_107, %dma_start3A_109] : memref<81920x128xf32, #tpu.memory_space<hbm>> -> memref<128x128xf32, #tpu.memory_space<hbm>>
        %dma_start3A_111 = tpu.memref_slice %arg11[%dma_start3A_108] : memref<2x!tpu.dma_semaphore, #tpu.memory_space<semaphore_mem>> -> memref<1x!tpu.dma_semaphore, #tpu.memory_space<semaphore_mem>>
        %dma_start3A_112 = tpu.memref_squeeze %dma_start3A_111 : memref<1x!tpu.dma_semaphore, #tpu.memory_space<semaphore_mem>> -> memref<!tpu.dma_semaphore, #tpu.memory_space<semaphore_mem>>
        %dma_start3A_113 = arith.constant 0 : i32
        %dma_start3A_114 = tpu.memref_slice %arg2[%add3A_107, %dma_start3A_113] : memref<81920x128xf32, #tpu.memory_space<hbm>> -> memref<128x128xf32, #tpu.memory_space<hbm>>
        tpu.enqueue_dma source(%dma_start3A_114 : memref<128x128xf32, #tpu.memory_space<hbm>>) target(%arg8 : memref<128x128xf32, #tpu.memory_space<vmem>>) target_semaphore(%dma_start3A_112 : memref<!tpu.dma_semaphore, #tpu.memory_space<semaphore_mem>>)
      } else {
      }
      %scan3A_59 = arith.constant 0 : i32
      %scan3A_60 = arith.constant 128 : i32
      %scan3A_61 = arith.addi %scan3A_59, %scan3A_60 : i32
      %scan3A_62 = arith.constant 1 : i32
      scf.for %scan3A_103 = %scan3A_59 to %scan3A_61 step %scan3A_62  : i32 {
        %mul3A_104 = arith.constant 1 : i32
        %mul3A_105 = arith.muli %scan3A_103, %mul3A_104 : i32
        %add3A_106 = arith.constant 0 : i32
        %add3A_107 = arith.addi %add3A_106, %mul3A_105 : i32
        %get3A = arith.index_cast %add3A_107 : i32 to index
        %get3A_108 = arith.constant 0 : index
        %get3A_109 = tpu.vector_load %arg7[%get3A, %get3A_108] {strides = array<i32>} : memref<128x128xf32, #tpu.memory_space<vmem>>, vector<1x16xf32>,
        %get3A_110 = vector.shape_cast %get3A_109 : vector<1x16xf32> to vector<16xf32>
        %mul3A_111 = arith.constant 2 : i32
        %mul3A_112 = arith.muli %mul3A_111, %add3A_107 : i32
        %add3A_113 = arith.constant 0 : i32
        %add3A_114 = arith.addi %mul3A_112, %add3A_113 : i32
        %swap3A = arith.index_cast %add3A_114 : i32 to index
        %swap3A_115 = arith.constant 0 : index
        %swap3A_116 = tpu.vector_load %arg9[%swap3A, %swap3A_115] {strides = array<i32>} : memref<256x64xf32, #tpu.memory_space<vmem>>, vector<1x16xf32>,
        %swap3A_117 = vector.shape_cast %swap3A_116 : vector<1x16xf32> to vector<16xf32>
        %swap3A_118 = vector.shape_cast %get3A_110 : vector<16xf32> to vector<1x16xf32>
        tpu.vector_store %arg9[%swap3A, %swap3A_115], %swap3A_118 {strides = array<i32>} : memref<256x64xf32, #tpu.memory_space<vmem>>, vector<1x16xf32>,
        %get3A_119 = arith.index_cast %add3A_107 : i32 to index
        %get3A_120 = arith.constant 16 : index
        %get3A_121 = tpu.vector_load %arg7[%get3A_119, %get3A_120] {strides = array<i32>} : memref<128x128xf32, #tpu.memory_space<vmem>>, vector<1x16xf32>,
        %get3A_122 = vector.shape_cast %get3A_121 : vector<1x16xf32> to vector<16xf32>
        %mul3A_123 = arith.constant 2 : i32
        %mul3A_124 = arith.muli %mul3A_123, %add3A_107 : i32
        %add3A_125 = arith.constant 0 : i32
        %add3A_126 = arith.addi %mul3A_124, %add3A_125 : i32
        %swap3A_127 = arith.index_cast %add3A_126 : i32 to index
        %swap3A_128 = arith.constant 16 : index
        %swap3A_129 = tpu.vector_load %arg9[%swap3A_127, %swap3A_128] {strides = array<i32>} : memref<256x64xf32, #tpu.memory_space<vmem>>, vector<1x16xf32>,
        %swap3A_130 = vector.shape_cast %swap3A_129 : vector<1x16xf32> to vector<16xf32>
        %swap3A_131 = vector.shape_cast %get3A_122 : vector<16xf32> to vector<1x16xf32>
        tpu.vector_store %arg9[%swap3A_127, %swap3A_128], %swap3A_131 {strides = array<i32>} : memref<256x64xf32, #tpu.memory_space<vmem>>, vector<1x16xf32>,
        %get3A_132 = arith.index_cast %add3A_107 : i32 to index
        %get3A_133 = arith.constant 32 : index
        %get3A_134 = tpu.vector_load %arg7[%get3A_132, %get3A_133] {strides = array<i32>} : memref<128x128xf32, #tpu.memory_space<vmem>>, vector<1x16xf32>,
        %get3A_135 = vector.shape_cast %get3A_134 : vector<1x16xf32> to vector<16xf32>
        %mul3A_136 = arith.constant 2 : i32
        %mul3A_137 = arith.muli %mul3A_136, %add3A_107 : i32
        %add3A_138 = arith.constant 0 : i32
        %add3A_139 = arith.addi %mul3A_137, %add3A_138 : i32
        %swap3A_140 = arith.index_cast %add3A_139 : i32 to index
        %swap3A_141 = arith.constant 32 : index
        %swap3A_142 = tpu.vector_load %arg9[%swap3A_140, %swap3A_141] {strides = array<i32>} : memref<256x64xf32, #tpu.memory_space<vmem>>, vector<1x16xf32>,
        %swap3A_143 = vector.shape_cast %swap3A_142 : vector<1x16xf32> to vector<16xf32>
        %swap3A_144 = vector.shape_cast %get3A_135 : vector<16xf32> to vector<1x16xf32>
        tpu.vector_store %arg9[%swap3A_140, %swap3A_141], %swap3A_144 {strides = array<i32>} : memref<256x64xf32, #tpu.memory_space<vmem>>, vector<1x16xf32>,
        %get3A_145 = arith.index_cast %add3A_107 : i32 to index
        %get3A_146 = arith.constant 48 : index
        %get3A_147 = tpu.vector_load %arg7[%get3A_145, %get3A_146] {strides = array<i32>} : memref<128x128xf32, #tpu.memory_space<vmem>>, vector<1x16xf32>,
        %get3A_148 = vector.shape_cast %get3A_147 : vector<1x16xf32> to vector<16xf32>
        %mul3A_149 = arith.constant 2 : i32
        %mul3A_150 = arith.muli %mul3A_149, %add3A_107 : i32
        %add3A_151 = arith.constant 0 : i32
        %add3A_152 = arith.addi %mul3A_150, %add3A_151 : i32
        %swap3A_153 = arith.index_cast %add3A_152 : i32 to index
        %swap3A_154 = arith.constant 48 : index
        %swap3A_155 = tpu.vector_load %arg9[%swap3A_153, %swap3A_154] {strides = array<i32>} : memref<256x64xf32, #tpu.memory_space<vmem>>, vector<1x16xf32>,
        %swap3A_156 = vector.shape_cast %swap3A_155 : vector<1x16xf32> to vector<16xf32>
        %swap3A_157 = vector.shape_cast %get3A_148 : vector<16xf32> to vector<1x16xf32>
        tpu.vector_store %arg9[%swap3A_153, %swap3A_154], %swap3A_157 {strides = array<i32>} : memref<256x64xf32, #tpu.memory_space<vmem>>, vector<1x16xf32>,
        %get3A_158 = arith.index_cast %add3A_107 : i32 to index
        %get3A_159 = arith.constant 64 : index
        %get3A_160 = tpu.vector_load %arg7[%get3A_158, %get3A_159] {strides = array<i32>} : memref<128x128xf32, #tpu.memory_space<vmem>>, vector<1x16xf32>,
        %get3A_161 = vector.shape_cast %get3A_160 : vector<1x16xf32> to vector<16xf32>
        %mul3A_162 = arith.constant 2 : i32
        %mul3A_163 = arith.muli %mul3A_162, %add3A_107 : i32
        %add3A_164 = arith.constant 1 : i32
        %add3A_165 = arith.addi %mul3A_163, %add3A_164 : i32
        %swap3A_166 = arith.index_cast %add3A_165 : i32 to index
        %swap3A_167 = arith.constant 0 : index
        %swap3A_168 = tpu.vector_load %arg9[%swap3A_166, %swap3A_167] {strides = array<i32>} : memref<256x64xf32, #tpu.memory_space<vmem>>, vector<1x16xf32>,
        %swap3A_169 = vector.shape_cast %swap3A_168 : vector<1x16xf32> to vector<16xf32>
        %swap3A_170 = vector.shape_cast %get3A_161 : vector<16xf32> to vector<1x16xf32>
        tpu.vector_store %arg9[%swap3A_166, %swap3A_167], %swap3A_170 {strides = array<i32>} : memref<256x64xf32, #tpu.memory_space<vmem>>, vector<1x16xf32>,
        %get3A_171 = arith.index_cast %add3A_107 : i32 to index
        %get3A_172 = arith.constant 80 : index
        %get3A_173 = tpu.vector_load %arg7[%get3A_171, %get3A_172] {strides = array<i32>} : memref<128x128xf32, #tpu.memory_space<vmem>>, vector<1x16xf32>,
        %get3A_174 = vector.shape_cast %get3A_173 : vector<1x16xf32> to vector<16xf32>
        %mul3A_175 = arith.constant 2 : i32
        %mul3A_176 = arith.muli %mul3A_175, %add3A_107 : i32
        %add3A_177 = arith.constant 1 : i32
        %add3A_178 = arith.addi %mul3A_176, %add3A_177 : i32
        %swap3A_179 = arith.index_cast %add3A_178 : i32 to index
        %swap3A_180 = arith.constant 16 : index
        %swap3A_181 = tpu.vector_load %arg9[%swap3A_179, %swap3A_180] {strides = array<i32>} : memref<256x64xf32, #tpu.memory_space<vmem>>, vector<1x16xf32>,
        %swap3A_182 = vector.shape_cast %swap3A_181 : vector<1x16xf32> to vector<16xf32>
        %swap3A_183 = vector.shape_cast %get3A_174 : vector<16xf32> to vector<1x16xf32>
        tpu.vector_store %arg9[%swap3A_179, %swap3A_180], %swap3A_183 {strides = array<i32>} : memref<256x64xf32, #tpu.memory_space<vmem>>, vector<1x16xf32>,
        %get3A_184 = arith.index_cast %add3A_107 : i32 to index
        %get3A_185 = arith.constant 96 : index
        %get3A_186 = tpu.vector_load %arg7[%get3A_184, %get3A_185] {strides = array<i32>} : memref<128x128xf32, #tpu.memory_space<vmem>>, vector<1x16xf32>,
        %get3A_187 = vector.shape_cast %get3A_186 : vector<1x16xf32> to vector<16xf32>
        %mul3A_188 = arith.constant 2 : i32
        %mul3A_189 = arith.muli %mul3A_188, %add3A_107 : i32
        %add3A_190 = arith.constant 1 : i32
        %add3A_191 = arith.addi %mul3A_189, %add3A_190 : i32
        %swap3A_192 = arith.index_cast %add3A_191 : i32 to index
        %swap3A_193 = arith.constant 32 : index
        %swap3A_194 = tpu.vector_load %arg9[%swap3A_192, %swap3A_193] {strides = array<i32>} : memref<256x64xf32, #tpu.memory_space<vmem>>, vector<1x16xf32>,
        %swap3A_195 = vector.shape_cast %swap3A_194 : vector<1x16xf32> to vector<16xf32>
        %swap3A_196 = vector.shape_cast %get3A_187 : vector<16xf32> to vector<1x16xf32>
        tpu.vector_store %arg9[%swap3A_192, %swap3A_193], %swap3A_196 {strides = array<i32>} : memref<256x64xf32, #tpu.memory_space<vmem>>, vector<1x16xf32>,
        %get3A_197 = arith.index_cast %add3A_107 : i32 to index
        %get3A_198 = arith.constant 112 : index
        %get3A_199 = tpu.vector_load %arg7[%get3A_197, %get3A_198] {strides = array<i32>} : memref<128x128xf32, #tpu.memory_space<vmem>>, vector<1x16xf32>,
        %get3A_200 = vector.shape_cast %get3A_199 : vector<1x16xf32> to vector<16xf32>
        %mul3A_201 = arith.constant 2 : i32
        %mul3A_202 = arith.muli %mul3A_201, %add3A_107 : i32
        %add3A_203 = arith.constant 1 : i32
        %add3A_204 = arith.addi %mul3A_202, %add3A_203 : i32
        %swap3A_205 = arith.index_cast %add3A_204 : i32 to index
        %swap3A_206 = arith.constant 48 : index
        %swap3A_207 = tpu.vector_load %arg9[%swap3A_205, %swap3A_206] {strides = array<i32>} : memref<256x64xf32, #tpu.memory_space<vmem>>, vector<1x16xf32>,
        %swap3A_208 = vector.shape_cast %swap3A_207 : vector<1x16xf32> to vector<16xf32>
        %swap3A_209 = vector.shape_cast %get3A_200 : vector<16xf32> to vector<1x16xf32>
        tpu.vector_store %arg9[%swap3A_205, %swap3A_206], %swap3A_209 {strides = array<i32>} : memref<256x64xf32, #tpu.memory_space<vmem>>, vector<1x16xf32>,
      }
      %scan3A_63 = arith.constant 128 : i32
      %mul3A_64 = arith.constant 2 : i32
      %mul3A_65 = arith.muli %add3A_46, %mul3A_64 : i32
      %add3A_66 = arith.constant 0 : i32
      %add3A_67 = arith.addi %mul3A_65, %add3A_66 : i32
      "tpu.region"() ({
        %run_scoped3A = tpu.sem_alloc : memref<!tpu.dma_semaphore, #tpu.memory_space<semaphore_mem>>
        %dma_start3A_103 = arith.constant 0 : i32
        %dma_start3A_104 = arith.constant 0 : i32
        %dma_start3A_105 = tpu.memref_slice %arg9[%dma_start3A_103, %dma_start3A_104] : memref<256x64xf32, #tpu.memory_space<vmem>> -> memref<128x64xf32, #tpu.memory_space<vmem>>
        %dma_start3A_106 = arith.constant 0 : i32
        %dma_start3A_107 = tpu.memref_slice %arg6[%add3A_67, %dma_start3A_106] : memref<40x128xi32, #tpu.memory_space<vmem>> -> memref<1x128xi32, #tpu.memory_space<vmem>>
        %dma_start3A_108 = tpu.memref_squeeze %dma_start3A_107 : memref<1x128xi32, #tpu.memory_space<vmem>> -> memref<128xi32, #tpu.memory_space<vmem>>
        %dma_start3A_109 = arith.constant 0 : i32
        %dma_start3A_110 = arith.constant 0 : i32
        %dma_start3A_111 = tpu.memref_slice %arg10[%dma_start3A_109, %dma_start3A_110] : memref<10016x64xf32, #tpu.memory_space<vmem_shared>> -> memref<10016x64xf32, #tpu.memory_space<vmem_shared>>
        tpu.enqueue_indirect_dma source(%dma_start3A_105 : memref<128x64xf32, #tpu.memory_space<vmem>>) target(%dma_start3A_111 : memref<10016x64xf32, #tpu.memory_space<vmem_shared>>) offsets(%dma_start3A_108 : memref<128xi32, #tpu.memory_space<vmem>>) semaphore(%run_scoped3A : memref<!tpu.dma_semaphore, #tpu.memory_space<semaphore_mem>>) {add = true}
        %dma_wait3A_112 = arith.constant 0 : i32
        %dma_wait3A_113 = arith.constant 0 : i32
        %dma_wait3A_114 = tpu.memref_slice %arg9[%dma_wait3A_112, %dma_wait3A_113] : memref<256x64xf32, #tpu.memory_space<vmem>> -> memref<128x64xf32, #tpu.memory_space<vmem>>
        %dma_wait3A_115 = arith.constant 0 : i32
        %dma_wait3A_116 = tpu.memref_slice %arg6[%add3A_67, %dma_wait3A_115] : memref<40x128xi32, #tpu.memory_space<vmem>> -> memref<1x128xi32, #tpu.memory_space<vmem>>
        %dma_wait3A_117 = tpu.memref_squeeze %dma_wait3A_116 : memref<1x128xi32, #tpu.memory_space<vmem>> -> memref<128xi32, #tpu.memory_space<vmem>>
        %dma_wait3A_118 = arith.constant 0 : i32
        %dma_wait3A_119 = arith.constant 0 : i32
        %dma_wait3A_120 = tpu.memref_slice %arg10[%dma_wait3A_118, %dma_wait3A_119] : memref<10016x64xf32, #tpu.memory_space<vmem_shared>> -> memref<10016x64xf32, #tpu.memory_space<vmem_shared>>
        tpu.wait_indirect_dma semaphore(%run_scoped3A : memref<!tpu.dma_semaphore, #tpu.memory_space<semaphore_mem>>) src(%dma_wait3A_114 : memref<128x64xf32, #tpu.memory_space<vmem>>) dst(%dma_wait3A_120 : memref<10016x64xf32, #tpu.memory_space<vmem_shared>>)
        tpu.yield
      }) : () -> ()
      %mul3A_68 = arith.constant 2 : i32
      %mul3A_69 = arith.muli %add3A_46, %mul3A_68 : i32
      %add3A_70 = arith.constant 1 : i32
      %add3A_71 = arith.addi %mul3A_69, %add3A_70 : i32
      "tpu.region"() ({
        %run_scoped3A = tpu.sem_alloc : memref<!tpu.dma_semaphore, #tpu.memory_space<semaphore_mem>>
        %dma_start3A_103 = arith.constant 128 : i32
        %dma_start3A_104 = arith.constant 0 : i32
        %dma_start3A_105 = tpu.memref_slice %arg9[%dma_start3A_103, %dma_start3A_104] : memref<256x64xf32, #tpu.memory_space<vmem>> -> memref<128x64xf32, #tpu.memory_space<vmem>>
        %dma_start3A_106 = arith.constant 0 : i32
        %dma_start3A_107 = tpu.memref_slice %arg6[%add3A_71, %dma_start3A_106] : memref<40x128xi32, #tpu.memory_space<vmem>> -> memref<1x128xi32, #tpu.memory_space<vmem>>
        %dma_start3A_108 = tpu.memref_squeeze %dma_start3A_107 : memref<1x128xi32, #tpu.memory_space<vmem>> -> memref<128xi32, #tpu.memory_space<vmem>>
        %dma_start3A_109 = arith.constant 0 : i32
        %dma_start3A_110 = arith.constant 0 : i32
        %dma_start3A_111 = tpu.memref_slice %arg10[%dma_start3A_109, %dma_start3A_110] : memref<10016x64xf32, #tpu.memory_space<vmem_shared>> -> memref<10016x64xf32, #tpu.memory_space<vmem_shared>>
        tpu.enqueue_indirect_dma source(%dma_start3A_105 : memref<128x64xf32, #tpu.memory_space<vmem>>) target(%dma_start3A_111 : memref<10016x64xf32, #tpu.memory_space<vmem_shared>>) offsets(%dma_start3A_108 : memref<128xi32, #tpu.memory_space<vmem>>) semaphore(%run_scoped3A : memref<!tpu.dma_semaphore, #tpu.memory_space<semaphore_mem>>) {add = true}
        %dma_wait3A_112 = arith.constant 128 : i32
        %dma_wait3A_113 = arith.constant 0 : i32
        %dma_wait3A_114 = tpu.memref_slice %arg9[%dma_wait3A_112, %dma_wait3A_113] : memref<256x64xf32, #tpu.memory_space<vmem>> -> memref<128x64xf32, #tpu.memory_space<vmem>>
        %dma_wait3A_115 = arith.constant 0 : i32
        %dma_wait3A_116 = tpu.memref_slice %arg6[%add3A_71, %dma_wait3A_115] : memref<40x128xi32, #tpu.memory_space<vmem>> -> memref<1x128xi32, #tpu.memory_space<vmem>>
        %dma_wait3A_117 = tpu.memref_squeeze %dma_wait3A_116 : memref<1x128xi32, #tpu.memory_space<vmem>> -> memref<128xi32, #tpu.memory_space<vmem>>
        %dma_wait3A_118 = arith.constant 0 : i32
        %dma_wait3A_119 = arith.constant 0 : i32
        %dma_wait3A_120 = tpu.memref_slice %arg10[%dma_wait3A_118, %dma_wait3A_119] : memref<10016x64xf32, #tpu.memory_space<vmem_shared>> -> memref<10016x64xf32, #tpu.memory_space<vmem_shared>>
        tpu.wait_indirect_dma semaphore(%run_scoped3A : memref<!tpu.dma_semaphore, #tpu.memory_space<semaphore_mem>>) src(%dma_wait3A_114 : memref<128x64xf32, #tpu.memory_space<vmem>>) dst(%dma_wait3A_120 : memref<10016x64xf32, #tpu.memory_space<vmem_shared>>)
        tpu.yield
      }) : () -> ()
      %add3A_72 = arith.constant 1 : i32
      %add3A_73 = arith.addi %add3A_44, %add3A_72 : i32
      %dma_wait3A_74 = arith.constant 1 : i32
      %dma_wait3A_75 = arith.constant 0 : i32
      %dma_wait3A_76 = arith.constant 0 : i32
      %dma_wait3A_77 = tpu.memref_slice %arg2[%dma_wait3A_75, %dma_wait3A_76] : memref<81920x128xf32, #tpu.memory_space<hbm>> -> memref<128x128xf32, #tpu.memory_space<hbm>>
      %dma_wait3A_78 = tpu.memref_slice %arg11[%dma_wait3A_74] : memref<2x!tpu.dma_semaphore, #tpu.memory_space<semaphore_mem>> -> memref<1x!tpu.dma_semaphore, #tpu.memory_space<semaphore_mem>>
      %dma_wait3A_79 = tpu.memref_squeeze %dma_wait3A_78 : memref<1x!tpu.dma_semaphore, #tpu.memory_space<semaphore_mem>> -> memref<!tpu.dma_semaphore, #tpu.memory_space<semaphore_mem>>
      %dma_wait3A_80 = arith.constant 0 : i32
      %dma_wait3A_81 = arith.constant 0 : i32
      %dma_wait3A_82 = tpu.memref_slice %arg2[%dma_wait3A_80, %dma_wait3A_81] : memref<81920x128xf32, #tpu.memory_space<hbm>> -> memref<128x128xf32, #tpu.memory_space<hbm>>
      tpu.wait_dma2 semaphore(%dma_wait3A_79 : memref<!tpu.dma_semaphore, #tpu.memory_space<semaphore_mem>>) src(%dma_wait3A_82 : memref<128x128xf32, #tpu.memory_space<hbm>>) dst(%arg8 : memref<128x128xf32, #tpu.memory_space<vmem>>)
      %add3A_83 = arith.constant 1 : i32
      %add3A_84 = arith.addi %add3A_73, %add3A_83 : i32
      %lt3A_85 = arith.constant 20 : i32
      %lt3A_86 = arith.cmpi slt, %add3A_84, %lt3A_85 : i32
      %convert_element_type3A_87 = arith.extui %lt3A_86 : i1 to i32
      %cond3A_88 = arith.constant 0 : i32
      %cond3A_89 = arith.cmpi ne, %convert_element_type3A_87, %cond3A_88 : i32
      scf.if %cond3A_89 {
        %add3A_103 = arith.constant 1 : i32
        %add3A_104 = arith.addi %add3A_73, %add3A_103 : i32
        %mul3A_105 = arith.constant 128 : i32
        %mul3A_106 = arith.muli %add3A_104, %mul3A_105 : i32
        %add3A_107 = arith.addi %select_n3A, %mul3A_106 : i32
        %dma_start3A_108 = arith.constant 0 : i32
        %dma_start3A_109 = arith.constant 0 : i32
        %dma_start3A_110 = tpu.memref_slice %arg2[%add3A_107, %dma_start3A_109] : memref<81920x128xf32, #tpu.memory_space<hbm>> -> memref<128x128xf32, #tpu.memory_space<hbm>>
        %dma_start3A_111 = tpu.memref_slice %arg11[%dma_start3A_108] : memref<2x!tpu.dma_semaphore, #tpu.memory_space<semaphore_mem>> -> memref<1x!tpu.dma_semaphore, #tpu.memory_space<semaphore_mem>>
        %dma_start3A_112 = tpu.memref_squeeze %dma_start3A_111 : memref<1x!tpu.dma_semaphore, #tpu.memory_space<semaphore_mem>> -> memref<!tpu.dma_semaphore, #tpu.memory_space<semaphore_mem>>
        %dma_start3A_113 = arith.constant 0 : i32
        %dma_start3A_114 = tpu.memref_slice %arg2[%add3A_107, %dma_start3A_113] : memref<81920x128xf32, #tpu.memory_space<hbm>> -> memref<128x128xf32, #tpu.memory_space<hbm>>
        tpu.enqueue_dma source(%dma_start3A_114 : memref<128x128xf32, #tpu.memory_space<hbm>>) target(%arg7 : memref<128x128xf32, #tpu.memory_space<vmem>>) target_semaphore(%dma_start3A_112 : memref<!tpu.dma_semaphore, #tpu.memory_space<semaphore_mem>>)
      } else {
      }
      %scan3A_90 = arith.constant 0 : i32
      %scan3A_91 = arith.constant 128 : i32
      %scan3A_92 = arith.addi %scan3A_90, %scan3A_91 : i32
      %scan3A_93 = arith.constant 1 : i32
      scf.for %scan3A_103 = %scan3A_90 to %scan3A_92 step %scan3A_93  : i32 {
        %mul3A_104 = arith.constant 1 : i32
        %mul3A_105 = arith.muli %scan3A_103, %mul3A_104 : i32
        %add3A_106 = arith.constant 0 : i32
        %add3A_107 = arith.addi %add3A_106, %mul3A_105 : i32
        %get3A = arith.index_cast %add3A_107 : i32 to index
        %get3A_108 = arith.constant 0 : index
        %get3A_109 = tpu.vector_load %arg8[%get3A, %get3A_108] {strides = array<i32>} : memref<128x128xf32, #tpu.memory_space<vmem>>, vector<1x16xf32>,
        %get3A_110 = vector.shape_cast %get3A_109 : vector<1x16xf32> to vector<16xf32>
        %mul3A_111 = arith.constant 2 : i32
        %mul3A_112 = arith.muli %mul3A_111, %add3A_107 : i32
        %add3A_113 = arith.constant 0 : i32
        %add3A_114 = arith.addi %mul3A_112, %add3A_113 : i32
        %swap3A = arith.index_cast %add3A_114 : i32 to index
        %swap3A_115 = arith.constant 0 : index
        %swap3A_116 = tpu.vector_load %arg9[%swap3A, %swap3A_115] {strides = array<i32>} : memref<256x64xf32, #tpu.memory_space<vmem>>, vector<1x16xf32>,
        %swap3A_117 = vector.shape_cast %swap3A_116 : vector<1x16xf32> to vector<16xf32>
        %swap3A_118 = vector.shape_cast %get3A_110 : vector<16xf32> to vector<1x16xf32>
        tpu.vector_store %arg9[%swap3A, %swap3A_115], %swap3A_118 {strides = array<i32>} : memref<256x64xf32, #tpu.memory_space<vmem>>, vector<1x16xf32>,
        %get3A_119 = arith.index_cast %add3A_107 : i32 to index
        %get3A_120 = arith.constant 16 : index
        %get3A_121 = tpu.vector_load %arg8[%get3A_119, %get3A_120] {strides = array<i32>} : memref<128x128xf32, #tpu.memory_space<vmem>>, vector<1x16xf32>,
        %get3A_122 = vector.shape_cast %get3A_121 : vector<1x16xf32> to vector<16xf32>
        %mul3A_123 = arith.constant 2 : i32
        %mul3A_124 = arith.muli %mul3A_123, %add3A_107 : i32
        %add3A_125 = arith.constant 0 : i32
        %add3A_126 = arith.addi %mul3A_124, %add3A_125 : i32
        %swap3A_127 = arith.index_cast %add3A_126 : i32 to index
        %swap3A_128 = arith.constant 16 : index
        %swap3A_129 = tpu.vector_load %arg9[%swap3A_127, %swap3A_128] {strides = array<i32>} : memref<256x64xf32, #tpu.memory_space<vmem>>, vector<1x16xf32>,
        %swap3A_130 = vector.shape_cast %swap3A_129 : vector<1x16xf32> to vector<16xf32>
        %swap3A_131 = vector.shape_cast %get3A_122 : vector<16xf32> to vector<1x16xf32>
        tpu.vector_store %arg9[%swap3A_127, %swap3A_128], %swap3A_131 {strides = array<i32>} : memref<256x64xf32, #tpu.memory_space<vmem>>, vector<1x16xf32>,
        %get3A_132 = arith.index_cast %add3A_107 : i32 to index
        %get3A_133 = arith.constant 32 : index
        %get3A_134 = tpu.vector_load %arg8[%get3A_132, %get3A_133] {strides = array<i32>} : memref<128x128xf32, #tpu.memory_space<vmem>>, vector<1x16xf32>,
        %get3A_135 = vector.shape_cast %get3A_134 : vector<1x16xf32> to vector<16xf32>
        %mul3A_136 = arith.constant 2 : i32
        %mul3A_137 = arith.muli %mul3A_136, %add3A_107 : i32
        %add3A_138 = arith.constant 0 : i32
        %add3A_139 = arith.addi %mul3A_137, %add3A_138 : i32
        %swap3A_140 = arith.index_cast %add3A_139 : i32 to index
        %swap3A_141 = arith.constant 32 : index
        %swap3A_142 = tpu.vector_load %arg9[%swap3A_140, %swap3A_141] {strides = array<i32>} : memref<256x64xf32, #tpu.memory_space<vmem>>, vector<1x16xf32>,
        %swap3A_143 = vector.shape_cast %swap3A_142 : vector<1x16xf32> to vector<16xf32>
        %swap3A_144 = vector.shape_cast %get3A_135 : vector<16xf32> to vector<1x16xf32>
        tpu.vector_store %arg9[%swap3A_140, %swap3A_141], %swap3A_144 {strides = array<i32>} : memref<256x64xf32, #tpu.memory_space<vmem>>, vector<1x16xf32>,
        %get3A_145 = arith.index_cast %add3A_107 : i32 to index
        %get3A_146 = arith.constant 48 : index
        %get3A_147 = tpu.vector_load %arg8[%get3A_145, %get3A_146] {strides = array<i32>} : memref<128x128xf32, #tpu.memory_space<vmem>>, vector<1x16xf32>,
        %get3A_148 = vector.shape_cast %get3A_147 : vector<1x16xf32> to vector<16xf32>
        %mul3A_149 = arith.constant 2 : i32
        %mul3A_150 = arith.muli %mul3A_149, %add3A_107 : i32
        %add3A_151 = arith.constant 0 : i32
        %add3A_152 = arith.addi %mul3A_150, %add3A_151 : i32
        %swap3A_153 = arith.index_cast %add3A_152 : i32 to index
        %swap3A_154 = arith.constant 48 : index
        %swap3A_155 = tpu.vector_load %arg9[%swap3A_153, %swap3A_154] {strides = array<i32>} : memref<256x64xf32, #tpu.memory_space<vmem>>, vector<1x16xf32>,
        %swap3A_156 = vector.shape_cast %swap3A_155 : vector<1x16xf32> to vector<16xf32>
        %swap3A_157 = vector.shape_cast %get3A_148 : vector<16xf32> to vector<1x16xf32>
        tpu.vector_store %arg9[%swap3A_153, %swap3A_154], %swap3A_157 {strides = array<i32>} : memref<256x64xf32, #tpu.memory_space<vmem>>, vector<1x16xf32>,
        %get3A_158 = arith.index_cast %add3A_107 : i32 to index
        %get3A_159 = arith.constant 64 : index
        %get3A_160 = tpu.vector_load %arg8[%get3A_158, %get3A_159] {strides = array<i32>} : memref<128x128xf32, #tpu.memory_space<vmem>>, vector<1x16xf32>,
        %get3A_161 = vector.shape_cast %get3A_160 : vector<1x16xf32> to vector<16xf32>
        %mul3A_162 = arith.constant 2 : i32
        %mul3A_163 = arith.muli %mul3A_162, %add3A_107 : i32
        %add3A_164 = arith.constant 1 : i32
        %add3A_165 = arith.addi %mul3A_163, %add3A_164 : i32
        %swap3A_166 = arith.index_cast %add3A_165 : i32 to index
        %swap3A_167 = arith.constant 0 : index
        %swap3A_168 = tpu.vector_load %arg9[%swap3A_166, %swap3A_167] {strides = array<i32>} : memref<256x64xf32, #tpu.memory_space<vmem>>, vector<1x16xf32>,
        %swap3A_169 = vector.shape_cast %swap3A_168 : vector<1x16xf32> to vector<16xf32>
        %swap3A_170 = vector.shape_cast %get3A_161 : vector<16xf32> to vector<1x16xf32>
        tpu.vector_store %arg9[%swap3A_166, %swap3A_167], %swap3A_170 {strides = array<i32>} : memref<256x64xf32, #tpu.memory_space<vmem>>, vector<1x16xf32>,
        %get3A_171 = arith.index_cast %add3A_107 : i32 to index
        %get3A_172 = arith.constant 80 : index
        %get3A_173 = tpu.vector_load %arg8[%get3A_171, %get3A_172] {strides = array<i32>} : memref<128x128xf32, #tpu.memory_space<vmem>>, vector<1x16xf32>,
        %get3A_174 = vector.shape_cast %get3A_173 : vector<1x16xf32> to vector<16xf32>
        %mul3A_175 = arith.constant 2 : i32
        %mul3A_176 = arith.muli %mul3A_175, %add3A_107 : i32
        %add3A_177 = arith.constant 1 : i32
        %add3A_178 = arith.addi %mul3A_176, %add3A_177 : i32
        %swap3A_179 = arith.index_cast %add3A_178 : i32 to index
        %swap3A_180 = arith.constant 16 : index
        %swap3A_181 = tpu.vector_load %arg9[%swap3A_179, %swap3A_180] {strides = array<i32>} : memref<256x64xf32, #tpu.memory_space<vmem>>, vector<1x16xf32>,
        %swap3A_182 = vector.shape_cast %swap3A_181 : vector<1x16xf32> to vector<16xf32>
        %swap3A_183 = vector.shape_cast %get3A_174 : vector<16xf32> to vector<1x16xf32>
        tpu.vector_store %arg9[%swap3A_179, %swap3A_180], %swap3A_183 {strides = array<i32>} : memref<256x64xf32, #tpu.memory_space<vmem>>, vector<1x16xf32>,
        %get3A_184 = arith.index_cast %add3A_107 : i32 to index
        %get3A_185 = arith.constant 96 : index
        %get3A_186 = tpu.vector_load %arg8[%get3A_184, %get3A_185] {strides = array<i32>} : memref<128x128xf32, #tpu.memory_space<vmem>>, vector<1x16xf32>,
        %get3A_187 = vector.shape_cast %get3A_186 : vector<1x16xf32> to vector<16xf32>
        %mul3A_188 = arith.constant 2 : i32
        %mul3A_189 = arith.muli %mul3A_188, %add3A_107 : i32
        %add3A_190 = arith.constant 1 : i32
        %add3A_191 = arith.addi %mul3A_189, %add3A_190 : i32
        %swap3A_192 = arith.index_cast %add3A_191 : i32 to index
        %swap3A_193 = arith.constant 32 : index
        %swap3A_194 = tpu.vector_load %arg9[%swap3A_192, %swap3A_193] {strides = array<i32>} : memref<256x64xf32, #tpu.memory_space<vmem>>, vector<1x16xf32>,
        %swap3A_195 = vector.shape_cast %swap3A_194 : vector<1x16xf32> to vector<16xf32>
        %swap3A_196 = vector.shape_cast %get3A_187 : vector<16xf32> to vector<1x16xf32>
        tpu.vector_store %arg9[%swap3A_192, %swap3A_193], %swap3A_196 {strides = array<i32>} : memref<256x64xf32, #tpu.memory_space<vmem>>, vector<1x16xf32>,
        %get3A_197 = arith.index_cast %add3A_107 : i32 to index
        %get3A_198 = arith.constant 112 : index
        %get3A_199 = tpu.vector_load %arg8[%get3A_197, %get3A_198] {strides = array<i32>} : memref<128x128xf32, #tpu.memory_space<vmem>>, vector<1x16xf32>,
        %get3A_200 = vector.shape_cast %get3A_199 : vector<1x16xf32> to vector<16xf32>
        %mul3A_201 = arith.constant 2 : i32
        %mul3A_202 = arith.muli %mul3A_201, %add3A_107 : i32
        %add3A_203 = arith.constant 1 : i32
        %add3A_204 = arith.addi %mul3A_202, %add3A_203 : i32
        %swap3A_205 = arith.index_cast %add3A_204 : i32 to index
        %swap3A_206 = arith.constant 48 : index
        %swap3A_207 = tpu.vector_load %arg9[%swap3A_205, %swap3A_206] {strides = array<i32>} : memref<256x64xf32, #tpu.memory_space<vmem>>, vector<1x16xf32>,
        %swap3A_208 = vector.shape_cast %swap3A_207 : vector<1x16xf32> to vector<16xf32>
        %swap3A_209 = vector.shape_cast %get3A_200 : vector<16xf32> to vector<1x16xf32>
        tpu.vector_store %arg9[%swap3A_205, %swap3A_206], %swap3A_209 {strides = array<i32>} : memref<256x64xf32, #tpu.memory_space<vmem>>, vector<1x16xf32>,
      }
      %scan3A_94 = arith.constant 128 : i32
      %mul3A_95 = arith.constant 2 : i32
      %mul3A_96 = arith.muli %add3A_73, %mul3A_95 : i32
      %add3A_97 = arith.constant 0 : i32
      %add3A_98 = arith.addi %mul3A_96, %add3A_97 : i32
      "tpu.region"() ({
        %run_scoped3A = tpu.sem_alloc : memref<!tpu.dma_semaphore, #tpu.memory_space<semaphore_mem>>
        %dma_start3A_103 = arith.constant 0 : i32
        %dma_start3A_104 = arith.constant 0 : i32
        %dma_start3A_105 = tpu.memref_slice %arg9[%dma_start3A_103, %dma_start3A_104] : memref<256x64xf32, #tpu.memory_space<vmem>> -> memref<128x64xf32, #tpu.memory_space<vmem>>
        %dma_start3A_106 = arith.constant 0 : i32
        %dma_start3A_107 = tpu.memref_slice %arg6[%add3A_98, %dma_start3A_106] : memref<40x128xi32, #tpu.memory_space<vmem>> -> memref<1x128xi32, #tpu.memory_space<vmem>>
        %dma_start3A_108 = tpu.memref_squeeze %dma_start3A_107 : memref<1x128xi32, #tpu.memory_space<vmem>> -> memref<128xi32, #tpu.memory_space<vmem>>
        %dma_start3A_109 = arith.constant 0 : i32
        %dma_start3A_110 = arith.constant 0 : i32
        %dma_start3A_111 = tpu.memref_slice %arg10[%dma_start3A_109, %dma_start3A_110] : memref<10016x64xf32, #tpu.memory_space<vmem_shared>> -> memref<10016x64xf32, #tpu.memory_space<vmem_shared>>
        tpu.enqueue_indirect_dma source(%dma_start3A_105 : memref<128x64xf32, #tpu.memory_space<vmem>>) target(%dma_start3A_111 : memref<10016x64xf32, #tpu.memory_space<vmem_shared>>) offsets(%dma_start3A_108 : memref<128xi32, #tpu.memory_space<vmem>>) semaphore(%run_scoped3A : memref<!tpu.dma_semaphore, #tpu.memory_space<semaphore_mem>>) {add = true}
        %dma_wait3A_112 = arith.constant 0 : i32
        %dma_wait3A_113 = arith.constant 0 : i32
        %dma_wait3A_114 = tpu.memref_slice %arg9[%dma_wait3A_112, %dma_wait3A_113] : memref<256x64xf32, #tpu.memory_space<vmem>> -> memref<128x64xf32, #tpu.memory_space<vmem>>
        %dma_wait3A_115 = arith.constant 0 : i32
        %dma_wait3A_116 = tpu.memref_slice %arg6[%add3A_98, %dma_wait3A_115] : memref<40x128xi32, #tpu.memory_space<vmem>> -> memref<1x128xi32, #tpu.memory_space<vmem>>
        %dma_wait3A_117 = tpu.memref_squeeze %dma_wait3A_116 : memref<1x128xi32, #tpu.memory_space<vmem>> -> memref<128xi32, #tpu.memory_space<vmem>>
        %dma_wait3A_118 = arith.constant 0 : i32
        %dma_wait3A_119 = arith.constant 0 : i32
        %dma_wait3A_120 = tpu.memref_slice %arg10[%dma_wait3A_118, %dma_wait3A_119] : memref<10016x64xf32, #tpu.memory_space<vmem_shared>> -> memref<10016x64xf32, #tpu.memory_space<vmem_shared>>
        tpu.wait_indirect_dma semaphore(%run_scoped3A : memref<!tpu.dma_semaphore, #tpu.memory_space<semaphore_mem>>) src(%dma_wait3A_114 : memref<128x64xf32, #tpu.memory_space<vmem>>) dst(%dma_wait3A_120 : memref<10016x64xf32, #tpu.memory_space<vmem_shared>>)
        tpu.yield
      }) : () -> ()
      %mul3A_99 = arith.constant 2 : i32
      %mul3A_100 = arith.muli %add3A_73, %mul3A_99 : i32
      %add3A_101 = arith.constant 1 : i32
      %add3A_102 = arith.addi %mul3A_100, %add3A_101 : i32
      "tpu.region"() ({
        %run_scoped3A = tpu.sem_alloc : memref<!tpu.dma_semaphore, #tpu.memory_space<semaphore_mem>>
        %dma_start3A_103 = arith.constant 128 : i32
        %dma_start3A_104 = arith.constant 0 : i32
        %dma_start3A_105 = tpu.memref_slice %arg9[%dma_start3A_103, %dma_start3A_104] : memref<256x64xf32, #tpu.memory_space<vmem>> -> memref<128x64xf32, #tpu.memory_space<vmem>>
        %dma_start3A_106 = arith.constant 0 : i32
        %dma_start3A_107 = tpu.memref_slice %arg6[%add3A_102, %dma_start3A_106] : memref<40x128xi32, #tpu.memory_space<vmem>> -> memref<1x128xi32, #tpu.memory_space<vmem>>
        %dma_start3A_108 = tpu.memref_squeeze %dma_start3A_107 : memref<1x128xi32, #tpu.memory_space<vmem>> -> memref<128xi32, #tpu.memory_space<vmem>>
        %dma_start3A_109 = arith.constant 0 : i32
        %dma_start3A_110 = arith.constant 0 : i32
        %dma_start3A_111 = tpu.memref_slice %arg10[%dma_start3A_109, %dma_start3A_110] : memref<10016x64xf32, #tpu.memory_space<vmem_shared>> -> memref<10016x64xf32, #tpu.memory_space<vmem_shared>>
        tpu.enqueue_indirect_dma source(%dma_start3A_105 : memref<128x64xf32, #tpu.memory_space<vmem>>) target(%dma_start3A_111 : memref<10016x64xf32, #tpu.memory_space<vmem_shared>>) offsets(%dma_start3A_108 : memref<128xi32, #tpu.memory_space<vmem>>) semaphore(%run_scoped3A : memref<!tpu.dma_semaphore, #tpu.memory_space<semaphore_mem>>) {add = true}
        %dma_wait3A_112 = arith.constant 128 : i32
        %dma_wait3A_113 = arith.constant 0 : i32
        %dma_wait3A_114 = tpu.memref_slice %arg9[%dma_wait3A_112, %dma_wait3A_113] : memref<256x64xf32, #tpu.memory_space<vmem>> -> memref<128x64xf32, #tpu.memory_space<vmem>>
        %dma_wait3A_115 = arith.constant 0 : i32
        %dma_wait3A_116 = tpu.memref_slice %arg6[%add3A_102, %dma_wait3A_115] : memref<40x128xi32, #tpu.memory_space<vmem>> -> memref<1x128xi32, #tpu.memory_space<vmem>>
        %dma_wait3A_117 = tpu.memref_squeeze %dma_wait3A_116 : memref<1x128xi32, #tpu.memory_space<vmem>> -> memref<128xi32, #tpu.memory_space<vmem>>
        %dma_wait3A_118 = arith.constant 0 : i32
        %dma_wait3A_119 = arith.constant 0 : i32
        %dma_wait3A_120 = tpu.memref_slice %arg10[%dma_wait3A_118, %dma_wait3A_119] : memref<10016x64xf32, #tpu.memory_space<vmem_shared>> -> memref<10016x64xf32, #tpu.memory_space<vmem_shared>>
        tpu.wait_indirect_dma semaphore(%run_scoped3A : memref<!tpu.dma_semaphore, #tpu.memory_space<semaphore_mem>>) src(%dma_wait3A_114 : memref<128x64xf32, #tpu.memory_space<vmem>>) dst(%dma_wait3A_120 : memref<10016x64xf32, #tpu.memory_space<vmem_shared>>)
        tpu.yield
      }) : () -> ()
    }
    %scan3A_34 = arith.constant 10 : i32
    %barrier3A_35 = arith.constant 0 : index
    tpu.barrier barrier_id(%barrier3A_35)
    %mul3A_36 = arith.constant 626 : i32
    %mul3A_37 = arith.muli %arg1, %mul3A_36 : i32
    %mul3A_38 = arith.constant 626 : i32
    %mul3A_39 = arith.muli %arg1, %mul3A_38 : i32
    "tpu.region"() ({
      %run_scoped3A = tpu.sem_alloc : memref<!tpu.dma_semaphore, #tpu.memory_space<semaphore_mem>>
      %dma_start3A_40 = arith.constant 0 : i32
      %dma_start3A_41 = tpu.memref_slice %arg5[%arg0, %mul3A_39, %dma_start3A_40] : memref<2x10016x64xf32, #tpu.memory_space<hbm>> -> memref<1x626x64xf32, #tpu.memory_space<hbm>>
      %dma_start3A_42 = tpu.memref_squeeze %dma_start3A_41 : memref<1x626x64xf32, #tpu.memory_space<hbm>> -> memref<626x64xf32, #tpu.memory_space<hbm>>
      %dma_start3A_43 = arith.constant 0 : i32
      %dma_start3A_44 = tpu.memref_slice %arg10[%mul3A_37, %dma_start3A_43] : memref<10016x64xf32, #tpu.memory_space<vmem_shared>> -> memref<626x64xf32, #tpu.memory_space<vmem_shared>>
      tpu.enqueue_dma source(%dma_start3A_44 : memref<626x64xf32, #tpu.memory_space<vmem_shared>>) target(%dma_start3A_42 : memref<626x64xf32, #tpu.memory_space<hbm>>) target_semaphore(%run_scoped3A : memref<!tpu.dma_semaphore, #tpu.memory_space<semaphore_mem>>)
      %dma_wait3A = arith.constant 0 : i32
      %dma_wait3A_45 = tpu.memref_slice %arg5[%arg0, %mul3A_39, %dma_wait3A] : memref<2x10016x64xf32, #tpu.memory_space<hbm>> -> memref<1x626x64xf32, #tpu.memory_space<hbm>>
      %dma_wait3A_46 = tpu.memref_squeeze %dma_wait3A_45 : memref<1x626x64xf32, #tpu.memory_space<hbm>> -> memref<626x64xf32, #tpu.memory_space<hbm>>
      %dma_wait3A_47 = arith.constant 0 : i32
      %dma_wait3A_48 = tpu.memref_slice %arg10[%mul3A_37, %dma_wait3A_47] : memref<10016x64xf32, #tpu.memory_space<vmem_shared>> -> memref<626x64xf32, #tpu.memory_space<vmem_shared>>
      tpu.wait_dma2 semaphore(%run_scoped3A : memref<!tpu.dma_semaphore, #tpu.memory_space<semaphore_mem>>) src(%dma_wait3A_48 : memref<626x64xf32, #tpu.memory_space<vmem_shared>>) dst(%dma_wait3A_46 : memref<626x64xf32, #tpu.memory_space<hbm>>)
      tpu.yield
    }) : () -> ()
    return
  }
}

#map = affine_map<(d0, d1) -> (0, 0)>
#map1 = affine_map<(d0, d1) -> (0, 0, 0)>
module attributes {stable_mosaic.version = 14 : i64} {
  func.func @gather_k(%arg0: i32, %arg1: i32, %arg2: memref<10000x64xf32, #tpu.memory_space<hbm>>, %arg3: memref<32x80x128xi32, #tpu.memory_space<hbm>>, %arg4: memref<163840x128xf32, #tpu.memory_space<hbm>>, %arg5: memref<80x128xi32, #tpu.memory_space<vmem>>, %arg6: memref<256x64xf32, #tpu.memory_space<vmem>>, %arg7: memref<256x64xf32, #tpu.memory_space<vmem>>, %arg8: memref<128x128xf32, #tpu.memory_space<vmem>>, %arg9: memref<128x128xf32, #tpu.memory_space<vmem>>, %arg10: memref<2x!tpu.dma_semaphore, #tpu.memory_space<semaphore_mem>>, %arg11: memref<2x!tpu.dma_semaphore, #tpu.memory_space<semaphore_mem>>) attributes {dimension_semantics = [#tpu.dimension_semantics<core_parallel>, #tpu.dimension_semantics<subcore_parallel>], iteration_bounds = array<i64: 2, 16>, scalar_prefetch = 0 : i64, scratch_operands = 7 : i64, tpu.core_type = #tpu.core_type<sc_vector_subcore>, window_params = [{transform_indices = #map}, {transform_indices = #map1}, {transform_indices = #map}]} {
    %mul3A = arith.constant 2 : i32
    %mul3A_0 = arith.muli %arg1, %mul3A : i32
    %add3A = arith.addi %mul3A_0, %arg0 : i32
    "tpu.region"() ({
      %run_scoped3A = tpu.sem_alloc : memref<!tpu.dma_semaphore, #tpu.memory_space<semaphore_mem>>
      %dma_start3A_67 = arith.constant 0 : i32
      %dma_start3A_68 = arith.constant 0 : i32
      %dma_start3A_69 = tpu.memref_slice %arg3[%add3A, %dma_start3A_67, %dma_start3A_68] : memref<32x80x128xi32, #tpu.memory_space<hbm>> -> memref<1x80x128xi32, #tpu.memory_space<hbm>>
      %dma_start3A_70 = tpu.memref_squeeze %dma_start3A_69 : memref<1x80x128xi32, #tpu.memory_space<hbm>> -> memref<80x128xi32, #tpu.memory_space<hbm>>
      %dma_start3A_71 = arith.constant 0 : i32
      %dma_start3A_72 = arith.constant 0 : i32
      %dma_start3A_73 = tpu.memref_slice %arg3[%add3A, %dma_start3A_71, %dma_start3A_72] : memref<32x80x128xi32, #tpu.memory_space<hbm>> -> memref<1x80x128xi32, #tpu.memory_space<hbm>>
      %dma_start3A_74 = tpu.memref_squeeze %dma_start3A_73 : memref<1x80x128xi32, #tpu.memory_space<hbm>> -> memref<80x128xi32, #tpu.memory_space<hbm>>
      tpu.enqueue_dma source(%dma_start3A_74 : memref<80x128xi32, #tpu.memory_space<hbm>>) target(%arg5 : memref<80x128xi32, #tpu.memory_space<vmem>>) target_semaphore(%run_scoped3A : memref<!tpu.dma_semaphore, #tpu.memory_space<semaphore_mem>>)
      %dma_wait3A_75 = arith.constant 0 : i32
      %dma_wait3A_76 = arith.constant 0 : i32
      %dma_wait3A_77 = tpu.memref_slice %arg3[%add3A, %dma_wait3A_75, %dma_wait3A_76] : memref<32x80x128xi32, #tpu.memory_space<hbm>> -> memref<1x80x128xi32, #tpu.memory_space<hbm>>
      %dma_wait3A_78 = tpu.memref_squeeze %dma_wait3A_77 : memref<1x80x128xi32, #tpu.memory_space<hbm>> -> memref<80x128xi32, #tpu.memory_space<hbm>>
      %dma_wait3A_79 = arith.constant 0 : i32
      %dma_wait3A_80 = arith.constant 0 : i32
      %dma_wait3A_81 = tpu.memref_slice %arg3[%add3A, %dma_wait3A_79, %dma_wait3A_80] : memref<32x80x128xi32, #tpu.memory_space<hbm>> -> memref<1x80x128xi32, #tpu.memory_space<hbm>>
      %dma_wait3A_82 = tpu.memref_squeeze %dma_wait3A_81 : memref<1x80x128xi32, #tpu.memory_space<hbm>> -> memref<80x128xi32, #tpu.memory_space<hbm>>
      tpu.wait_dma2 semaphore(%run_scoped3A : memref<!tpu.dma_semaphore, #tpu.memory_space<semaphore_mem>>) src(%dma_wait3A_82 : memref<80x128xi32, #tpu.memory_space<hbm>>) dst(%arg5 : memref<80x128xi32, #tpu.memory_space<vmem>>)
      tpu.yield
    }) : () -> ()
    %mul3A_1 = arith.constant 80 : i32
    %mul3A_2 = arith.muli %add3A, %mul3A_1 : i32
    %mul3A_3 = arith.constant 128 : i32
    %mul3A_4 = arith.muli %mul3A_2, %mul3A_3 : i32
    %jit3A = arith.constant 2 : i32
    %div3A = arith.divsi %mul3A_4, %jit3A : i32
    %sign3A = arith.constant 0 : i32
    %sign3A_5 = arith.cmpi sgt, %mul3A_4, %sign3A : i32
    %sign3A_6 = arith.extui %sign3A_5 : i1 to i32
    %sign3A_7 = arith.constant 0 : i32
    %sign3A_8 = arith.cmpi slt, %mul3A_4, %sign3A_7 : i32
    %sign3A_9 = arith.extui %sign3A_8 : i1 to i32
    %sign3A_10 = arith.subi %sign3A_6, %sign3A_9 : i32
    %sign3A_11 = arith.constant 0 : i32
    %sign3A_12 = arith.cmpi sgt, %jit3A, %sign3A_11 : i32
    %sign3A_13 = arith.extui %sign3A_12 : i1 to i32
    %sign3A_14 = arith.constant 0 : i32
    %sign3A_15 = arith.cmpi slt, %jit3A, %sign3A_14 : i32
    %sign3A_16 = arith.extui %sign3A_15 : i1 to i32
    %sign3A_17 = arith.subi %sign3A_13, %sign3A_16 : i32
    %ne3A = arith.cmpi ne, %sign3A_10, %sign3A_17 : i32
    %rem3A = arith.remsi %mul3A_4, %jit3A : i32
    %ne3A_18 = arith.constant 0 : i32
    %ne3A_19 = arith.cmpi ne, %rem3A, %ne3A_18 : i32
    %and3A = arith.andi %ne3A, %ne3A_19 : i1
    %sub3A = arith.constant 1 : i32
    %sub3A_20 = arith.subi %div3A, %sub3A : i32
    %select_n3A = arith.select %and3A, %sub3A_20, %div3A : i32
    %dma_start3A = arith.constant 0 : i32
    %dma_start3A_21 = arith.constant 0 : i32
    %dma_start3A_22 = arith.constant 0 : i32
    %dma_start3A_23 = arith.constant 0 : i32
    %dma_start3A_24 = tpu.memref_slice %arg6[%dma_start3A_22, %dma_start3A_23] : memref<256x64xf32, #tpu.memory_space<vmem>> -> memref<128x64xf32, #tpu.memory_space<vmem>>
    %dma_start3A_25 = arith.constant 0 : i32
    %dma_start3A_26 = tpu.memref_slice %arg5[%dma_start3A, %dma_start3A_25] : memref<80x128xi32, #tpu.memory_space<vmem>> -> memref<1x128xi32, #tpu.memory_space<vmem>>
    %dma_start3A_27 = tpu.memref_squeeze %dma_start3A_26 : memref<1x128xi32, #tpu.memory_space<vmem>> -> memref<128xi32, #tpu.memory_space<vmem>>
    %dma_start3A_28 = arith.constant 0 : i32
    %dma_start3A_29 = arith.constant 0 : i32
    %dma_start3A_30 = tpu.memref_slice %arg2[%dma_start3A_28, %dma_start3A_29] : memref<10000x64xf32, #tpu.memory_space<hbm>> -> memref<10000x64xf32, #tpu.memory_space<hbm>>
    %dma_start3A_31 = tpu.memref_slice %arg10[%dma_start3A_21] : memref<2x!tpu.dma_semaphore, #tpu.memory_space<semaphore_mem>> -> memref<1x!tpu.dma_semaphore, #tpu.memory_space<semaphore_mem>>
    %dma_start3A_32 = tpu.memref_squeeze %dma_start3A_31 : memref<1x!tpu.dma_semaphore, #tpu.memory_space<semaphore_mem>> -> memref<!tpu.dma_semaphore, #tpu.memory_space<semaphore_mem>>
    tpu.enqueue_indirect_dma source(%dma_start3A_30 : memref<10000x64xf32, #tpu.memory_space<hbm>>) target(%dma_start3A_24 : memref<128x64xf32, #tpu.memory_space<vmem>>) offsets(%dma_start3A_27 : memref<128xi32, #tpu.memory_space<vmem>>) semaphore(%dma_start3A_32 : memref<!tpu.dma_semaphore, #tpu.memory_space<semaphore_mem>>)
    %dma_start3A_33 = arith.constant 1 : i32
    %dma_start3A_34 = arith.constant 0 : i32
    %dma_start3A_35 = arith.constant 128 : i32
    %dma_start3A_36 = arith.constant 0 : i32
    %dma_start3A_37 = tpu.memref_slice %arg6[%dma_start3A_35, %dma_start3A_36] : memref<256x64xf32, #tpu.memory_space<vmem>> -> memref<128x64xf32, #tpu.memory_space<vmem>>
    %dma_start3A_38 = arith.constant 0 : i32
    %dma_start3A_39 = tpu.memref_slice %arg5[%dma_start3A_33, %dma_start3A_38] : memref<80x128xi32, #tpu.memory_space<vmem>> -> memref<1x128xi32, #tpu.memory_space<vmem>>
    %dma_start3A_40 = tpu.memref_squeeze %dma_start3A_39 : memref<1x128xi32, #tpu.memory_space<vmem>> -> memref<128xi32, #tpu.memory_space<vmem>>
    %dma_start3A_41 = arith.constant 0 : i32
    %dma_start3A_42 = arith.constant 0 : i32
    %dma_start3A_43 = tpu.memref_slice %arg2[%dma_start3A_41, %dma_start3A_42] : memref<10000x64xf32, #tpu.memory_space<hbm>> -> memref<10000x64xf32, #tpu.memory_space<hbm>>
    %dma_start3A_44 = tpu.memref_slice %arg10[%dma_start3A_34] : memref<2x!tpu.dma_semaphore, #tpu.memory_space<semaphore_mem>> -> memref<1x!tpu.dma_semaphore, #tpu.memory_space<semaphore_mem>>
    %dma_start3A_45 = tpu.memref_squeeze %dma_start3A_44 : memref<1x!tpu.dma_semaphore, #tpu.memory_space<semaphore_mem>> -> memref<!tpu.dma_semaphore, #tpu.memory_space<semaphore_mem>>
    tpu.enqueue_indirect_dma source(%dma_start3A_43 : memref<10000x64xf32, #tpu.memory_space<hbm>>) target(%dma_start3A_37 : memref<128x64xf32, #tpu.memory_space<vmem>>) offsets(%dma_start3A_40 : memref<128xi32, #tpu.memory_space<vmem>>) semaphore(%dma_start3A_45 : memref<!tpu.dma_semaphore, #tpu.memory_space<semaphore_mem>>)
    %scan3A = arith.constant 0 : i32
    %scan3A_46 = arith.constant 20 : i32
    %scan3A_47 = arith.addi %scan3A, %scan3A_46 : i32
    %scan3A_48 = arith.constant 1 : i32
    scf.for %scan3A_67 = %scan3A to %scan3A_47 step %scan3A_48  : i32 {
      %mul3A_68 = arith.constant 2 : i32
      %mul3A_69 = arith.muli %scan3A_67, %mul3A_68 : i32
      %add3A_70 = arith.constant 0 : i32
      %add3A_71 = arith.addi %add3A_70, %mul3A_69 : i32
      %add3A_72 = arith.constant 0 : i32
      %add3A_73 = arith.addi %add3A_71, %add3A_72 : i32
      %dma_wait3A_74 = arith.constant 0 : i32
      %dma_wait3A_75 = arith.constant 0 : i32
      %dma_wait3A_76 = arith.constant 0 : i32
      %dma_wait3A_77 = tpu.memref_slice %arg2[%dma_wait3A_75, %dma_wait3A_76] : memref<10000x64xf32, #tpu.memory_space<hbm>> -> memref<256x64xf32, #tpu.memory_space<hbm>>
      %dma_wait3A_78 = tpu.memref_slice %arg10[%dma_wait3A_74] : memref<2x!tpu.dma_semaphore, #tpu.memory_space<semaphore_mem>> -> memref<1x!tpu.dma_semaphore, #tpu.memory_space<semaphore_mem>>
      %dma_wait3A_79 = tpu.memref_squeeze %dma_wait3A_78 : memref<1x!tpu.dma_semaphore, #tpu.memory_space<semaphore_mem>> -> memref<!tpu.dma_semaphore, #tpu.memory_space<semaphore_mem>>
      %dma_wait3A_80 = arith.constant 0 : i32
      %dma_wait3A_81 = arith.constant 0 : i32
      %dma_wait3A_82 = tpu.memref_slice %arg2[%dma_wait3A_80, %dma_wait3A_81] : memref<10000x64xf32, #tpu.memory_space<hbm>> -> memref<256x64xf32, #tpu.memory_space<hbm>>
      tpu.wait_dma2 semaphore(%dma_wait3A_79 : memref<!tpu.dma_semaphore, #tpu.memory_space<semaphore_mem>>) src(%dma_wait3A_82 : memref<256x64xf32, #tpu.memory_space<hbm>>) dst(%arg6 : memref<256x64xf32, #tpu.memory_space<vmem>>)
      %add3A_83 = arith.constant 1 : i32
      %add3A_84 = arith.addi %add3A_73, %add3A_83 : i32
      %lt3A = arith.constant 40 : i32
      %lt3A_85 = arith.cmpi slt, %add3A_84, %lt3A : i32
      %convert_element_type3A = arith.extui %lt3A_85 : i1 to i32
      %cond3A = arith.constant 0 : i32
      %cond3A_86 = arith.cmpi ne, %convert_element_type3A, %cond3A : i32
      scf.if %cond3A_86 {
        %add3A_144 = arith.constant 1 : i32
        %add3A_145 = arith.addi %add3A_73, %add3A_144 : i32
        %mul3A_146 = arith.constant 2 : i32
        %mul3A_147 = arith.muli %add3A_145, %mul3A_146 : i32
        %add3A_148 = arith.constant 0 : i32
        %add3A_149 = arith.addi %mul3A_147, %add3A_148 : i32
        %dma_start3A_150 = arith.constant 1 : i32
        %dma_start3A_151 = arith.constant 0 : i32
        %dma_start3A_152 = arith.constant 0 : i32
        %dma_start3A_153 = tpu.memref_slice %arg7[%dma_start3A_151, %dma_start3A_152] : memref<256x64xf32, #tpu.memory_space<vmem>> -> memref<128x64xf32, #tpu.memory_space<vmem>>
        %dma_start3A_154 = arith.constant 0 : i32
        %dma_start3A_155 = tpu.memref_slice %arg5[%add3A_149, %dma_start3A_154] : memref<80x128xi32, #tpu.memory_space<vmem>> -> memref<1x128xi32, #tpu.memory_space<vmem>>
        %dma_start3A_156 = tpu.memref_squeeze %dma_start3A_155 : memref<1x128xi32, #tpu.memory_space<vmem>> -> memref<128xi32, #tpu.memory_space<vmem>>
        %dma_start3A_157 = arith.constant 0 : i32
        %dma_start3A_158 = arith.constant 0 : i32
        %dma_start3A_159 = tpu.memref_slice %arg2[%dma_start3A_157, %dma_start3A_158] : memref<10000x64xf32, #tpu.memory_space<hbm>> -> memref<10000x64xf32, #tpu.memory_space<hbm>>
        %dma_start3A_160 = tpu.memref_slice %arg10[%dma_start3A_150] : memref<2x!tpu.dma_semaphore, #tpu.memory_space<semaphore_mem>> -> memref<1x!tpu.dma_semaphore, #tpu.memory_space<semaphore_mem>>
        %dma_start3A_161 = tpu.memref_squeeze %dma_start3A_160 : memref<1x!tpu.dma_semaphore, #tpu.memory_space<semaphore_mem>> -> memref<!tpu.dma_semaphore, #tpu.memory_space<semaphore_mem>>
        tpu.enqueue_indirect_dma source(%dma_start3A_159 : memref<10000x64xf32, #tpu.memory_space<hbm>>) target(%dma_start3A_153 : memref<128x64xf32, #tpu.memory_space<vmem>>) offsets(%dma_start3A_156 : memref<128xi32, #tpu.memory_space<vmem>>) semaphore(%dma_start3A_161 : memref<!tpu.dma_semaphore, #tpu.memory_space<semaphore_mem>>)
        %mul3A_162 = arith.constant 2 : i32
        %mul3A_163 = arith.muli %add3A_145, %mul3A_162 : i32
        %add3A_164 = arith.constant 1 : i32
        %add3A_165 = arith.addi %mul3A_163, %add3A_164 : i32
        %dma_start3A_166 = arith.constant 1 : i32
        %dma_start3A_167 = arith.constant 128 : i32
        %dma_start3A_168 = arith.constant 0 : i32
        %dma_start3A_169 = tpu.memref_slice %arg7[%dma_start3A_167, %dma_start3A_168] : memref<256x64xf32, #tpu.memory_space<vmem>> -> memref<128x64xf32, #tpu.memory_space<vmem>>
        %dma_start3A_170 = arith.constant 0 : i32
        %dma_start3A_171 = tpu.memref_slice %arg5[%add3A_165, %dma_start3A_170] : memref<80x128xi32, #tpu.memory_space<vmem>> -> memref<1x128xi32, #tpu.memory_space<vmem>>
        %dma_start3A_172 = tpu.memref_squeeze %dma_start3A_171 : memref<1x128xi32, #tpu.memory_space<vmem>> -> memref<128xi32, #tpu.memory_space<vmem>>
        %dma_start3A_173 = arith.constant 0 : i32
        %dma_start3A_174 = arith.constant 0 : i32
        %dma_start3A_175 = tpu.memref_slice %arg2[%dma_start3A_173, %dma_start3A_174] : memref<10000x64xf32, #tpu.memory_space<hbm>> -> memref<10000x64xf32, #tpu.memory_space<hbm>>
        %dma_start3A_176 = tpu.memref_slice %arg10[%dma_start3A_166] : memref<2x!tpu.dma_semaphore, #tpu.memory_space<semaphore_mem>> -> memref<1x!tpu.dma_semaphore, #tpu.memory_space<semaphore_mem>>
        %dma_start3A_177 = tpu.memref_squeeze %dma_start3A_176 : memref<1x!tpu.dma_semaphore, #tpu.memory_space<semaphore_mem>> -> memref<!tpu.dma_semaphore, #tpu.memory_space<semaphore_mem>>
        tpu.enqueue_indirect_dma source(%dma_start3A_175 : memref<10000x64xf32, #tpu.memory_space<hbm>>) target(%dma_start3A_169 : memref<128x64xf32, #tpu.memory_space<vmem>>) offsets(%dma_start3A_172 : memref<128xi32, #tpu.memory_space<vmem>>) semaphore(%dma_start3A_177 : memref<!tpu.dma_semaphore, #tpu.memory_space<semaphore_mem>>)
      } else {
      }
      %ge3A = arith.constant 2 : i32
      %ge3A_87 = arith.cmpi sge, %add3A_73, %ge3A : i32
      %convert_element_type3A_88 = arith.extui %ge3A_87 : i1 to i32
      %cond3A_89 = arith.constant 0 : i32
      %cond3A_90 = arith.cmpi ne, %convert_element_type3A_88, %cond3A_89 : i32
      scf.if %cond3A_90 {
        %dma_wait3A_144 = arith.constant 0 : i32
        %dma_wait3A_145 = arith.constant 0 : i32
        %dma_wait3A_146 = arith.constant 0 : i32
        %dma_wait3A_147 = tpu.memref_slice %arg4[%dma_wait3A_145, %dma_wait3A_146] : memref<163840x128xf32, #tpu.memory_space<hbm>> -> memref<128x128xf32, #tpu.memory_space<hbm>>
        %dma_wait3A_148 = tpu.memref_slice %arg11[%dma_wait3A_144] : memref<2x!tpu.dma_semaphore, #tpu.memory_space<semaphore_mem>> -> memref<1x!tpu.dma_semaphore, #tpu.memory_space<semaphore_mem>>
        %dma_wait3A_149 = tpu.memref_squeeze %dma_wait3A_148 : memref<1x!tpu.dma_semaphore, #tpu.memory_space<semaphore_mem>> -> memref<!tpu.dma_semaphore, #tpu.memory_space<semaphore_mem>>
        %dma_wait3A_150 = arith.constant 0 : i32
        %dma_wait3A_151 = arith.constant 0 : i32
        %dma_wait3A_152 = tpu.memref_slice %arg4[%dma_wait3A_150, %dma_wait3A_151] : memref<163840x128xf32, #tpu.memory_space<hbm>> -> memref<128x128xf32, #tpu.memory_space<hbm>>
        tpu.wait_dma2 semaphore(%dma_wait3A_149 : memref<!tpu.dma_semaphore, #tpu.memory_space<semaphore_mem>>) src(%arg8 : memref<128x128xf32, #tpu.memory_space<vmem>>) dst(%dma_wait3A_152 : memref<128x128xf32, #tpu.memory_space<hbm>>)
      } else {
      }
      %scan3A_91 = arith.constant 0 : i32
      %scan3A_92 = arith.constant 128 : i32
      %scan3A_93 = arith.addi %scan3A_91, %scan3A_92 : i32
      %scan3A_94 = arith.constant 1 : i32
      scf.for %scan3A_144 = %scan3A_91 to %scan3A_93 step %scan3A_94  : i32 {
        %mul3A_145 = arith.constant 1 : i32
        %mul3A_146 = arith.muli %scan3A_144, %mul3A_145 : i32
        %add3A_147 = arith.constant 0 : i32
        %add3A_148 = arith.addi %add3A_147, %mul3A_146 : i32
        %mul3A_149 = arith.constant 2 : i32
        %mul3A_150 = arith.muli %mul3A_149, %add3A_148 : i32
        %add3A_151 = arith.constant 0 : i32
        %add3A_152 = arith.addi %mul3A_150, %add3A_151 : i32
        %get3A = arith.index_cast %add3A_152 : i32 to index
        %get3A_153 = arith.constant 0 : index
        %get3A_154 = tpu.vector_load %arg6[%get3A, %get3A_153] {strides = array<i32>} : memref<256x64xf32, #tpu.memory_space<vmem>>, vector<1x16xf32>,
        %get3A_155 = vector.shape_cast %get3A_154 : vector<1x16xf32> to vector<16xf32>
        %swap3A = arith.index_cast %add3A_148 : i32 to index
        %swap3A_156 = arith.constant 0 : index
        %swap3A_157 = tpu.vector_load %arg8[%swap3A, %swap3A_156] {strides = array<i32>} : memref<128x128xf32, #tpu.memory_space<vmem>>, vector<1x16xf32>,
        %swap3A_158 = vector.shape_cast %swap3A_157 : vector<1x16xf32> to vector<16xf32>
        %swap3A_159 = vector.shape_cast %get3A_155 : vector<16xf32> to vector<1x16xf32>
        tpu.vector_store %arg8[%swap3A, %swap3A_156], %swap3A_159 {strides = array<i32>} : memref<128x128xf32, #tpu.memory_space<vmem>>, vector<1x16xf32>,
        %mul3A_160 = arith.constant 2 : i32
        %mul3A_161 = arith.muli %mul3A_160, %add3A_148 : i32
        %add3A_162 = arith.constant 0 : i32
        %add3A_163 = arith.addi %mul3A_161, %add3A_162 : i32
        %get3A_164 = arith.index_cast %add3A_163 : i32 to index
        %get3A_165 = arith.constant 16 : index
        %get3A_166 = tpu.vector_load %arg6[%get3A_164, %get3A_165] {strides = array<i32>} : memref<256x64xf32, #tpu.memory_space<vmem>>, vector<1x16xf32>,
        %get3A_167 = vector.shape_cast %get3A_166 : vector<1x16xf32> to vector<16xf32>
        %swap3A_168 = arith.index_cast %add3A_148 : i32 to index
        %swap3A_169 = arith.constant 16 : index
        %swap3A_170 = tpu.vector_load %arg8[%swap3A_168, %swap3A_169] {strides = array<i32>} : memref<128x128xf32, #tpu.memory_space<vmem>>, vector<1x16xf32>,
        %swap3A_171 = vector.shape_cast %swap3A_170 : vector<1x16xf32> to vector<16xf32>
        %swap3A_172 = vector.shape_cast %get3A_167 : vector<16xf32> to vector<1x16xf32>
        tpu.vector_store %arg8[%swap3A_168, %swap3A_169], %swap3A_172 {strides = array<i32>} : memref<128x128xf32, #tpu.memory_space<vmem>>, vector<1x16xf32>,
        %mul3A_173 = arith.constant 2 : i32
        %mul3A_174 = arith.muli %mul3A_173, %add3A_148 : i32
        %add3A_175 = arith.constant 0 : i32
        %add3A_176 = arith.addi %mul3A_174, %add3A_175 : i32
        %get3A_177 = arith.index_cast %add3A_176 : i32 to index
        %get3A_178 = arith.constant 32 : index
        %get3A_179 = tpu.vector_load %arg6[%get3A_177, %get3A_178] {strides = array<i32>} : memref<256x64xf32, #tpu.memory_space<vmem>>, vector<1x16xf32>,
        %get3A_180 = vector.shape_cast %get3A_179 : vector<1x16xf32> to vector<16xf32>
        %swap3A_181 = arith.index_cast %add3A_148 : i32 to index
        %swap3A_182 = arith.constant 32 : index
        %swap3A_183 = tpu.vector_load %arg8[%swap3A_181, %swap3A_182] {strides = array<i32>} : memref<128x128xf32, #tpu.memory_space<vmem>>, vector<1x16xf32>,
        %swap3A_184 = vector.shape_cast %swap3A_183 : vector<1x16xf32> to vector<16xf32>
        %swap3A_185 = vector.shape_cast %get3A_180 : vector<16xf32> to vector<1x16xf32>
        tpu.vector_store %arg8[%swap3A_181, %swap3A_182], %swap3A_185 {strides = array<i32>} : memref<128x128xf32, #tpu.memory_space<vmem>>, vector<1x16xf32>,
        %mul3A_186 = arith.constant 2 : i32
        %mul3A_187 = arith.muli %mul3A_186, %add3A_148 : i32
        %add3A_188 = arith.constant 0 : i32
        %add3A_189 = arith.addi %mul3A_187, %add3A_188 : i32
        %get3A_190 = arith.index_cast %add3A_189 : i32 to index
        %get3A_191 = arith.constant 48 : index
        %get3A_192 = tpu.vector_load %arg6[%get3A_190, %get3A_191] {strides = array<i32>} : memref<256x64xf32, #tpu.memory_space<vmem>>, vector<1x16xf32>,
        %get3A_193 = vector.shape_cast %get3A_192 : vector<1x16xf32> to vector<16xf32>
        %swap3A_194 = arith.index_cast %add3A_148 : i32 to index
        %swap3A_195 = arith.constant 48 : index
        %swap3A_196 = tpu.vector_load %arg8[%swap3A_194, %swap3A_195] {strides = array<i32>} : memref<128x128xf32, #tpu.memory_space<vmem>>, vector<1x16xf32>,
        %swap3A_197 = vector.shape_cast %swap3A_196 : vector<1x16xf32> to vector<16xf32>
        %swap3A_198 = vector.shape_cast %get3A_193 : vector<16xf32> to vector<1x16xf32>
        tpu.vector_store %arg8[%swap3A_194, %swap3A_195], %swap3A_198 {strides = array<i32>} : memref<128x128xf32, #tpu.memory_space<vmem>>, vector<1x16xf32>,
        %mul3A_199 = arith.constant 2 : i32
        %mul3A_200 = arith.muli %mul3A_199, %add3A_148 : i32
        %add3A_201 = arith.constant 1 : i32
        %add3A_202 = arith.addi %mul3A_200, %add3A_201 : i32
        %get3A_203 = arith.index_cast %add3A_202 : i32 to index
        %get3A_204 = arith.constant 0 : index
        %get3A_205 = tpu.vector_load %arg6[%get3A_203, %get3A_204] {strides = array<i32>} : memref<256x64xf32, #tpu.memory_space<vmem>>, vector<1x16xf32>,
        %get3A_206 = vector.shape_cast %get3A_205 : vector<1x16xf32> to vector<16xf32>
        %swap3A_207 = arith.index_cast %add3A_148 : i32 to index
        %swap3A_208 = arith.constant 64 : index
        %swap3A_209 = tpu.vector_load %arg8[%swap3A_207, %swap3A_208] {strides = array<i32>} : memref<128x128xf32, #tpu.memory_space<vmem>>, vector<1x16xf32>,
        %swap3A_210 = vector.shape_cast %swap3A_209 : vector<1x16xf32> to vector<16xf32>
        %swap3A_211 = vector.shape_cast %get3A_206 : vector<16xf32> to vector<1x16xf32>
        tpu.vector_store %arg8[%swap3A_207, %swap3A_208], %swap3A_211 {strides = array<i32>} : memref<128x128xf32, #tpu.memory_space<vmem>>, vector<1x16xf32>,
        %mul3A_212 = arith.constant 2 : i32
        %mul3A_213 = arith.muli %mul3A_212, %add3A_148 : i32
        %add3A_214 = arith.constant 1 : i32
        %add3A_215 = arith.addi %mul3A_213, %add3A_214 : i32
        %get3A_216 = arith.index_cast %add3A_215 : i32 to index
        %get3A_217 = arith.constant 16 : index
        %get3A_218 = tpu.vector_load %arg6[%get3A_216, %get3A_217] {strides = array<i32>} : memref<256x64xf32, #tpu.memory_space<vmem>>, vector<1x16xf32>,
        %get3A_219 = vector.shape_cast %get3A_218 : vector<1x16xf32> to vector<16xf32>
        %swap3A_220 = arith.index_cast %add3A_148 : i32 to index
        %swap3A_221 = arith.constant 80 : index
        %swap3A_222 = tpu.vector_load %arg8[%swap3A_220, %swap3A_221] {strides = array<i32>} : memref<128x128xf32, #tpu.memory_space<vmem>>, vector<1x16xf32>,
        %swap3A_223 = vector.shape_cast %swap3A_222 : vector<1x16xf32> to vector<16xf32>
        %swap3A_224 = vector.shape_cast %get3A_219 : vector<16xf32> to vector<1x16xf32>
        tpu.vector_store %arg8[%swap3A_220, %swap3A_221], %swap3A_224 {strides = array<i32>} : memref<128x128xf32, #tpu.memory_space<vmem>>, vector<1x16xf32>,
        %mul3A_225 = arith.constant 2 : i32
        %mul3A_226 = arith.muli %mul3A_225, %add3A_148 : i32
        %add3A_227 = arith.constant 1 : i32
        %add3A_228 = arith.addi %mul3A_226, %add3A_227 : i32
        %get3A_229 = arith.index_cast %add3A_228 : i32 to index
        %get3A_230 = arith.constant 32 : index
        %get3A_231 = tpu.vector_load %arg6[%get3A_229, %get3A_230] {strides = array<i32>} : memref<256x64xf32, #tpu.memory_space<vmem>>, vector<1x16xf32>,
        %get3A_232 = vector.shape_cast %get3A_231 : vector<1x16xf32> to vector<16xf32>
        %swap3A_233 = arith.index_cast %add3A_148 : i32 to index
        %swap3A_234 = arith.constant 96 : index
        %swap3A_235 = tpu.vector_load %arg8[%swap3A_233, %swap3A_234] {strides = array<i32>} : memref<128x128xf32, #tpu.memory_space<vmem>>, vector<1x16xf32>,
        %swap3A_236 = vector.shape_cast %swap3A_235 : vector<1x16xf32> to vector<16xf32>
        %swap3A_237 = vector.shape_cast %get3A_232 : vector<16xf32> to vector<1x16xf32>
        tpu.vector_store %arg8[%swap3A_233, %swap3A_234], %swap3A_237 {strides = array<i32>} : memref<128x128xf32, #tpu.memory_space<vmem>>, vector<1x16xf32>,
        %mul3A_238 = arith.constant 2 : i32
        %mul3A_239 = arith.muli %mul3A_238, %add3A_148 : i32
        %add3A_240 = arith.constant 1 : i32
        %add3A_241 = arith.addi %mul3A_239, %add3A_240 : i32
        %get3A_242 = arith.index_cast %add3A_241 : i32 to index
        %get3A_243 = arith.constant 48 : index
        %get3A_244 = tpu.vector_load %arg6[%get3A_242, %get3A_243] {strides = array<i32>} : memref<256x64xf32, #tpu.memory_space<vmem>>, vector<1x16xf32>,
        %get3A_245 = vector.shape_cast %get3A_244 : vector<1x16xf32> to vector<16xf32>
        %swap3A_246 = arith.index_cast %add3A_148 : i32 to index
        %swap3A_247 = arith.constant 112 : index
        %swap3A_248 = tpu.vector_load %arg8[%swap3A_246, %swap3A_247] {strides = array<i32>} : memref<128x128xf32, #tpu.memory_space<vmem>>, vector<1x16xf32>,
        %swap3A_249 = vector.shape_cast %swap3A_248 : vector<1x16xf32> to vector<16xf32>
        %swap3A_250 = vector.shape_cast %get3A_245 : vector<16xf32> to vector<1x16xf32>
        tpu.vector_store %arg8[%swap3A_246, %swap3A_247], %swap3A_250 {strides = array<i32>} : memref<128x128xf32, #tpu.memory_space<vmem>>, vector<1x16xf32>,
      }
      %scan3A_95 = arith.constant 128 : i32
      %mul3A_96 = arith.constant 128 : i32
      %mul3A_97 = arith.muli %add3A_73, %mul3A_96 : i32
      %add3A_98 = arith.addi %select_n3A, %mul3A_97 : i32
      %dma_start3A_99 = arith.constant 0 : i32
      %dma_start3A_100 = arith.constant 0 : i32
      %dma_start3A_101 = tpu.memref_slice %arg4[%add3A_98, %dma_start3A_100] : memref<163840x128xf32, #tpu.memory_space<hbm>> -> memref<128x128xf32, #tpu.memory_space<hbm>>
      %dma_start3A_102 = tpu.memref_slice %arg11[%dma_start3A_99] : memref<2x!tpu.dma_semaphore, #tpu.memory_space<semaphore_mem>> -> memref<1x!tpu.dma_semaphore, #tpu.memory_space<semaphore_mem>>
      %dma_start3A_103 = tpu.memref_squeeze %dma_start3A_102 : memref<1x!tpu.dma_semaphore, #tpu.memory_space<semaphore_mem>> -> memref<!tpu.dma_semaphore, #tpu.memory_space<semaphore_mem>>
      %dma_start3A_104 = arith.constant 0 : i32
      %dma_start3A_105 = tpu.memref_slice %arg4[%add3A_98, %dma_start3A_104] : memref<163840x128xf32, #tpu.memory_space<hbm>> -> memref<128x128xf32, #tpu.memory_space<hbm>>
      tpu.enqueue_dma source(%arg8 : memref<128x128xf32, #tpu.memory_space<vmem>>) target(%dma_start3A_105 : memref<128x128xf32, #tpu.memory_space<hbm>>) target_semaphore(%dma_start3A_103 : memref<!tpu.dma_semaphore, #tpu.memory_space<semaphore_mem>>)
      %add3A_106 = arith.constant 1 : i32
      %add3A_107 = arith.addi %add3A_71, %add3A_106 : i32
      %dma_wait3A_108 = arith.constant 1 : i32
      %dma_wait3A_109 = arith.constant 0 : i32
      %dma_wait3A_110 = arith.constant 0 : i32
      %dma_wait3A_111 = tpu.memref_slice %arg2[%dma_wait3A_109, %dma_wait3A_110] : memref<10000x64xf32, #tpu.memory_space<hbm>> -> memref<256x64xf32, #tpu.memory_space<hbm>>
      %dma_wait3A_112 = tpu.memref_slice %arg10[%dma_wait3A_108] : memref<2x!tpu.dma_semaphore, #tpu.memory_space<semaphore_mem>> -> memref<1x!tpu.dma_semaphore, #tpu.memory_space<semaphore_mem>>
      %dma_wait3A_113 = tpu.memref_squeeze %dma_wait3A_112 : memref<1x!tpu.dma_semaphore, #tpu.memory_space<semaphore_mem>> -> memref<!tpu.dma_semaphore, #tpu.memory_space<semaphore_mem>>
      %dma_wait3A_114 = arith.constant 0 : i32
      %dma_wait3A_115 = arith.constant 0 : i32
      %dma_wait3A_116 = tpu.memref_slice %arg2[%dma_wait3A_114, %dma_wait3A_115] : memref<10000x64xf32, #tpu.memory_space<hbm>> -> memref<256x64xf32, #tpu.memory_space<hbm>>
      tpu.wait_dma2 semaphore(%dma_wait3A_113 : memref<!tpu.dma_semaphore, #tpu.memory_space<semaphore_mem>>) src(%dma_wait3A_116 : memref<256x64xf32, #tpu.memory_space<hbm>>) dst(%arg7 : memref<256x64xf32, #tpu.memory_space<vmem>>)
      %add3A_117 = arith.constant 1 : i32
      %add3A_118 = arith.addi %add3A_107, %add3A_117 : i32
      %lt3A_119 = arith.constant 40 : i32
      %lt3A_120 = arith.cmpi slt, %add3A_118, %lt3A_119 : i32
      %convert_element_type3A_121 = arith.extui %lt3A_120 : i1 to i32
      %cond3A_122 = arith.constant 0 : i32
      %cond3A_123 = arith.cmpi ne, %convert_element_type3A_121, %cond3A_122 : i32
      scf.if %cond3A_123 {
        %add3A_144 = arith.constant 1 : i32
        %add3A_145 = arith.addi %add3A_107, %add3A_144 : i32
        %mul3A_146 = arith.constant 2 : i32
        %mul3A_147 = arith.muli %add3A_145, %mul3A_146 : i32
        %add3A_148 = arith.constant 0 : i32
        %add3A_149 = arith.addi %mul3A_147, %add3A_148 : i32
        %dma_start3A_150 = arith.constant 0 : i32
        %dma_start3A_151 = arith.constant 0 : i32
        %dma_start3A_152 = arith.constant 0 : i32
        %dma_start3A_153 = tpu.memref_slice %arg6[%dma_start3A_151, %dma_start3A_152] : memref<256x64xf32, #tpu.memory_space<vmem>> -> memref<128x64xf32, #tpu.memory_space<vmem>>
        %dma_start3A_154 = arith.constant 0 : i32
        %dma_start3A_155 = tpu.memref_slice %arg5[%add3A_149, %dma_start3A_154] : memref<80x128xi32, #tpu.memory_space<vmem>> -> memref<1x128xi32, #tpu.memory_space<vmem>>
        %dma_start3A_156 = tpu.memref_squeeze %dma_start3A_155 : memref<1x128xi32, #tpu.memory_space<vmem>> -> memref<128xi32, #tpu.memory_space<vmem>>
        %dma_start3A_157 = arith.constant 0 : i32
        %dma_start3A_158 = arith.constant 0 : i32
        %dma_start3A_159 = tpu.memref_slice %arg2[%dma_start3A_157, %dma_start3A_158] : memref<10000x64xf32, #tpu.memory_space<hbm>> -> memref<10000x64xf32, #tpu.memory_space<hbm>>
        %dma_start3A_160 = tpu.memref_slice %arg10[%dma_start3A_150] : memref<2x!tpu.dma_semaphore, #tpu.memory_space<semaphore_mem>> -> memref<1x!tpu.dma_semaphore, #tpu.memory_space<semaphore_mem>>
        %dma_start3A_161 = tpu.memref_squeeze %dma_start3A_160 : memref<1x!tpu.dma_semaphore, #tpu.memory_space<semaphore_mem>> -> memref<!tpu.dma_semaphore, #tpu.memory_space<semaphore_mem>>
        tpu.enqueue_indirect_dma source(%dma_start3A_159 : memref<10000x64xf32, #tpu.memory_space<hbm>>) target(%dma_start3A_153 : memref<128x64xf32, #tpu.memory_space<vmem>>) offsets(%dma_start3A_156 : memref<128xi32, #tpu.memory_space<vmem>>) semaphore(%dma_start3A_161 : memref<!tpu.dma_semaphore, #tpu.memory_space<semaphore_mem>>)
        %mul3A_162 = arith.constant 2 : i32
        %mul3A_163 = arith.muli %add3A_145, %mul3A_162 : i32
        %add3A_164 = arith.constant 1 : i32
        %add3A_165 = arith.addi %mul3A_163, %add3A_164 : i32
        %dma_start3A_166 = arith.constant 0 : i32
        %dma_start3A_167 = arith.constant 128 : i32
        %dma_start3A_168 = arith.constant 0 : i32
        %dma_start3A_169 = tpu.memref_slice %arg6[%dma_start3A_167, %dma_start3A_168] : memref<256x64xf32, #tpu.memory_space<vmem>> -> memref<128x64xf32, #tpu.memory_space<vmem>>
        %dma_start3A_170 = arith.constant 0 : i32
        %dma_start3A_171 = tpu.memref_slice %arg5[%add3A_165, %dma_start3A_170] : memref<80x128xi32, #tpu.memory_space<vmem>> -> memref<1x128xi32, #tpu.memory_space<vmem>>
        %dma_start3A_172 = tpu.memref_squeeze %dma_start3A_171 : memref<1x128xi32, #tpu.memory_space<vmem>> -> memref<128xi32, #tpu.memory_space<vmem>>
        %dma_start3A_173 = arith.constant 0 : i32
        %dma_start3A_174 = arith.constant 0 : i32
        %dma_start3A_175 = tpu.memref_slice %arg2[%dma_start3A_173, %dma_start3A_174] : memref<10000x64xf32, #tpu.memory_space<hbm>> -> memref<10000x64xf32, #tpu.memory_space<hbm>>
        %dma_start3A_176 = tpu.memref_slice %arg10[%dma_start3A_166] : memref<2x!tpu.dma_semaphore, #tpu.memory_space<semaphore_mem>> -> memref<1x!tpu.dma_semaphore, #tpu.memory_space<semaphore_mem>>
        %dma_start3A_177 = tpu.memref_squeeze %dma_start3A_176 : memref<1x!tpu.dma_semaphore, #tpu.memory_space<semaphore_mem>> -> memref<!tpu.dma_semaphore, #tpu.memory_space<semaphore_mem>>
        tpu.enqueue_indirect_dma source(%dma_start3A_175 : memref<10000x64xf32, #tpu.memory_space<hbm>>) target(%dma_start3A_169 : memref<128x64xf32, #tpu.memory_space<vmem>>) offsets(%dma_start3A_172 : memref<128xi32, #tpu.memory_space<vmem>>) semaphore(%dma_start3A_177 : memref<!tpu.dma_semaphore, #tpu.memory_space<semaphore_mem>>)
      } else {
      }
      %ge3A_124 = arith.constant 2 : i32
      %ge3A_125 = arith.cmpi sge, %add3A_107, %ge3A_124 : i32
      %convert_element_type3A_126 = arith.extui %ge3A_125 : i1 to i32
      %cond3A_127 = arith.constant 0 : i32
      %cond3A_128 = arith.cmpi ne, %convert_element_type3A_126, %cond3A_127 : i32
      scf.if %cond3A_128 {
        %dma_wait3A_144 = arith.constant 1 : i32
        %dma_wait3A_145 = arith.constant 0 : i32
        %dma_wait3A_146 = arith.constant 0 : i32
        %dma_wait3A_147 = tpu.memref_slice %arg4[%dma_wait3A_145, %dma_wait3A_146] : memref<163840x128xf32, #tpu.memory_space<hbm>> -> memref<128x128xf32, #tpu.memory_space<hbm>>
        %dma_wait3A_148 = tpu.memref_slice %arg11[%dma_wait3A_144] : memref<2x!tpu.dma_semaphore, #tpu.memory_space<semaphore_mem>> -> memref<1x!tpu.dma_semaphore, #tpu.memory_space<semaphore_mem>>
        %dma_wait3A_149 = tpu.memref_squeeze %dma_wait3A_148 : memref<1x!tpu.dma_semaphore, #tpu.memory_space<semaphore_mem>> -> memref<!tpu.dma_semaphore, #tpu.memory_space<semaphore_mem>>
        %dma_wait3A_150 = arith.constant 0 : i32
        %dma_wait3A_151 = arith.constant 0 : i32
        %dma_wait3A_152 = tpu.memref_slice %arg4[%dma_wait3A_150, %dma_wait3A_151] : memref<163840x128xf32, #tpu.memory_space<hbm>> -> memref<128x128xf32, #tpu.memory_space<hbm>>
        tpu.wait_dma2 semaphore(%dma_wait3A_149 : memref<!tpu.dma_semaphore, #tpu.memory_space<semaphore_mem>>) src(%arg9 : memref<128x128xf32, #tpu.memory_space<vmem>>) dst(%dma_wait3A_152 : memref<128x128xf32, #tpu.memory_space<hbm>>)
      } else {
      }
      %scan3A_129 = arith.constant 0 : i32
      %scan3A_130 = arith.constant 128 : i32
      %scan3A_131 = arith.addi %scan3A_129, %scan3A_130 : i32
      %scan3A_132 = arith.constant 1 : i32
      scf.for %scan3A_144 = %scan3A_129 to %scan3A_131 step %scan3A_132  : i32 {
        %mul3A_145 = arith.constant 1 : i32
        %mul3A_146 = arith.muli %scan3A_144, %mul3A_145 : i32
        %add3A_147 = arith.constant 0 : i32
        %add3A_148 = arith.addi %add3A_147, %mul3A_146 : i32
        %mul3A_149 = arith.constant 2 : i32
        %mul3A_150 = arith.muli %mul3A_149, %add3A_148 : i32
        %add3A_151 = arith.constant 0 : i32
        %add3A_152 = arith.addi %mul3A_150, %add3A_151 : i32
        %get3A = arith.index_cast %add3A_152 : i32 to index
        %get3A_153 = arith.constant 0 : index
        %get3A_154 = tpu.vector_load %arg7[%get3A, %get3A_153] {strides = array<i32>} : memref<256x64xf32, #tpu.memory_space<vmem>>, vector<1x16xf32>,
        %get3A_155 = vector.shape_cast %get3A_154 : vector<1x16xf32> to vector<16xf32>
        %swap3A = arith.index_cast %add3A_148 : i32 to index
        %swap3A_156 = arith.constant 0 : index
        %swap3A_157 = tpu.vector_load %arg9[%swap3A, %swap3A_156] {strides = array<i32>} : memref<128x128xf32, #tpu.memory_space<vmem>>, vector<1x16xf32>,
        %swap3A_158 = vector.shape_cast %swap3A_157 : vector<1x16xf32> to vector<16xf32>
        %swap3A_159 = vector.shape_cast %get3A_155 : vector<16xf32> to vector<1x16xf32>
        tpu.vector_store %arg9[%swap3A, %swap3A_156], %swap3A_159 {strides = array<i32>} : memref<128x128xf32, #tpu.memory_space<vmem>>, vector<1x16xf32>,
        %mul3A_160 = arith.constant 2 : i32
        %mul3A_161 = arith.muli %mul3A_160, %add3A_148 : i32
        %add3A_162 = arith.constant 0 : i32
        %add3A_163 = arith.addi %mul3A_161, %add3A_162 : i32
        %get3A_164 = arith.index_cast %add3A_163 : i32 to index
        %get3A_165 = arith.constant 16 : index
        %get3A_166 = tpu.vector_load %arg7[%get3A_164, %get3A_165] {strides = array<i32>} : memref<256x64xf32, #tpu.memory_space<vmem>>, vector<1x16xf32>,
        %get3A_167 = vector.shape_cast %get3A_166 : vector<1x16xf32> to vector<16xf32>
        %swap3A_168 = arith.index_cast %add3A_148 : i32 to index
        %swap3A_169 = arith.constant 16 : index
        %swap3A_170 = tpu.vector_load %arg9[%swap3A_168, %swap3A_169] {strides = array<i32>} : memref<128x128xf32, #tpu.memory_space<vmem>>, vector<1x16xf32>,
        %swap3A_171 = vector.shape_cast %swap3A_170 : vector<1x16xf32> to vector<16xf32>
        %swap3A_172 = vector.shape_cast %get3A_167 : vector<16xf32> to vector<1x16xf32>
        tpu.vector_store %arg9[%swap3A_168, %swap3A_169], %swap3A_172 {strides = array<i32>} : memref<128x128xf32, #tpu.memory_space<vmem>>, vector<1x16xf32>,
        %mul3A_173 = arith.constant 2 : i32
        %mul3A_174 = arith.muli %mul3A_173, %add3A_148 : i32
        %add3A_175 = arith.constant 0 : i32
        %add3A_176 = arith.addi %mul3A_174, %add3A_175 : i32
        %get3A_177 = arith.index_cast %add3A_176 : i32 to index
        %get3A_178 = arith.constant 32 : index
        %get3A_179 = tpu.vector_load %arg7[%get3A_177, %get3A_178] {strides = array<i32>} : memref<256x64xf32, #tpu.memory_space<vmem>>, vector<1x16xf32>,
        %get3A_180 = vector.shape_cast %get3A_179 : vector<1x16xf32> to vector<16xf32>
        %swap3A_181 = arith.index_cast %add3A_148 : i32 to index
        %swap3A_182 = arith.constant 32 : index
        %swap3A_183 = tpu.vector_load %arg9[%swap3A_181, %swap3A_182] {strides = array<i32>} : memref<128x128xf32, #tpu.memory_space<vmem>>, vector<1x16xf32>,
        %swap3A_184 = vector.shape_cast %swap3A_183 : vector<1x16xf32> to vector<16xf32>
        %swap3A_185 = vector.shape_cast %get3A_180 : vector<16xf32> to vector<1x16xf32>
        tpu.vector_store %arg9[%swap3A_181, %swap3A_182], %swap3A_185 {strides = array<i32>} : memref<128x128xf32, #tpu.memory_space<vmem>>, vector<1x16xf32>,
        %mul3A_186 = arith.constant 2 : i32
        %mul3A_187 = arith.muli %mul3A_186, %add3A_148 : i32
        %add3A_188 = arith.constant 0 : i32
        %add3A_189 = arith.addi %mul3A_187, %add3A_188 : i32
        %get3A_190 = arith.index_cast %add3A_189 : i32 to index
        %get3A_191 = arith.constant 48 : index
        %get3A_192 = tpu.vector_load %arg7[%get3A_190, %get3A_191] {strides = array<i32>} : memref<256x64xf32, #tpu.memory_space<vmem>>, vector<1x16xf32>,
        %get3A_193 = vector.shape_cast %get3A_192 : vector<1x16xf32> to vector<16xf32>
        %swap3A_194 = arith.index_cast %add3A_148 : i32 to index
        %swap3A_195 = arith.constant 48 : index
        %swap3A_196 = tpu.vector_load %arg9[%swap3A_194, %swap3A_195] {strides = array<i32>} : memref<128x128xf32, #tpu.memory_space<vmem>>, vector<1x16xf32>,
        %swap3A_197 = vector.shape_cast %swap3A_196 : vector<1x16xf32> to vector<16xf32>
        %swap3A_198 = vector.shape_cast %get3A_193 : vector<16xf32> to vector<1x16xf32>
        tpu.vector_store %arg9[%swap3A_194, %swap3A_195], %swap3A_198 {strides = array<i32>} : memref<128x128xf32, #tpu.memory_space<vmem>>, vector<1x16xf32>,
        %mul3A_199 = arith.constant 2 : i32
        %mul3A_200 = arith.muli %mul3A_199, %add3A_148 : i32
        %add3A_201 = arith.constant 1 : i32
        %add3A_202 = arith.addi %mul3A_200, %add3A_201 : i32
        %get3A_203 = arith.index_cast %add3A_202 : i32 to index
        %get3A_204 = arith.constant 0 : index
        %get3A_205 = tpu.vector_load %arg7[%get3A_203, %get3A_204] {strides = array<i32>} : memref<256x64xf32, #tpu.memory_space<vmem>>, vector<1x16xf32>,
        %get3A_206 = vector.shape_cast %get3A_205 : vector<1x16xf32> to vector<16xf32>
        %swap3A_207 = arith.index_cast %add3A_148 : i32 to index
        %swap3A_208 = arith.constant 64 : index
        %swap3A_209 = tpu.vector_load %arg9[%swap3A_207, %swap3A_208] {strides = array<i32>} : memref<128x128xf32, #tpu.memory_space<vmem>>, vector<1x16xf32>,
        %swap3A_210 = vector.shape_cast %swap3A_209 : vector<1x16xf32> to vector<16xf32>
        %swap3A_211 = vector.shape_cast %get3A_206 : vector<16xf32> to vector<1x16xf32>
        tpu.vector_store %arg9[%swap3A_207, %swap3A_208], %swap3A_211 {strides = array<i32>} : memref<128x128xf32, #tpu.memory_space<vmem>>, vector<1x16xf32>,
        %mul3A_212 = arith.constant 2 : i32
        %mul3A_213 = arith.muli %mul3A_212, %add3A_148 : i32
        %add3A_214 = arith.constant 1 : i32
        %add3A_215 = arith.addi %mul3A_213, %add3A_214 : i32
        %get3A_216 = arith.index_cast %add3A_215 : i32 to index
        %get3A_217 = arith.constant 16 : index
        %get3A_218 = tpu.vector_load %arg7[%get3A_216, %get3A_217] {strides = array<i32>} : memref<256x64xf32, #tpu.memory_space<vmem>>, vector<1x16xf32>,
        %get3A_219 = vector.shape_cast %get3A_218 : vector<1x16xf32> to vector<16xf32>
        %swap3A_220 = arith.index_cast %add3A_148 : i32 to index
        %swap3A_221 = arith.constant 80 : index
        %swap3A_222 = tpu.vector_load %arg9[%swap3A_220, %swap3A_221] {strides = array<i32>} : memref<128x128xf32, #tpu.memory_space<vmem>>, vector<1x16xf32>,
        %swap3A_223 = vector.shape_cast %swap3A_222 : vector<1x16xf32> to vector<16xf32>
        %swap3A_224 = vector.shape_cast %get3A_219 : vector<16xf32> to vector<1x16xf32>
        tpu.vector_store %arg9[%swap3A_220, %swap3A_221], %swap3A_224 {strides = array<i32>} : memref<128x128xf32, #tpu.memory_space<vmem>>, vector<1x16xf32>,
        %mul3A_225 = arith.constant 2 : i32
        %mul3A_226 = arith.muli %mul3A_225, %add3A_148 : i32
        %add3A_227 = arith.constant 1 : i32
        %add3A_228 = arith.addi %mul3A_226, %add3A_227 : i32
        %get3A_229 = arith.index_cast %add3A_228 : i32 to index
        %get3A_230 = arith.constant 32 : index
        %get3A_231 = tpu.vector_load %arg7[%get3A_229, %get3A_230] {strides = array<i32>} : memref<256x64xf32, #tpu.memory_space<vmem>>, vector<1x16xf32>,
        %get3A_232 = vector.shape_cast %get3A_231 : vector<1x16xf32> to vector<16xf32>
        %swap3A_233 = arith.index_cast %add3A_148 : i32 to index
        %swap3A_234 = arith.constant 96 : index
        %swap3A_235 = tpu.vector_load %arg9[%swap3A_233, %swap3A_234] {strides = array<i32>} : memref<128x128xf32, #tpu.memory_space<vmem>>, vector<1x16xf32>,
        %swap3A_236 = vector.shape_cast %swap3A_235 : vector<1x16xf32> to vector<16xf32>
        %swap3A_237 = vector.shape_cast %get3A_232 : vector<16xf32> to vector<1x16xf32>
        tpu.vector_store %arg9[%swap3A_233, %swap3A_234], %swap3A_237 {strides = array<i32>} : memref<128x128xf32, #tpu.memory_space<vmem>>, vector<1x16xf32>,
        %mul3A_238 = arith.constant 2 : i32
        %mul3A_239 = arith.muli %mul3A_238, %add3A_148 : i32
        %add3A_240 = arith.constant 1 : i32
        %add3A_241 = arith.addi %mul3A_239, %add3A_240 : i32
        %get3A_242 = arith.index_cast %add3A_241 : i32 to index
        %get3A_243 = arith.constant 48 : index
        %get3A_244 = tpu.vector_load %arg7[%get3A_242, %get3A_243] {strides = array<i32>} : memref<256x64xf32, #tpu.memory_space<vmem>>, vector<1x16xf32>,
        %get3A_245 = vector.shape_cast %get3A_244 : vector<1x16xf32> to vector<16xf32>
        %swap3A_246 = arith.index_cast %add3A_148 : i32 to index
        %swap3A_247 = arith.constant 112 : index
        %swap3A_248 = tpu.vector_load %arg9[%swap3A_246, %swap3A_247] {strides = array<i32>} : memref<128x128xf32, #tpu.memory_space<vmem>>, vector<1x16xf32>,
        %swap3A_249 = vector.shape_cast %swap3A_248 : vector<1x16xf32> to vector<16xf32>
        %swap3A_250 = vector.shape_cast %get3A_245 : vector<16xf32> to vector<1x16xf32>
        tpu.vector_store %arg9[%swap3A_246, %swap3A_247], %swap3A_250 {strides = array<i32>} : memref<128x128xf32, #tpu.memory_space<vmem>>, vector<1x16xf32>,
      }
      %scan3A_133 = arith.constant 128 : i32
      %mul3A_134 = arith.constant 128 : i32
      %mul3A_135 = arith.muli %add3A_107, %mul3A_134 : i32
      %add3A_136 = arith.addi %select_n3A, %mul3A_135 : i32
      %dma_start3A_137 = arith.constant 1 : i32
      %dma_start3A_138 = arith.constant 0 : i32
      %dma_start3A_139 = tpu.memref_slice %arg4[%add3A_136, %dma_start3A_138] : memref<163840x128xf32, #tpu.memory_space<hbm>> -> memref<128x128xf32, #tpu.memory_space<hbm>>
      %dma_start3A_140 = tpu.memref_slice %arg11[%dma_start3A_137] : memref<2x!tpu.dma_semaphore, #tpu.memory_space<semaphore_mem>> -> memref<1x!tpu.dma_semaphore, #tpu.memory_space<semaphore_mem>>
      %dma_start3A_141 = tpu.memref_squeeze %dma_start3A_140 : memref<1x!tpu.dma_semaphore, #tpu.memory_space<semaphore_mem>> -> memref<!tpu.dma_semaphore, #tpu.memory_space<semaphore_mem>>
      %dma_start3A_142 = arith.constant 0 : i32
      %dma_start3A_143 = tpu.memref_slice %arg4[%add3A_136, %dma_start3A_142] : memref<163840x128xf32, #tpu.memory_space<hbm>> -> memref<128x128xf32, #tpu.memory_space<hbm>>
      tpu.enqueue_dma source(%arg9 : memref<128x128xf32, #tpu.memory_space<vmem>>) target(%dma_start3A_143 : memref<128x128xf32, #tpu.memory_space<hbm>>) target_semaphore(%dma_start3A_141 : memref<!tpu.dma_semaphore, #tpu.memory_space<semaphore_mem>>)
    }
    %scan3A_49 = arith.constant 20 : i32
    %dma_wait3A = arith.constant 0 : i32
    %dma_wait3A_50 = arith.constant 0 : i32
    %dma_wait3A_51 = arith.constant 0 : i32
    %dma_wait3A_52 = tpu.memref_slice %arg4[%dma_wait3A_50, %dma_wait3A_51] : memref<163840x128xf32, #tpu.memory_space<hbm>> -> memref<128x128xf32, #tpu.memory_space<hbm>>
    %dma_wait3A_53 = tpu.memref_slice %arg11[%dma_wait3A] : memref<2x!tpu.dma_semaphore, #tpu.memory_space<semaphore_mem>> -> memref<1x!tpu.dma_semaphore, #tpu.memory_space<semaphore_mem>>
    %dma_wait3A_54 = tpu.memref_squeeze %dma_wait3A_53 : memref<1x!tpu.dma_semaphore, #tpu.memory_space<semaphore_mem>> -> memref<!tpu.dma_semaphore, #tpu.memory_space<semaphore_mem>>
    %dma_wait3A_55 = arith.constant 0 : i32
    %dma_wait3A_56 = arith.constant 0 : i32
    %dma_wait3A_57 = tpu.memref_slice %arg4[%dma_wait3A_55, %dma_wait3A_56] : memref<163840x128xf32, #tpu.memory_space<hbm>> -> memref<128x128xf32, #tpu.memory_space<hbm>>
    tpu.wait_dma2 semaphore(%dma_wait3A_54 : memref<!tpu.dma_semaphore, #tpu.memory_space<semaphore_mem>>) src(%arg8 : memref<128x128xf32, #tpu.memory_space<vmem>>) dst(%dma_wait3A_57 : memref<128x128xf32, #tpu.memory_space<hbm>>)
    %dma_wait3A_58 = arith.constant 1 : i32
    %dma_wait3A_59 = arith.constant 0 : i32
    %dma_wait3A_60 = arith.constant 0 : i32
    %dma_wait3A_61 = tpu.memref_slice %arg4[%dma_wait3A_59, %dma_wait3A_60] : memref<163840x128xf32, #tpu.memory_space<hbm>> -> memref<128x128xf32, #tpu.memory_space<hbm>>
    %dma_wait3A_62 = tpu.memref_slice %arg11[%dma_wait3A_58] : memref<2x!tpu.dma_semaphore, #tpu.memory_space<semaphore_mem>> -> memref<1x!tpu.dma_semaphore, #tpu.memory_space<semaphore_mem>>
    %dma_wait3A_63 = tpu.memref_squeeze %dma_wait3A_62 : memref<1x!tpu.dma_semaphore, #tpu.memory_space<semaphore_mem>> -> memref<!tpu.dma_semaphore, #tpu.memory_space<semaphore_mem>>
    %dma_wait3A_64 = arith.constant 0 : i32
    %dma_wait3A_65 = arith.constant 0 : i32
    %dma_wait3A_66 = tpu.memref_slice %arg4[%dma_wait3A_64, %dma_wait3A_65] : memref<163840x128xf32, #tpu.memory_space<hbm>> -> memref<128x128xf32, #tpu.memory_space<hbm>>
    tpu.wait_dma2 semaphore(%dma_wait3A_63 : memref<!tpu.dma_semaphore, #tpu.memory_space<semaphore_mem>>) src(%arg9 : memref<128x128xf32, #tpu.memory_space<vmem>>) dst(%dma_wait3A_66 : memref<128x128xf32, #tpu.memory_space<hbm>>)
    return
  }
}

#map = affine_map<(d0, d1) -> (0, 0)>
#map1 = affine_map<(d0, d1) -> (0, 0, 0)>
module attributes {stable_mosaic.version = 14 : i64} {
  func.func @scatter_k(%arg0: i32, %arg1: i32, %arg2: memref<81920x128xf32, #tpu.memory_space<hbm>>, %arg3: memref<32x40x128xi32, #tpu.memory_space<hbm>>, %arg4: memref<10016x64xf32, #tpu.memory_space<hbm>>, %arg5: memref<2x10016x64xf32, #tpu.memory_space<hbm>>, %arg6: memref<40x128xi32, #tpu.memory_space<vmem>>, %arg7: memref<128x128xf32, #tpu.memory_space<vmem>>, %arg8: memref<128x128xf32, #tpu.memory_space<vmem>>, %arg9: memref<256x64xf32, #tpu.memory_space<vmem>>, %arg10: memref<10016x64xf32, #tpu.memory_space<vmem_shared>>, %arg11: memref<2x!tpu.dma_semaphore, #tpu.memory_space<semaphore_mem>>) attributes {dimension_semantics = [#tpu.dimension_semantics<core_parallel>, #tpu.dimension_semantics<subcore_parallel>], iteration_bounds = array<i64: 2, 16>, scalar_prefetch = 0 : i64, scratch_operands = 6 : i64, tpu.core_type = #tpu.core_type<sc_vector_subcore>, window_params = [{transform_indices = #map}, {transform_indices = #map1}, {transform_indices = #map}, {transform_indices = #map1}]} {
    %mul3A = arith.constant 2 : i32
    %mul3A_0 = arith.muli %arg1, %mul3A : i32
    %add3A = arith.addi %mul3A_0, %arg0 : i32
    %mul3A_1 = arith.constant 626 : i32
    %mul3A_2 = arith.muli %arg1, %mul3A_1 : i32
    %mul3A_3 = arith.constant 626 : i32
    %mul3A_4 = arith.muli %arg1, %mul3A_3 : i32
    "tpu.region"() ({
      %run_scoped3A = tpu.sem_alloc : memref<!tpu.dma_semaphore, #tpu.memory_space<semaphore_mem>>
      %dma_start3A_40 = arith.constant 0 : i32
      %dma_start3A_41 = tpu.memref_slice %arg10[%mul3A_4, %dma_start3A_40] : memref<10016x64xf32, #tpu.memory_space<vmem_shared>> -> memref<626x64xf32, #tpu.memory_space<vmem_shared>>
      %dma_start3A_42 = arith.constant 0 : i32
      %dma_start3A_43 = tpu.memref_slice %arg4[%mul3A_2, %dma_start3A_42] : memref<10016x64xf32, #tpu.memory_space<hbm>> -> memref<626x64xf32, #tpu.memory_space<hbm>>
      tpu.enqueue_dma source(%dma_start3A_43 : memref<626x64xf32, #tpu.memory_space<hbm>>) target(%dma_start3A_41 : memref<626x64xf32, #tpu.memory_space<vmem_shared>>) target_semaphore(%run_scoped3A : memref<!tpu.dma_semaphore, #tpu.memory_space<semaphore_mem>>)
      %dma_wait3A = arith.constant 0 : i32
      %dma_wait3A_44 = tpu.memref_slice %arg10[%mul3A_4, %dma_wait3A] : memref<10016x64xf32, #tpu.memory_space<vmem_shared>> -> memref<626x64xf32, #tpu.memory_space<vmem_shared>>
      %dma_wait3A_45 = arith.constant 0 : i32
      %dma_wait3A_46 = tpu.memref_slice %arg4[%mul3A_2, %dma_wait3A_45] : memref<10016x64xf32, #tpu.memory_space<hbm>> -> memref<626x64xf32, #tpu.memory_space<hbm>>
      tpu.wait_dma2 semaphore(%run_scoped3A : memref<!tpu.dma_semaphore, #tpu.memory_space<semaphore_mem>>) src(%dma_wait3A_46 : memref<626x64xf32, #tpu.memory_space<hbm>>) dst(%dma_wait3A_44 : memref<626x64xf32, #tpu.memory_space<vmem_shared>>)
      tpu.yield
    }) : () -> ()
    "tpu.region"() ({
      %run_scoped3A = tpu.sem_alloc : memref<!tpu.dma_semaphore, #tpu.memory_space<semaphore_mem>>
      %dma_start3A_40 = arith.constant 0 : i32
      %dma_start3A_41 = arith.constant 0 : i32
      %dma_start3A_42 = tpu.memref_slice %arg3[%add3A, %dma_start3A_40, %dma_start3A_41] : memref<32x40x128xi32, #tpu.memory_space<hbm>> -> memref<1x40x128xi32, #tpu.memory_space<hbm>>
      %dma_start3A_43 = tpu.memref_squeeze %dma_start3A_42 : memref<1x40x128xi32, #tpu.memory_space<hbm>> -> memref<40x128xi32, #tpu.memory_space<hbm>>
      %dma_start3A_44 = arith.constant 0 : i32
      %dma_start3A_45 = arith.constant 0 : i32
      %dma_start3A_46 = tpu.memref_slice %arg3[%add3A, %dma_start3A_44, %dma_start3A_45] : memref<32x40x128xi32, #tpu.memory_space<hbm>> -> memref<1x40x128xi32, #tpu.memory_space<hbm>>
      %dma_start3A_47 = tpu.memref_squeeze %dma_start3A_46 : memref<1x40x128xi32, #tpu.memory_space<hbm>> -> memref<40x128xi32, #tpu.memory_space<hbm>>
      tpu.enqueue_dma source(%dma_start3A_47 : memref<40x128xi32, #tpu.memory_space<hbm>>) target(%arg6 : memref<40x128xi32, #tpu.memory_space<vmem>>) target_semaphore(%run_scoped3A : memref<!tpu.dma_semaphore, #tpu.memory_space<semaphore_mem>>)
      %dma_wait3A = arith.constant 0 : i32
      %dma_wait3A_48 = arith.constant 0 : i32
      %dma_wait3A_49 = tpu.memref_slice %arg3[%add3A, %dma_wait3A, %dma_wait3A_48] : memref<32x40x128xi32, #tpu.memory_space<hbm>> -> memref<1x40x128xi32, #tpu.memory_space<hbm>>
      %dma_wait3A_50 = tpu.memref_squeeze %dma_wait3A_49 : memref<1x40x128xi32, #tpu.memory_space<hbm>> -> memref<40x128xi32, #tpu.memory_space<hbm>>
      %dma_wait3A_51 = arith.constant 0 : i32
      %dma_wait3A_52 = arith.constant 0 : i32
      %dma_wait3A_53 = tpu.memref_slice %arg3[%add3A, %dma_wait3A_51, %dma_wait3A_52] : memref<32x40x128xi32, #tpu.memory_space<hbm>> -> memref<1x40x128xi32, #tpu.memory_space<hbm>>
      %dma_wait3A_54 = tpu.memref_squeeze %dma_wait3A_53 : memref<1x40x128xi32, #tpu.memory_space<hbm>> -> memref<40x128xi32, #tpu.memory_space<hbm>>
      tpu.wait_dma2 semaphore(%run_scoped3A : memref<!tpu.dma_semaphore, #tpu.memory_space<semaphore_mem>>) src(%dma_wait3A_54 : memref<40x128xi32, #tpu.memory_space<hbm>>) dst(%arg6 : memref<40x128xi32, #tpu.memory_space<vmem>>)
      tpu.yield
    }) : () -> ()
    %barrier3A = arith.constant 0 : index
    tpu.barrier barrier_id(%barrier3A)
    %mul3A_5 = arith.constant 5120 : i32
    %mul3A_6 = arith.muli %add3A, %mul3A_5 : i32
    %jit3A = arith.constant 2 : i32
    %div3A = arith.divsi %mul3A_6, %jit3A : i32
    %sign3A = arith.constant 0 : i32
    %sign3A_7 = arith.cmpi sgt, %mul3A_6, %sign3A : i32
    %sign3A_8 = arith.extui %sign3A_7 : i1 to i32
    %sign3A_9 = arith.constant 0 : i32
    %sign3A_10 = arith.cmpi slt, %mul3A_6, %sign3A_9 : i32
    %sign3A_11 = arith.extui %sign3A_10 : i1 to i32
    %sign3A_12 = arith.subi %sign3A_8, %sign3A_11 : i32
    %sign3A_13 = arith.constant 0 : i32
    %sign3A_14 = arith.cmpi sgt, %jit3A, %sign3A_13 : i32
    %sign3A_15 = arith.extui %sign3A_14 : i1 to i32
    %sign3A_16 = arith.constant 0 : i32
    %sign3A_17 = arith.cmpi slt, %jit3A, %sign3A_16 : i32
    %sign3A_18 = arith.extui %sign3A_17 : i1 to i32
    %sign3A_19 = arith.subi %sign3A_15, %sign3A_18 : i32
    %ne3A = arith.cmpi ne, %sign3A_12, %sign3A_19 : i32
    %rem3A = arith.remsi %mul3A_6, %jit3A : i32
    %ne3A_20 = arith.constant 0 : i32
    %ne3A_21 = arith.cmpi ne, %rem3A, %ne3A_20 : i32
    %and3A = arith.andi %ne3A, %ne3A_21 : i1
    %sub3A = arith.constant 1 : i32
    %sub3A_22 = arith.subi %div3A, %sub3A : i32
    %select_n3A = arith.select %and3A, %sub3A_22, %div3A : i32
    %add3A_23 = arith.constant 0 : i32
    %add3A_24 = arith.addi %select_n3A, %add3A_23 : i32
    %dma_start3A = arith.constant 0 : i32
    %dma_start3A_25 = arith.constant 0 : i32
    %dma_start3A_26 = tpu.memref_slice %arg2[%add3A_24, %dma_start3A_25] : memref<81920x128xf32, #tpu.memory_space<hbm>> -> memref<128x128xf32, #tpu.memory_space<hbm>>
    %dma_start3A_27 = tpu.memref_slice %arg11[%dma_start3A] : memref<2x!tpu.dma_semaphore, #tpu.memory_space<semaphore_mem>> -> memref<1x!tpu.dma_semaphore, #tpu.memory_space<semaphore_mem>>
    %dma_start3A_28 = tpu.memref_squeeze %dma_start3A_27 : memref<1x!tpu.dma_semaphore, #tpu.memory_space<semaphore_mem>> -> memref<!tpu.dma_semaphore, #tpu.memory_space<semaphore_mem>>
    %dma_start3A_29 = arith.constant 0 : i32
    %dma_start3A_30 = tpu.memref_slice %arg2[%add3A_24, %dma_start3A_29] : memref<81920x128xf32, #tpu.memory_space<hbm>> -> memref<128x128xf32, #tpu.memory_space<hbm>>
    tpu.enqueue_dma source(%dma_start3A_30 : memref<128x128xf32, #tpu.memory_space<hbm>>) target(%arg7 : memref<128x128xf32, #tpu.memory_space<vmem>>) target_semaphore(%dma_start3A_28 : memref<!tpu.dma_semaphore, #tpu.memory_space<semaphore_mem>>)
    %scan3A = arith.constant 0 : i32
    %scan3A_31 = arith.constant 10 : i32
    %scan3A_32 = arith.addi %scan3A, %scan3A_31 : i32
    %scan3A_33 = arith.constant 1 : i32
    scf.for %scan3A_40 = %scan3A to %scan3A_32 step %scan3A_33  : i32 {
      %mul3A_41 = arith.constant 2 : i32
      %mul3A_42 = arith.muli %scan3A_40, %mul3A_41 : i32
      %add3A_43 = arith.constant 0 : i32
      %add3A_44 = arith.addi %add3A_43, %mul3A_42 : i32
      %add3A_45 = arith.constant 0 : i32
      %add3A_46 = arith.addi %add3A_44, %add3A_45 : i32
      %dma_wait3A = arith.constant 0 : i32
      %dma_wait3A_47 = arith.constant 0 : i32
      %dma_wait3A_48 = arith.constant 0 : i32
      %dma_wait3A_49 = tpu.memref_slice %arg2[%dma_wait3A_47, %dma_wait3A_48] : memref<81920x128xf32, #tpu.memory_space<hbm>> -> memref<128x128xf32, #tpu.memory_space<hbm>>
      %dma_wait3A_50 = tpu.memref_slice %arg11[%dma_wait3A] : memref<2x!tpu.dma_semaphore, #tpu.memory_space<semaphore_mem>> -> memref<1x!tpu.dma_semaphore, #tpu.memory_space<semaphore_mem>>
      %dma_wait3A_51 = tpu.memref_squeeze %dma_wait3A_50 : memref<1x!tpu.dma_semaphore, #tpu.memory_space<semaphore_mem>> -> memref<!tpu.dma_semaphore, #tpu.memory_space<semaphore_mem>>
      %dma_wait3A_52 = arith.constant 0 : i32
      %dma_wait3A_53 = arith.constant 0 : i32
      %dma_wait3A_54 = tpu.memref_slice %arg2[%dma_wait3A_52, %dma_wait3A_53] : memref<81920x128xf32, #tpu.memory_space<hbm>> -> memref<128x128xf32, #tpu.memory_space<hbm>>
      tpu.wait_dma2 semaphore(%dma_wait3A_51 : memref<!tpu.dma_semaphore, #tpu.memory_space<semaphore_mem>>) src(%dma_wait3A_54 : memref<128x128xf32, #tpu.memory_space<hbm>>) dst(%arg7 : memref<128x128xf32, #tpu.memory_space<vmem>>)
      %add3A_55 = arith.constant 1 : i32
      %add3A_56 = arith.addi %add3A_46, %add3A_55 : i32
      %lt3A = arith.constant 20 : i32
      %lt3A_57 = arith.cmpi slt, %add3A_56, %lt3A : i32
      %convert_element_type3A = arith.extui %lt3A_57 : i1 to i32
      %cond3A = arith.constant 0 : i32
      %cond3A_58 = arith.cmpi ne, %convert_element_type3A, %cond3A : i32
      scf.if %cond3A_58 {
        %add3A_103 = arith.constant 1 : i32
        %add3A_104 = arith.addi %add3A_46, %add3A_103 : i32
        %mul3A_105 = arith.constant 128 : i32
        %mul3A_106 = arith.muli %add3A_104, %mul3A_105 : i32
        %add3A_107 = arith.addi %select_n3A, %mul3A_106 : i32
        %dma_start3A_108 = arith.constant 1 : i32
        %dma_start3A_109 = arith.constant 0 : i32
        %dma_start3A_110 = tpu.memref_slice %arg2[%add3A_107, %dma_start3A_109] : memref<81920x128xf32, #tpu.memory_space<hbm>> -> memref<128x128xf32, #tpu.memory_space<hbm>>
        %dma_start3A_111 = tpu.memref_slice %arg11[%dma_start3A_108] : memref<2x!tpu.dma_semaphore, #tpu.memory_space<semaphore_mem>> -> memref<1x!tpu.dma_semaphore, #tpu.memory_space<semaphore_mem>>
        %dma_start3A_112 = tpu.memref_squeeze %dma_start3A_111 : memref<1x!tpu.dma_semaphore, #tpu.memory_space<semaphore_mem>> -> memref<!tpu.dma_semaphore, #tpu.memory_space<semaphore_mem>>
        %dma_start3A_113 = arith.constant 0 : i32
        %dma_start3A_114 = tpu.memref_slice %arg2[%add3A_107, %dma_start3A_113] : memref<81920x128xf32, #tpu.memory_space<hbm>> -> memref<128x128xf32, #tpu.memory_space<hbm>>
        tpu.enqueue_dma source(%dma_start3A_114 : memref<128x128xf32, #tpu.memory_space<hbm>>) target(%arg8 : memref<128x128xf32, #tpu.memory_space<vmem>>) target_semaphore(%dma_start3A_112 : memref<!tpu.dma_semaphore, #tpu.memory_space<semaphore_mem>>)
      } else {
      }
      %scan3A_59 = arith.constant 0 : i32
      %scan3A_60 = arith.constant 128 : i32
      %scan3A_61 = arith.addi %scan3A_59, %scan3A_60 : i32
      %scan3A_62 = arith.constant 1 : i32
      scf.for %scan3A_103 = %scan3A_59 to %scan3A_61 step %scan3A_62  : i32 {
        %mul3A_104 = arith.constant 1 : i32
        %mul3A_105 = arith.muli %scan3A_103, %mul3A_104 : i32
        %add3A_106 = arith.constant 0 : i32
        %add3A_107 = arith.addi %add3A_106, %mul3A_105 : i32
        %get3A = arith.index_cast %add3A_107 : i32 to index
        %get3A_108 = arith.constant 0 : index
        %get3A_109 = tpu.vector_load %arg7[%get3A, %get3A_108] {strides = array<i32>} : memref<128x128xf32, #tpu.memory_space<vmem>>, vector<1x16xf32>,
        %get3A_110 = vector.shape_cast %get3A_109 : vector<1x16xf32> to vector<16xf32>
        %mul3A_111 = arith.constant 2 : i32
        %mul3A_112 = arith.muli %mul3A_111, %add3A_107 : i32
        %add3A_113 = arith.constant 0 : i32
        %add3A_114 = arith.addi %mul3A_112, %add3A_113 : i32
        %swap3A = arith.index_cast %add3A_114 : i32 to index
        %swap3A_115 = arith.constant 0 : index
        %swap3A_116 = tpu.vector_load %arg9[%swap3A, %swap3A_115] {strides = array<i32>} : memref<256x64xf32, #tpu.memory_space<vmem>>, vector<1x16xf32>,
        %swap3A_117 = vector.shape_cast %swap3A_116 : vector<1x16xf32> to vector<16xf32>
        %swap3A_118 = vector.shape_cast %get3A_110 : vector<16xf32> to vector<1x16xf32>
        tpu.vector_store %arg9[%swap3A, %swap3A_115], %swap3A_118 {strides = array<i32>} : memref<256x64xf32, #tpu.memory_space<vmem>>, vector<1x16xf32>,
        %get3A_119 = arith.index_cast %add3A_107 : i32 to index
        %get3A_120 = arith.constant 16 : index
        %get3A_121 = tpu.vector_load %arg7[%get3A_119, %get3A_120] {strides = array<i32>} : memref<128x128xf32, #tpu.memory_space<vmem>>, vector<1x16xf32>,
        %get3A_122 = vector.shape_cast %get3A_121 : vector<1x16xf32> to vector<16xf32>
        %mul3A_123 = arith.constant 2 : i32
        %mul3A_124 = arith.muli %mul3A_123, %add3A_107 : i32
        %add3A_125 = arith.constant 0 : i32
        %add3A_126 = arith.addi %mul3A_124, %add3A_125 : i32
        %swap3A_127 = arith.index_cast %add3A_126 : i32 to index
        %swap3A_128 = arith.constant 16 : index
        %swap3A_129 = tpu.vector_load %arg9[%swap3A_127, %swap3A_128] {strides = array<i32>} : memref<256x64xf32, #tpu.memory_space<vmem>>, vector<1x16xf32>,
        %swap3A_130 = vector.shape_cast %swap3A_129 : vector<1x16xf32> to vector<16xf32>
        %swap3A_131 = vector.shape_cast %get3A_122 : vector<16xf32> to vector<1x16xf32>
        tpu.vector_store %arg9[%swap3A_127, %swap3A_128], %swap3A_131 {strides = array<i32>} : memref<256x64xf32, #tpu.memory_space<vmem>>, vector<1x16xf32>,
        %get3A_132 = arith.index_cast %add3A_107 : i32 to index
        %get3A_133 = arith.constant 32 : index
        %get3A_134 = tpu.vector_load %arg7[%get3A_132, %get3A_133] {strides = array<i32>} : memref<128x128xf32, #tpu.memory_space<vmem>>, vector<1x16xf32>,
        %get3A_135 = vector.shape_cast %get3A_134 : vector<1x16xf32> to vector<16xf32>
        %mul3A_136 = arith.constant 2 : i32
        %mul3A_137 = arith.muli %mul3A_136, %add3A_107 : i32
        %add3A_138 = arith.constant 0 : i32
        %add3A_139 = arith.addi %mul3A_137, %add3A_138 : i32
        %swap3A_140 = arith.index_cast %add3A_139 : i32 to index
        %swap3A_141 = arith.constant 32 : index
        %swap3A_142 = tpu.vector_load %arg9[%swap3A_140, %swap3A_141] {strides = array<i32>} : memref<256x64xf32, #tpu.memory_space<vmem>>, vector<1x16xf32>,
        %swap3A_143 = vector.shape_cast %swap3A_142 : vector<1x16xf32> to vector<16xf32>
        %swap3A_144 = vector.shape_cast %get3A_135 : vector<16xf32> to vector<1x16xf32>
        tpu.vector_store %arg9[%swap3A_140, %swap3A_141], %swap3A_144 {strides = array<i32>} : memref<256x64xf32, #tpu.memory_space<vmem>>, vector<1x16xf32>,
        %get3A_145 = arith.index_cast %add3A_107 : i32 to index
        %get3A_146 = arith.constant 48 : index
        %get3A_147 = tpu.vector_load %arg7[%get3A_145, %get3A_146] {strides = array<i32>} : memref<128x128xf32, #tpu.memory_space<vmem>>, vector<1x16xf32>,
        %get3A_148 = vector.shape_cast %get3A_147 : vector<1x16xf32> to vector<16xf32>
        %mul3A_149 = arith.constant 2 : i32
        %mul3A_150 = arith.muli %mul3A_149, %add3A_107 : i32
        %add3A_151 = arith.constant 0 : i32
        %add3A_152 = arith.addi %mul3A_150, %add3A_151 : i32
        %swap3A_153 = arith.index_cast %add3A_152 : i32 to index
        %swap3A_154 = arith.constant 48 : index
        %swap3A_155 = tpu.vector_load %arg9[%swap3A_153, %swap3A_154] {strides = array<i32>} : memref<256x64xf32, #tpu.memory_space<vmem>>, vector<1x16xf32>,
        %swap3A_156 = vector.shape_cast %swap3A_155 : vector<1x16xf32> to vector<16xf32>
        %swap3A_157 = vector.shape_cast %get3A_148 : vector<16xf32> to vector<1x16xf32>
        tpu.vector_store %arg9[%swap3A_153, %swap3A_154], %swap3A_157 {strides = array<i32>} : memref<256x64xf32, #tpu.memory_space<vmem>>, vector<1x16xf32>,
        %get3A_158 = arith.index_cast %add3A_107 : i32 to index
        %get3A_159 = arith.constant 64 : index
        %get3A_160 = tpu.vector_load %arg7[%get3A_158, %get3A_159] {strides = array<i32>} : memref<128x128xf32, #tpu.memory_space<vmem>>, vector<1x16xf32>,
        %get3A_161 = vector.shape_cast %get3A_160 : vector<1x16xf32> to vector<16xf32>
        %mul3A_162 = arith.constant 2 : i32
        %mul3A_163 = arith.muli %mul3A_162, %add3A_107 : i32
        %add3A_164 = arith.constant 1 : i32
        %add3A_165 = arith.addi %mul3A_163, %add3A_164 : i32
        %swap3A_166 = arith.index_cast %add3A_165 : i32 to index
        %swap3A_167 = arith.constant 0 : index
        %swap3A_168 = tpu.vector_load %arg9[%swap3A_166, %swap3A_167] {strides = array<i32>} : memref<256x64xf32, #tpu.memory_space<vmem>>, vector<1x16xf32>,
        %swap3A_169 = vector.shape_cast %swap3A_168 : vector<1x16xf32> to vector<16xf32>
        %swap3A_170 = vector.shape_cast %get3A_161 : vector<16xf32> to vector<1x16xf32>
        tpu.vector_store %arg9[%swap3A_166, %swap3A_167], %swap3A_170 {strides = array<i32>} : memref<256x64xf32, #tpu.memory_space<vmem>>, vector<1x16xf32>,
        %get3A_171 = arith.index_cast %add3A_107 : i32 to index
        %get3A_172 = arith.constant 80 : index
        %get3A_173 = tpu.vector_load %arg7[%get3A_171, %get3A_172] {strides = array<i32>} : memref<128x128xf32, #tpu.memory_space<vmem>>, vector<1x16xf32>,
        %get3A_174 = vector.shape_cast %get3A_173 : vector<1x16xf32> to vector<16xf32>
        %mul3A_175 = arith.constant 2 : i32
        %mul3A_176 = arith.muli %mul3A_175, %add3A_107 : i32
        %add3A_177 = arith.constant 1 : i32
        %add3A_178 = arith.addi %mul3A_176, %add3A_177 : i32
        %swap3A_179 = arith.index_cast %add3A_178 : i32 to index
        %swap3A_180 = arith.constant 16 : index
        %swap3A_181 = tpu.vector_load %arg9[%swap3A_179, %swap3A_180] {strides = array<i32>} : memref<256x64xf32, #tpu.memory_space<vmem>>, vector<1x16xf32>,
        %swap3A_182 = vector.shape_cast %swap3A_181 : vector<1x16xf32> to vector<16xf32>
        %swap3A_183 = vector.shape_cast %get3A_174 : vector<16xf32> to vector<1x16xf32>
        tpu.vector_store %arg9[%swap3A_179, %swap3A_180], %swap3A_183 {strides = array<i32>} : memref<256x64xf32, #tpu.memory_space<vmem>>, vector<1x16xf32>,
        %get3A_184 = arith.index_cast %add3A_107 : i32 to index
        %get3A_185 = arith.constant 96 : index
        %get3A_186 = tpu.vector_load %arg7[%get3A_184, %get3A_185] {strides = array<i32>} : memref<128x128xf32, #tpu.memory_space<vmem>>, vector<1x16xf32>,
        %get3A_187 = vector.shape_cast %get3A_186 : vector<1x16xf32> to vector<16xf32>
        %mul3A_188 = arith.constant 2 : i32
        %mul3A_189 = arith.muli %mul3A_188, %add3A_107 : i32
        %add3A_190 = arith.constant 1 : i32
        %add3A_191 = arith.addi %mul3A_189, %add3A_190 : i32
        %swap3A_192 = arith.index_cast %add3A_191 : i32 to index
        %swap3A_193 = arith.constant 32 : index
        %swap3A_194 = tpu.vector_load %arg9[%swap3A_192, %swap3A_193] {strides = array<i32>} : memref<256x64xf32, #tpu.memory_space<vmem>>, vector<1x16xf32>,
        %swap3A_195 = vector.shape_cast %swap3A_194 : vector<1x16xf32> to vector<16xf32>
        %swap3A_196 = vector.shape_cast %get3A_187 : vector<16xf32> to vector<1x16xf32>
        tpu.vector_store %arg9[%swap3A_192, %swap3A_193], %swap3A_196 {strides = array<i32>} : memref<256x64xf32, #tpu.memory_space<vmem>>, vector<1x16xf32>,
        %get3A_197 = arith.index_cast %add3A_107 : i32 to index
        %get3A_198 = arith.constant 112 : index
        %get3A_199 = tpu.vector_load %arg7[%get3A_197, %get3A_198] {strides = array<i32>} : memref<128x128xf32, #tpu.memory_space<vmem>>, vector<1x16xf32>,
        %get3A_200 = vector.shape_cast %get3A_199 : vector<1x16xf32> to vector<16xf32>
        %mul3A_201 = arith.constant 2 : i32
        %mul3A_202 = arith.muli %mul3A_201, %add3A_107 : i32
        %add3A_203 = arith.constant 1 : i32
        %add3A_204 = arith.addi %mul3A_202, %add3A_203 : i32
        %swap3A_205 = arith.index_cast %add3A_204 : i32 to index
        %swap3A_206 = arith.constant 48 : index
        %swap3A_207 = tpu.vector_load %arg9[%swap3A_205, %swap3A_206] {strides = array<i32>} : memref<256x64xf32, #tpu.memory_space<vmem>>, vector<1x16xf32>,
        %swap3A_208 = vector.shape_cast %swap3A_207 : vector<1x16xf32> to vector<16xf32>
        %swap3A_209 = vector.shape_cast %get3A_200 : vector<16xf32> to vector<1x16xf32>
        tpu.vector_store %arg9[%swap3A_205, %swap3A_206], %swap3A_209 {strides = array<i32>} : memref<256x64xf32, #tpu.memory_space<vmem>>, vector<1x16xf32>,
      }
      %scan3A_63 = arith.constant 128 : i32
      %mul3A_64 = arith.constant 2 : i32
      %mul3A_65 = arith.muli %add3A_46, %mul3A_64 : i32
      %add3A_66 = arith.constant 0 : i32
      %add3A_67 = arith.addi %mul3A_65, %add3A_66 : i32
      "tpu.region"() ({
        %run_scoped3A = tpu.sem_alloc : memref<!tpu.dma_semaphore, #tpu.memory_space<semaphore_mem>>
        %dma_start3A_103 = arith.constant 0 : i32
        %dma_start3A_104 = arith.constant 0 : i32
        %dma_start3A_105 = tpu.memref_slice %arg9[%dma_start3A_103, %dma_start3A_104] : memref<256x64xf32, #tpu.memory_space<vmem>> -> memref<128x64xf32, #tpu.memory_space<vmem>>
        %dma_start3A_106 = arith.constant 0 : i32
        %dma_start3A_107 = tpu.memref_slice %arg6[%add3A_67, %dma_start3A_106] : memref<40x128xi32, #tpu.memory_space<vmem>> -> memref<1x128xi32, #tpu.memory_space<vmem>>
        %dma_start3A_108 = tpu.memref_squeeze %dma_start3A_107 : memref<1x128xi32, #tpu.memory_space<vmem>> -> memref<128xi32, #tpu.memory_space<vmem>>
        %dma_start3A_109 = arith.constant 0 : i32
        %dma_start3A_110 = arith.constant 0 : i32
        %dma_start3A_111 = tpu.memref_slice %arg10[%dma_start3A_109, %dma_start3A_110] : memref<10016x64xf32, #tpu.memory_space<vmem_shared>> -> memref<10016x64xf32, #tpu.memory_space<vmem_shared>>
        tpu.enqueue_indirect_dma source(%dma_start3A_105 : memref<128x64xf32, #tpu.memory_space<vmem>>) target(%dma_start3A_111 : memref<10016x64xf32, #tpu.memory_space<vmem_shared>>) offsets(%dma_start3A_108 : memref<128xi32, #tpu.memory_space<vmem>>) semaphore(%run_scoped3A : memref<!tpu.dma_semaphore, #tpu.memory_space<semaphore_mem>>) {add = true}
        %dma_wait3A_112 = arith.constant 0 : i32
        %dma_wait3A_113 = arith.constant 0 : i32
        %dma_wait3A_114 = tpu.memref_slice %arg9[%dma_wait3A_112, %dma_wait3A_113] : memref<256x64xf32, #tpu.memory_space<vmem>> -> memref<128x64xf32, #tpu.memory_space<vmem>>
        %dma_wait3A_115 = arith.constant 0 : i32
        %dma_wait3A_116 = tpu.memref_slice %arg6[%add3A_67, %dma_wait3A_115] : memref<40x128xi32, #tpu.memory_space<vmem>> -> memref<1x128xi32, #tpu.memory_space<vmem>>
        %dma_wait3A_117 = tpu.memref_squeeze %dma_wait3A_116 : memref<1x128xi32, #tpu.memory_space<vmem>> -> memref<128xi32, #tpu.memory_space<vmem>>
        %dma_wait3A_118 = arith.constant 0 : i32
        %dma_wait3A_119 = arith.constant 0 : i32
        %dma_wait3A_120 = tpu.memref_slice %arg10[%dma_wait3A_118, %dma_wait3A_119] : memref<10016x64xf32, #tpu.memory_space<vmem_shared>> -> memref<10016x64xf32, #tpu.memory_space<vmem_shared>>
        tpu.wait_indirect_dma semaphore(%run_scoped3A : memref<!tpu.dma_semaphore, #tpu.memory_space<semaphore_mem>>) src(%dma_wait3A_114 : memref<128x64xf32, #tpu.memory_space<vmem>>) dst(%dma_wait3A_120 : memref<10016x64xf32, #tpu.memory_space<vmem_shared>>)
        tpu.yield
      }) : () -> ()
      %mul3A_68 = arith.constant 2 : i32
      %mul3A_69 = arith.muli %add3A_46, %mul3A_68 : i32
      %add3A_70 = arith.constant 1 : i32
      %add3A_71 = arith.addi %mul3A_69, %add3A_70 : i32
      "tpu.region"() ({
        %run_scoped3A = tpu.sem_alloc : memref<!tpu.dma_semaphore, #tpu.memory_space<semaphore_mem>>
        %dma_start3A_103 = arith.constant 128 : i32
        %dma_start3A_104 = arith.constant 0 : i32
        %dma_start3A_105 = tpu.memref_slice %arg9[%dma_start3A_103, %dma_start3A_104] : memref<256x64xf32, #tpu.memory_space<vmem>> -> memref<128x64xf32, #tpu.memory_space<vmem>>
        %dma_start3A_106 = arith.constant 0 : i32
        %dma_start3A_107 = tpu.memref_slice %arg6[%add3A_71, %dma_start3A_106] : memref<40x128xi32, #tpu.memory_space<vmem>> -> memref<1x128xi32, #tpu.memory_space<vmem>>
        %dma_start3A_108 = tpu.memref_squeeze %dma_start3A_107 : memref<1x128xi32, #tpu.memory_space<vmem>> -> memref<128xi32, #tpu.memory_space<vmem>>
        %dma_start3A_109 = arith.constant 0 : i32
        %dma_start3A_110 = arith.constant 0 : i32
        %dma_start3A_111 = tpu.memref_slice %arg10[%dma_start3A_109, %dma_start3A_110] : memref<10016x64xf32, #tpu.memory_space<vmem_shared>> -> memref<10016x64xf32, #tpu.memory_space<vmem_shared>>
        tpu.enqueue_indirect_dma source(%dma_start3A_105 : memref<128x64xf32, #tpu.memory_space<vmem>>) target(%dma_start3A_111 : memref<10016x64xf32, #tpu.memory_space<vmem_shared>>) offsets(%dma_start3A_108 : memref<128xi32, #tpu.memory_space<vmem>>) semaphore(%run_scoped3A : memref<!tpu.dma_semaphore, #tpu.memory_space<semaphore_mem>>) {add = true}
        %dma_wait3A_112 = arith.constant 128 : i32
        %dma_wait3A_113 = arith.constant 0 : i32
        %dma_wait3A_114 = tpu.memref_slice %arg9[%dma_wait3A_112, %dma_wait3A_113] : memref<256x64xf32, #tpu.memory_space<vmem>> -> memref<128x64xf32, #tpu.memory_space<vmem>>
        %dma_wait3A_115 = arith.constant 0 : i32
        %dma_wait3A_116 = tpu.memref_slice %arg6[%add3A_71, %dma_wait3A_115] : memref<40x128xi32, #tpu.memory_space<vmem>> -> memref<1x128xi32, #tpu.memory_space<vmem>>
        %dma_wait3A_117 = tpu.memref_squeeze %dma_wait3A_116 : memref<1x128xi32, #tpu.memory_space<vmem>> -> memref<128xi32, #tpu.memory_space<vmem>>
        %dma_wait3A_118 = arith.constant 0 : i32
        %dma_wait3A_119 = arith.constant 0 : i32
        %dma_wait3A_120 = tpu.memref_slice %arg10[%dma_wait3A_118, %dma_wait3A_119] : memref<10016x64xf32, #tpu.memory_space<vmem_shared>> -> memref<10016x64xf32, #tpu.memory_space<vmem_shared>>
        tpu.wait_indirect_dma semaphore(%run_scoped3A : memref<!tpu.dma_semaphore, #tpu.memory_space<semaphore_mem>>) src(%dma_wait3A_114 : memref<128x64xf32, #tpu.memory_space<vmem>>) dst(%dma_wait3A_120 : memref<10016x64xf32, #tpu.memory_space<vmem_shared>>)
        tpu.yield
      }) : () -> ()
      %add3A_72 = arith.constant 1 : i32
      %add3A_73 = arith.addi %add3A_44, %add3A_72 : i32
      %dma_wait3A_74 = arith.constant 1 : i32
      %dma_wait3A_75 = arith.constant 0 : i32
      %dma_wait3A_76 = arith.constant 0 : i32
      %dma_wait3A_77 = tpu.memref_slice %arg2[%dma_wait3A_75, %dma_wait3A_76] : memref<81920x128xf32, #tpu.memory_space<hbm>> -> memref<128x128xf32, #tpu.memory_space<hbm>>
      %dma_wait3A_78 = tpu.memref_slice %arg11[%dma_wait3A_74] : memref<2x!tpu.dma_semaphore, #tpu.memory_space<semaphore_mem>> -> memref<1x!tpu.dma_semaphore, #tpu.memory_space<semaphore_mem>>
      %dma_wait3A_79 = tpu.memref_squeeze %dma_wait3A_78 : memref<1x!tpu.dma_semaphore, #tpu.memory_space<semaphore_mem>> -> memref<!tpu.dma_semaphore, #tpu.memory_space<semaphore_mem>>
      %dma_wait3A_80 = arith.constant 0 : i32
      %dma_wait3A_81 = arith.constant 0 : i32
      %dma_wait3A_82 = tpu.memref_slice %arg2[%dma_wait3A_80, %dma_wait3A_81] : memref<81920x128xf32, #tpu.memory_space<hbm>> -> memref<128x128xf32, #tpu.memory_space<hbm>>
      tpu.wait_dma2 semaphore(%dma_wait3A_79 : memref<!tpu.dma_semaphore, #tpu.memory_space<semaphore_mem>>) src(%dma_wait3A_82 : memref<128x128xf32, #tpu.memory_space<hbm>>) dst(%arg8 : memref<128x128xf32, #tpu.memory_space<vmem>>)
      %add3A_83 = arith.constant 1 : i32
      %add3A_84 = arith.addi %add3A_73, %add3A_83 : i32
      %lt3A_85 = arith.constant 20 : i32
      %lt3A_86 = arith.cmpi slt, %add3A_84, %lt3A_85 : i32
      %convert_element_type3A_87 = arith.extui %lt3A_86 : i1 to i32
      %cond3A_88 = arith.constant 0 : i32
      %cond3A_89 = arith.cmpi ne, %convert_element_type3A_87, %cond3A_88 : i32
      scf.if %cond3A_89 {
        %add3A_103 = arith.constant 1 : i32
        %add3A_104 = arith.addi %add3A_73, %add3A_103 : i32
        %mul3A_105 = arith.constant 128 : i32
        %mul3A_106 = arith.muli %add3A_104, %mul3A_105 : i32
        %add3A_107 = arith.addi %select_n3A, %mul3A_106 : i32
        %dma_start3A_108 = arith.constant 0 : i32
        %dma_start3A_109 = arith.constant 0 : i32
        %dma_start3A_110 = tpu.memref_slice %arg2[%add3A_107, %dma_start3A_109] : memref<81920x128xf32, #tpu.memory_space<hbm>> -> memref<128x128xf32, #tpu.memory_space<hbm>>
        %dma_start3A_111 = tpu.memref_slice %arg11[%dma_start3A_108] : memref<2x!tpu.dma_semaphore, #tpu.memory_space<semaphore_mem>> -> memref<1x!tpu.dma_semaphore, #tpu.memory_space<semaphore_mem>>
        %dma_start3A_112 = tpu.memref_squeeze %dma_start3A_111 : memref<1x!tpu.dma_semaphore, #tpu.memory_space<semaphore_mem>> -> memref<!tpu.dma_semaphore, #tpu.memory_space<semaphore_mem>>
        %dma_start3A_113 = arith.constant 0 : i32
        %dma_start3A_114 = tpu.memref_slice %arg2[%add3A_107, %dma_start3A_113] : memref<81920x128xf32, #tpu.memory_space<hbm>> -> memref<128x128xf32, #tpu.memory_space<hbm>>
        tpu.enqueue_dma source(%dma_start3A_114 : memref<128x128xf32, #tpu.memory_space<hbm>>) target(%arg7 : memref<128x128xf32, #tpu.memory_space<vmem>>) target_semaphore(%dma_start3A_112 : memref<!tpu.dma_semaphore, #tpu.memory_space<semaphore_mem>>)
      } else {
      }
      %scan3A_90 = arith.constant 0 : i32
      %scan3A_91 = arith.constant 128 : i32
      %scan3A_92 = arith.addi %scan3A_90, %scan3A_91 : i32
      %scan3A_93 = arith.constant 1 : i32
      scf.for %scan3A_103 = %scan3A_90 to %scan3A_92 step %scan3A_93  : i32 {
        %mul3A_104 = arith.constant 1 : i32
        %mul3A_105 = arith.muli %scan3A_103, %mul3A_104 : i32
        %add3A_106 = arith.constant 0 : i32
        %add3A_107 = arith.addi %add3A_106, %mul3A_105 : i32
        %get3A = arith.index_cast %add3A_107 : i32 to index
        %get3A_108 = arith.constant 0 : index
        %get3A_109 = tpu.vector_load %arg8[%get3A, %get3A_108] {strides = array<i32>} : memref<128x128xf32, #tpu.memory_space<vmem>>, vector<1x16xf32>,
        %get3A_110 = vector.shape_cast %get3A_109 : vector<1x16xf32> to vector<16xf32>
        %mul3A_111 = arith.constant 2 : i32
        %mul3A_112 = arith.muli %mul3A_111, %add3A_107 : i32
        %add3A_113 = arith.constant 0 : i32
        %add3A_114 = arith.addi %mul3A_112, %add3A_113 : i32
        %swap3A = arith.index_cast %add3A_114 : i32 to index
        %swap3A_115 = arith.constant 0 : index
        %swap3A_116 = tpu.vector_load %arg9[%swap3A, %swap3A_115] {strides = array<i32>} : memref<256x64xf32, #tpu.memory_space<vmem>>, vector<1x16xf32>,
        %swap3A_117 = vector.shape_cast %swap3A_116 : vector<1x16xf32> to vector<16xf32>
        %swap3A_118 = vector.shape_cast %get3A_110 : vector<16xf32> to vector<1x16xf32>
        tpu.vector_store %arg9[%swap3A, %swap3A_115], %swap3A_118 {strides = array<i32>} : memref<256x64xf32, #tpu.memory_space<vmem>>, vector<1x16xf32>,
        %get3A_119 = arith.index_cast %add3A_107 : i32 to index
        %get3A_120 = arith.constant 16 : index
        %get3A_121 = tpu.vector_load %arg8[%get3A_119, %get3A_120] {strides = array<i32>} : memref<128x128xf32, #tpu.memory_space<vmem>>, vector<1x16xf32>,
        %get3A_122 = vector.shape_cast %get3A_121 : vector<1x16xf32> to vector<16xf32>
        %mul3A_123 = arith.constant 2 : i32
        %mul3A_124 = arith.muli %mul3A_123, %add3A_107 : i32
        %add3A_125 = arith.constant 0 : i32
        %add3A_126 = arith.addi %mul3A_124, %add3A_125 : i32
        %swap3A_127 = arith.index_cast %add3A_126 : i32 to index
        %swap3A_128 = arith.constant 16 : index
        %swap3A_129 = tpu.vector_load %arg9[%swap3A_127, %swap3A_128] {strides = array<i32>} : memref<256x64xf32, #tpu.memory_space<vmem>>, vector<1x16xf32>,
        %swap3A_130 = vector.shape_cast %swap3A_129 : vector<1x16xf32> to vector<16xf32>
        %swap3A_131 = vector.shape_cast %get3A_122 : vector<16xf32> to vector<1x16xf32>
        tpu.vector_store %arg9[%swap3A_127, %swap3A_128], %swap3A_131 {strides = array<i32>} : memref<256x64xf32, #tpu.memory_space<vmem>>, vector<1x16xf32>,
        %get3A_132 = arith.index_cast %add3A_107 : i32 to index
        %get3A_133 = arith.constant 32 : index
        %get3A_134 = tpu.vector_load %arg8[%get3A_132, %get3A_133] {strides = array<i32>} : memref<128x128xf32, #tpu.memory_space<vmem>>, vector<1x16xf32>,
        %get3A_135 = vector.shape_cast %get3A_134 : vector<1x16xf32> to vector<16xf32>
        %mul3A_136 = arith.constant 2 : i32
        %mul3A_137 = arith.muli %mul3A_136, %add3A_107 : i32
        %add3A_138 = arith.constant 0 : i32
        %add3A_139 = arith.addi %mul3A_137, %add3A_138 : i32
        %swap3A_140 = arith.index_cast %add3A_139 : i32 to index
        %swap3A_141 = arith.constant 32 : index
        %swap3A_142 = tpu.vector_load %arg9[%swap3A_140, %swap3A_141] {strides = array<i32>} : memref<256x64xf32, #tpu.memory_space<vmem>>, vector<1x16xf32>,
        %swap3A_143 = vector.shape_cast %swap3A_142 : vector<1x16xf32> to vector<16xf32>
        %swap3A_144 = vector.shape_cast %get3A_135 : vector<16xf32> to vector<1x16xf32>
        tpu.vector_store %arg9[%swap3A_140, %swap3A_141], %swap3A_144 {strides = array<i32>} : memref<256x64xf32, #tpu.memory_space<vmem>>, vector<1x16xf32>,
        %get3A_145 = arith.index_cast %add3A_107 : i32 to index
        %get3A_146 = arith.constant 48 : index
        %get3A_147 = tpu.vector_load %arg8[%get3A_145, %get3A_146] {strides = array<i32>} : memref<128x128xf32, #tpu.memory_space<vmem>>, vector<1x16xf32>,
        %get3A_148 = vector.shape_cast %get3A_147 : vector<1x16xf32> to vector<16xf32>
        %mul3A_149 = arith.constant 2 : i32
        %mul3A_150 = arith.muli %mul3A_149, %add3A_107 : i32
        %add3A_151 = arith.constant 0 : i32
        %add3A_152 = arith.addi %mul3A_150, %add3A_151 : i32
        %swap3A_153 = arith.index_cast %add3A_152 : i32 to index
        %swap3A_154 = arith.constant 48 : index
        %swap3A_155 = tpu.vector_load %arg9[%swap3A_153, %swap3A_154] {strides = array<i32>} : memref<256x64xf32, #tpu.memory_space<vmem>>, vector<1x16xf32>,
        %swap3A_156 = vector.shape_cast %swap3A_155 : vector<1x16xf32> to vector<16xf32>
        %swap3A_157 = vector.shape_cast %get3A_148 : vector<16xf32> to vector<1x16xf32>
        tpu.vector_store %arg9[%swap3A_153, %swap3A_154], %swap3A_157 {strides = array<i32>} : memref<256x64xf32, #tpu.memory_space<vmem>>, vector<1x16xf32>,
        %get3A_158 = arith.index_cast %add3A_107 : i32 to index
        %get3A_159 = arith.constant 64 : index
        %get3A_160 = tpu.vector_load %arg8[%get3A_158, %get3A_159] {strides = array<i32>} : memref<128x128xf32, #tpu.memory_space<vmem>>, vector<1x16xf32>,
        %get3A_161 = vector.shape_cast %get3A_160 : vector<1x16xf32> to vector<16xf32>
        %mul3A_162 = arith.constant 2 : i32
        %mul3A_163 = arith.muli %mul3A_162, %add3A_107 : i32
        %add3A_164 = arith.constant 1 : i32
        %add3A_165 = arith.addi %mul3A_163, %add3A_164 : i32
        %swap3A_166 = arith.index_cast %add3A_165 : i32 to index
        %swap3A_167 = arith.constant 0 : index
        %swap3A_168 = tpu.vector_load %arg9[%swap3A_166, %swap3A_167] {strides = array<i32>} : memref<256x64xf32, #tpu.memory_space<vmem>>, vector<1x16xf32>,
        %swap3A_169 = vector.shape_cast %swap3A_168 : vector<1x16xf32> to vector<16xf32>
        %swap3A_170 = vector.shape_cast %get3A_161 : vector<16xf32> to vector<1x16xf32>
        tpu.vector_store %arg9[%swap3A_166, %swap3A_167], %swap3A_170 {strides = array<i32>} : memref<256x64xf32, #tpu.memory_space<vmem>>, vector<1x16xf32>,
        %get3A_171 = arith.index_cast %add3A_107 : i32 to index
        %get3A_172 = arith.constant 80 : index
        %get3A_173 = tpu.vector_load %arg8[%get3A_171, %get3A_172] {strides = array<i32>} : memref<128x128xf32, #tpu.memory_space<vmem>>, vector<1x16xf32>,
        %get3A_174 = vector.shape_cast %get3A_173 : vector<1x16xf32> to vector<16xf32>
        %mul3A_175 = arith.constant 2 : i32
        %mul3A_176 = arith.muli %mul3A_175, %add3A_107 : i32
        %add3A_177 = arith.constant 1 : i32
        %add3A_178 = arith.addi %mul3A_176, %add3A_177 : i32
        %swap3A_179 = arith.index_cast %add3A_178 : i32 to index
        %swap3A_180 = arith.constant 16 : index
        %swap3A_181 = tpu.vector_load %arg9[%swap3A_179, %swap3A_180] {strides = array<i32>} : memref<256x64xf32, #tpu.memory_space<vmem>>, vector<1x16xf32>,
        %swap3A_182 = vector.shape_cast %swap3A_181 : vector<1x16xf32> to vector<16xf32>
        %swap3A_183 = vector.shape_cast %get3A_174 : vector<16xf32> to vector<1x16xf32>
        tpu.vector_store %arg9[%swap3A_179, %swap3A_180], %swap3A_183 {strides = array<i32>} : memref<256x64xf32, #tpu.memory_space<vmem>>, vector<1x16xf32>,
        %get3A_184 = arith.index_cast %add3A_107 : i32 to index
        %get3A_185 = arith.constant 96 : index
        %get3A_186 = tpu.vector_load %arg8[%get3A_184, %get3A_185] {strides = array<i32>} : memref<128x128xf32, #tpu.memory_space<vmem>>, vector<1x16xf32>,
        %get3A_187 = vector.shape_cast %get3A_186 : vector<1x16xf32> to vector<16xf32>
        %mul3A_188 = arith.constant 2 : i32
        %mul3A_189 = arith.muli %mul3A_188, %add3A_107 : i32
        %add3A_190 = arith.constant 1 : i32
        %add3A_191 = arith.addi %mul3A_189, %add3A_190 : i32
        %swap3A_192 = arith.index_cast %add3A_191 : i32 to index
        %swap3A_193 = arith.constant 32 : index
        %swap3A_194 = tpu.vector_load %arg9[%swap3A_192, %swap3A_193] {strides = array<i32>} : memref<256x64xf32, #tpu.memory_space<vmem>>, vector<1x16xf32>,
        %swap3A_195 = vector.shape_cast %swap3A_194 : vector<1x16xf32> to vector<16xf32>
        %swap3A_196 = vector.shape_cast %get3A_187 : vector<16xf32> to vector<1x16xf32>
        tpu.vector_store %arg9[%swap3A_192, %swap3A_193], %swap3A_196 {strides = array<i32>} : memref<256x64xf32, #tpu.memory_space<vmem>>, vector<1x16xf32>,
        %get3A_197 = arith.index_cast %add3A_107 : i32 to index
        %get3A_198 = arith.constant 112 : index
        %get3A_199 = tpu.vector_load %arg8[%get3A_197, %get3A_198] {strides = array<i32>} : memref<128x128xf32, #tpu.memory_space<vmem>>, vector<1x16xf32>,
        %get3A_200 = vector.shape_cast %get3A_199 : vector<1x16xf32> to vector<16xf32>
        %mul3A_201 = arith.constant 2 : i32
        %mul3A_202 = arith.muli %mul3A_201, %add3A_107 : i32
        %add3A_203 = arith.constant 1 : i32
        %add3A_204 = arith.addi %mul3A_202, %add3A_203 : i32
        %swap3A_205 = arith.index_cast %add3A_204 : i32 to index
        %swap3A_206 = arith.constant 48 : index
        %swap3A_207 = tpu.vector_load %arg9[%swap3A_205, %swap3A_206] {strides = array<i32>} : memref<256x64xf32, #tpu.memory_space<vmem>>, vector<1x16xf32>,
        %swap3A_208 = vector.shape_cast %swap3A_207 : vector<1x16xf32> to vector<16xf32>
        %swap3A_209 = vector.shape_cast %get3A_200 : vector<16xf32> to vector<1x16xf32>
        tpu.vector_store %arg9[%swap3A_205, %swap3A_206], %swap3A_209 {strides = array<i32>} : memref<256x64xf32, #tpu.memory_space<vmem>>, vector<1x16xf32>,
      }
      %scan3A_94 = arith.constant 128 : i32
      %mul3A_95 = arith.constant 2 : i32
      %mul3A_96 = arith.muli %add3A_73, %mul3A_95 : i32
      %add3A_97 = arith.constant 0 : i32
      %add3A_98 = arith.addi %mul3A_96, %add3A_97 : i32
      "tpu.region"() ({
        %run_scoped3A = tpu.sem_alloc : memref<!tpu.dma_semaphore, #tpu.memory_space<semaphore_mem>>
        %dma_start3A_103 = arith.constant 0 : i32
        %dma_start3A_104 = arith.constant 0 : i32
        %dma_start3A_105 = tpu.memref_slice %arg9[%dma_start3A_103, %dma_start3A_104] : memref<256x64xf32, #tpu.memory_space<vmem>> -> memref<128x64xf32, #tpu.memory_space<vmem>>
        %dma_start3A_106 = arith.constant 0 : i32
        %dma_start3A_107 = tpu.memref_slice %arg6[%add3A_98, %dma_start3A_106] : memref<40x128xi32, #tpu.memory_space<vmem>> -> memref<1x128xi32, #tpu.memory_space<vmem>>
        %dma_start3A_108 = tpu.memref_squeeze %dma_start3A_107 : memref<1x128xi32, #tpu.memory_space<vmem>> -> memref<128xi32, #tpu.memory_space<vmem>>
        %dma_start3A_109 = arith.constant 0 : i32
        %dma_start3A_110 = arith.constant 0 : i32
        %dma_start3A_111 = tpu.memref_slice %arg10[%dma_start3A_109, %dma_start3A_110] : memref<10016x64xf32, #tpu.memory_space<vmem_shared>> -> memref<10016x64xf32, #tpu.memory_space<vmem_shared>>
        tpu.enqueue_indirect_dma source(%dma_start3A_105 : memref<128x64xf32, #tpu.memory_space<vmem>>) target(%dma_start3A_111 : memref<10016x64xf32, #tpu.memory_space<vmem_shared>>) offsets(%dma_start3A_108 : memref<128xi32, #tpu.memory_space<vmem>>) semaphore(%run_scoped3A : memref<!tpu.dma_semaphore, #tpu.memory_space<semaphore_mem>>) {add = true}
        %dma_wait3A_112 = arith.constant 0 : i32
        %dma_wait3A_113 = arith.constant 0 : i32
        %dma_wait3A_114 = tpu.memref_slice %arg9[%dma_wait3A_112, %dma_wait3A_113] : memref<256x64xf32, #tpu.memory_space<vmem>> -> memref<128x64xf32, #tpu.memory_space<vmem>>
        %dma_wait3A_115 = arith.constant 0 : i32
        %dma_wait3A_116 = tpu.memref_slice %arg6[%add3A_98, %dma_wait3A_115] : memref<40x128xi32, #tpu.memory_space<vmem>> -> memref<1x128xi32, #tpu.memory_space<vmem>>
        %dma_wait3A_117 = tpu.memref_squeeze %dma_wait3A_116 : memref<1x128xi32, #tpu.memory_space<vmem>> -> memref<128xi32, #tpu.memory_space<vmem>>
        %dma_wait3A_118 = arith.constant 0 : i32
        %dma_wait3A_119 = arith.constant 0 : i32
        %dma_wait3A_120 = tpu.memref_slice %arg10[%dma_wait3A_118, %dma_wait3A_119] : memref<10016x64xf32, #tpu.memory_space<vmem_shared>> -> memref<10016x64xf32, #tpu.memory_space<vmem_shared>>
        tpu.wait_indirect_dma semaphore(%run_scoped3A : memref<!tpu.dma_semaphore, #tpu.memory_space<semaphore_mem>>) src(%dma_wait3A_114 : memref<128x64xf32, #tpu.memory_space<vmem>>) dst(%dma_wait3A_120 : memref<10016x64xf32, #tpu.memory_space<vmem_shared>>)
        tpu.yield
      }) : () -> ()
      %mul3A_99 = arith.constant 2 : i32
      %mul3A_100 = arith.muli %add3A_73, %mul3A_99 : i32
      %add3A_101 = arith.constant 1 : i32
      %add3A_102 = arith.addi %mul3A_100, %add3A_101 : i32
      "tpu.region"() ({
        %run_scoped3A = tpu.sem_alloc : memref<!tpu.dma_semaphore, #tpu.memory_space<semaphore_mem>>
        %dma_start3A_103 = arith.constant 128 : i32
        %dma_start3A_104 = arith.constant 0 : i32
        %dma_start3A_105 = tpu.memref_slice %arg9[%dma_start3A_103, %dma_start3A_104] : memref<256x64xf32, #tpu.memory_space<vmem>> -> memref<128x64xf32, #tpu.memory_space<vmem>>
        %dma_start3A_106 = arith.constant 0 : i32
        %dma_start3A_107 = tpu.memref_slice %arg6[%add3A_102, %dma_start3A_106] : memref<40x128xi32, #tpu.memory_space<vmem>> -> memref<1x128xi32, #tpu.memory_space<vmem>>
        %dma_start3A_108 = tpu.memref_squeeze %dma_start3A_107 : memref<1x128xi32, #tpu.memory_space<vmem>> -> memref<128xi32, #tpu.memory_space<vmem>>
        %dma_start3A_109 = arith.constant 0 : i32
        %dma_start3A_110 = arith.constant 0 : i32
        %dma_start3A_111 = tpu.memref_slice %arg10[%dma_start3A_109, %dma_start3A_110] : memref<10016x64xf32, #tpu.memory_space<vmem_shared>> -> memref<10016x64xf32, #tpu.memory_space<vmem_shared>>
        tpu.enqueue_indirect_dma source(%dma_start3A_105 : memref<128x64xf32, #tpu.memory_space<vmem>>) target(%dma_start3A_111 : memref<10016x64xf32, #tpu.memory_space<vmem_shared>>) offsets(%dma_start3A_108 : memref<128xi32, #tpu.memory_space<vmem>>) semaphore(%run_scoped3A : memref<!tpu.dma_semaphore, #tpu.memory_space<semaphore_mem>>) {add = true}
        %dma_wait3A_112 = arith.constant 128 : i32
        %dma_wait3A_113 = arith.constant 0 : i32
        %dma_wait3A_114 = tpu.memref_slice %arg9[%dma_wait3A_112, %dma_wait3A_113] : memref<256x64xf32, #tpu.memory_space<vmem>> -> memref<128x64xf32, #tpu.memory_space<vmem>>
        %dma_wait3A_115 = arith.constant 0 : i32
        %dma_wait3A_116 = tpu.memref_slice %arg6[%add3A_102, %dma_wait3A_115] : memref<40x128xi32, #tpu.memory_space<vmem>> -> memref<1x128xi32, #tpu.memory_space<vmem>>
        %dma_wait3A_117 = tpu.memref_squeeze %dma_wait3A_116 : memref<1x128xi32, #tpu.memory_space<vmem>> -> memref<128xi32, #tpu.memory_space<vmem>>
        %dma_wait3A_118 = arith.constant 0 : i32
        %dma_wait3A_119 = arith.constant 0 : i32
        %dma_wait3A_120 = tpu.memref_slice %arg10[%dma_wait3A_118, %dma_wait3A_119] : memref<10016x64xf32, #tpu.memory_space<vmem_shared>> -> memref<10016x64xf32, #tpu.memory_space<vmem_shared>>
        tpu.wait_indirect_dma semaphore(%run_scoped3A : memref<!tpu.dma_semaphore, #tpu.memory_space<semaphore_mem>>) src(%dma_wait3A_114 : memref<128x64xf32, #tpu.memory_space<vmem>>) dst(%dma_wait3A_120 : memref<10016x64xf32, #tpu.memory_space<vmem_shared>>)
        tpu.yield
      }) : () -> ()
    }
    %scan3A_34 = arith.constant 10 : i32
    %barrier3A_35 = arith.constant 0 : index
    tpu.barrier barrier_id(%barrier3A_35)
    %mul3A_36 = arith.constant 626 : i32
    %mul3A_37 = arith.muli %arg1, %mul3A_36 : i32
    %mul3A_38 = arith.constant 626 : i32
    %mul3A_39 = arith.muli %arg1, %mul3A_38 : i32
    "tpu.region"() ({
      %run_scoped3A = tpu.sem_alloc : memref<!tpu.dma_semaphore, #tpu.memory_space<semaphore_mem>>
      %dma_start3A_40 = arith.constant 0 : i32
      %dma_start3A_41 = tpu.memref_slice %arg5[%arg0, %mul3A_39, %dma_start3A_40] : memref<2x10016x64xf32, #tpu.memory_space<hbm>> -> memref<1x626x64xf32, #tpu.memory_space<hbm>>
      %dma_start3A_42 = tpu.memref_squeeze %dma_start3A_41 : memref<1x626x64xf32, #tpu.memory_space<hbm>> -> memref<626x64xf32, #tpu.memory_space<hbm>>
      %dma_start3A_43 = arith.constant 0 : i32
      %dma_start3A_44 = tpu.memref_slice %arg10[%mul3A_37, %dma_start3A_43] : memref<10016x64xf32, #tpu.memory_space<vmem_shared>> -> memref<626x64xf32, #tpu.memory_space<vmem_shared>>
      tpu.enqueue_dma source(%dma_start3A_44 : memref<626x64xf32, #tpu.memory_space<vmem_shared>>) target(%dma_start3A_42 : memref<626x64xf32, #tpu.memory_space<hbm>>) target_semaphore(%run_scoped3A : memref<!tpu.dma_semaphore, #tpu.memory_space<semaphore_mem>>)
      %dma_wait3A = arith.constant 0 : i32
      %dma_wait3A_45 = tpu.memref_slice %arg5[%arg0, %mul3A_39, %dma_wait3A] : memref<2x10016x64xf32, #tpu.memory_space<hbm>> -> memref<1x626x64xf32, #tpu.memory_space<hbm>>
      %dma_wait3A_46 = tpu.memref_squeeze %dma_wait3A_45 : memref<1x626x64xf32, #tpu.memory_space<hbm>> -> memref<626x64xf32, #tpu.memory_space<hbm>>
      %dma_wait3A_47 = arith.constant 0 : i32
      %dma_wait3A_48 = tpu.memref_slice %arg10[%mul3A_37, %dma_wait3A_47] : memref<10016x64xf32, #tpu.memory_space<vmem_shared>> -> memref<626x64xf32, #tpu.memory_space<vmem_shared>>
      tpu.wait_dma2 semaphore(%run_scoped3A : memref<!tpu.dma_semaphore, #tpu.memory_space<semaphore_mem>>) src(%dma_wait3A_48 : memref<626x64xf32, #tpu.memory_space<vmem_shared>>) dst(%dma_wait3A_46 : memref<626x64xf32, #tpu.memory_space<hbm>>)
      tpu.yield
    }) : () -> ()
    return
  }
}

module attributes {stable_mosaic.version = 14 : i64} {
  func.func @_enc_node_body(%arg0: i32, %arg1: memref<2000x128xf32, #tpu.memory_space<vmem>>, %arg2: memref<128x64xf32, #tpu.memory_space<vmem>>, %arg3: memref<1x64xf32, #tpu.memory_space<vmem>>, %arg4: memref<64x64xf32, #tpu.memory_space<vmem>>, %arg5: memref<1x64xf32, #tpu.memory_space<vmem>>, %arg6: memref<1x64xf32, #tpu.memory_space<vmem>>, %arg7: memref<1x64xf32, #tpu.memory_space<vmem>>, %arg8: memref<2000x64xf32, #tpu.memory_space<vmem>>) attributes {dimension_semantics = [#tpu.dimension_semantics<arbitrary>], iteration_bounds = array<i64: 5>, scalar_prefetch = 0 : i64, scratch_operands = 0 : i64, tpu.core_type = #tpu.core_type<tc>, window_params = [{transform_indices = @transform_0, window_bounds = array<i64: 2000, 128>}, {pipeline_mode = #tpu.pipeline_mode<synchronous>, transform_indices = @transform_1, window_bounds = array<i64: 128, 64>}, {pipeline_mode = #tpu.pipeline_mode<synchronous>, transform_indices = @transform_2, window_bounds = array<i64: 1, 64>}, {pipeline_mode = #tpu.pipeline_mode<synchronous>, transform_indices = @transform_3, window_bounds = array<i64: 64, 64>}, {pipeline_mode = #tpu.pipeline_mode<synchronous>, transform_indices = @transform_4, window_bounds = array<i64: 1, 64>}, {pipeline_mode = #tpu.pipeline_mode<synchronous>, transform_indices = @transform_5, window_bounds = array<i64: 1, 64>}, {pipeline_mode = #tpu.pipeline_mode<synchronous>, transform_indices = @transform_6, window_bounds = array<i64: 1, 64>}, {transform_indices = @transform_7, window_bounds = array<i64: 2000, 64>}]} {
    %get3A = arith.constant 0 : index
    %get3A_0 = arith.constant 0 : index
    %get3A_1 = vector.load %arg1[%get3A, %get3A_0] : memref<2000x128xf32, #tpu.memory_space<vmem>>, vector<2000x128xf32>
    %get3A_2 = arith.constant 0 : index
    %get3A_3 = arith.constant 0 : index
    %get3A_4 = vector.load %arg2[%get3A_2, %get3A_3] : memref<128x64xf32, #tpu.memory_space<vmem>>, vector<128x64xf32>
    %dot_general3A = arith.constant dense<0.000000e+00> : vector<2000x64xf32>
    %dot_general3A_5 = tpu.matmul %get3A_1, %get3A_4, %dot_general3A {dimension_numbers = #tpu.dot_dimension_numbers<[1], [0], [0], [1], [0, 0, 1, 1], [], []>, precision = #tpu.contract_precision<fp32>, transpose_lhs_hint = false} : vector<2000x128xf32>, vector<128x64xf32>, vector<2000x64xf32> -> vector<2000x64xf32>
    %get3A_6 = arith.constant 0 : index
    %get3A_7 = arith.constant 0 : index
    %get3A_8 = vector.load %arg3[%get3A_6, %get3A_7] : memref<1x64xf32, #tpu.memory_space<vmem>>, vector<1x64xf32>
    %add3A = vector.broadcast %get3A_8 : vector<1x64xf32> to vector<2000x64xf32>
    %add3A_9 = arith.addf %dot_general3A_5, %add3A : vector<2000x64xf32>
    %max3A = arith.constant 0.000000e+00 : f32
    %max3A_10 = vector.broadcast %max3A : f32 to vector<2000x64xf32>
    %max3A_11 = arith.maximumf %add3A_9, %max3A_10 : vector<2000x64xf32>
    %get3A_12 = arith.constant 0 : index
    %get3A_13 = arith.constant 0 : index
    %get3A_14 = vector.load %arg4[%get3A_12, %get3A_13] : memref<64x64xf32, #tpu.memory_space<vmem>>, vector<64x64xf32>
    %dot_general3A_15 = arith.constant dense<0.000000e+00> : vector<2000x64xf32>
    %dot_general3A_16 = tpu.matmul %max3A_11, %get3A_14, %dot_general3A_15 {dimension_numbers = #tpu.dot_dimension_numbers<[1], [0], [0], [1], [0, 0, 1, 1], [], []>, precision = #tpu.contract_precision<fp32>, transpose_lhs_hint = false} : vector<2000x64xf32>, vector<64x64xf32>, vector<2000x64xf32> -> vector<2000x64xf32>
    %get3A_17 = arith.constant 0 : index
    %get3A_18 = arith.constant 0 : index
    %get3A_19 = vector.load %arg5[%get3A_17, %get3A_18] : memref<1x64xf32, #tpu.memory_space<vmem>>, vector<1x64xf32>
    %add3A_20 = vector.broadcast %get3A_19 : vector<1x64xf32> to vector<2000x64xf32>
    %add3A_21 = arith.addf %dot_general3A_16, %add3A_20 : vector<2000x64xf32>
    %max3A_22 = arith.constant 0.000000e+00 : f32
    %max3A_23 = vector.broadcast %max3A_22 : f32 to vector<2000x64xf32>
    %max3A_24 = arith.maximumf %add3A_21, %max3A_23 : vector<2000x64xf32>
    %get3A_25 = arith.constant 0 : index
    %get3A_26 = arith.constant 0 : index
    %get3A_27 = vector.load %arg6[%get3A_25, %get3A_26] : memref<1x64xf32, #tpu.memory_space<vmem>>, vector<1x64xf32>
    %get3A_28 = arith.constant 0 : index
    %get3A_29 = arith.constant 0 : index
    %get3A_30 = vector.load %arg7[%get3A_28, %get3A_29] : memref<1x64xf32, #tpu.memory_space<vmem>>, vector<1x64xf32>
    %reduce_sum3A = arith.constant dense<0.000000e+00> : vector<2000xf32>
    %reduce_sum3A_31 = vector.multi_reduction <add>, %max3A_24, %reduce_sum3A [1] : vector<2000x64xf32> to vector<2000xf32>
    %broadcast_in_dim3A = vector.shape_cast %reduce_sum3A_31 : vector<2000xf32> to vector<2000x1xf32>
    %div3A = arith.constant 6.400000e+01 : f32
    %div3A_32 = vector.broadcast %div3A : f32 to vector<2000x1xf32>
    %div3A_33 = arith.divf %broadcast_in_dim3A, %div3A_32 : vector<2000x1xf32>
    %sub3A = vector.broadcast %div3A_33 : vector<2000x1xf32> to vector<2000x64xf32>
    %sub3A_34 = arith.subf %max3A_24, %sub3A : vector<2000x64xf32>
    %integer_pow3A = arith.mulf %sub3A_34, %sub3A_34 : vector<2000x64xf32>
    %reduce_sum3A_35 = arith.constant dense<0.000000e+00> : vector<2000xf32>
    %reduce_sum3A_36 = vector.multi_reduction <add>, %integer_pow3A, %reduce_sum3A_35 [1] : vector<2000x64xf32> to vector<2000xf32>
    %broadcast_in_dim3A_37 = vector.shape_cast %reduce_sum3A_36 : vector<2000xf32> to vector<2000x1xf32>
    %div3A_38 = arith.constant 6.400000e+01 : f32
    %div3A_39 = vector.broadcast %div3A_38 : f32 to vector<2000x1xf32>
    %div3A_40 = arith.divf %broadcast_in_dim3A_37, %div3A_39 : vector<2000x1xf32>
    %sub3A_41 = vector.broadcast %div3A_33 : vector<2000x1xf32> to vector<2000x64xf32>
    %sub3A_42 = arith.subf %max3A_24, %sub3A_41 : vector<2000x64xf32>
    %add3A_43 = arith.constant 9.99999974E-6 : f32
    %add3A_44 = vector.broadcast %add3A_43 : f32 to vector<2000x1xf32>
    %add3A_45 = arith.addf %div3A_40, %add3A_44 : vector<2000x1xf32>
    %rsqrt3A = math.rsqrt %add3A_45 : vector<2000x1xf32>
    %mul3A = vector.broadcast %rsqrt3A : vector<2000x1xf32> to vector<2000x64xf32>
    %mul3A_46 = arith.mulf %sub3A_42, %mul3A : vector<2000x64xf32>
    %mul3A_47 = vector.broadcast %get3A_27 : vector<1x64xf32> to vector<2000x64xf32>
    %mul3A_48 = arith.mulf %mul3A_46, %mul3A_47 : vector<2000x64xf32>
    %add3A_49 = vector.broadcast %get3A_30 : vector<1x64xf32> to vector<2000x64xf32>
    %add3A_50 = arith.addf %mul3A_48, %add3A_49 : vector<2000x64xf32>
    %swap3A = arith.constant 0 : index
    %swap3A_51 = arith.constant 0 : index
    %swap3A_52 = vector.load %arg8[%swap3A, %swap3A_51] : memref<2000x64xf32, #tpu.memory_space<vmem>>, vector<2000x64xf32>
    tpu.vector_store %arg8[%swap3A, %swap3A_51], %add3A_50 {strides = array<i32>} : memref<2000x64xf32, #tpu.memory_space<vmem>>, vector<2000x64xf32>,
    return
  }
  func.func @transform_0(%arg0: i32) -> (i32, i32) {
    %c0_i32 = arith.constant 0 : i32
    %c0_i32_0 = arith.constant 0 : i32
    return %arg0, %c0_i32 : i32, i32
  }
  func.func @transform_1(%arg0: i32) -> (i32, i32) {
    %c0_i32 = arith.constant 0 : i32
    %c0_i32_0 = arith.constant 0 : i32
    %c0_i32_1 = arith.constant 0 : i32
    return %c0_i32, %c0_i32_0 : i32, i32
  }
  func.func @transform_2(%arg0: i32) -> (i32, i32) {
    %c0_i32 = arith.constant 0 : i32
    %c0_i32_0 = arith.constant 0 : i32
    %c0_i32_1 = arith.constant 0 : i32
    return %c0_i32, %c0_i32_0 : i32, i32
  }
  func.func @transform_3(%arg0: i32) -> (i32, i32) {
    %c0_i32 = arith.constant 0 : i32
    %c0_i32_0 = arith.constant 0 : i32
    %c0_i32_1 = arith.constant 0 : i32
    return %c0_i32, %c0_i32_0 : i32, i32
  }
  func.func @transform_4(%arg0: i32) -> (i32, i32) {
    %c0_i32 = arith.constant 0 : i32
    %c0_i32_0 = arith.constant 0 : i32
    %c0_i32_1 = arith.constant 0 : i32
    return %c0_i32, %c0_i32_0 : i32, i32
  }
  func.func @transform_5(%arg0: i32) -> (i32, i32) {
    %c0_i32 = arith.constant 0 : i32
    %c0_i32_0 = arith.constant 0 : i32
    %c0_i32_1 = arith.constant 0 : i32
    return %c0_i32, %c0_i32_0 : i32, i32
  }
  func.func @transform_6(%arg0: i32) -> (i32, i32) {
    %c0_i32 = arith.constant 0 : i32
    %c0_i32_0 = arith.constant 0 : i32
    %c0_i32_1 = arith.constant 0 : i32
    return %c0_i32, %c0_i32_0 : i32, i32
  }
  func.func @transform_7(%arg0: i32) -> (i32, i32) {
    %c0_i32 = arith.constant 0 : i32
    %c0_i32_0 = arith.constant 0 : i32
    return %arg0, %c0_i32 : i32, i32
  }
}

module attributes {stable_mosaic.version = 14 : i64} {
  func.func @_enc_edge_body(%arg0: i32, %arg1: memref<1000x32xf32, #tpu.memory_space<vmem>>, %arg2: memref<32x128xf32, #tpu.memory_space<vmem>>, %arg3: memref<1x128xf32, #tpu.memory_space<vmem>>, %arg4: memref<128x128xf32, #tpu.memory_space<vmem>>, %arg5: memref<1x128xf32, #tpu.memory_space<vmem>>, %arg6: memref<128x128xf32, #tpu.memory_space<vmem>>, %arg7: memref<1x128xf32, #tpu.memory_space<vmem>>, %arg8: memref<1x128xf32, #tpu.memory_space<vmem>>, %arg9: memref<1000x128xf32, #tpu.memory_space<vmem>>) attributes {dimension_semantics = [#tpu.dimension_semantics<arbitrary>], iteration_bounds = array<i64: 80>, scalar_prefetch = 0 : i64, scratch_operands = 0 : i64, tpu.core_type = #tpu.core_type<tc>, window_params = [{transform_indices = @transform_0, window_bounds = array<i64: 1000, 32>}, {pipeline_mode = #tpu.pipeline_mode<synchronous>, transform_indices = @transform_1, window_bounds = array<i64: 32, 128>}, {pipeline_mode = #tpu.pipeline_mode<synchronous>, transform_indices = @transform_2, window_bounds = array<i64: 1, 128>}, {pipeline_mode = #tpu.pipeline_mode<synchronous>, transform_indices = @transform_3, window_bounds = array<i64: 128, 128>}, {pipeline_mode = #tpu.pipeline_mode<synchronous>, transform_indices = @transform_4, window_bounds = array<i64: 1, 128>}, {pipeline_mode = #tpu.pipeline_mode<synchronous>, transform_indices = @transform_5, window_bounds = array<i64: 128, 128>}, {pipeline_mode = #tpu.pipeline_mode<synchronous>, transform_indices = @transform_6, window_bounds = array<i64: 1, 128>}, {pipeline_mode = #tpu.pipeline_mode<synchronous>, transform_indices = @transform_7, window_bounds = array<i64: 1, 128>}, {transform_indices = @transform_8, window_bounds = array<i64: 1000, 128>}]} {
    %get3A = arith.constant 0 : index
    %get3A_0 = arith.constant 0 : index
    %get3A_1 = vector.load %arg1[%get3A, %get3A_0] : memref<1000x32xf32, #tpu.memory_space<vmem>>, vector<1000x32xf32>
    %get3A_2 = arith.constant 0 : index
    %get3A_3 = arith.constant 0 : index
    %get3A_4 = vector.load %arg2[%get3A_2, %get3A_3] : memref<32x128xf32, #tpu.memory_space<vmem>>, vector<32x128xf32>
    %convert_element_type3A = arith.truncf %get3A_1 : vector<1000x32xf32> to vector<1000x32xbf16>
    %convert_element_type3A_5 = arith.truncf %get3A_4 : vector<32x128xf32> to vector<32x128xbf16>
    %dot_general3A = arith.constant dense<0.000000e+00> : vector<1000x128xf32>
    %dot_general3A_6 = tpu.matmul %convert_element_type3A, %convert_element_type3A_5, %dot_general3A {dimension_numbers = #tpu.dot_dimension_numbers<[1], [0], [0], [1], [0, 0, 1, 1], [], []>, transpose_lhs_hint = false} : vector<1000x32xbf16>, vector<32x128xbf16>, vector<1000x128xf32> -> vector<1000x128xf32>
    %get3A_7 = arith.constant 0 : index
    %get3A_8 = arith.constant 0 : index
    %get3A_9 = vector.load %arg3[%get3A_7, %get3A_8] : memref<1x128xf32, #tpu.memory_space<vmem>>, vector<1x128xf32>
    %add3A = vector.broadcast %get3A_9 : vector<1x128xf32> to vector<1000x128xf32>
    %add3A_10 = arith.addf %dot_general3A_6, %add3A : vector<1000x128xf32>
    %max3A = arith.constant 0.000000e+00 : f32
    %max3A_11 = vector.broadcast %max3A : f32 to vector<1000x128xf32>
    %max3A_12 = arith.maximumf %add3A_10, %max3A_11 : vector<1000x128xf32>
    %get3A_13 = arith.constant 0 : index
    %get3A_14 = arith.constant 0 : index
    %get3A_15 = vector.load %arg4[%get3A_13, %get3A_14] : memref<128x128xf32, #tpu.memory_space<vmem>>, vector<128x128xf32>
    %convert_element_type3A_16 = arith.truncf %max3A_12 : vector<1000x128xf32> to vector<1000x128xbf16>
    %convert_element_type3A_17 = arith.truncf %get3A_15 : vector<128x128xf32> to vector<128x128xbf16>
    %dot_general3A_18 = arith.constant dense<0.000000e+00> : vector<1000x128xf32>
    %dot_general3A_19 = tpu.matmul %convert_element_type3A_16, %convert_element_type3A_17, %dot_general3A_18 {dimension_numbers = #tpu.dot_dimension_numbers<[1], [0], [0], [1], [0, 0, 1, 1], [], []>, transpose_lhs_hint = false} : vector<1000x128xbf16>, vector<128x128xbf16>, vector<1000x128xf32> -> vector<1000x128xf32>
    %get3A_20 = arith.constant 0 : index
    %get3A_21 = arith.constant 0 : index
    %get3A_22 = vector.load %arg5[%get3A_20, %get3A_21] : memref<1x128xf32, #tpu.memory_space<vmem>>, vector<1x128xf32>
    %add3A_23 = vector.broadcast %get3A_22 : vector<1x128xf32> to vector<1000x128xf32>
    %add3A_24 = arith.addf %dot_general3A_19, %add3A_23 : vector<1000x128xf32>
    %max3A_25 = arith.constant 0.000000e+00 : f32
    %max3A_26 = vector.broadcast %max3A_25 : f32 to vector<1000x128xf32>
    %max3A_27 = arith.maximumf %add3A_24, %max3A_26 : vector<1000x128xf32>
    %get3A_28 = arith.constant 0 : index
    %get3A_29 = arith.constant 0 : index
    %get3A_30 = vector.load %arg7[%get3A_28, %get3A_29] : memref<1x128xf32, #tpu.memory_space<vmem>>, vector<1x128xf32>
    %get3A_31 = arith.constant 0 : index
    %get3A_32 = arith.constant 0 : index
    %get3A_33 = vector.load %arg8[%get3A_31, %get3A_32] : memref<1x128xf32, #tpu.memory_space<vmem>>, vector<1x128xf32>
    %get3A_34 = arith.constant 0 : index
    %get3A_35 = arith.constant 0 : index
    %get3A_36 = vector.load %arg6[%get3A_34, %get3A_35] : memref<128x128xf32, #tpu.memory_space<vmem>>, vector<128x128xf32>
    %dot_general3A_37 = arith.constant dense<0.000000e+00> : vector<1000x128xf32>
    %dot_general3A_38 = tpu.matmul %max3A_27, %get3A_36, %dot_general3A_37 {dimension_numbers = #tpu.dot_dimension_numbers<[1], [0], [0], [1], [0, 0, 1, 1], [], []>, transpose_lhs_hint = false} : vector<1000x128xf32>, vector<128x128xf32>, vector<1000x128xf32> -> vector<1000x128xf32>
    %mul3A = arith.mulf %max3A_27, %max3A_27 : vector<1000x128xf32>
    %dot_general3A_39 = arith.constant dense<0.000000e+00> : vector<1000x128xf32>
    %dot_general3A_40 = tpu.matmul %mul3A, %get3A_36, %dot_general3A_39 {dimension_numbers = #tpu.dot_dimension_numbers<[1], [0], [0], [1], [0, 0, 1, 1], [], []>, transpose_lhs_hint = false} : vector<1000x128xf32>, vector<128x128xf32>, vector<1000x128xf32> -> vector<1000x128xf32>
    %mul3A_41 = arith.mulf %dot_general3A_38, %dot_general3A_38 : vector<1000x128xf32>
    %sub3A = arith.subf %dot_general3A_40, %mul3A_41 : vector<1000x128xf32>
    %sub3A_42 = arith.subf %max3A_27, %dot_general3A_38 : vector<1000x128xf32>
    %add3A_43 = arith.constant 9.99999974E-6 : f32
    %add3A_44 = vector.broadcast %add3A_43 : f32 to vector<1000x128xf32>
    %add3A_45 = arith.addf %sub3A, %add3A_44 : vector<1000x128xf32>
    %rsqrt3A = math.rsqrt %add3A_45 : vector<1000x128xf32>
    %mul3A_46 = arith.mulf %sub3A_42, %rsqrt3A : vector<1000x128xf32>
    %mul3A_47 = vector.broadcast %get3A_30 : vector<1x128xf32> to vector<1000x128xf32>
    %mul3A_48 = arith.mulf %mul3A_46, %mul3A_47 : vector<1000x128xf32>
    %add3A_49 = vector.broadcast %get3A_33 : vector<1x128xf32> to vector<1000x128xf32>
    %add3A_50 = arith.addf %mul3A_48, %add3A_49 : vector<1000x128xf32>
    %swap3A = arith.constant 0 : index
    %swap3A_51 = arith.constant 0 : index
    %swap3A_52 = vector.load %arg9[%swap3A, %swap3A_51] : memref<1000x128xf32, #tpu.memory_space<vmem>>, vector<1000x128xf32>
    tpu.vector_store %arg9[%swap3A, %swap3A_51], %add3A_50 {strides = array<i32>} : memref<1000x128xf32, #tpu.memory_space<vmem>>, vector<1000x128xf32>,
    return
  }
  func.func @transform_0(%arg0: i32) -> (i32, i32) {
    %c0_i32 = arith.constant 0 : i32
    %c0_i32_0 = arith.constant 0 : i32
    return %arg0, %c0_i32 : i32, i32
  }
  func.func @transform_1(%arg0: i32) -> (i32, i32) {
    %c0_i32 = arith.constant 0 : i32
    %c0_i32_0 = arith.constant 0 : i32
    %c0_i32_1 = arith.constant 0 : i32
    return %c0_i32, %c0_i32_0 : i32, i32
  }
  func.func @transform_2(%arg0: i32) -> (i32, i32) {
    %c0_i32 = arith.constant 0 : i32
    %c0_i32_0 = arith.constant 0 : i32
    %c0_i32_1 = arith.constant 0 : i32
    return %c0_i32, %c0_i32_0 : i32, i32
  }
  func.func @transform_3(%arg0: i32) -> (i32, i32) {
    %c0_i32 = arith.constant 0 : i32
    %c0_i32_0 = arith.constant 0 : i32
    %c0_i32_1 = arith.constant 0 : i32
    return %c0_i32, %c0_i32_0 : i32, i32
  }
  func.func @transform_4(%arg0: i32) -> (i32, i32) {
    %c0_i32 = arith.constant 0 : i32
    %c0_i32_0 = arith.constant 0 : i32
    %c0_i32_1 = arith.constant 0 : i32
    return %c0_i32, %c0_i32_0 : i32, i32
  }
  func.func @transform_5(%arg0: i32) -> (i32, i32) {
    %c0_i32 = arith.constant 0 : i32
    %c0_i32_0 = arith.constant 0 : i32
    %c0_i32_1 = arith.constant 0 : i32
    return %c0_i32, %c0_i32_0 : i32, i32
  }
  func.func @transform_6(%arg0: i32) -> (i32, i32) {
    %c0_i32 = arith.constant 0 : i32
    %c0_i32_0 = arith.constant 0 : i32
    %c0_i32_1 = arith.constant 0 : i32
    return %c0_i32, %c0_i32_0 : i32, i32
  }
  func.func @transform_7(%arg0: i32) -> (i32, i32) {
    %c0_i32 = arith.constant 0 : i32
    %c0_i32_0 = arith.constant 0 : i32
    %c0_i32_1 = arith.constant 0 : i32
    return %c0_i32, %c0_i32_0 : i32, i32
  }
  func.func @transform_8(%arg0: i32) -> (i32, i32) {
    %c0_i32 = arith.constant 0 : i32
    %c0_i32_0 = arith.constant 0 : i32
    return %arg0, %c0_i32 : i32, i32
  }
}

module attributes {stable_mosaic.version = 14 : i64} {
  func.func @_edge_body(%arg0: i32, %arg1: memref<1024x128xf32, #tpu.memory_space<vmem>>, %arg2: memref<1024x128xf32, #tpu.memory_space<vmem>>, %arg3: memref<1024x128xf32, #tpu.memory_space<vmem>>, %arg4: memref<128x128xf32, #tpu.memory_space<vmem>>, %arg5: memref<128x128xf32, #tpu.memory_space<vmem>>, %arg6: memref<128x128xf32, #tpu.memory_space<vmem>>, %arg7: memref<1x128xf32, #tpu.memory_space<vmem>>, %arg8: memref<128x128xf32, #tpu.memory_space<vmem>>, %arg9: memref<1x128xf32, #tpu.memory_space<vmem>>, %arg10: memref<128x128xf32, #tpu.memory_space<vmem>>, %arg11: memref<1x128xf32, #tpu.memory_space<vmem>>, %arg12: memref<1x128xf32, #tpu.memory_space<vmem>>, %arg13: memref<1024x128xf32, #tpu.memory_space<vmem>>, %arg14: memref<1024x128xf32, #tpu.memory_space<vmem>>) attributes {dimension_semantics = [#tpu.dimension_semantics<arbitrary>], iteration_bounds = array<i64: 80>, scalar_prefetch = 0 : i64, scratch_operands = 0 : i64, tpu.core_type = #tpu.core_type<tc>, window_params = [{transform_indices = @transform_0, window_bounds = array<i64: 1024, 128>}, {transform_indices = @transform_1, window_bounds = array<i64: 1024, 128>}, {transform_indices = @transform_2, window_bounds = array<i64: 1024, 128>}, {pipeline_mode = #tpu.pipeline_mode<synchronous>, transform_indices = @transform_3, window_bounds = array<i64: 128, 128>}, {pipeline_mode = #tpu.pipeline_mode<synchronous>, transform_indices = @transform_4, window_bounds = array<i64: 128, 128>}, {pipeline_mode = #tpu.pipeline_mode<synchronous>, transform_indices = @transform_5, window_bounds = array<i64: 128, 128>}, {pipeline_mode = #tpu.pipeline_mode<synchronous>, transform_indices = @transform_6, window_bounds = array<i64: 1, 128>}, {pipeline_mode = #tpu.pipeline_mode<synchronous>, transform_indices = @transform_7, window_bounds = array<i64: 128, 128>}, {pipeline_mode = #tpu.pipeline_mode<synchronous>, transform_indices = @transform_8, window_bounds = array<i64: 1, 128>}, {pipeline_mode = #tpu.pipeline_mode<synchronous>, transform_indices = @transform_9, window_bounds = array<i64: 128, 128>}, {pipeline_mode = #tpu.pipeline_mode<synchronous>, transform_indices = @transform_10, window_bounds = array<i64: 1, 128>}, {pipeline_mode = #tpu.pipeline_mode<synchronous>, transform_indices = @transform_11, window_bounds = array<i64: 1, 128>}, {transform_indices = @transform_12, window_bounds = array<i64: 1024, 128>}, {transform_indices = @transform_13, window_bounds = array<i64: 1024, 128>}]} {
    %get3A = arith.constant 0 : index
    %get3A_0 = arith.constant 0 : index
    %get3A_1 = vector.load %arg1[%get3A, %get3A_0] : memref<1024x128xf32, #tpu.memory_space<vmem>>, vector<1024x128xf32>
    %get3A_2 = arith.constant 0 : index
    %get3A_3 = arith.constant 0 : index
    %get3A_4 = vector.load %arg2[%get3A_2, %get3A_3] : memref<1024x128xf32, #tpu.memory_space<vmem>>, vector<1024x128xf32>
    %get3A_5 = arith.constant 0 : index
    %get3A_6 = arith.constant 0 : index
    %get3A_7 = vector.load %arg3[%get3A_5, %get3A_6] : memref<1024x128xf32, #tpu.memory_space<vmem>>, vector<1024x128xf32>
    %add3A = arith.addf %get3A_1, %get3A_4 : vector<1024x128xf32>
    %get3A_8 = arith.constant 0 : index
    %get3A_9 = arith.constant 0 : index
    %get3A_10 = vector.load %arg4[%get3A_8, %get3A_9] : memref<128x128xf32, #tpu.memory_space<vmem>>, vector<128x128xf32>
    %convert_element_type3A = arith.truncf %add3A : vector<1024x128xf32> to vector<1024x128xbf16>
    %convert_element_type3A_11 = arith.truncf %get3A_10 : vector<128x128xf32> to vector<128x128xbf16>
    %dot_general3A = arith.constant dense<0.000000e+00> : vector<1024x128xf32>
    %dot_general3A_12 = tpu.matmul %convert_element_type3A, %convert_element_type3A_11, %dot_general3A {dimension_numbers = #tpu.dot_dimension_numbers<[1], [0], [0], [1], [0, 0, 1, 1], [], []>, transpose_lhs_hint = false} : vector<1024x128xbf16>, vector<128x128xbf16>, vector<1024x128xf32> -> vector<1024x128xf32>
    %sub3A = arith.subf %get3A_1, %get3A_4 : vector<1024x128xf32>
    %get3A_13 = arith.constant 0 : index
    %get3A_14 = arith.constant 0 : index
    %get3A_15 = vector.load %arg5[%get3A_13, %get3A_14] : memref<128x128xf32, #tpu.memory_space<vmem>>, vector<128x128xf32>
    %convert_element_type3A_16 = arith.truncf %sub3A : vector<1024x128xf32> to vector<1024x128xbf16>
    %convert_element_type3A_17 = arith.truncf %get3A_15 : vector<128x128xf32> to vector<128x128xbf16>
    %dot_general3A_18 = arith.constant dense<0.000000e+00> : vector<1024x128xf32>
    %dot_general3A_19 = tpu.matmul %convert_element_type3A_16, %convert_element_type3A_17, %dot_general3A_18 {dimension_numbers = #tpu.dot_dimension_numbers<[1], [0], [0], [1], [0, 0, 1, 1], [], []>, transpose_lhs_hint = false} : vector<1024x128xbf16>, vector<128x128xbf16>, vector<1024x128xf32> -> vector<1024x128xf32>
    %get3A_20 = arith.constant 0 : index
    %get3A_21 = arith.constant 0 : index
    %get3A_22 = vector.load %arg6[%get3A_20, %get3A_21] : memref<128x128xf32, #tpu.memory_space<vmem>>, vector<128x128xf32>
    %convert_element_type3A_23 = arith.truncf %get3A_7 : vector<1024x128xf32> to vector<1024x128xbf16>
    %convert_element_type3A_24 = arith.truncf %get3A_22 : vector<128x128xf32> to vector<128x128xbf16>
    %dot_general3A_25 = arith.constant dense<0.000000e+00> : vector<1024x128xf32>
    %dot_general3A_26 = tpu.matmul %convert_element_type3A_23, %convert_element_type3A_24, %dot_general3A_25 {dimension_numbers = #tpu.dot_dimension_numbers<[1], [0], [0], [1], [0, 0, 1, 1], [], []>, transpose_lhs_hint = false} : vector<1024x128xbf16>, vector<128x128xbf16>, vector<1024x128xf32> -> vector<1024x128xf32>
    %get3A_27 = arith.constant 0 : index
    %get3A_28 = arith.constant 0 : index
    %get3A_29 = vector.load %arg7[%get3A_27, %get3A_28] : memref<1x128xf32, #tpu.memory_space<vmem>>, vector<1x128xf32>
    %add3A_30 = vector.broadcast %get3A_29 : vector<1x128xf32> to vector<1024x128xf32>
    %add3A_31 = arith.addf %dot_general3A_26, %add3A_30 : vector<1024x128xf32>
    %add3A_32 = arith.addf %dot_general3A_12, %dot_general3A_19 : vector<1024x128xf32>
    %mul3A = arith.constant 5.000000e-01 : f32
    %mul3A_33 = vector.broadcast %mul3A : f32 to vector<1024x128xf32>
    %mul3A_34 = arith.mulf %mul3A_33, %add3A_32 : vector<1024x128xf32>
    %add3A_35 = arith.addf %mul3A_34, %add3A_31 : vector<1024x128xf32>
    %sub3A_36 = arith.subf %dot_general3A_12, %dot_general3A_19 : vector<1024x128xf32>
    %mul3A_37 = arith.constant 5.000000e-01 : f32
    %mul3A_38 = vector.broadcast %mul3A_37 : f32 to vector<1024x128xf32>
    %mul3A_39 = arith.mulf %mul3A_38, %sub3A_36 : vector<1024x128xf32>
    %add3A_40 = arith.addf %mul3A_39, %add3A_31 : vector<1024x128xf32>
    %get3A_41 = arith.constant 0 : index
    %get3A_42 = arith.constant 0 : index
    %get3A_43 = vector.load %arg8[%get3A_41, %get3A_42] : memref<128x128xf32, #tpu.memory_space<vmem>>, vector<128x128xf32>
    %get3A_44 = arith.constant 0 : index
    %get3A_45 = arith.constant 0 : index
    %get3A_46 = vector.load %arg9[%get3A_44, %get3A_45] : memref<1x128xf32, #tpu.memory_space<vmem>>, vector<1x128xf32>
    %get3A_47 = arith.constant 0 : index
    %get3A_48 = arith.constant 0 : index
    %get3A_49 = vector.load %arg11[%get3A_47, %get3A_48] : memref<1x128xf32, #tpu.memory_space<vmem>>, vector<1x128xf32>
    %get3A_50 = arith.constant 0 : index
    %get3A_51 = arith.constant 0 : index
    %get3A_52 = vector.load %arg12[%get3A_50, %get3A_51] : memref<1x128xf32, #tpu.memory_space<vmem>>, vector<1x128xf32>
    %max3A = arith.constant 0.000000e+00 : f32
    %max3A_53 = vector.broadcast %max3A : f32 to vector<1024x128xf32>
    %max3A_54 = arith.maximumf %add3A_35, %max3A_53 : vector<1024x128xf32>
    %convert_element_type3A_55 = arith.truncf %max3A_54 : vector<1024x128xf32> to vector<1024x128xbf16>
    %convert_element_type3A_56 = arith.truncf %get3A_43 : vector<128x128xf32> to vector<128x128xbf16>
    %dot_general3A_57 = arith.constant dense<0.000000e+00> : vector<1024x128xf32>
    %dot_general3A_58 = tpu.matmul %convert_element_type3A_55, %convert_element_type3A_56, %dot_general3A_57 {dimension_numbers = #tpu.dot_dimension_numbers<[1], [0], [0], [1], [0, 0, 1, 1], [], []>, transpose_lhs_hint = false} : vector<1024x128xbf16>, vector<128x128xbf16>, vector<1024x128xf32> -> vector<1024x128xf32>
    %add3A_59 = vector.broadcast %get3A_46 : vector<1x128xf32> to vector<1024x128xf32>
    %add3A_60 = arith.addf %dot_general3A_58, %add3A_59 : vector<1024x128xf32>
    %max3A_61 = arith.constant 0.000000e+00 : f32
    %max3A_62 = vector.broadcast %max3A_61 : f32 to vector<1024x128xf32>
    %max3A_63 = arith.maximumf %add3A_60, %max3A_62 : vector<1024x128xf32>
    %max3A_64 = arith.constant 0.000000e+00 : f32
    %max3A_65 = vector.broadcast %max3A_64 : f32 to vector<1024x128xf32>
    %max3A_66 = arith.maximumf %add3A_40, %max3A_65 : vector<1024x128xf32>
    %convert_element_type3A_67 = arith.truncf %max3A_66 : vector<1024x128xf32> to vector<1024x128xbf16>
    %convert_element_type3A_68 = arith.truncf %get3A_43 : vector<128x128xf32> to vector<128x128xbf16>
    %dot_general3A_69 = arith.constant dense<0.000000e+00> : vector<1024x128xf32>
    %dot_general3A_70 = tpu.matmul %convert_element_type3A_67, %convert_element_type3A_68, %dot_general3A_69 {dimension_numbers = #tpu.dot_dimension_numbers<[1], [0], [0], [1], [0, 0, 1, 1], [], []>, transpose_lhs_hint = false} : vector<1024x128xbf16>, vector<128x128xbf16>, vector<1024x128xf32> -> vector<1024x128xf32>
    %add3A_71 = vector.broadcast %get3A_46 : vector<1x128xf32> to vector<1024x128xf32>
    %add3A_72 = arith.addf %dot_general3A_70, %add3A_71 : vector<1024x128xf32>
    %max3A_73 = arith.constant 0.000000e+00 : f32
    %max3A_74 = vector.broadcast %max3A_73 : f32 to vector<1024x128xf32>
    %max3A_75 = arith.maximumf %add3A_72, %max3A_74 : vector<1024x128xf32>
    %get3A_76 = arith.constant 0 : index
    %get3A_77 = arith.constant 0 : index
    %get3A_78 = vector.load %arg10[%get3A_76, %get3A_77] : memref<128x128xf32, #tpu.memory_space<vmem>>, vector<128x128xf32>
    %dot_general3A_79 = arith.constant dense<0.000000e+00> : vector<1024x128xf32>
    %dot_general3A_80 = tpu.matmul %max3A_63, %get3A_78, %dot_general3A_79 {dimension_numbers = #tpu.dot_dimension_numbers<[1], [0], [0], [1], [0, 0, 1, 1], [], []>, transpose_lhs_hint = false} : vector<1024x128xf32>, vector<128x128xf32>, vector<1024x128xf32> -> vector<1024x128xf32>
    %mul3A_81 = arith.mulf %max3A_63, %max3A_63 : vector<1024x128xf32>
    %dot_general3A_82 = arith.constant dense<0.000000e+00> : vector<1024x128xf32>
    %dot_general3A_83 = tpu.matmul %mul3A_81, %get3A_78, %dot_general3A_82 {dimension_numbers = #tpu.dot_dimension_numbers<[1], [0], [0], [1], [0, 0, 1, 1], [], []>, transpose_lhs_hint = false} : vector<1024x128xf32>, vector<128x128xf32>, vector<1024x128xf32> -> vector<1024x128xf32>
    %mul3A_84 = arith.mulf %dot_general3A_80, %dot_general3A_80 : vector<1024x128xf32>
    %sub3A_85 = arith.subf %dot_general3A_83, %mul3A_84 : vector<1024x128xf32>
    %sub3A_86 = arith.subf %max3A_63, %dot_general3A_80 : vector<1024x128xf32>
    %add3A_87 = arith.constant 9.99999974E-6 : f32
    %add3A_88 = vector.broadcast %add3A_87 : f32 to vector<1024x128xf32>
    %add3A_89 = arith.addf %sub3A_85, %add3A_88 : vector<1024x128xf32>
    %rsqrt3A = math.rsqrt %add3A_89 : vector<1024x128xf32>
    %mul3A_90 = arith.mulf %sub3A_86, %rsqrt3A : vector<1024x128xf32>
    %mul3A_91 = vector.broadcast %get3A_49 : vector<1x128xf32> to vector<1024x128xf32>
    %mul3A_92 = arith.mulf %mul3A_90, %mul3A_91 : vector<1024x128xf32>
    %add3A_93 = vector.broadcast %get3A_52 : vector<1x128xf32> to vector<1024x128xf32>
    %add3A_94 = arith.addf %mul3A_92, %add3A_93 : vector<1024x128xf32>
    %swap3A = arith.constant 0 : index
    %swap3A_95 = arith.constant 0 : index
    %swap3A_96 = vector.load %arg13[%swap3A, %swap3A_95] : memref<1024x128xf32, #tpu.memory_space<vmem>>, vector<1024x128xf32>
    tpu.vector_store %arg13[%swap3A, %swap3A_95], %add3A_94 {strides = array<i32>} : memref<1024x128xf32, #tpu.memory_space<vmem>>, vector<1024x128xf32>,
    %get3A_97 = arith.constant 0 : index
    %get3A_98 = arith.constant 0 : index
    %get3A_99 = vector.load %arg10[%get3A_97, %get3A_98] : memref<128x128xf32, #tpu.memory_space<vmem>>, vector<128x128xf32>
    %dot_general3A_100 = arith.constant dense<0.000000e+00> : vector<1024x128xf32>
    %dot_general3A_101 = tpu.matmul %max3A_75, %get3A_99, %dot_general3A_100 {dimension_numbers = #tpu.dot_dimension_numbers<[1], [0], [0], [1], [0, 0, 1, 1], [], []>, transpose_lhs_hint = false} : vector<1024x128xf32>, vector<128x128xf32>, vector<1024x128xf32> -> vector<1024x128xf32>
    %mul3A_102 = arith.mulf %max3A_75, %max3A_75 : vector<1024x128xf32>
    %dot_general3A_103 = arith.constant dense<0.000000e+00> : vector<1024x128xf32>
    %dot_general3A_104 = tpu.matmul %mul3A_102, %get3A_99, %dot_general3A_103 {dimension_numbers = #tpu.dot_dimension_numbers<[1], [0], [0], [1], [0, 0, 1, 1], [], []>, transpose_lhs_hint = false} : vector<1024x128xf32>, vector<128x128xf32>, vector<1024x128xf32> -> vector<1024x128xf32>
    %mul3A_105 = arith.mulf %dot_general3A_101, %dot_general3A_101 : vector<1024x128xf32>
    %sub3A_106 = arith.subf %dot_general3A_104, %mul3A_105 : vector<1024x128xf32>
    %sub3A_107 = arith.subf %max3A_75, %dot_general3A_101 : vector<1024x128xf32>
    %add3A_108 = arith.constant 9.99999974E-6 : f32
    %add3A_109 = vector.broadcast %add3A_108 : f32 to vector<1024x128xf32>
    %add3A_110 = arith.addf %sub3A_106, %add3A_109 : vector<1024x128xf32>
    %rsqrt3A_111 = math.rsqrt %add3A_110 : vector<1024x128xf32>
    %mul3A_112 = arith.mulf %sub3A_107, %rsqrt3A_111 : vector<1024x128xf32>
    %mul3A_113 = vector.broadcast %get3A_49 : vector<1x128xf32> to vector<1024x128xf32>
    %mul3A_114 = arith.mulf %mul3A_112, %mul3A_113 : vector<1024x128xf32>
    %add3A_115 = vector.broadcast %get3A_52 : vector<1x128xf32> to vector<1024x128xf32>
    %add3A_116 = arith.addf %mul3A_114, %add3A_115 : vector<1024x128xf32>
    %add3A_117 = arith.addf %get3A_7, %add3A_116 : vector<1024x128xf32>
    %swap3A_118 = arith.constant 0 : index
    %swap3A_119 = arith.constant 0 : index
    %swap3A_120 = vector.load %arg14[%swap3A_118, %swap3A_119] : memref<1024x128xf32, #tpu.memory_space<vmem>>, vector<1024x128xf32>
    tpu.vector_store %arg14[%swap3A_118, %swap3A_119], %add3A_117 {strides = array<i32>} : memref<1024x128xf32, #tpu.memory_space<vmem>>, vector<1024x128xf32>,
    return
  }
  func.func @transform_0(%arg0: i32) -> (i32, i32) {
    %mul3A = arith.constant 2 : i32
    %mul3A_0 = arith.muli %mul3A, %arg0 : i32
    %c0_i32 = arith.constant 0 : i32
    %c0_i32_1 = arith.constant 0 : i32
    return %mul3A_0, %c0_i32 : i32, i32
  }
  func.func @transform_1(%arg0: i32) -> (i32, i32) {
    %mul3A = arith.constant 2 : i32
    %mul3A_0 = arith.muli %mul3A, %arg0 : i32
    %add3A = arith.constant 1 : i32
    %add3A_1 = arith.addi %mul3A_0, %add3A : i32
    %c0_i32 = arith.constant 0 : i32
    %c0_i32_2 = arith.constant 0 : i32
    return %add3A_1, %c0_i32 : i32, i32
  }
  func.func @transform_2(%arg0: i32) -> (i32, i32) {
    %c0_i32 = arith.constant 0 : i32
    %c0_i32_0 = arith.constant 0 : i32
    return %arg0, %c0_i32 : i32, i32
  }
  func.func @transform_3(%arg0: i32) -> (i32, i32) {
    %c0_i32 = arith.constant 0 : i32
    %c0_i32_0 = arith.constant 0 : i32
    %c0_i32_1 = arith.constant 0 : i32
    return %c0_i32, %c0_i32_0 : i32, i32
  }
  func.func @transform_4(%arg0: i32) -> (i32, i32) {
    %c0_i32 = arith.constant 0 : i32
    %c0_i32_0 = arith.constant 0 : i32
    %c0_i32_1 = arith.constant 0 : i32
    return %c0_i32, %c0_i32_0 : i32, i32
  }
  func.func @transform_5(%arg0: i32) -> (i32, i32) {
    %c0_i32 = arith.constant 0 : i32
    %c0_i32_0 = arith.constant 0 : i32
    %c0_i32_1 = arith.constant 0 : i32
    return %c0_i32, %c0_i32_0 : i32, i32
  }
  func.func @transform_6(%arg0: i32) -> (i32, i32) {
    %c0_i32 = arith.constant 0 : i32
    %c0_i32_0 = arith.constant 0 : i32
    %c0_i32_1 = arith.constant 0 : i32
    return %c0_i32, %c0_i32_0 : i32, i32
  }
  func.func @transform_7(%arg0: i32) -> (i32, i32) {
    %c0_i32 = arith.constant 0 : i32
    %c0_i32_0 = arith.constant 0 : i32
    %c0_i32_1 = arith.constant 0 : i32
    return %c0_i32, %c0_i32_0 : i32, i32
  }
  func.func @transform_8(%arg0: i32) -> (i32, i32) {
    %c0_i32 = arith.constant 0 : i32
    %c0_i32_0 = arith.constant 0 : i32
    %c0_i32_1 = arith.constant 0 : i32
    return %c0_i32, %c0_i32_0 : i32, i32
  }
  func.func @transform_9(%arg0: i32) -> (i32, i32) {
    %c0_i32 = arith.constant 0 : i32
    %c0_i32_0 = arith.constant 0 : i32
    %c0_i32_1 = arith.constant 0 : i32
    return %c0_i32, %c0_i32_0 : i32, i32
  }
  func.func @transform_10(%arg0: i32) -> (i32, i32) {
    %c0_i32 = arith.constant 0 : i32
    %c0_i32_0 = arith.constant 0 : i32
    %c0_i32_1 = arith.constant 0 : i32
    return %c0_i32, %c0_i32_0 : i32, i32
  }
  func.func @transform_11(%arg0: i32) -> (i32, i32) {
    %c0_i32 = arith.constant 0 : i32
    %c0_i32_0 = arith.constant 0 : i32
    %c0_i32_1 = arith.constant 0 : i32
    return %c0_i32, %c0_i32_0 : i32, i32
  }
  func.func @transform_12(%arg0: i32) -> (i32, i32) {
    %c0_i32 = arith.constant 0 : i32
    %c0_i32_0 = arith.constant 0 : i32
    return %arg0, %c0_i32 : i32, i32
  }
  func.func @transform_13(%arg0: i32) -> (i32, i32) {
    %c0_i32 = arith.constant 0 : i32
    %c0_i32_0 = arith.constant 0 : i32
    return %arg0, %c0_i32 : i32, i32
  }
}

module attributes {stable_mosaic.version = 14 : i64} {
  func.func @_node_body(%arg0: i32, %arg1: memref<1x2000x64xf32, #tpu.memory_space<vmem>>, %arg2: memref<1x2000x64xf32, #tpu.memory_space<vmem>>, %arg3: memref<2000x64xf32, #tpu.memory_space<vmem>>, %arg4: memref<64x64xf32, #tpu.memory_space<vmem>>, %arg5: memref<64x64xf32, #tpu.memory_space<vmem>>, %arg6: memref<1x64xf32, #tpu.memory_space<vmem>>, %arg7: memref<64x64xf32, #tpu.memory_space<vmem>>, %arg8: memref<1x64xf32, #tpu.memory_space<vmem>>, %arg9: memref<1x64xf32, #tpu.memory_space<vmem>>, %arg10: memref<1x64xf32, #tpu.memory_space<vmem>>, %arg11: memref<2000x64xf32, #tpu.memory_space<vmem>>) attributes {dimension_semantics = [#tpu.dimension_semantics<arbitrary>], iteration_bounds = array<i64: 5>, scalar_prefetch = 0 : i64, scratch_operands = 0 : i64, tpu.core_type = #tpu.core_type<tc>, window_params = [{transform_indices = @transform_0, window_bounds = array<i64: 1, 2000, 64>}, {transform_indices = @transform_1, window_bounds = array<i64: 1, 2000, 64>}, {transform_indices = @transform_2, window_bounds = array<i64: 2000, 64>}, {pipeline_mode = #tpu.pipeline_mode<synchronous>, transform_indices = @transform_3, window_bounds = array<i64: 64, 64>}, {pipeline_mode = #tpu.pipeline_mode<synchronous>, transform_indices = @transform_4, window_bounds = array<i64: 64, 64>}, {pipeline_mode = #tpu.pipeline_mode<synchronous>, transform_indices = @transform_5, window_bounds = array<i64: 1, 64>}, {pipeline_mode = #tpu.pipeline_mode<synchronous>, transform_indices = @transform_6, window_bounds = array<i64: 64, 64>}, {pipeline_mode = #tpu.pipeline_mode<synchronous>, transform_indices = @transform_7, window_bounds = array<i64: 1, 64>}, {pipeline_mode = #tpu.pipeline_mode<synchronous>, transform_indices = @transform_8, window_bounds = array<i64: 1, 64>}, {pipeline_mode = #tpu.pipeline_mode<synchronous>, transform_indices = @transform_9, window_bounds = array<i64: 1, 64>}, {transform_indices = @transform_10, window_bounds = array<i64: 2000, 64>}]} {
    %get3A = arith.constant 0 : index
    %get3A_0 = arith.constant 0 : index
    %get3A_1 = arith.constant 0 : index
    %get3A_2 = vector.load %arg1[%get3A, %get3A_0, %get3A_1] : memref<1x2000x64xf32, #tpu.memory_space<vmem>>, vector<1x2000x64xf32>
    %get3A_3 = vector.shape_cast %get3A_2 : vector<1x2000x64xf32> to vector<2000x64xf32>
    %get3A_4 = arith.constant 0 : index
    %get3A_5 = arith.constant 0 : index
    %get3A_6 = arith.constant 0 : index
    %get3A_7 = vector.load %arg2[%get3A_4, %get3A_5, %get3A_6] : memref<1x2000x64xf32, #tpu.memory_space<vmem>>, vector<1x2000x64xf32>
    %get3A_8 = vector.shape_cast %get3A_7 : vector<1x2000x64xf32> to vector<2000x64xf32>
    %add3A = arith.addf %get3A_3, %get3A_8 : vector<2000x64xf32>
    %get3A_9 = arith.constant 0 : index
    %get3A_10 = arith.constant 0 : index
    %get3A_11 = vector.load %arg3[%get3A_9, %get3A_10] : memref<2000x64xf32, #tpu.memory_space<vmem>>, vector<2000x64xf32>
    %get3A_12 = arith.constant 0 : index
    %get3A_13 = arith.constant 0 : index
    %get3A_14 = vector.load %arg4[%get3A_12, %get3A_13] : memref<64x64xf32, #tpu.memory_space<vmem>>, vector<64x64xf32>
    %dot_general3A = arith.constant dense<0.000000e+00> : vector<2000x64xf32>
    %dot_general3A_15 = tpu.matmul %add3A, %get3A_14, %dot_general3A {dimension_numbers = #tpu.dot_dimension_numbers<[1], [0], [0], [1], [0, 0, 1, 1], [], []>, precision = #tpu.contract_precision<fp32>, transpose_lhs_hint = false} : vector<2000x64xf32>, vector<64x64xf32>, vector<2000x64xf32> -> vector<2000x64xf32>
    %get3A_16 = arith.constant 0 : index
    %get3A_17 = arith.constant 0 : index
    %get3A_18 = vector.load %arg5[%get3A_16, %get3A_17] : memref<64x64xf32, #tpu.memory_space<vmem>>, vector<64x64xf32>
    %dot_general3A_19 = arith.constant dense<0.000000e+00> : vector<2000x64xf32>
    %dot_general3A_20 = tpu.matmul %get3A_11, %get3A_18, %dot_general3A_19 {dimension_numbers = #tpu.dot_dimension_numbers<[1], [0], [0], [1], [0, 0, 1, 1], [], []>, precision = #tpu.contract_precision<fp32>, transpose_lhs_hint = false} : vector<2000x64xf32>, vector<64x64xf32>, vector<2000x64xf32> -> vector<2000x64xf32>
    %add3A_21 = arith.addf %dot_general3A_15, %dot_general3A_20 : vector<2000x64xf32>
    %get3A_22 = arith.constant 0 : index
    %get3A_23 = arith.constant 0 : index
    %get3A_24 = vector.load %arg6[%get3A_22, %get3A_23] : memref<1x64xf32, #tpu.memory_space<vmem>>, vector<1x64xf32>
    %add3A_25 = vector.broadcast %get3A_24 : vector<1x64xf32> to vector<2000x64xf32>
    %add3A_26 = arith.addf %add3A_21, %add3A_25 : vector<2000x64xf32>
    %max3A = arith.constant 0.000000e+00 : f32
    %max3A_27 = vector.broadcast %max3A : f32 to vector<2000x64xf32>
    %max3A_28 = arith.maximumf %add3A_26, %max3A_27 : vector<2000x64xf32>
    %get3A_29 = arith.constant 0 : index
    %get3A_30 = arith.constant 0 : index
    %get3A_31 = vector.load %arg7[%get3A_29, %get3A_30] : memref<64x64xf32, #tpu.memory_space<vmem>>, vector<64x64xf32>
    %dot_general3A_32 = arith.constant dense<0.000000e+00> : vector<2000x64xf32>
    %dot_general3A_33 = tpu.matmul %max3A_28, %get3A_31, %dot_general3A_32 {dimension_numbers = #tpu.dot_dimension_numbers<[1], [0], [0], [1], [0, 0, 1, 1], [], []>, precision = #tpu.contract_precision<fp32>, transpose_lhs_hint = false} : vector<2000x64xf32>, vector<64x64xf32>, vector<2000x64xf32> -> vector<2000x64xf32>
    %get3A_34 = arith.constant 0 : index
    %get3A_35 = arith.constant 0 : index
    %get3A_36 = vector.load %arg8[%get3A_34, %get3A_35] : memref<1x64xf32, #tpu.memory_space<vmem>>, vector<1x64xf32>
    %add3A_37 = vector.broadcast %get3A_36 : vector<1x64xf32> to vector<2000x64xf32>
    %add3A_38 = arith.addf %dot_general3A_33, %add3A_37 : vector<2000x64xf32>
    %max3A_39 = arith.constant 0.000000e+00 : f32
    %max3A_40 = vector.broadcast %max3A_39 : f32 to vector<2000x64xf32>
    %max3A_41 = arith.maximumf %add3A_38, %max3A_40 : vector<2000x64xf32>
    %get3A_42 = arith.constant 0 : index
    %get3A_43 = arith.constant 0 : index
    %get3A_44 = vector.load %arg9[%get3A_42, %get3A_43] : memref<1x64xf32, #tpu.memory_space<vmem>>, vector<1x64xf32>
    %get3A_45 = arith.constant 0 : index
    %get3A_46 = arith.constant 0 : index
    %get3A_47 = vector.load %arg10[%get3A_45, %get3A_46] : memref<1x64xf32, #tpu.memory_space<vmem>>, vector<1x64xf32>
    %reduce_sum3A = arith.constant dense<0.000000e+00> : vector<2000xf32>
    %reduce_sum3A_48 = vector.multi_reduction <add>, %max3A_41, %reduce_sum3A [1] : vector<2000x64xf32> to vector<2000xf32>
    %broadcast_in_dim3A = vector.shape_cast %reduce_sum3A_48 : vector<2000xf32> to vector<2000x1xf32>
    %div3A = arith.constant 6.400000e+01 : f32
    %div3A_49 = vector.broadcast %div3A : f32 to vector<2000x1xf32>
    %div3A_50 = arith.divf %broadcast_in_dim3A, %div3A_49 : vector<2000x1xf32>
    %sub3A = vector.broadcast %div3A_50 : vector<2000x1xf32> to vector<2000x64xf32>
    %sub3A_51 = arith.subf %max3A_41, %sub3A : vector<2000x64xf32>
    %integer_pow3A = arith.mulf %sub3A_51, %sub3A_51 : vector<2000x64xf32>
    %reduce_sum3A_52 = arith.constant dense<0.000000e+00> : vector<2000xf32>
    %reduce_sum3A_53 = vector.multi_reduction <add>, %integer_pow3A, %reduce_sum3A_52 [1] : vector<2000x64xf32> to vector<2000xf32>
    %broadcast_in_dim3A_54 = vector.shape_cast %reduce_sum3A_53 : vector<2000xf32> to vector<2000x1xf32>
    %div3A_55 = arith.constant 6.400000e+01 : f32
    %div3A_56 = vector.broadcast %div3A_55 : f32 to vector<2000x1xf32>
    %div3A_57 = arith.divf %broadcast_in_dim3A_54, %div3A_56 : vector<2000x1xf32>
    %sub3A_58 = vector.broadcast %div3A_50 : vector<2000x1xf32> to vector<2000x64xf32>
    %sub3A_59 = arith.subf %max3A_41, %sub3A_58 : vector<2000x64xf32>
    %add3A_60 = arith.constant 9.99999974E-6 : f32
    %add3A_61 = vector.broadcast %add3A_60 : f32 to vector<2000x1xf32>
    %add3A_62 = arith.addf %div3A_57, %add3A_61 : vector<2000x1xf32>
    %rsqrt3A = math.rsqrt %add3A_62 : vector<2000x1xf32>
    %mul3A = vector.broadcast %rsqrt3A : vector<2000x1xf32> to vector<2000x64xf32>
    %mul3A_63 = arith.mulf %sub3A_59, %mul3A : vector<2000x64xf32>
    %mul3A_64 = vector.broadcast %get3A_44 : vector<1x64xf32> to vector<2000x64xf32>
    %mul3A_65 = arith.mulf %mul3A_63, %mul3A_64 : vector<2000x64xf32>
    %add3A_66 = vector.broadcast %get3A_47 : vector<1x64xf32> to vector<2000x64xf32>
    %add3A_67 = arith.addf %mul3A_65, %add3A_66 : vector<2000x64xf32>
    %add3A_68 = arith.addf %get3A_11, %add3A_67 : vector<2000x64xf32>
    %swap3A = arith.constant 0 : index
    %swap3A_69 = arith.constant 0 : index
    %swap3A_70 = vector.load %arg11[%swap3A, %swap3A_69] : memref<2000x64xf32, #tpu.memory_space<vmem>>, vector<2000x64xf32>
    tpu.vector_store %arg11[%swap3A, %swap3A_69], %add3A_68 {strides = array<i32>} : memref<2000x64xf32, #tpu.memory_space<vmem>>, vector<2000x64xf32>,
    return
  }
  func.func @transform_0(%arg0: i32) -> (i32, i32, i32) {
    %c0_i32 = arith.constant 0 : i32
    %c0_i32_0 = arith.constant 0 : i32
    %c0_i32_1 = arith.constant 0 : i32
    return %c0_i32, %arg0, %c0_i32_0 : i32, i32, i32
  }
  func.func @transform_1(%arg0: i32) -> (i32, i32, i32) {
    %c1_i32 = arith.constant 1 : i32
    %c0_i32 = arith.constant 0 : i32
    %c0_i32_0 = arith.constant 0 : i32
    return %c1_i32, %arg0, %c0_i32 : i32, i32, i32
  }
  func.func @transform_2(%arg0: i32) -> (i32, i32) {
    %c0_i32 = arith.constant 0 : i32
    %c0_i32_0 = arith.constant 0 : i32
    return %arg0, %c0_i32 : i32, i32
  }
  func.func @transform_3(%arg0: i32) -> (i32, i32) {
    %c0_i32 = arith.constant 0 : i32
    %c0_i32_0 = arith.constant 0 : i32
    %c0_i32_1 = arith.constant 0 : i32
    return %c0_i32, %c0_i32_0 : i32, i32
  }
  func.func @transform_4(%arg0: i32) -> (i32, i32) {
    %c0_i32 = arith.constant 0 : i32
    %c0_i32_0 = arith.constant 0 : i32
    %c0_i32_1 = arith.constant 0 : i32
    return %c0_i32, %c0_i32_0 : i32, i32
  }
  func.func @transform_5(%arg0: i32) -> (i32, i32) {
    %c0_i32 = arith.constant 0 : i32
    %c0_i32_0 = arith.constant 0 : i32
    %c0_i32_1 = arith.constant 0 : i32
    return %c0_i32, %c0_i32_0 : i32, i32
  }
  func.func @transform_6(%arg0: i32) -> (i32, i32) {
    %c0_i32 = arith.constant 0 : i32
    %c0_i32_0 = arith.constant 0 : i32
    %c0_i32_1 = arith.constant 0 : i32
    return %c0_i32, %c0_i32_0 : i32, i32
  }
  func.func @transform_7(%arg0: i32) -> (i32, i32) {
    %c0_i32 = arith.constant 0 : i32
    %c0_i32_0 = arith.constant 0 : i32
    %c0_i32_1 = arith.constant 0 : i32
    return %c0_i32, %c0_i32_0 : i32, i32
  }
  func.func @transform_8(%arg0: i32) -> (i32, i32) {
    %c0_i32 = arith.constant 0 : i32
    %c0_i32_0 = arith.constant 0 : i32
    %c0_i32_1 = arith.constant 0 : i32
    return %c0_i32, %c0_i32_0 : i32, i32
  }
  func.func @transform_9(%arg0: i32) -> (i32, i32) {
    %c0_i32 = arith.constant 0 : i32
    %c0_i32_0 = arith.constant 0 : i32
    %c0_i32_1 = arith.constant 0 : i32
    return %c0_i32, %c0_i32_0 : i32, i32
  }
  func.func @transform_10(%arg0: i32) -> (i32, i32) {
    %c0_i32 = arith.constant 0 : i32
    %c0_i32_0 = arith.constant 0 : i32
    return %arg0, %c0_i32 : i32, i32
  }
}

module attributes {stable_mosaic.version = 14 : i64} {
  func.func @_decode_body(%arg0: i32, %arg1: memref<2000x64xf32, #tpu.memory_space<vmem>>, %arg2: memref<2000x64xf32, #tpu.memory_space<vmem>>, %arg3: memref<64x64xf32, #tpu.memory_space<vmem>>, %arg4: memref<64x64xf32, #tpu.memory_space<vmem>>, %arg5: memref<64x64xf32, #tpu.memory_space<vmem>>, %arg6: memref<1x64xf32, #tpu.memory_space<vmem>>, %arg7: memref<1x64xf32, #tpu.memory_space<vmem>>, %arg8: memref<1x64xf32, #tpu.memory_space<vmem>>, %arg9: memref<1x64xf32, #tpu.memory_space<vmem>>, %arg10: memref<64x64xf32, #tpu.memory_space<vmem>>, %arg11: memref<64x64xf32, #tpu.memory_space<vmem>>, %arg12: memref<64x64xf32, #tpu.memory_space<vmem>>, %arg13: memref<1x64xf32, #tpu.memory_space<vmem>>, %arg14: memref<1x64xf32, #tpu.memory_space<vmem>>, %arg15: memref<1x64xf32, #tpu.memory_space<vmem>>, %arg16: memref<1x64xf32, #tpu.memory_space<vmem>>, %arg17: memref<64x64xf32, #tpu.memory_space<vmem>>, %arg18: memref<64x64xf32, #tpu.memory_space<vmem>>, %arg19: memref<64x64xf32, #tpu.memory_space<vmem>>, %arg20: memref<1x64xf32, #tpu.memory_space<vmem>>, %arg21: memref<64x128xf32, #tpu.memory_space<vmem>>, %arg22: memref<1x128xf32, #tpu.memory_space<vmem>>, %arg23: memref<2000x128xf32, #tpu.memory_space<vmem>>) attributes {dimension_semantics = [#tpu.dimension_semantics<arbitrary>], iteration_bounds = array<i64: 5>, scalar_prefetch = 0 : i64, scratch_operands = 0 : i64, tpu.core_type = #tpu.core_type<tc>, window_params = [{transform_indices = @transform_0, window_bounds = array<i64: 2000, 64>}, {transform_indices = @transform_1, window_bounds = array<i64: 2000, 64>}, {pipeline_mode = #tpu.pipeline_mode<synchronous>, transform_indices = @transform_2, window_bounds = array<i64: 64, 64>}, {pipeline_mode = #tpu.pipeline_mode<synchronous>, transform_indices = @transform_3, window_bounds = array<i64: 64, 64>}, {pipeline_mode = #tpu.pipeline_mode<synchronous>, transform_indices = @transform_4, window_bounds = array<i64: 64, 64>}, {pipeline_mode = #tpu.pipeline_mode<synchronous>, transform_indices = @transform_5, window_bounds = array<i64: 1, 64>}, {pipeline_mode = #tpu.pipeline_mode<synchronous>, transform_indices = @transform_6, window_bounds = array<i64: 1, 64>}, {pipeline_mode = #tpu.pipeline_mode<synchronous>, transform_indices = @transform_7, window_bounds = array<i64: 1, 64>}, {pipeline_mode = #tpu.pipeline_mode<synchronous>, transform_indices = @transform_8, window_bounds = array<i64: 1, 64>}, {pipeline_mode = #tpu.pipeline_mode<synchronous>, transform_indices = @transform_9, window_bounds = array<i64: 64, 64>}, {pipeline_mode = #tpu.pipeline_mode<synchronous>, transform_indices = @transform_10, window_bounds = array<i64: 64, 64>}, {pipeline_mode = #tpu.pipeline_mode<synchronous>, transform_indices = @transform_11, window_bounds = array<i64: 64, 64>}, {pipeline_mode = #tpu.pipeline_mode<synchronous>, transform_indices = @transform_12, window_bounds = array<i64: 1, 64>}, {pipeline_mode = #tpu.pipeline_mode<synchronous>, transform_indices = @transform_13, window_bounds = array<i64: 1, 64>}, {pipeline_mode = #tpu.pipeline_mode<synchronous>, transform_indices = @transform_14, window_bounds = array<i64: 1, 64>}, {pipeline_mode = #tpu.pipeline_mode<synchronous>, transform_indices = @transform_15, window_bounds = array<i64: 1, 64>}, {pipeline_mode = #tpu.pipeline_mode<synchronous>, transform_indices = @transform_16, window_bounds = array<i64: 64, 64>}, {pipeline_mode = #tpu.pipeline_mode<synchronous>, transform_indices = @transform_17, window_bounds = array<i64: 64, 64>}, {pipeline_mode = #tpu.pipeline_mode<synchronous>, transform_indices = @transform_18, window_bounds = array<i64: 64, 64>}, {pipeline_mode = #tpu.pipeline_mode<synchronous>, transform_indices = @transform_19, window_bounds = array<i64: 1, 64>}, {pipeline_mode = #tpu.pipeline_mode<synchronous>, transform_indices = @transform_20, window_bounds = array<i64: 64, 128>}, {pipeline_mode = #tpu.pipeline_mode<synchronous>, transform_indices = @transform_21, window_bounds = array<i64: 1, 128>}, {transform_indices = @transform_22, window_bounds = array<i64: 2000, 128>}]} {
    %get3A = arith.constant 0 : index
    %get3A_0 = arith.constant 0 : index
    %get3A_1 = vector.load %arg1[%get3A, %get3A_0] : memref<2000x64xf32, #tpu.memory_space<vmem>>, vector<2000x64xf32>
    %get3A_2 = arith.constant 0 : index
    %get3A_3 = arith.constant 0 : index
    %get3A_4 = vector.load %arg3[%get3A_2, %get3A_3] : memref<64x64xf32, #tpu.memory_space<vmem>>, vector<64x64xf32>
    %get3A_5 = arith.constant 0 : index
    %get3A_6 = arith.constant 0 : index
    %get3A_7 = vector.load %arg4[%get3A_5, %get3A_6] : memref<64x64xf32, #tpu.memory_space<vmem>>, vector<64x64xf32>
    %get3A_8 = arith.constant 0 : index
    %get3A_9 = arith.constant 0 : index
    %get3A_10 = vector.load %arg5[%get3A_8, %get3A_9] : memref<64x64xf32, #tpu.memory_space<vmem>>, vector<64x64xf32>
    %get3A_11 = arith.constant 0 : index
    %get3A_12 = arith.constant 0 : index
    %get3A_13 = vector.load %arg6[%get3A_11, %get3A_12] : memref<1x64xf32, #tpu.memory_space<vmem>>, vector<1x64xf32>
    %get3A_14 = arith.constant 0 : index
    %get3A_15 = arith.constant 0 : index
    %get3A_16 = vector.load %arg7[%get3A_14, %get3A_15] : memref<1x64xf32, #tpu.memory_space<vmem>>, vector<1x64xf32>
    %get3A_17 = arith.constant 0 : index
    %get3A_18 = arith.constant 0 : index
    %get3A_19 = vector.load %arg8[%get3A_17, %get3A_18] : memref<1x64xf32, #tpu.memory_space<vmem>>, vector<1x64xf32>
    %get3A_20 = arith.constant 0 : index
    %get3A_21 = arith.constant 0 : index
    %get3A_22 = vector.load %arg9[%get3A_20, %get3A_21] : memref<1x64xf32, #tpu.memory_space<vmem>>, vector<1x64xf32>
    %dot_general3A = arith.constant dense<0.000000e+00> : vector<2000x64xf32>
    %dot_general3A_23 = tpu.matmul %get3A_1, %get3A_4, %dot_general3A {dimension_numbers = #tpu.dot_dimension_numbers<[1], [0], [0], [1], [0, 0, 1, 1], [], []>, precision = #tpu.contract_precision<fp32>, transpose_lhs_hint = false} : vector<2000x64xf32>, vector<64x64xf32>, vector<2000x64xf32> -> vector<2000x64xf32>
    %add3A = vector.broadcast %get3A_13 : vector<1x64xf32> to vector<2000x64xf32>
    %add3A_24 = arith.addf %dot_general3A_23, %add3A : vector<2000x64xf32>
    %logistic3A = arith.negf %add3A_24 : vector<2000x64xf32>
    %logistic3A_25 = math.exp %logistic3A : vector<2000x64xf32>
    %logistic3A_26 = arith.constant 1.000000e+00 : f32
    %logistic3A_27 = vector.broadcast %logistic3A_26 : f32 to vector<2000x64xf32>
    %logistic3A_28 = arith.addf %logistic3A_27, %logistic3A_25 : vector<2000x64xf32>
    %logistic3A_29 = arith.divf %logistic3A_27, %logistic3A_28 : vector<2000x64xf32>
    %dot_general3A_30 = arith.constant dense<0.000000e+00> : vector<2000x64xf32>
    %dot_general3A_31 = tpu.matmul %get3A_1, %get3A_7, %dot_general3A_30 {dimension_numbers = #tpu.dot_dimension_numbers<[1], [0], [0], [1], [0, 0, 1, 1], [], []>, precision = #tpu.contract_precision<fp32>, transpose_lhs_hint = false} : vector<2000x64xf32>, vector<64x64xf32>, vector<2000x64xf32> -> vector<2000x64xf32>
    %add3A_32 = vector.broadcast %get3A_16 : vector<1x64xf32> to vector<2000x64xf32>
    %add3A_33 = arith.addf %dot_general3A_31, %add3A_32 : vector<2000x64xf32>
    %logistic3A_34 = arith.negf %add3A_33 : vector<2000x64xf32>
    %logistic3A_35 = math.exp %logistic3A_34 : vector<2000x64xf32>
    %logistic3A_36 = arith.constant 1.000000e+00 : f32
    %logistic3A_37 = vector.broadcast %logistic3A_36 : f32 to vector<2000x64xf32>
    %logistic3A_38 = arith.addf %logistic3A_37, %logistic3A_35 : vector<2000x64xf32>
    %logistic3A_39 = arith.divf %logistic3A_37, %logistic3A_38 : vector<2000x64xf32>
    %dot_general3A_40 = arith.constant dense<0.000000e+00> : vector<2000x64xf32>
    %dot_general3A_41 = tpu.matmul %get3A_1, %get3A_10, %dot_general3A_40 {dimension_numbers = #tpu.dot_dimension_numbers<[1], [0], [0], [1], [0, 0, 1, 1], [], []>, precision = #tpu.contract_precision<fp32>, transpose_lhs_hint = false} : vector<2000x64xf32>, vector<64x64xf32>, vector<2000x64xf32> -> vector<2000x64xf32>
    %add3A_42 = vector.broadcast %get3A_19 : vector<1x64xf32> to vector<2000x64xf32>
    %add3A_43 = arith.addf %dot_general3A_41, %add3A_42 : vector<2000x64xf32>
    %mul3A = vector.broadcast %get3A_22 : vector<1x64xf32> to vector<2000x64xf32>
    %mul3A_44 = arith.mulf %logistic3A_29, %mul3A : vector<2000x64xf32>
    %add3A_45 = arith.addf %add3A_43, %mul3A_44 : vector<2000x64xf32>
    %tanh3A = math.tanh %add3A_45 : vector<2000x64xf32>
    %sub3A = arith.constant 1.000000e+00 : f32
    %sub3A_46 = vector.broadcast %sub3A : f32 to vector<2000x64xf32>
    %sub3A_47 = arith.subf %sub3A_46, %logistic3A_39 : vector<2000x64xf32>
    %mul3A_48 = arith.mulf %sub3A_47, %tanh3A : vector<2000x64xf32>
    %get3A_49 = arith.constant 0 : index
    %get3A_50 = arith.constant 0 : index
    %get3A_51 = vector.load %arg10[%get3A_49, %get3A_50] : memref<64x64xf32, #tpu.memory_space<vmem>>, vector<64x64xf32>
    %get3A_52 = arith.constant 0 : index
    %get3A_53 = arith.constant 0 : index
    %get3A_54 = vector.load %arg11[%get3A_52, %get3A_53] : memref<64x64xf32, #tpu.memory_space<vmem>>, vector<64x64xf32>
    %get3A_55 = arith.constant 0 : index
    %get3A_56 = arith.constant 0 : index
    %get3A_57 = vector.load %arg12[%get3A_55, %get3A_56] : memref<64x64xf32, #tpu.memory_space<vmem>>, vector<64x64xf32>
    %get3A_58 = arith.constant 0 : index
    %get3A_59 = arith.constant 0 : index
    %get3A_60 = vector.load %arg13[%get3A_58, %get3A_59] : memref<1x64xf32, #tpu.memory_space<vmem>>, vector<1x64xf32>
    %get3A_61 = arith.constant 0 : index
    %get3A_62 = arith.constant 0 : index
    %get3A_63 = vector.load %arg14[%get3A_61, %get3A_62] : memref<1x64xf32, #tpu.memory_space<vmem>>, vector<1x64xf32>
    %get3A_64 = arith.constant 0 : index
    %get3A_65 = arith.constant 0 : index
    %get3A_66 = vector.load %arg15[%get3A_64, %get3A_65] : memref<1x64xf32, #tpu.memory_space<vmem>>, vector<1x64xf32>
    %get3A_67 = arith.constant 0 : index
    %get3A_68 = arith.constant 0 : index
    %get3A_69 = vector.load %arg16[%get3A_67, %get3A_68] : memref<1x64xf32, #tpu.memory_space<vmem>>, vector<1x64xf32>
    %dot_general3A_70 = arith.constant dense<0.000000e+00> : vector<2000x64xf32>
    %dot_general3A_71 = tpu.matmul %mul3A_48, %get3A_51, %dot_general3A_70 {dimension_numbers = #tpu.dot_dimension_numbers<[1], [0], [0], [1], [0, 0, 1, 1], [], []>, precision = #tpu.contract_precision<fp32>, transpose_lhs_hint = false} : vector<2000x64xf32>, vector<64x64xf32>, vector<2000x64xf32> -> vector<2000x64xf32>
    %add3A_72 = vector.broadcast %get3A_60 : vector<1x64xf32> to vector<2000x64xf32>
    %add3A_73 = arith.addf %dot_general3A_71, %add3A_72 : vector<2000x64xf32>
    %logistic3A_74 = arith.negf %add3A_73 : vector<2000x64xf32>
    %logistic3A_75 = math.exp %logistic3A_74 : vector<2000x64xf32>
    %logistic3A_76 = arith.constant 1.000000e+00 : f32
    %logistic3A_77 = vector.broadcast %logistic3A_76 : f32 to vector<2000x64xf32>
    %logistic3A_78 = arith.addf %logistic3A_77, %logistic3A_75 : vector<2000x64xf32>
    %logistic3A_79 = arith.divf %logistic3A_77, %logistic3A_78 : vector<2000x64xf32>
    %dot_general3A_80 = arith.constant dense<0.000000e+00> : vector<2000x64xf32>
    %dot_general3A_81 = tpu.matmul %mul3A_48, %get3A_54, %dot_general3A_80 {dimension_numbers = #tpu.dot_dimension_numbers<[1], [0], [0], [1], [0, 0, 1, 1], [], []>, precision = #tpu.contract_precision<fp32>, transpose_lhs_hint = false} : vector<2000x64xf32>, vector<64x64xf32>, vector<2000x64xf32> -> vector<2000x64xf32>
    %add3A_82 = vector.broadcast %get3A_63 : vector<1x64xf32> to vector<2000x64xf32>
    %add3A_83 = arith.addf %dot_general3A_81, %add3A_82 : vector<2000x64xf32>
    %logistic3A_84 = arith.negf %add3A_83 : vector<2000x64xf32>
    %logistic3A_85 = math.exp %logistic3A_84 : vector<2000x64xf32>
    %logistic3A_86 = arith.constant 1.000000e+00 : f32
    %logistic3A_87 = vector.broadcast %logistic3A_86 : f32 to vector<2000x64xf32>
    %logistic3A_88 = arith.addf %logistic3A_87, %logistic3A_85 : vector<2000x64xf32>
    %logistic3A_89 = arith.divf %logistic3A_87, %logistic3A_88 : vector<2000x64xf32>
    %dot_general3A_90 = arith.constant dense<0.000000e+00> : vector<2000x64xf32>
    %dot_general3A_91 = tpu.matmul %mul3A_48, %get3A_57, %dot_general3A_90 {dimension_numbers = #tpu.dot_dimension_numbers<[1], [0], [0], [1], [0, 0, 1, 1], [], []>, precision = #tpu.contract_precision<fp32>, transpose_lhs_hint = false} : vector<2000x64xf32>, vector<64x64xf32>, vector<2000x64xf32> -> vector<2000x64xf32>
    %add3A_92 = vector.broadcast %get3A_66 : vector<1x64xf32> to vector<2000x64xf32>
    %add3A_93 = arith.addf %dot_general3A_91, %add3A_92 : vector<2000x64xf32>
    %mul3A_94 = vector.broadcast %get3A_69 : vector<1x64xf32> to vector<2000x64xf32>
    %mul3A_95 = arith.mulf %logistic3A_79, %mul3A_94 : vector<2000x64xf32>
    %add3A_96 = arith.addf %add3A_93, %mul3A_95 : vector<2000x64xf32>
    %tanh3A_97 = math.tanh %add3A_96 : vector<2000x64xf32>
    %sub3A_98 = arith.constant 1.000000e+00 : f32
    %sub3A_99 = vector.broadcast %sub3A_98 : f32 to vector<2000x64xf32>
    %sub3A_100 = arith.subf %sub3A_99, %logistic3A_89 : vector<2000x64xf32>
    %mul3A_101 = arith.mulf %sub3A_100, %tanh3A_97 : vector<2000x64xf32>
    %get3A_102 = arith.constant 0 : index
    %get3A_103 = arith.constant 0 : index
    %get3A_104 = vector.load %arg17[%get3A_102, %get3A_103] : memref<64x64xf32, #tpu.memory_space<vmem>>, vector<64x64xf32>
    %dot_general3A_105 = arith.constant dense<0.000000e+00> : vector<2000x64xf32>
    %dot_general3A_106 = tpu.matmul %mul3A_48, %get3A_104, %dot_general3A_105 {dimension_numbers = #tpu.dot_dimension_numbers<[1], [0], [0], [1], [0, 0, 1, 1], [], []>, precision = #tpu.contract_precision<fp32>, transpose_lhs_hint = false} : vector<2000x64xf32>, vector<64x64xf32>, vector<2000x64xf32> -> vector<2000x64xf32>
    %get3A_107 = arith.constant 0 : index
    %get3A_108 = arith.constant 0 : index
    %get3A_109 = vector.load %arg18[%get3A_107, %get3A_108] : memref<64x64xf32, #tpu.memory_space<vmem>>, vector<64x64xf32>
    %dot_general3A_110 = arith.constant dense<0.000000e+00> : vector<2000x64xf32>
    %dot_general3A_111 = tpu.matmul %mul3A_101, %get3A_109, %dot_general3A_110 {dimension_numbers = #tpu.dot_dimension_numbers<[1], [0], [0], [1], [0, 0, 1, 1], [], []>, precision = #tpu.contract_precision<fp32>, transpose_lhs_hint = false} : vector<2000x64xf32>, vector<64x64xf32>, vector<2000x64xf32> -> vector<2000x64xf32>
    %add3A_112 = arith.addf %dot_general3A_106, %dot_general3A_111 : vector<2000x64xf32>
    %get3A_113 = arith.constant 0 : index
    %get3A_114 = arith.constant 0 : index
    %get3A_115 = vector.load %arg2[%get3A_113, %get3A_114] : memref<2000x64xf32, #tpu.memory_space<vmem>>, vector<2000x64xf32>
    %get3A_116 = arith.constant 0 : index
    %get3A_117 = arith.constant 0 : index
    %get3A_118 = vector.load %arg19[%get3A_116, %get3A_117] : memref<64x64xf32, #tpu.memory_space<vmem>>, vector<64x64xf32>
    %dot_general3A_119 = arith.constant dense<0.000000e+00> : vector<2000x64xf32>
    %dot_general3A_120 = tpu.matmul %get3A_115, %get3A_118, %dot_general3A_119 {dimension_numbers = #tpu.dot_dimension_numbers<[1], [0], [0], [1], [0, 0, 1, 1], [], []>, precision = #tpu.contract_precision<fp32>, transpose_lhs_hint = false} : vector<2000x64xf32>, vector<64x64xf32>, vector<2000x64xf32> -> vector<2000x64xf32>
    %add3A_121 = arith.addf %add3A_112, %dot_general3A_120 : vector<2000x64xf32>
    %get3A_122 = arith.constant 0 : index
    %get3A_123 = arith.constant 0 : index
    %get3A_124 = vector.load %arg20[%get3A_122, %get3A_123] : memref<1x64xf32, #tpu.memory_space<vmem>>, vector<1x64xf32>
    %add3A_125 = vector.broadcast %get3A_124 : vector<1x64xf32> to vector<2000x64xf32>
    %add3A_126 = arith.addf %add3A_121, %add3A_125 : vector<2000x64xf32>
    %max3A = arith.constant 0.000000e+00 : f32
    %max3A_127 = vector.broadcast %max3A : f32 to vector<2000x64xf32>
    %max3A_128 = arith.maximumf %add3A_126, %max3A_127 : vector<2000x64xf32>
    %get3A_129 = arith.constant 0 : index
    %get3A_130 = arith.constant 0 : index
    %get3A_131 = vector.load %arg21[%get3A_129, %get3A_130] : memref<64x128xf32, #tpu.memory_space<vmem>>, vector<64x128xf32>
    %dot_general3A_132 = arith.constant dense<0.000000e+00> : vector<2000x128xf32>
    %dot_general3A_133 = tpu.matmul %max3A_128, %get3A_131, %dot_general3A_132 {dimension_numbers = #tpu.dot_dimension_numbers<[1], [0], [0], [1], [0, 0, 1, 1], [], []>, precision = #tpu.contract_precision<fp32>, transpose_lhs_hint = false} : vector<2000x64xf32>, vector<64x128xf32>, vector<2000x128xf32> -> vector<2000x128xf32>
    %get3A_134 = arith.constant 0 : index
    %get3A_135 = arith.constant 0 : index
    %get3A_136 = vector.load %arg22[%get3A_134, %get3A_135] : memref<1x128xf32, #tpu.memory_space<vmem>>, vector<1x128xf32>
    %add3A_137 = vector.broadcast %get3A_136 : vector<1x128xf32> to vector<2000x128xf32>
    %add3A_138 = arith.addf %dot_general3A_133, %add3A_137 : vector<2000x128xf32>
    %swap3A = arith.constant 0 : index
    %swap3A_139 = arith.constant 0 : index
    %swap3A_140 = vector.load %arg23[%swap3A, %swap3A_139] : memref<2000x128xf32, #tpu.memory_space<vmem>>, vector<2000x128xf32>
    tpu.vector_store %arg23[%swap3A, %swap3A_139], %add3A_138 {strides = array<i32>} : memref<2000x128xf32, #tpu.memory_space<vmem>>, vector<2000x128xf32>,
    return
  }
  func.func @transform_0(%arg0: i32) -> (i32, i32) {
    %c0_i32 = arith.constant 0 : i32
    %c0_i32_0 = arith.constant 0 : i32
    return %arg0, %c0_i32 : i32, i32
  }
  func.func @transform_1(%arg0: i32) -> (i32, i32) {
    %c0_i32 = arith.constant 0 : i32
    %c0_i32_0 = arith.constant 0 : i32
    return %arg0, %c0_i32 : i32, i32
  }
  func.func @transform_2(%arg0: i32) -> (i32, i32) {
    %c0_i32 = arith.constant 0 : i32
    %c0_i32_0 = arith.constant 0 : i32
    %c0_i32_1 = arith.constant 0 : i32
    return %c0_i32, %c0_i32_0 : i32, i32
  }
  func.func @transform_3(%arg0: i32) -> (i32, i32) {
    %c0_i32 = arith.constant 0 : i32
    %c0_i32_0 = arith.constant 0 : i32
    %c0_i32_1 = arith.constant 0 : i32
    return %c0_i32, %c0_i32_0 : i32, i32
  }
  func.func @transform_4(%arg0: i32) -> (i32, i32) {
    %c0_i32 = arith.constant 0 : i32
    %c0_i32_0 = arith.constant 0 : i32
    %c0_i32_1 = arith.constant 0 : i32
    return %c0_i32, %c0_i32_0 : i32, i32
  }
  func.func @transform_5(%arg0: i32) -> (i32, i32) {
    %c0_i32 = arith.constant 0 : i32
    %c0_i32_0 = arith.constant 0 : i32
    %c0_i32_1 = arith.constant 0 : i32
    return %c0_i32, %c0_i32_0 : i32, i32
  }
  func.func @transform_6(%arg0: i32) -> (i32, i32) {
    %c0_i32 = arith.constant 0 : i32
    %c0_i32_0 = arith.constant 0 : i32
    %c0_i32_1 = arith.constant 0 : i32
    return %c0_i32, %c0_i32_0 : i32, i32
  }
  func.func @transform_7(%arg0: i32) -> (i32, i32) {
    %c0_i32 = arith.constant 0 : i32
    %c0_i32_0 = arith.constant 0 : i32
    %c0_i32_1 = arith.constant 0 : i32
    return %c0_i32, %c0_i32_0 : i32, i32
  }
  func.func @transform_8(%arg0: i32) -> (i32, i32) {
    %c0_i32 = arith.constant 0 : i32
    %c0_i32_0 = arith.constant 0 : i32
    %c0_i32_1 = arith.constant 0 : i32
    return %c0_i32, %c0_i32_0 : i32, i32
  }
  func.func @transform_9(%arg0: i32) -> (i32, i32) {
    %c0_i32 = arith.constant 0 : i32
    %c0_i32_0 = arith.constant 0 : i32
    %c0_i32_1 = arith.constant 0 : i32
    return %c0_i32, %c0_i32_0 : i32, i32
  }
  func.func @transform_10(%arg0: i32) -> (i32, i32) {
    %c0_i32 = arith.constant 0 : i32
    %c0_i32_0 = arith.constant 0 : i32
    %c0_i32_1 = arith.constant 0 : i32
    return %c0_i32, %c0_i32_0 : i32, i32
  }
  func.func @transform_11(%arg0: i32) -> (i32, i32) {
    %c0_i32 = arith.constant 0 : i32
    %c0_i32_0 = arith.constant 0 : i32
    %c0_i32_1 = arith.constant 0 : i32
    return %c0_i32, %c0_i32_0 : i32, i32
  }
  func.func @transform_12(%arg0: i32) -> (i32, i32) {
    %c0_i32 = arith.constant 0 : i32
    %c0_i32_0 = arith.constant 0 : i32
    %c0_i32_1 = arith.constant 0 : i32
    return %c0_i32, %c0_i32_0 : i32, i32
  }
  func.func @transform_13(%arg0: i32) -> (i32, i32) {
    %c0_i32 = arith.constant 0 : i32
    %c0_i32_0 = arith.constant 0 : i32
    %c0_i32_1 = arith.constant 0 : i32
    return %c0_i32, %c0_i32_0 : i32, i32
  }
  func.func @transform_14(%arg0: i32) -> (i32, i32) {
    %c0_i32 = arith.constant 0 : i32
    %c0_i32_0 = arith.constant 0 : i32
    %c0_i32_1 = arith.constant 0 : i32
    return %c0_i32, %c0_i32_0 : i32, i32
  }
  func.func @transform_15(%arg0: i32) -> (i32, i32) {
    %c0_i32 = arith.constant 0 : i32
    %c0_i32_0 = arith.constant 0 : i32
    %c0_i32_1 = arith.constant 0 : i32
    return %c0_i32, %c0_i32_0 : i32, i32
  }
  func.func @transform_16(%arg0: i32) -> (i32, i32) {
    %c0_i32 = arith.constant 0 : i32
    %c0_i32_0 = arith.constant 0 : i32
    %c0_i32_1 = arith.constant 0 : i32
    return %c0_i32, %c0_i32_0 : i32, i32
  }
  func.func @transform_17(%arg0: i32) -> (i32, i32) {
    %c0_i32 = arith.constant 0 : i32
    %c0_i32_0 = arith.constant 0 : i32
    %c0_i32_1 = arith.constant 0 : i32
    return %c0_i32, %c0_i32_0 : i32, i32
  }
  func.func @transform_18(%arg0: i32) -> (i32, i32) {
    %c0_i32 = arith.constant 0 : i32
    %c0_i32_0 = arith.constant 0 : i32
    %c0_i32_1 = arith.constant 0 : i32
    return %c0_i32, %c0_i32_0 : i32, i32
  }
  func.func @transform_19(%arg0: i32) -> (i32, i32) {
    %c0_i32 = arith.constant 0 : i32
    %c0_i32_0 = arith.constant 0 : i32
    %c0_i32_1 = arith.constant 0 : i32
    return %c0_i32, %c0_i32_0 : i32, i32
  }
  func.func @transform_20(%arg0: i32) -> (i32, i32) {
    %c0_i32 = arith.constant 0 : i32
    %c0_i32_0 = arith.constant 0 : i32
    %c0_i32_1 = arith.constant 0 : i32
    return %c0_i32, %c0_i32_0 : i32, i32
  }
  func.func @transform_21(%arg0: i32) -> (i32, i32) {
    %c0_i32 = arith.constant 0 : i32
    %c0_i32_0 = arith.constant 0 : i32
    %c0_i32_1 = arith.constant 0 : i32
    return %c0_i32, %c0_i32_0 : i32, i32
  }
  func.func @transform_22(%arg0: i32) -> (i32, i32) {
    %c0_i32 = arith.constant 0 : i32
    %c0_i32_0 = arith.constant 0 : i32
    return %arg0, %c0_i32 : i32, i32
  }
}

</mosaic_0001>

<sc_bundles>
// kernel: kernel.17.cloned.1.call-start
scs
__scs_entry_jumppad:
0x0: {  	(pc) =	sbr.rel $0x88, $3  }
0x1: {  	(tag) =	ssettag $0x0;
	lr =	simm.s32 $0x1  }
0x2: {  	[smem:$0x3F7C] =	sst lr;
	_ =	strace $0xD0000000  }
0x3: {  	_ = 	snop  }
0x4: {  	_ = 	snop  }
0x5: {  	_ = 	snop  }
0x6: {  	_ = 	snop  }
0x7: {  	_ = 	snop  }
__scs_overlays_trampoline_lowered:
0x8: {  	[smem:$0x3F8B] =	sst s0  }
0x9: {  	[smem:$0x3F8C] =	sst s1  }
0xa: {  	[smem:$0x3F8D] =	sst s2  }
0xb: {  	[smem:$0x3F8E] =	sst s3  }
0xc: {  	[smem:$0x3F8F] =	sst s4  }
0xd: {  	[smem:$0x3F90] =	sst s5  }
0xe: {  	[smem:$0x3F91] =	sst s6  }
0xf: {  	[smem:$0x3F92] =	sst s7  }
0x10: {  	[smem:$0x3F93] =	sst s8  }
0x11: {  	[smem:$0x3F94] =	sst s9;
	s0 =	simm.s32 @!p0 $0x0  }
0x12: {  	s1 =	sld [smem:$0x3F7A];
	s0 =	simm.s32 @p0 $0x1  }
0x13: {  	[smem:$0x3F95] =	sst s0;
	s0 =	simm.s32 @!p1 $0x0  }
0x14: {  	s2 =	sld [smem:$0x3F79];
	s0 =	simm.s32 @p1 $0x1  }
0x15: {  	[smem:$0x3F96] =	sst s0;
	s0 =	simm.s32 @!p2 $0x0  }
0x16: {  	s3 =	sld [smem:$0x3FDB];
	s0 =	simm.s32 @p2 $0x1  }
0x17: {  	s4 =	simm.s32 $0x1BF5;
	[smem:$0x3F98] =	sst s0  }
0x18: {  	s0 =	sld [smem:$0x3F7B];
	_ =	swait.ge [sflag:s4], $0x0  }
0x19: {  	s7 =	sld [smem:$0x3F7C]  }
0x1a: {  	s8 =	sadd.s32 $0xFFFFE003, lr  }
0x1b: {  	s9 =	sadd.s32 $0xFFFFFEF7, lr;
	s5 =	simm.s32 $0xFFFFFFFF;
	p2 =	slt.u32 s8, $0xFFFFF086  }
0x1c: {  	p1 =	slt.u32 s9, $0xF7A;
	s5 =	simm.s32 @!p2 $0x0  }
0x1d: {  	s5 =	simm.s32 @p1 $0x1;
	p0 =	seq.s32 s7, s2  }
0x1e: {  	s7 =	smul.u32 @!p0 $0xF7A, s2;
	p2 =	seq.s32 @!p0 s5, $0x0  }
0x1f: {  	s9 =	smul.u32 $0xF7A, s1;
	s8 =	simm.s32 @!p0 $0x1BF5;
	p2 =	por !p2, p0  }
0x20: {  	[sflag:s8] =	ssyncset.s32 @!p0 $0xFFFFF086;
	s6 =	sadd.s32 @!p0 s3, s7;
	s7 =	simm.s32 @!p0 $0x108  }
0x21: {  	s3 =	sadd.s32 s3, s9;
	s6 =	sadd.s32 @!p0 $0x88, s6;
	s7 =	simm.s32 @p2 $0x1082  }
0x22: {  	[simem:s7], [sflag:s8] =	dma.local @!p0 [hbm:s6], $0xF7A  }
0x23: {  	s9 =	sor.u32 $0xD0000000, s2;
	s6 =	simm.s32 $0x108;
	_ =	swait.ge @!p0 [sflag:s8], $0x0  }
0x24: {  	s3 =	sadd.s32 $0x88, s3;
	s6 =	simm.s32 @!p1 $0x1082;
	[sflag:s4] =	ssyncset.s32 $0xFFFFF086  }
0x25: {  	[simem:s6], [sflag:s4] =	dma.local [hbm:s3], $0xF7A  }
0x26: {  	[smem:$0x3F7C] =	sst s1;
	(tag) =	ssettag s2;
	_ =	strace s9  }
0x27: {  	s1 =	sld [smem:$0x3F8C]  }
0x28: {  	s2 =	sld [smem:$0x3F8D]  }
0x29: {  	s4 =	sld [smem:$0x3F8F]  }
0x2a: {  	p0 =	seq.s32 s5, $0x0;
	s5 =	sld [smem:$0x3F90]  }
0x2b: {  	s6 =	sld [smem:$0x3F91]  }
0x2c: {  	s7 =	sld [smem:$0x3F92]  }
0x2d: {  	s3 =	simm.s32 $0x108;
	s8 =	sld [smem:$0x3F93]  }
0x2e: {  	s3 =	simm.s32 @!p0 $0x1082;
	s9 =	sld [smem:$0x3F94]  }
0x2f: {  	lr =	sadd.s32 s0, s3;
	s0 =	sld [smem:$0x3F8B]  }
0x30: {  	s3 =	sld [smem:$0x3F8E]  }
0x31: {  	[smem:$0x3F97] =	sst s10  }
0x32: {  	s10 =	sld [smem:$0x3F95];
	_ =	sdelay $0x3  }
0x33: {  	p0 =	seq.s32 s10, $0x1;
	s10 =	sld [smem:$0x3F97];
	_ =	sdelay $0x3  }
0x34: {  	[smem:$0x3F97] =	sst s10  }
0x35: {  	s10 =	sld [smem:$0x3F96];
	_ =	sdelay $0x3  }
0x36: {  	p1 =	seq.s32 s10, $0x1;
	s10 =	sld [smem:$0x3F97];
	_ =	sdelay $0x3  }
0x37: {  	[smem:$0x3F97] =	sst s10  }
0x38: {  	s10 =	sld [smem:$0x3F98]  }
0x39: {  	_ = 	snop;
	(pc) =	sbr.ind lr, $3  }
0x3a: {  	_ = 	snop  }
0x3b: {  	_ = 	snop  }
0x3c: {  	p2 =	seq.s32 s10, $0x1;
	s10 =	sld [smem:$0x3F97]  }
0x3d: {  	_ =	shalt  }
0x3e: {  	_ =	shalt  }
0x3f: {  	_ =	shalt  }
0x40: {  	_ =	shalt  }
0x41: {  	_ =	shalt  }
0x42: {  	_ =	shalt  }
0x43: {  	_ =	shalt  }
0x44: {  	_ =	shalt  }
0x45: {  	_ =	shalt  }
0x46: {  	_ =	shalt  }
0x47: {  	_ =	shalt  }
0x48: {  	_ =	shalt  }
0x49: {  	_ =	shalt  }
0x4a: {  	_ =	shalt  }
0x4b: {  	_ =	shalt  }
0x4c: {  	_ =	shalt  }
0x4d: {  	_ =	shalt  }
0x4e: {  	_ =	shalt  }
0x4f: {  	_ =	shalt  }
0x50: {  	_ =	shalt  }
0x51: {  	_ =	shalt  }
0x52: {  	_ =	shalt  }
0x53: {  	_ =	shalt  }
0x54: {  	_ =	shalt  }
0x55: {  	_ =	shalt  }
0x56: {  	_ =	shalt  }
0x57: {  	_ =	shalt  }
0x58: {  	_ =	shalt  }
0x59: {  	_ =	shalt  }
0x5a: {  	_ =	shalt  }
0x5b: {  	_ =	shalt  }
0x5c: {  	_ =	shalt  }
0x5d: {  	_ =	shalt  }
0x5e: {  	_ =	shalt  }
0x5f: {  	_ =	shalt  }
0x60: {  	_ =	shalt  }
0x61: {  	_ =	shalt  }
0x62: {  	_ =	shalt  }
0x63: {  	_ =	shalt  }
0x64: {  	_ =	shalt  }
0x65: {  	_ =	shalt  }
0x66: {  	_ =	shalt  }
0x67: {  	_ =	shalt  }
0x68: {  	_ =	shalt  }
0x69: {  	_ =	shalt  }
0x6a: {  	_ =	shalt  }
0x6b: {  	_ =	shalt  }
0x6c: {  	_ =	shalt  }
0x6d: {  	_ =	shalt  }
0x6e: {  	_ =	shalt  }
0x6f: {  	_ =	shalt  }
0x70: {  	_ =	shalt  }
0x71: {  	_ =	shalt  }
0x72: {  	_ =	shalt  }
0x73: {  	_ =	shalt  }
0x74: {  	_ =	shalt  }
0x75: {  	_ =	shalt  }
0x76: {  	_ =	shalt  }
0x77: {  	_ =	shalt  }
0x78: {  	_ =	shalt  }
0x79: {  	_ =	shalt  }
0x7a: {  	_ =	shalt  }
0x7b: {  	_ =	shalt  }
0x7c: {  	_ =	shalt  }
0x7d: {  	_ =	shalt  }
0x7e: {  	_ =	shalt  }
0x7f: {  	_ =	shalt  }
0x80: {  	_ =	shalt  }
0x81: {  	_ =	shalt  }
0x82: {  	_ =	shalt  }
0x83: {  	_ =	shalt  }
0x84: {  	_ =	shalt  }
0x85: {  	_ =	shalt  }
0x86: {  	_ =	shalt  }
0x87: {  	_ =	shalt  }
.Lfunc_end0:
.L_simem_size_0:
called_computation_lowered:
.L_overlay_start_0:
0x88: {  	s2 =	sld [smem:$0x3FD9]  }
0x89: {  	s3 =	sld [smem:$0x3FFE];
	_ =	sdelay $0x1  }
0x8a: {  	s1 =	srdreg.scid  }
0x8b: {  	s0 =	sand.u32 $0x1, s1  }
0x8c: {  	s16 =	sshll.u32 s0, $0xA;
	s2 =	sadd.s32 s3, s2  }
0x8d: {  	s2 =	sadd.s32 s2, s16  }
0x8e: {  	[smem:$0x3FA3] =	sst s2  }
0x8f: {  	_ = 	snop  }
0x90: {  	(tm) =	ssettm $0x1  }
0x91: {  	s17 =	sld [smem:$0x3FFB];
	_ =	sdelay $0x3  }
0x92: {  	_ =	strace s17  }
0x93: {  	s2 =	sld [smem:$0x3FFC];
	_ =	sdelay $0x3  }
0x94: {  	_ =	strace s2  }
0x95: {  	s2 =	sld [smem:$0x3FFD];
	_ =	sdelay $0x3  }
0x96: {  	_ =	strace s2  }
0x97: {  	_ =	strace $0x8FFFFFFF  }
0x98: {  	s18 =	sld [smem:$0x3FDB];
	_ =	sdelay $0x1  }
0x99: {  	s19 =	simm.s32 $_scs_section_size  }
0x9a: {  	s4 =	simm.s32 $_size__tile_overlayer_lowered;
	s5 =	simm.s32 $_tile_overlayer_lowered  }
0x9b: {  	s22 =	simm.s32 $0x1BFF;
	s21 =	sshll.u32 s5, $0x1;
	s2 =	sadd.s32 s19, s18  }
0x9c: {  	s6 =	simm.s32 $0x0;
	s20 =	sshll.u32 s4, $0x1;
	s4 =	sadd.s32 s21, s2  }
0x9d: {  	[timem:s6], [sflag:s22] =	dma.local [hbm:s4], s20  }
0x9e: {  	_ =	swait.ge [sflag:s22], s20  }
0x9f: {  	s3 =	ssub.s32 $0x0, s20;
	[sflag:s22] =	ssyncset.done $0x0  }
0xa0: {  	[sflag:s22] =	ssyncadd.s32 s3;
	_ =	sdelay $0x1  }
0xa1: {  	s23 =	simm.s32 $0x1B8B  }
0xa2: {  	_ =	swait.ge [sflag:s23], $0x1  }
0xa3: {  	[sflag:s23] =	ssyncset.done $0x0  }
0xa4: {  	s25 =	simm.s32 $0x1B8E;
	s24 =	sld [smem:$0x3FFE];
	[sflag:s23] =	ssyncadd.s32 $0xFFFFFFFF  }
0xa5: {  	s26 =	simm.s32 $execute0_lowered;
	[smem:$0x3FD2] =	sst s25  }
0xa6: {  	s4 =	sshll.u32 s26, $0x1;
	_ =	strace $0x80000046;
	[dreg:$0x1] =	wrdreg $0xFFFFFFFF  }
0xa7: {  	s28 =	simm.s32 $_size_execute0_lowered;
	s2 =	sadd.s32 s2, s4;
	[dreg:$0x0] =	wrdreg $0x0  }
0xa8: {  	s4 =	sshll.u32 s28, $0x1;
	[dreg:$0x2] =	wrdreg s2  }
0xa9: {  	[dreg:$0x3] =	wrdreg s4  }
0xaa: {  	[dreg:$0x4] =	wrdreg $0xC0  }
0xab: {  	_ =	task [dreg:s6], $0x5FFFF  }
0xac: {  	[dreg:$0x1] =	wrdreg $0xFFFFFFFF  }
0xad: {  	[dreg:$0x0] =	wrdreg $0x60  }
0xae: {  	[dreg:$0x2] =	wrdreg s24  }
0xaf: {  	[dreg:$0x3] =	wrdreg $0x9  }
0xb0: {  	_ =	task.clear_ibuf [dreg:s6], $0x4FFFF;
	_ =	strace $0x90000046  }
0xb1: {  	s29 =	simm.s32 $0x9;
	_ =	strace $0x80000048  }
0xb2: {  	_ =	swait.ge [sflag:s29], $0x1  }
0xb3: {  	[sflag:s29] =	ssyncadd.s32 $0xFFFFFFFF  }
0xb4: {  	_ =	strace $0x90000048  }
0xb5: {  	_ =	sfence  }
0xb6: {  	s30 =	sld [smem:$0x0];
	_ =	sdelay $0x2  }
0xb7: {  	s31 =	sshll.u32 s1, $0xD;
	s1 =	sshrl.u32 s1, $0x2  }
0xb8: {  	s3 =	sand.u32 $0x4000, s31;
	s1 =	sadd.s32 s1, s30  }
0xb9: {  	s0 =	sor.u32 s3, s0;
	s1 =	sshll.u32 s1, $0x11  }
0xba: {  	s0 =	sor.u32 s1, s0  }
0xbb: {  	s0 =	sadd.s32 $0x8F2B, s0  }
0xbc: {  	[sflag:s0] =	ssyncadd.remote.s32 $0x1  }
0xbd: {  	_ =	sfence.sel $0xFFFF  }
0xbe: {  	[dreg:$0x0] =	wrdreg $0xFFFFFFFF;
	(pc) =	sbr.abs _section_cstart, $3  }
0xbf: {  	[dreg:$0x1] =	wrdreg $0xFFFFFFFF  }
0xc0: {  	_ =	task.clear_ibuf [dreg:s6], $0x2FFFF;
	_ =	strace $0x9FFFFFFF  }
0xc1: {  	(tm) =	ssettm $0x7FFFFFFF  }
tec
execute0_lowered:
.L_overlay_start_1:
0x0: {  	(tag) =	ssettag $0x1  }
0x1: {  	s1 =	srdreg.scid  }
0x2: {  	s0 =	stileid.u32;
	s4 =	rddreg [dreg:$0x0]  }
0x3: {  	s2 =	simm.s32 $0x0;
	s9 =	simm.s32 $0x80;
	s10 =	simm.s32 $0x2800  }
0x4: {  	s11 =	simm.s32 $0x4800;
	s12 =	simm.s32 $0x1;
	s13 =	simm.s32 $0x6800  }
0x5: {  	s14 =	simm.s32 $0x8800;
	s15 =	simm.s32 $0xA800;
	s16 =	simm.s32 $0x2  }
0x6: {  	s17 =	simm.s32 $0xE800;
	s18 =	simm.s32 $0x3;
	s19 =	simm.s32 $0x4  }
0x7: {  	s3 =	sand.u32 $0x1, s1;
	s5 =	sshll.u32 s0, $0x1;
	s1 =	rddreg [dreg:$0x1]  }
0x8: {  	s20 =	simm.s32 $0x0;
	[smem:$0x7FF] =	sst s2;
	s6 =	sor.u32 s3, s5  }
0x9: {  	_ =	strace $0x80000047;
	s7 =	ssub.s32 $0x2, s3;
	s5 =	smul.u32 $0x500, s6  }
0xa: {  	s3 =	sadd.s32 $0x3A000, s4;
	s8 =	sshrl.u32 s7, $0x1;
	s6 =	smul.u32 $0xA0000, s6  }
0xb: {  	s7 =	ssub.s32 s7, s8;
	s8 =	simm.s32 $0x5;
	s5 =	sadd.s32 s5, s4  }
0xc: {  	s4 =	sadd.s32 $0x57A00, s4;
	s7 =	smax.u32 s7, $0x1;
	s5 =	sadd.s32 $0x4DA00, s5  }
.LBB2_1:
0xd: {  	[tilespmem:s2], [sflag:$0x5] =	stream.linear.gather [hbm4b:s5+s2], $0x2800, $0x38;
	[tilespmem:$0x12800] =	vst v63  }
0xe: {  	_ =	swait.ge [sflag:s8], $0x2800  }
0xf: {  	[sflag:s8] =	ssyncset.done $0x0  }
0x10: {  	[sflag:s8] =	ssyncadd.s32 $0xFFFFD800  }
0x11: {  	[tilespmem:s10], [sflag:$0x1] =	stream.indirect.gather [hbm4b:s3+s9], $0x40, s2, s9, $0xb8;
	[tilespmem:$0x12800] =	vst v63  }
0x12: {  	s21 =	simm.s32 $0x0  }
0x13: {  	[tilespmem:s11], [sflag:$0x1] =	stream.indirect.gather [hbm4b:s3+s9], $0x40, s9, s9, $0xb8;
	[tilespmem:$0x12800] =	vst v63  }
.LBB2_2:
0x14: {  	_ =	swait.ge [sflag:s12], $0x4000;
	s22 =	sshllo.u32 s21, $0x1  }
0x15: {  	[sflag:s12] =	ssyncset.done $0x0;
	s23 =	sshll.u32 s22, $0x8  }
0x16: {  	[sflag:s12] =	ssyncadd.s32 $0xFFFFC000;
	s23 =	sand.u32 $0x3FFFFF00, s23  }
0x17: {  	[tilespmem:s13], [sflag:$0x2] =	stream.indirect.gather [hbm4b:s3+s9], $0x40, s23, s9, $0xb8;
	[tilespmem:$0x12800] =	vst v63  }
0x18: {  	p0 =	seq.s32 s21, $0x0;
	s23 =	sor.u32 $0x80, s23  }
0x19: {  	[tilespmem:s14], [sflag:$0x2] =	stream.indirect.gather [hbm4b:s3+s9], $0x40, s23, s9, $0xb8;
	[tilespmem:$0x12800] =	vst v63  }
0x1a: {  	s23 =	simm.s32 @!p0 $0x3  }
0x1b: {  	_ =	swait.ge @!p0 [sflag:s23], $0x4000  }
0x1c: {  	[sflag:s23] =	ssyncset.done @!p0 $0x0  }
0x1d: {  	[sflag:s23] =	ssyncadd.s32 @!p0 $0xFFFFC000;
	s23 =	simm.s32 $0x0  }
0x1e: {  	v3 =	vld [tilespmem:s23+$0x2870]  }
0x1f: {  	v4 =	vld [tilespmem:s23+$0x2800]  }
0x20: {  	v5 =	vld [tilespmem:s23+$0x2810]  }
0x21: {  	v2 =	vld [tilespmem:s23+$0x2820]  }
0x22: {  	v0 =	vld [tilespmem:s23+$0x2830]  }
0x23: {  	v1 =	vld [tilespmem:s23+$0x2840];
	[tilespmem:s23+$0xA870] =	vst v3  }
0x24: {  	[tilespmem:s23+$0xA800] =	vst v4;
	v3 =	vld [tilespmem:s23+$0x2850]  }
0x25: {  	s24 =	simm.s32 $0x80;
	s25 =	simm.s32 $0x400;
	[tilespmem:s23+$0xA810] =	vst v5;
	v4 =	vld [tilespmem:s23+$0x2860]  }
.LBB2_3:
0x26: {  	p0 =	sne.s32 s25, $0xFE00;
	v5 =	vld [tilespmem:s24+$0x2870];
	[tilespmem:s23+$0xA820] =	vst v2  }
0x27: {  	v6 =	vld [tilespmem:s24+$0x2800];
	[tilespmem:s23+$0xA830] =	vst v0  }
0x28: {  	v7 =	vld [tilespmem:s24+$0x2810];
	[tilespmem:s23+$0xA840] =	vst v1  }
.Ltmp0:
0x29: {  	v2 =	vld [tilespmem:s24+$0x2820];
	[tilespmem:s23+$0xA850] =	vst v3;
	(pc) =	sbr.rel @p0 .LBB2_3-.Ltmp0, $4  }
0x2a: {  	v0 =	vld [tilespmem:s24+$0x2830];
	[tilespmem:s23+$0xA860] =	vst v4;
	s23 =	smov.u32 s24  }
0x2b: {  	v1 =	vld [tilespmem:s23+$0x2840];
	[tilespmem:s23+$0xA870] =	vst v5  }
0x2c: {  	[tilespmem:s23+$0xA800] =	vst v6;
	v3 =	vld [tilespmem:s23+$0x2850]  }
0x2d: {  	s24 =	sshra.s32 s25, $0x2;
	s25 =	sadd.s32 $0x200, s25;
	[tilespmem:s23+$0xA810] =	vst v7;
	v4 =	vld [tilespmem:s23+$0x2860]  }
0x2e: {  	v5 =	vld [tilespmem:s24+$0x2870];
	[tilespmem:s23+$0xA820] =	vst v2  }
0x2f: {  	v2 =	vld [tilespmem:s24+$0x2800];
	[tilespmem:s23+$0xA830] =	vst v0  }
0x30: {  	v0 =	vld [tilespmem:s24+$0x2810];
	[tilespmem:s23+$0xA840] =	vst v1  }
0x31: {  	v1 =	vld [tilespmem:s24+$0x2820];
	[tilespmem:s23+$0xA850] =	vst v3  }
0x32: {  	v3 =	vld [tilespmem:s24+$0x2830];
	[tilespmem:s23+$0xA860] =	vst v4  }
0x33: {  	v4 =	vld [tilespmem:s24+$0x2840];
	[tilespmem:s24+$0xA870] =	vst v5  }
0x34: {  	[tilespmem:s24+$0xA800] =	vst v2;
	v2 =	vld [tilespmem:s24+$0x2850]  }
0x35: {  	[tilespmem:s24+$0xA810] =	vst v0;
	v0 =	vld [tilespmem:s24+$0x2860]  }
0x36: {  	[tilespmem:s24+$0xA820] =	vst v1  }
0x37: {  	s31 =	sshll.u32 s21, $0xF;
	[tilespmem:s24+$0xA830] =	vst v3  }
0x38: {  	s23 =	sadd.s32 s6, s31;
	[tilespmem:s24+$0xA840] =	vst v4  }
0x39: {  	s23 =	sshrl.u32 s23, $0x3;
	[tilespmem:s24+$0xA850] =	vst v2  }
0x3a: {  	p0 =	seq.s32 s21, $0x13;
	s23 =	sadd.s32 s4, s23;
	[tilespmem:s24+$0xA860] =	vst v0  }
0x3b: {  	[hbm4b:s23+s2] =	stream.linear.scatter [tilespmem:s15], [sflag:$0x3], $0x4000, $0x38;
	[tilespmem:$0x12800] =	vst v63  }
0x3c: {  	s23 =	sshll.u32 @!p0 s21, $0x9;
	_ =	swait.ge [sflag:s16], $0x4000  }
0x3d: {  	s25 =	simm.s32 @!p0 $0x80;
	s23 =	sand.u32 @!p0 $0x3FFFFE00, s23;
	[sflag:s16] =	ssyncset.done $0x0  }
0x3e: {  	s26 =	simm.s32 @!p0 $0x2800;
	s24 =	sadd.s32 @!p0 $0x200, s23;
	[sflag:s16] =	ssyncadd.s32 $0xFFFFC000  }
0x3f: {  	[tilespmem:s26], [sflag:$0x1] =	stream.indirect.gather @!p0 [hbm4b:s3+s25], $0x40, s24, s25, $0xb8;
	[tilespmem:$0x12800] =	vst v63  }
0x40: {  	p1 =	seq.s32 @!p0 s21, $0x0;
	s23 =	sadd.s32 @!p0 $0x280, s23;
	s24 =	simm.s32 @!p0 $0x4800  }
0x41: {  	[tilespmem:s24], [sflag:$0x1] =	stream.indirect.gather @!p0 [hbm4b:s3+s25], $0x40, s23, s25, $0xb8;
	[tilespmem:$0x12800] =	vst v63  }
0x42: {  	p0 =	por p0, !p1  }
0x43: {  	_ =	swait.ge @p0 [sflag:s19], $0x4000  }
0x44: {  	[sflag:s19] =	ssyncset.done @p0 $0x0  }
0x45: {  	s23 =	simm.s32 $0x0;
	[sflag:s19] =	ssyncadd.s32 @p0 $0xFFFFC000  }
0x46: {  	v3 =	vld [tilespmem:s23+$0x6870]  }
0x47: {  	v4 =	vld [tilespmem:s23+$0x6800]  }
0x48: {  	v5 =	vld [tilespmem:s23+$0x6810]  }
0x49: {  	v2 =	vld [tilespmem:s23+$0x6820]  }
0x4a: {  	v0 =	vld [tilespmem:s23+$0x6830]  }
0x4b: {  	v1 =	vld [tilespmem:s23+$0x6840];
	[tilespmem:s23+$0xE870] =	vst v3  }
0x4c: {  	[tilespmem:s23+$0xE800] =	vst v4;
	v3 =	vld [tilespmem:s23+$0x6850]  }
0x4d: {  	s24 =	simm.s32 $0x80;
	s25 =	simm.s32 $0x400;
	[tilespmem:s23+$0xE810] =	vst v5;
	v4 =	vld [tilespmem:s23+$0x6860]  }
.LBB2_5:
0x4e: {  	p0 =	sne.s32 s25, $0xFE00;
	v5 =	vld [tilespmem:s24+$0x6870];
	[tilespmem:s23+$0xE820] =	vst v2  }
0x4f: {  	v6 =	vld [tilespmem:s24+$0x6800];
	[tilespmem:s23+$0xE830] =	vst v0  }
0x50: {  	v7 =	vld [tilespmem:s24+$0x6810];
	[tilespmem:s23+$0xE840] =	vst v1  }
.Ltmp1:
0x51: {  	v2 =	vld [tilespmem:s24+$0x6820];
	[tilespmem:s23+$0xE850] =	vst v3;
	(pc) =	sbr.rel @p0 .LBB2_5-.Ltmp1, $4  }
0x52: {  	v0 =	vld [tilespmem:s24+$0x6830];
	[tilespmem:s23+$0xE860] =	vst v4;
	s23 =	smov.u32 s24  }
0x53: {  	v1 =	vld [tilespmem:s23+$0x6840];
	[tilespmem:s23+$0xE870] =	vst v5  }
0x54: {  	[tilespmem:s23+$0xE800] =	vst v6;
	v3 =	vld [tilespmem:s23+$0x6850]  }
0x55: {  	s24 =	sshra.s32 s25, $0x2;
	s25 =	sadd.s32 $0x200, s25;
	[tilespmem:s23+$0xE810] =	vst v7;
	v4 =	vld [tilespmem:s23+$0x6860]  }
0x56: {  	v5 =	vld [tilespmem:s24+$0x6870];
	[tilespmem:s23+$0xE820] =	vst v2  }
0x57: {  	v2 =	vld [tilespmem:s24+$0x6800];
	[tilespmem:s23+$0xE830] =	vst v0  }
0x58: {  	v0 =	vld [tilespmem:s24+$0x6810];
	[tilespmem:s23+$0xE840] =	vst v1  }
0x59: {  	v1 =	vld [tilespmem:s24+$0x6820];
	[tilespmem:s23+$0xE850] =	vst v3  }
0x5a: {  	v3 =	vld [tilespmem:s24+$0x6830];
	[tilespmem:s23+$0xE860] =	vst v4  }
0x5b: {  	v4 =	vld [tilespmem:s24+$0x6840];
	[tilespmem:s24+$0xE870] =	vst v5  }
0x5c: {  	v62 =	vld [tilespmem:s24+$0x6850];
	[tilespmem:s24+$0xE800] =	vst v2  }
0x5d: {  	s21 =	sadd.s32 $0x1, s21;
	v63 =	vld [tilespmem:s24+$0x6860];
	[tilespmem:s24+$0xE810] =	vst v0  }
0x5e: {  	p0 =	sne.s32 s21, $0x14;
	[tilespmem:s24+$0xE820] =	vst v1  }
.Ltmp2:
0x5f: {  	s22 =	sshll.u32 s22, $0xE;
	[tilespmem:s24+$0xE830] =	vst v3;
	(pc) =	sbr.rel @p0 .LBB2_2-.Ltmp2, $4  }
0x60: {  	s22 =	sadd.s32 s6, s22;
	[tilespmem:s24+$0xE840] =	vst v4  }
0x61: {  	s22 =	sshrl.u32 s22, $0x3;
	[tilespmem:s24+$0xE850] =	vst v62  }
0x62: {  	s22 =	sadd.s32 s4, s22;
	[tilespmem:s24+$0xE860] =	vst v63  }
0x63: {  	[hbm4b:s22+s2] =	stream.linear.scatter [tilespmem:s17], [sflag:$0x4], $0x4000, $0x38;
	[tilespmem:$0x12800] =	vst v63  }
0x64: {  	s20 =	sadd.s32 $0x1, s20  }
0x65: {  	_ =	swait.ge [sflag:s18], $0x4000;
	p0 =	sne.s32 s20, s7  }
.Ltmp3:
0x66: {  	[sflag:s18] =	ssyncset.done $0x0;
	(pc) =	sbr.rel @p0 .LBB2_1-.Ltmp3, $4  }
0x67: {  	[sflag:s18] =	ssyncadd.s32 $0xFFFFC000  }
0x68: {  	_ =	swait.ge [sflag:s19], $0x4000  }
0x69: {  	[sflag:s19] =	ssyncset.done $0x0  }
0x6a: {  	[sflag:s19] =	ssyncadd.s32 $0xFFFFC000  }
0x6b: {  	_ =	sfence.sel $0x180000  }
0x6c: {  	[bflag:$0x0] =	sbarrier.arrive $0xFFFF  }
0x6d: {  	p0 =	sne.s32 s0, $0x0;
	_ =	strace $0x90000047  }
0x6e: {  	s0 =	sadd.s32 @!p0 $0x100000, s1;
	[bflag:$0x2] =	sbarrier.arrive $0xFFFF  }
0x6f: {  	[sflag:s0] =	ssyncadd.tile.s32 @!p0 $0x1;
	_ =	shalt  }
.Lfunc_end2:
_tile_overlayer_lowered:
.L_overlay_start_2:
0x70: {  	(tag) =	ssettag $0x2  }
0x71: {  	s0 =	rddreg [dreg:$0x0];
	s2 =	stileid.u32  }
0x72: {  	s1 =	rddreg [dreg:$0x1];
	p0 =	sne.s32 s2, $0x0  }
0x73: {  	s3 =	rddreg [dreg:$0x2];
	[bflag:$0x3] =	sbarrier.arrive $0xFFFF;
	s2 =	simm.s32 @!p0 $0x1C05  }
0x74: {  	[timem:s3], [sflag:s2] =	dma.local @!p0 [hbm:s0], s1  }
0x75: {  	s0 =	simm.s32 @!p0 $0x5  }
0x76: {  	_ =	swait.ge @!p0 [sflag:s0], s1  }
0x77: {  	s1 =	ssub.s32 @!p0 $0x0, s1;
	[sflag:s0] =	ssyncset.done @!p0 $0x0  }
0x78: {  	[sflag:s0] =	ssyncadd.s32 @!p0 s1  }
0x79: {  	[bflag:$0x3] =	sbarrier.arrive $0xFFFF  }
0x7a: {  	_ =	shalt  }

// kernel: kernel.20.cloned.1.call-start
scs
__scs_entry_jumppad:
0x0: {  	(pc) =	sbr.rel $0x88, $3  }
0x1: {  	(tag) =	ssettag $0x0;
	lr =	simm.s32 $0x1  }
0x2: {  	[smem:$0x3F7C] =	sst lr;
	_ =	strace $0xD0000000  }
0x3: {  	_ = 	snop  }
0x4: {  	_ = 	snop  }
0x5: {  	_ = 	snop  }
0x6: {  	_ = 	snop  }
0x7: {  	_ = 	snop  }
__scs_overlays_trampoline_lowered:
0x8: {  	[smem:$0x3F8B] =	sst s0  }
0x9: {  	[smem:$0x3F8C] =	sst s1  }
0xa: {  	[smem:$0x3F8D] =	sst s2  }
0xb: {  	[smem:$0x3F8E] =	sst s3  }
0xc: {  	[smem:$0x3F8F] =	sst s4  }
0xd: {  	[smem:$0x3F90] =	sst s5  }
0xe: {  	[smem:$0x3F91] =	sst s6  }
0xf: {  	[smem:$0x3F92] =	sst s7  }
0x10: {  	[smem:$0x3F93] =	sst s8  }
0x11: {  	[smem:$0x3F94] =	sst s9;
	s0 =	simm.s32 @!p0 $0x0  }
0x12: {  	s1 =	sld [smem:$0x3F7A];
	s0 =	simm.s32 @p0 $0x1  }
0x13: {  	[smem:$0x3F95] =	sst s0;
	s0 =	simm.s32 @!p1 $0x0  }
0x14: {  	s2 =	sld [smem:$0x3F79];
	s0 =	simm.s32 @p1 $0x1  }
0x15: {  	[smem:$0x3F96] =	sst s0;
	s0 =	simm.s32 @!p2 $0x0  }
0x16: {  	s3 =	sld [smem:$0x3FDB];
	s0 =	simm.s32 @p2 $0x1  }
0x17: {  	s4 =	simm.s32 $0x1BF5;
	[smem:$0x3F98] =	sst s0  }
0x18: {  	s0 =	sld [smem:$0x3F7B];
	_ =	swait.ge [sflag:s4], $0x0  }
0x19: {  	s7 =	sld [smem:$0x3F7C]  }
0x1a: {  	s8 =	sadd.s32 $0xFFFFE003, lr  }
0x1b: {  	s9 =	sadd.s32 $0xFFFFFEF7, lr;
	s5 =	simm.s32 $0xFFFFFFFF;
	p2 =	slt.u32 s8, $0xFFFFF086  }
0x1c: {  	p1 =	slt.u32 s9, $0xF7A;
	s5 =	simm.s32 @!p2 $0x0  }
0x1d: {  	s5 =	simm.s32 @p1 $0x1;
	p0 =	seq.s32 s7, s2  }
0x1e: {  	s7 =	smul.u32 @!p0 $0xF7A, s2;
	p2 =	seq.s32 @!p0 s5, $0x0  }
0x1f: {  	s9 =	smul.u32 $0xF7A, s1;
	s8 =	simm.s32 @!p0 $0x1BF5;
	p2 =	por !p2, p0  }
0x20: {  	[sflag:s8] =	ssyncset.s32 @!p0 $0xFFFFF086;
	s6 =	sadd.s32 @!p0 s3, s7;
	s7 =	simm.s32 @!p0 $0x108  }
0x21: {  	s3 =	sadd.s32 s3, s9;
	s6 =	sadd.s32 @!p0 $0x88, s6;
	s7 =	simm.s32 @p2 $0x1082  }
0x22: {  	[simem:s7], [sflag:s8] =	dma.local @!p0 [hbm:s6], $0xF7A  }
0x23: {  	s9 =	sor.u32 $0xD0000000, s2;
	s6 =	simm.s32 $0x108;
	_ =	swait.ge @!p0 [sflag:s8], $0x0  }
0x24: {  	s3 =	sadd.s32 $0x88, s3;
	s6 =	simm.s32 @!p1 $0x1082;
	[sflag:s4] =	ssyncset.s32 $0xFFFFF086  }
0x25: {  	[simem:s6], [sflag:s4] =	dma.local [hbm:s3], $0xF7A  }
0x26: {  	[smem:$0x3F7C] =	sst s1;
	(tag) =	ssettag s2;
	_ =	strace s9  }
0x27: {  	s1 =	sld [smem:$0x3F8C]  }
0x28: {  	s2 =	sld [smem:$0x3F8D]  }
0x29: {  	s4 =	sld [smem:$0x3F8F]  }
0x2a: {  	p0 =	seq.s32 s5, $0x0;
	s5 =	sld [smem:$0x3F90]  }
0x2b: {  	s6 =	sld [smem:$0x3F91]  }
0x2c: {  	s7 =	sld [smem:$0x3F92]  }
0x2d: {  	s3 =	simm.s32 $0x108;
	s8 =	sld [smem:$0x3F93]  }
0x2e: {  	s3 =	simm.s32 @!p0 $0x1082;
	s9 =	sld [smem:$0x3F94]  }
0x2f: {  	lr =	sadd.s32 s0, s3;
	s0 =	sld [smem:$0x3F8B]  }
0x30: {  	s3 =	sld [smem:$0x3F8E]  }
0x31: {  	[smem:$0x3F97] =	sst s10  }
0x32: {  	s10 =	sld [smem:$0x3F95];
	_ =	sdelay $0x3  }
0x33: {  	p0 =	seq.s32 s10, $0x1;
	s10 =	sld [smem:$0x3F97];
	_ =	sdelay $0x3  }
0x34: {  	[smem:$0x3F97] =	sst s10  }
0x35: {  	s10 =	sld [smem:$0x3F96];
	_ =	sdelay $0x3  }
0x36: {  	p1 =	seq.s32 s10, $0x1;
	s10 =	sld [smem:$0x3F97];
	_ =	sdelay $0x3  }
0x37: {  	[smem:$0x3F97] =	sst s10  }
0x38: {  	s10 =	sld [smem:$0x3F98]  }
0x39: {  	_ = 	snop;
	(pc) =	sbr.ind lr, $3  }
0x3a: {  	_ = 	snop  }
0x3b: {  	_ = 	snop  }
0x3c: {  	p2 =	seq.s32 s10, $0x1;
	s10 =	sld [smem:$0x3F97]  }
0x3d: {  	_ =	shalt  }
0x3e: {  	_ =	shalt  }
0x3f: {  	_ =	shalt  }
0x40: {  	_ =	shalt  }
0x41: {  	_ =	shalt  }
0x42: {  	_ =	shalt  }
0x43: {  	_ =	shalt  }
0x44: {  	_ =	shalt  }
0x45: {  	_ =	shalt  }
0x46: {  	_ =	shalt  }
0x47: {  	_ =	shalt  }
0x48: {  	_ =	shalt  }
0x49: {  	_ =	shalt  }
0x4a: {  	_ =	shalt  }
0x4b: {  	_ =	shalt  }
0x4c: {  	_ =	shalt  }
0x4d: {  	_ =	shalt  }
0x4e: {  	_ =	shalt  }
0x4f: {  	_ =	shalt  }
0x50: {  	_ =	shalt  }
0x51: {  	_ =	shalt  }
0x52: {  	_ =	shalt  }
0x53: {  	_ =	shalt  }
0x54: {  	_ =	shalt  }
0x55: {  	_ =	shalt  }
0x56: {  	_ =	shalt  }
0x57: {  	_ =	shalt  }
0x58: {  	_ =	shalt  }
0x59: {  	_ =	shalt  }
0x5a: {  	_ =	shalt  }
0x5b: {  	_ =	shalt  }
0x5c: {  	_ =	shalt  }
0x5d: {  	_ =	shalt  }
0x5e: {  	_ =	shalt  }
0x5f: {  	_ =	shalt  }
0x60: {  	_ =	shalt  }
0x61: {  	_ =	shalt  }
0x62: {  	_ =	shalt  }
0x63: {  	_ =	shalt  }
0x64: {  	_ =	shalt  }
0x65: {  	_ =	shalt  }
0x66: {  	_ =	shalt  }
0x67: {  	_ =	shalt  }
0x68: {  	_ =	shalt  }
0x69: {  	_ =	shalt  }
0x6a: {  	_ =	shalt  }
0x6b: {  	_ =	shalt  }
0x6c: {  	_ =	shalt  }
0x6d: {  	_ =	shalt  }
0x6e: {  	_ =	shalt  }
0x6f: {  	_ =	shalt  }
0x70: {  	_ =	shalt  }
0x71: {  	_ =	shalt  }
0x72: {  	_ =	shalt  }
0x73: {  	_ =	shalt  }
0x74: {  	_ =	shalt  }
0x75: {  	_ =	shalt  }
0x76: {  	_ =	shalt  }
0x77: {  	_ =	shalt  }
0x78: {  	_ =	shalt  }
0x79: {  	_ =	shalt  }
0x7a: {  	_ =	shalt  }
0x7b: {  	_ =	shalt  }
0x7c: {  	_ =	shalt  }
0x7d: {  	_ =	shalt  }
0x7e: {  	_ =	shalt  }
0x7f: {  	_ =	shalt  }
0x80: {  	_ =	shalt  }
0x81: {  	_ =	shalt  }
0x82: {  	_ =	shalt  }
0x83: {  	_ =	shalt  }
0x84: {  	_ =	shalt  }
0x85: {  	_ =	shalt  }
0x86: {  	_ =	shalt  }
0x87: {  	_ =	shalt  }
.Lfunc_end0:
.L_simem_size_0:
called_computation.1_lowered:
.L_overlay_start_0:
0x88: {  	s2 =	sld [smem:$0x3FD9]  }
0x89: {  	s3 =	sld [smem:$0x3FFE];
	_ =	sdelay $0x1  }
0x8a: {  	s1 =	srdreg.scid  }
0x8b: {  	s0 =	sand.u32 $0x1, s1  }
0x8c: {  	s16 =	sshll.u32 s0, $0xA;
	s2 =	sadd.s32 s3, s2  }
0x8d: {  	s2 =	sadd.s32 s2, s16  }
0x8e: {  	[smem:$0x3FA3] =	sst s2  }
0x8f: {  	_ = 	snop  }
0x90: {  	(tm) =	ssettm $0x1  }
0x91: {  	s17 =	sld [smem:$0x3FFB];
	_ =	sdelay $0x3  }
0x92: {  	_ =	strace s17  }
0x93: {  	s2 =	sld [smem:$0x3FFC];
	_ =	sdelay $0x3  }
0x94: {  	_ =	strace s2  }
0x95: {  	s2 =	sld [smem:$0x3FFD];
	_ =	sdelay $0x3  }
0x96: {  	_ =	strace s2  }
0x97: {  	_ =	strace $0x8FFFFFFF  }
0x98: {  	s18 =	sld [smem:$0x3FDB];
	_ =	sdelay $0x1  }
0x99: {  	s19 =	simm.s32 $_scs_section_size  }
0x9a: {  	s4 =	simm.s32 $_size__tile_overlayer_lowered;
	s5 =	simm.s32 $_tile_overlayer_lowered  }
0x9b: {  	s22 =	simm.s32 $0x1BFF;
	s21 =	sshll.u32 s5, $0x1;
	s2 =	sadd.s32 s19, s18  }
0x9c: {  	s6 =	simm.s32 $0x0;
	s20 =	sshll.u32 s4, $0x1;
	s4 =	sadd.s32 s21, s2  }
0x9d: {  	[timem:s6], [sflag:s22] =	dma.local [hbm:s4], s20  }
0x9e: {  	_ =	swait.ge [sflag:s22], s20  }
0x9f: {  	s3 =	ssub.s32 $0x0, s20;
	[sflag:s22] =	ssyncset.done $0x0  }
0xa0: {  	[sflag:s22] =	ssyncadd.s32 s3;
	_ =	sdelay $0x1  }
0xa1: {  	s23 =	simm.s32 $0x1B8B  }
0xa2: {  	_ =	swait.ge [sflag:s23], $0x1  }
0xa3: {  	[sflag:s23] =	ssyncset.done $0x0  }
0xa4: {  	s25 =	simm.s32 $0x1B8E;
	s24 =	sld [smem:$0x3FFE];
	[sflag:s23] =	ssyncadd.s32 $0xFFFFFFFF  }
0xa5: {  	s26 =	simm.s32 $execute0_lowered;
	[smem:$0x3FD2] =	sst s25  }
0xa6: {  	s4 =	sshll.u32 s26, $0x1;
	_ =	strace $0x80000049;
	[dreg:$0x1] =	wrdreg $0xFFFFFFFF  }
0xa7: {  	s28 =	simm.s32 $_size_execute0_lowered;
	s2 =	sadd.s32 s2, s4;
	[dreg:$0x0] =	wrdreg $0x0  }
0xa8: {  	s4 =	sshll.u32 s28, $0x1;
	[dreg:$0x2] =	wrdreg s2  }
0xa9: {  	[dreg:$0x3] =	wrdreg s4  }
0xaa: {  	[dreg:$0x4] =	wrdreg $0xC0  }
0xab: {  	_ =	task [dreg:s6], $0x5FFFF  }
0xac: {  	[dreg:$0x1] =	wrdreg $0xFFFFFFFF  }
0xad: {  	[dreg:$0x0] =	wrdreg $0x60  }
0xae: {  	[dreg:$0x2] =	wrdreg s24  }
0xaf: {  	[dreg:$0x3] =	wrdreg $0xD4000  }
0xb0: {  	[dreg:$0x4] =	wrdreg $0x9  }
0xb1: {  	_ =	task.clear_ibuf [dreg:s6], $0x5FFFF;
	_ =	strace $0x90000049  }
0xb2: {  	s29 =	simm.s32 $0x9;
	_ =	strace $0x8000004B  }
0xb3: {  	_ =	swait.ge [sflag:s29], $0x1  }
0xb4: {  	[sflag:s29] =	ssyncadd.s32 $0xFFFFFFFF  }
0xb5: {  	_ =	strace $0x9000004B  }
0xb6: {  	_ =	sfence  }
0xb7: {  	s30 =	sld [smem:$0x0];
	_ =	sdelay $0x2  }
0xb8: {  	s31 =	sshll.u32 s1, $0xD;
	s1 =	sshrl.u32 s1, $0x2  }
0xb9: {  	s3 =	sand.u32 $0x4000, s31;
	s1 =	sadd.s32 s1, s30  }
0xba: {  	s0 =	sor.u32 s3, s0;
	s1 =	sshll.u32 s1, $0x11  }
0xbb: {  	s0 =	sor.u32 s1, s0  }
0xbc: {  	s0 =	sadd.s32 $0x8F2B, s0  }
0xbd: {  	[sflag:s0] =	ssyncadd.remote.s32 $0x1  }
0xbe: {  	_ =	sfence.sel $0xFFFF  }
0xbf: {  	[dreg:$0x0] =	wrdreg $0xFFFFFFFF;
	(pc) =	sbr.abs _section_cstart, $3  }
0xc0: {  	[dreg:$0x1] =	wrdreg $0xFFFFFFFF  }
0xc1: {  	_ =	task.clear_ibuf [dreg:s6], $0x2FFFF;
	_ =	strace $0x9FFFFFFF  }
0xc2: {  	(tm) =	ssettm $0x7FFFFFFF  }
0xc3: {  	_ =	shalt  }
tec
execute0_lowered:
.L_overlay_start_1:
0x0: {  	(tag) =	ssettag $0x1  }
0x1: {  	s1 =	srdreg.scid  }
0x2: {  	s0 =	stileid.u32;
	s6 =	rddreg [dreg:$0x0]  }
0x3: {  	s2 =	rddreg [dreg:$0x1];
	s3 =	simm.s32 $0x0;
	s16 =	simm.s32 $0x1  }
0x4: {  	s17 =	simm.s32 $0x5400;
	s18 =	simm.s32 $0x80;
	s19 =	simm.s32 $0x9400  }
0x5: {  	s20 =	simm.s32 $0xB400;
	s21 =	simm.s32 $0x2;
	s22 =	simm.s32 $0x0  }
0x6: {  	s5 =	sand.u32 $0x1, s1;
	s29 =	sshll.u32 s0, $0x1;
	s1 =	rddreg [dreg:$0x2]  }
0x7: {  	s9 =	smul.u32 $0x9C80, s0;
	[smem:$0x7FF] =	sst s3;
	s4 =	sadd.s32 $0x41A200, s6  }
0x8: {  	s14 =	sshll.u32 s0, $0x6;
	s7 =	sor.u32 s5, s29;
	s10 =	smul.u32 $0x9C800, s5  }
0x9: {  	_ =	strace $0x8000004A;
	s5 =	ssub.s32 $0x2, s5;
	s8 =	smul.u32 $0x280, s7  }
0xa: {  	s11 =	sshrl.u32 s9, $0x3;
	s30 =	sshrl.u32 s5, $0x1;
	s31 =	smul.u32 $0xA000, s7  }
0xb: {  	s15 =	sadd.s32 s9, s2;
	s10 =	sadd.s32 s9, s10;
	s11 =	sadd.s32 s11, s6  }
0xc: {  	s13 =	ssub.s32 s5, s30;
	s5 =	smul.u32 $0x50000, s7;
	s7 =	sor.u32 $0x1C03, s14  }
0xd: {  	s14 =	simm.s32 $0x3;
	s8 =	sadd.s32 s8, s6;
	s10 =	sshrl.u32 s10, $0x3  }
0xe: {  	s9 =	sadd.s32 s4, s31;
	s12 =	sadd.s32 s10, s6;
	s6 =	sadd.s32 $0x2DA200, s11  }
0xf: {  	s8 =	sadd.s32 $0xDE00, s8;
	s10 =	sor.u32 $0x8000, s5;
	s11 =	sadd.s32 $0x2EDC00, s12  }
0x10: {  	s12 =	smax.u32 s13, $0x1;
	s13 =	sshrl.u32 s15, $0x3;
	s15 =	simm.s32 $0x1400  }
.LBB2_1:
0x11: {  	[spmem:s13], [sflag:s7] =	dma.local [hbm:s6], $0x1390  }
0x12: {  	_ =	swait.ge [sflag:s14], $0x1390  }
0x13: {  	[sflag:s14] =	ssyncset.done $0x0  }
0x14: {  	[sflag:s14] =	ssyncadd.s32 $0xFFFFEC70  }
0x15: {  	[tilespmem:s3], [sflag:$0x3] =	stream.linear.gather [hbm4b:s8+s3], $0x1400, $0x38;
	[tilespmem:$0x17080] =	vst v63  }
0x16: {  	_ =	swait.ge [sflag:s14], $0x1400  }
0x17: {  	[sflag:s14] =	ssyncset.done $0x0  }
0x18: {  	[sflag:s14] =	ssyncadd.s32 $0xFFFFEC00  }
0x19: {  	s23 =	simm.s32 $0x0;
	[bflag:$0x0] =	sbarrier.arrive $0xFFFF  }
0x1a: {  	[tilespmem:s15], [sflag:$0x1] =	stream.linear.gather [hbm4b:s9+s3], $0x4000, $0x38;
	[tilespmem:$0x17080] =	vst v63  }
.LBB2_2:
0x1b: {  	s24 =	sshllo.u32 s23, $0x1  }
0x1c: {  	s25 =	sshll.u32 s24, $0xE  }
0x1d: {  	_ =	swait.ge [sflag:s16], $0x4000;
	s25 =	sadd.s32 s5, s25  }
0x1e: {  	[sflag:s16] =	ssyncset.done $0x0;
	s25 =	sshrl.u32 s25, $0x3  }
0x1f: {  	s26 =	simm.s32 $0x0;
	[sflag:s16] =	ssyncadd.s32 $0xFFFFC000;
	s25 =	sadd.s32 s4, s25  }
0x20: {  	[tilespmem:s17], [sflag:$0x2] =	stream.linear.gather [hbm4b:s25+s26], $0x4000, $0x38;
	[tilespmem:$0x17080] =	vst v63  }
0x21: {  	s25 =	simm.s32 $0x0  }
0x22: {  	v3 =	vld [tilespmem:s25+$0x1470]  }
0x23: {  	v4 =	vld [tilespmem:s25+$0x1400]  }
0x24: {  	v5 =	vld [tilespmem:s25+$0x1410]  }
0x25: {  	v2 =	vld [tilespmem:s25+$0x1420]  }
0x26: {  	v0 =	vld [tilespmem:s25+$0x1430]  }
0x27: {  	v1 =	vld [tilespmem:s25+$0x1440];
	[tilespmem:s25+$0x9470] =	vst v3  }
0x28: {  	[tilespmem:s25+$0x9400] =	vst v4;
	v3 =	vld [tilespmem:s25+$0x1450]  }
0x29: {  	s28 =	simm.s32 $0x400;
	s26 =	simm.s32 $0x80;
	[tilespmem:s25+$0x9410] =	vst v5;
	v4 =	vld [tilespmem:s25+$0x1460]  }
.LBB2_3:
0x2a: {  	p0 =	sne.s32 s28, $0xFE00;
	v5 =	vld [tilespmem:s26+$0x1470];
	[tilespmem:s25+$0x9420] =	vst v2  }
0x2b: {  	v6 =	vld [tilespmem:s26+$0x1400];
	[tilespmem:s25+$0x9430] =	vst v0  }
0x2c: {  	v7 =	vld [tilespmem:s26+$0x1410];
	[tilespmem:s25+$0x9440] =	vst v1  }
.Ltmp0:
0x2d: {  	v2 =	vld [tilespmem:s26+$0x1420];
	[tilespmem:s25+$0x9450] =	vst v3;
	(pc) =	sbr.rel @p0 .LBB2_3-.Ltmp0, $4  }
0x2e: {  	v0 =	vld [tilespmem:s26+$0x1430];
	[tilespmem:s25+$0x9460] =	vst v4;
	s25 =	smov.u32 s26  }
0x2f: {  	v1 =	vld [tilespmem:s25+$0x1440];
	[tilespmem:s25+$0x9470] =	vst v5  }
0x30: {  	[tilespmem:s25+$0x9400] =	vst v6;
	v3 =	vld [tilespmem:s25+$0x1450]  }
0x31: {  	s26 =	sshra.s32 s28, $0x2;
	s28 =	sadd.s32 $0x200, s28;
	[tilespmem:s25+$0x9410] =	vst v7;
	v4 =	vld [tilespmem:s25+$0x1460]  }
0x32: {  	v5 =	vld [tilespmem:s26+$0x1470];
	[tilespmem:s25+$0x9420] =	vst v2  }
0x33: {  	v2 =	vld [tilespmem:s26+$0x1400];
	[tilespmem:s25+$0x9430] =	vst v0  }
0x34: {  	v0 =	vld [tilespmem:s26+$0x1410];
	[tilespmem:s25+$0x9440] =	vst v1  }
0x35: {  	v1 =	vld [tilespmem:s26+$0x1420];
	[tilespmem:s25+$0x9450] =	vst v3  }
0x36: {  	v3 =	vld [tilespmem:s26+$0x1430];
	[tilespmem:s25+$0x9460] =	vst v4  }
0x37: {  	v4 =	vld [tilespmem:s26+$0x1440];
	[tilespmem:s26+$0x9470] =	vst v5  }
0x38: {  	[tilespmem:s26+$0x9400] =	vst v2;
	v2 =	vld [tilespmem:s26+$0x1450]  }
0x39: {  	[tilespmem:s26+$0x9410] =	vst v0;
	v0 =	vld [tilespmem:s26+$0x1460]  }
0x3a: {  	[tilespmem:s26+$0x9420] =	vst v1  }
0x3b: {  	[tilespmem:s26+$0x9430] =	vst v3  }
0x3c: {  	[tilespmem:s26+$0x9440] =	vst v4  }
0x3d: {  	s31 =	sshll.u32 s23, $0x9;
	[tilespmem:s26+$0x9450] =	vst v2  }
0x3e: {  	s25 =	sand.u32 $0x3FFFFE00, s31;
	[tilespmem:s26+$0x9460] =	vst v0  }
0x3f: {  	[spmem:s2] =	stream.indirect.scatter.add.f32 [tilespmem:s19], [sflag:$0x3], $0x40, s25, s18, $0xb8;
	[tilespmem:$0x17080] =	vst v63  }
0x40: {  	_ =	swait.ge [sflag:s14], $0x2000  }
0x41: {  	[sflag:s14] =	ssyncset.done $0x0  }
0x42: {  	s25 =	sor.u32 $0x80, s25;
	[sflag:s14] =	ssyncadd.s32 $0xFFFFE000  }
0x43: {  	[spmem:s2] =	stream.indirect.scatter.add.f32 [tilespmem:s20], [sflag:$0x3], $0x40, s25, s18, $0xb8;
	[tilespmem:$0x17080] =	vst v63  }
0x44: {  	_ =	swait.ge [sflag:s14], $0x2000  }
0x45: {  	p0 =	seq.s32 s23, $0x9;
	[sflag:s14] =	ssyncset.done $0x0  }
0x46: {  	s25 =	sshll.u32 @!p0 s23, $0xF;
	[sflag:s14] =	ssyncadd.s32 $0xFFFFE000  }
0x47: {  	s25 =	sadd.s32 @!p0 s25, s10;
	_ =	swait.ge [sflag:s21], $0x4000  }
0x48: {  	s28 =	simm.s32 @!p0 $0x1400;
	s25 =	sshrl.u32 @!p0 s25, $0x3;
	[sflag:s21] =	ssyncset.done $0x0  }
0x49: {  	s26 =	simm.s32 @!p0 $0x0;
	s25 =	sadd.s32 @!p0 s4, s25;
	[sflag:s21] =	ssyncadd.s32 $0xFFFFC000  }
0x4a: {  	[tilespmem:s28], [sflag:$0x1] =	stream.linear.gather @!p0 [hbm4b:s25+s26], $0x4000, $0x38;
	[tilespmem:$0x17080] =	vst v63  }
0x4b: {  	s25 =	simm.s32 $0x0  }
0x4c: {  	v3 =	vld [tilespmem:s25+$0x5470]  }
0x4d: {  	v4 =	vld [tilespmem:s25+$0x5400]  }
0x4e: {  	v5 =	vld [tilespmem:s25+$0x5410]  }
0x4f: {  	v2 =	vld [tilespmem:s25+$0x5420]  }
0x50: {  	v0 =	vld [tilespmem:s25+$0x5430]  }
0x51: {  	v1 =	vld [tilespmem:s25+$0x5440];
	[tilespmem:s25+$0x9470] =	vst v3  }
0x52: {  	[tilespmem:s25+$0x9400] =	vst v4;
	v3 =	vld [tilespmem:s25+$0x5450]  }
0x53: {  	s26 =	simm.s32 $0x80;
	s28 =	simm.s32 $0x400;
	[tilespmem:s25+$0x9410] =	vst v5;
	v4 =	vld [tilespmem:s25+$0x5460]  }
.LBB2_5:
0x54: {  	p0 =	sne.s32 s28, $0xFE00;
	v5 =	vld [tilespmem:s26+$0x5470];
	[tilespmem:s25+$0x9420] =	vst v2  }
0x55: {  	v6 =	vld [tilespmem:s26+$0x5400];
	[tilespmem:s25+$0x9430] =	vst v0  }
0x56: {  	v7 =	vld [tilespmem:s26+$0x5410];
	[tilespmem:s25+$0x9440] =	vst v1  }
.Ltmp1:
0x57: {  	v2 =	vld [tilespmem:s26+$0x5420];
	[tilespmem:s25+$0x9450] =	vst v3;
	(pc) =	sbr.rel @p0 .LBB2_5-.Ltmp1, $4  }
0x58: {  	v0 =	vld [tilespmem:s26+$0x5430];
	[tilespmem:s25+$0x9460] =	vst v4;
	s25 =	smov.u32 s26  }
0x59: {  	v1 =	vld [tilespmem:s25+$0x5440];
	[tilespmem:s25+$0x9470] =	vst v5  }
0x5a: {  	[tilespmem:s25+$0x9400] =	vst v6;
	v3 =	vld [tilespmem:s25+$0x5450]  }
0x5b: {  	s26 =	sshra.s32 s28, $0x2;
	s28 =	sadd.s32 $0x200, s28;
	[tilespmem:s25+$0x9410] =	vst v7;
	v4 =	vld [tilespmem:s25+$0x5460]  }
0x5c: {  	v5 =	vld [tilespmem:s26+$0x5470];
	[tilespmem:s25+$0x9420] =	vst v2  }
0x5d: {  	v2 =	vld [tilespmem:s26+$0x5400];
	[tilespmem:s25+$0x9430] =	vst v0  }
0x5e: {  	v0 =	vld [tilespmem:s26+$0x5410];
	[tilespmem:s25+$0x9440] =	vst v1  }
0x5f: {  	v1 =	vld [tilespmem:s26+$0x5420];
	[tilespmem:s25+$0x9450] =	vst v3  }
0x60: {  	v3 =	vld [tilespmem:s26+$0x5430];
	[tilespmem:s25+$0x9460] =	vst v4  }
0x61: {  	v4 =	vld [tilespmem:s26+$0x5440];
	[tilespmem:s26+$0x9470] =	vst v5  }
0x62: {  	v62 =	vld [tilespmem:s26+$0x5450];
	[tilespmem:s26+$0x9400] =	vst v2  }
0x63: {  	v63 =	vld [tilespmem:s26+$0x5460];
	[tilespmem:s26+$0x9410] =	vst v0  }
0x64: {  	[tilespmem:s26+$0x9420] =	vst v1  }
0x65: {  	[tilespmem:s26+$0x9430] =	vst v3  }
0x66: {  	[tilespmem:s26+$0x9440] =	vst v4  }
0x67: {  	s24 =	sshll.u32 s24, $0x8;
	[tilespmem:s26+$0x9450] =	vst v62  }
0x68: {  	s24 =	sand.u32 $0x3FFFFF00, s24;
	[tilespmem:s26+$0x9460] =	vst v63  }
0x69: {  	[spmem:s2] =	stream.indirect.scatter.add.f32 [tilespmem:s19], [sflag:$0x3], $0x40, s24, s18, $0xb8;
	[tilespmem:$0x17080] =	vst v63  }
0x6a: {  	s23 =	sadd.s32 $0x1, s23;
	_ =	swait.ge [sflag:s14], $0x2000  }
0x6b: {  	p0 =	sne.s32 s23, $0xA;
	[sflag:s14] =	ssyncset.done $0x0  }
.Ltmp2:
0x6c: {  	s24 =	sor.u32 $0x80, s24;
	[sflag:s14] =	ssyncadd.s32 $0xFFFFE000;
	(pc) =	sbr.rel @p0 .LBB2_2-.Ltmp2, $4  }
0x6d: {  	[spmem:s2] =	stream.indirect.scatter.add.f32 [tilespmem:s20], [sflag:$0x3], $0x40, s24, s18, $0xb8;
	[tilespmem:$0x17080] =	vst v63  }
0x6e: {  	_ =	swait.ge [sflag:s14], $0x2000  }
0x6f: {  	[sflag:s14] =	ssyncset.done $0x0  }
0x70: {  	[sflag:s14] =	ssyncadd.s32 $0xFFFFE000  }
0x71: {  	s22 =	sadd.s32 $0x1, s22  }
0x72: {  	p0 =	sne.s32 s22, s12  }
.Ltmp3:
0x73: {  	[bflag:$0x0] =	sbarrier.arrive $0xFFFF;
	(pc) =	sbr.rel @p0 .LBB2_1-.Ltmp3, $4  }
0x74: {  	[hbm:s11], [sflag:s7] =	dma.local [spmem:s13], $0x1390  }
0x75: {  	_ =	swait.ge [sflag:s14], $0x1390  }
0x76: {  	[sflag:s14] =	ssyncset.done $0x0  }
0x77: {  	[sflag:s14] =	ssyncadd.s32 $0xFFFFEC70  }
0x78: {  	_ =	sfence.sel $0x180000  }
0x79: {  	[bflag:$0x0] =	sbarrier.arrive $0xFFFF  }
0x7a: {  	p0 =	sne.s32 s0, $0x0;
	_ =	strace $0x9000004A  }
0x7b: {  	s0 =	sadd.s32 @!p0 $0x100000, s1;
	[bflag:$0x2] =	sbarrier.arrive $0xFFFF  }
0x7c: {  	[sflag:s0] =	ssyncadd.tile.s32 @!p0 $0x1;
	_ =	shalt  }
.Lfunc_end2:
_tile_overlayer_lowered:
.L_overlay_start_2:
0x7d: {  	(tag) =	ssettag $0x2  }
0x7e: {  	s0 =	rddreg [dreg:$0x0];
	s2 =	stileid.u32  }
0x7f: {  	s1 =	rddreg [dreg:$0x1];
	p0 =	sne.s32 s2, $0x0  }
0x80: {  	s3 =	rddreg [dreg:$0x2];
	[bflag:$0x3] =	sbarrier.arrive $0xFFFF;
	s2 =	simm.s32 @!p0 $0x1C03  }
0x81: {  	[timem:s3], [sflag:s2] =	dma.local @!p0 [hbm:s0], s1  }
0x82: {  	s0 =	simm.s32 @!p0 $0x3  }
0x83: {  	_ =	swait.ge @!p0 [sflag:s0], s1  }
0x84: {  	s1 =	ssub.s32 @!p0 $0x0, s1;
	[sflag:s0] =	ssyncset.done @!p0 $0x0  }
0x85: {  	[sflag:s0] =	ssyncadd.s32 @!p0 s1  }
0x86: {  	[bflag:$0x3] =	sbarrier.arrive $0xFFFF  }
0x87: {  	_ =	shalt  }

// kernel: kernel.23.cloned.1.call-start
scs
__scs_entry_jumppad:
0x0: {  	(pc) =	sbr.rel $0x88, $3  }
0x1: {  	(tag) =	ssettag $0x0;
	lr =	simm.s32 $0x1  }
0x2: {  	[smem:$0x3F7C] =	sst lr;
	_ =	strace $0xD0000000  }
0x3: {  	_ = 	snop  }
0x4: {  	_ = 	snop  }
0x5: {  	_ = 	snop  }
0x6: {  	_ = 	snop  }
0x7: {  	_ = 	snop  }
__scs_overlays_trampoline_lowered:
0x8: {  	[smem:$0x3F8B] =	sst s0  }
0x9: {  	[smem:$0x3F8C] =	sst s1  }
0xa: {  	[smem:$0x3F8D] =	sst s2  }
0xb: {  	[smem:$0x3F8E] =	sst s3  }
0xc: {  	[smem:$0x3F8F] =	sst s4  }
0xd: {  	[smem:$0x3F90] =	sst s5  }
0xe: {  	[smem:$0x3F91] =	sst s6  }
0xf: {  	[smem:$0x3F92] =	sst s7  }
0x10: {  	[smem:$0x3F93] =	sst s8  }
0x11: {  	[smem:$0x3F94] =	sst s9;
	s0 =	simm.s32 @!p0 $0x0  }
0x12: {  	s1 =	sld [smem:$0x3F7A];
	s0 =	simm.s32 @p0 $0x1  }
0x13: {  	[smem:$0x3F95] =	sst s0;
	s0 =	simm.s32 @!p1 $0x0  }
0x14: {  	s2 =	sld [smem:$0x3F79];
	s0 =	simm.s32 @p1 $0x1  }
0x15: {  	[smem:$0x3F96] =	sst s0;
	s0 =	simm.s32 @!p2 $0x0  }
0x16: {  	s3 =	sld [smem:$0x3FDB];
	s0 =	simm.s32 @p2 $0x1  }
0x17: {  	s4 =	simm.s32 $0x1BF5;
	[smem:$0x3F98] =	sst s0  }
0x18: {  	s0 =	sld [smem:$0x3F7B];
	_ =	swait.ge [sflag:s4], $0x0  }
0x19: {  	s7 =	sld [smem:$0x3F7C]  }
0x1a: {  	s8 =	sadd.s32 $0xFFFFE003, lr  }
0x1b: {  	s9 =	sadd.s32 $0xFFFFFEF7, lr;
	s5 =	simm.s32 $0xFFFFFFFF;
	p2 =	slt.u32 s8, $0xFFFFF086  }
0x1c: {  	p1 =	slt.u32 s9, $0xF7A;
	s5 =	simm.s32 @!p2 $0x0  }
0x1d: {  	s5 =	simm.s32 @p1 $0x1;
	p0 =	seq.s32 s7, s2  }
0x1e: {  	s7 =	smul.u32 @!p0 $0xF7A, s2;
	p2 =	seq.s32 @!p0 s5, $0x0  }
0x1f: {  	s9 =	smul.u32 $0xF7A, s1;
	s8 =	simm.s32 @!p0 $0x1BF5;
	p2 =	por !p2, p0  }
0x20: {  	[sflag:s8] =	ssyncset.s32 @!p0 $0xFFFFF086;
	s6 =	sadd.s32 @!p0 s3, s7;
	s7 =	simm.s32 @!p0 $0x108  }
0x21: {  	s3 =	sadd.s32 s3, s9;
	s6 =	sadd.s32 @!p0 $0x88, s6;
	s7 =	simm.s32 @p2 $0x1082  }
0x22: {  	[simem:s7], [sflag:s8] =	dma.local @!p0 [hbm:s6], $0xF7A  }
0x23: {  	s9 =	sor.u32 $0xD0000000, s2;
	s6 =	simm.s32 $0x108;
	_ =	swait.ge @!p0 [sflag:s8], $0x0  }
0x24: {  	s3 =	sadd.s32 $0x88, s3;
	s6 =	simm.s32 @!p1 $0x1082;
	[sflag:s4] =	ssyncset.s32 $0xFFFFF086  }
0x25: {  	[simem:s6], [sflag:s4] =	dma.local [hbm:s3], $0xF7A  }
0x26: {  	[smem:$0x3F7C] =	sst s1;
	(tag) =	ssettag s2;
	_ =	strace s9  }
0x27: {  	s1 =	sld [smem:$0x3F8C]  }
0x28: {  	s2 =	sld [smem:$0x3F8D]  }
0x29: {  	s4 =	sld [smem:$0x3F8F]  }
0x2a: {  	p0 =	seq.s32 s5, $0x0;
	s5 =	sld [smem:$0x3F90]  }
0x2b: {  	s6 =	sld [smem:$0x3F91]  }
0x2c: {  	s7 =	sld [smem:$0x3F92]  }
0x2d: {  	s3 =	simm.s32 $0x108;
	s8 =	sld [smem:$0x3F93]  }
0x2e: {  	s3 =	simm.s32 @!p0 $0x1082;
	s9 =	sld [smem:$0x3F94]  }
0x2f: {  	lr =	sadd.s32 s0, s3;
	s0 =	sld [smem:$0x3F8B]  }
0x30: {  	s3 =	sld [smem:$0x3F8E]  }
0x31: {  	[smem:$0x3F97] =	sst s10  }
0x32: {  	s10 =	sld [smem:$0x3F95];
	_ =	sdelay $0x3  }
0x33: {  	p0 =	seq.s32 s10, $0x1;
	s10 =	sld [smem:$0x3F97];
	_ =	sdelay $0x3  }
0x34: {  	[smem:$0x3F97] =	sst s10  }
0x35: {  	s10 =	sld [smem:$0x3F96];
	_ =	sdelay $0x3  }
0x36: {  	p1 =	seq.s32 s10, $0x1;
	s10 =	sld [smem:$0x3F97];
	_ =	sdelay $0x3  }
0x37: {  	[smem:$0x3F97] =	sst s10  }
0x38: {  	s10 =	sld [smem:$0x3F98]  }
0x39: {  	_ = 	snop;
	(pc) =	sbr.ind lr, $3  }
0x3a: {  	_ = 	snop  }
0x3b: {  	_ = 	snop  }
0x3c: {  	p2 =	seq.s32 s10, $0x1;
	s10 =	sld [smem:$0x3F97]  }
0x3d: {  	_ =	shalt  }
0x3e: {  	_ =	shalt  }
0x3f: {  	_ =	shalt  }
0x40: {  	_ =	shalt  }
0x41: {  	_ =	shalt  }
0x42: {  	_ =	shalt  }
0x43: {  	_ =	shalt  }
0x44: {  	_ =	shalt  }
0x45: {  	_ =	shalt  }
0x46: {  	_ =	shalt  }
0x47: {  	_ =	shalt  }
0x48: {  	_ =	shalt  }
0x49: {  	_ =	shalt  }
0x4a: {  	_ =	shalt  }
0x4b: {  	_ =	shalt  }
0x4c: {  	_ =	shalt  }
0x4d: {  	_ =	shalt  }
0x4e: {  	_ =	shalt  }
0x4f: {  	_ =	shalt  }
0x50: {  	_ =	shalt  }
0x51: {  	_ =	shalt  }
0x52: {  	_ =	shalt  }
0x53: {  	_ =	shalt  }
0x54: {  	_ =	shalt  }
0x55: {  	_ =	shalt  }
0x56: {  	_ =	shalt  }
0x57: {  	_ =	shalt  }
0x58: {  	_ =	shalt  }
0x59: {  	_ =	shalt  }
0x5a: {  	_ =	shalt  }
0x5b: {  	_ =	shalt  }
0x5c: {  	_ =	shalt  }
0x5d: {  	_ =	shalt  }
0x5e: {  	_ =	shalt  }
0x5f: {  	_ =	shalt  }
0x60: {  	_ =	shalt  }
0x61: {  	_ =	shalt  }
0x62: {  	_ =	shalt  }
0x63: {  	_ =	shalt  }
0x64: {  	_ =	shalt  }
0x65: {  	_ =	shalt  }
0x66: {  	_ =	shalt  }
0x67: {  	_ =	shalt  }
0x68: {  	_ =	shalt  }
0x69: {  	_ =	shalt  }
0x6a: {  	_ =	shalt  }
0x6b: {  	_ =	shalt  }
0x6c: {  	_ =	shalt  }
0x6d: {  	_ =	shalt  }
0x6e: {  	_ =	shalt  }
0x6f: {  	_ =	shalt  }
0x70: {  	_ =	shalt  }
0x71: {  	_ =	shalt  }
0x72: {  	_ =	shalt  }
0x73: {  	_ =	shalt  }
0x74: {  	_ =	shalt  }
0x75: {  	_ =	shalt  }
0x76: {  	_ =	shalt  }
0x77: {  	_ =	shalt  }
0x78: {  	_ =	shalt  }
0x79: {  	_ =	shalt  }
0x7a: {  	_ =	shalt  }
0x7b: {  	_ =	shalt  }
0x7c: {  	_ =	shalt  }
0x7d: {  	_ =	shalt  }
0x7e: {  	_ =	shalt  }
0x7f: {  	_ =	shalt  }
0x80: {  	_ =	shalt  }
0x81: {  	_ =	shalt  }
0x82: {  	_ =	shalt  }
0x83: {  	_ =	shalt  }
0x84: {  	_ =	shalt  }
0x85: {  	_ =	shalt  }
0x86: {  	_ =	shalt  }
0x87: {  	_ =	shalt  }
.Lfunc_end0:
.L_simem_size_0:
called_computation.2_lowered:
.L_overlay_start_0:
0x88: {  	s2 =	sld [smem:$0x3FD9]  }
0x89: {  	s3 =	sld [smem:$0x3FFE];
	_ =	sdelay $0x1  }
0x8a: {  	s1 =	srdreg.scid  }
0x8b: {  	s0 =	sand.u32 $0x1, s1  }
0x8c: {  	s16 =	sshll.u32 s0, $0xA;
	s2 =	sadd.s32 s3, s2  }
0x8d: {  	s2 =	sadd.s32 s2, s16  }
0x8e: {  	[smem:$0x3FA3] =	sst s2  }
0x8f: {  	_ = 	snop  }
0x90: {  	(tm) =	ssettm $0x1  }
0x91: {  	s17 =	sld [smem:$0x3FFB];
	_ =	sdelay $0x3  }
0x92: {  	_ =	strace s17  }
0x93: {  	s2 =	sld [smem:$0x3FFC];
	_ =	sdelay $0x3  }
0x94: {  	_ =	strace s2  }
0x95: {  	s2 =	sld [smem:$0x3FFD];
	_ =	sdelay $0x3  }
0x96: {  	_ =	strace s2  }
0x97: {  	_ =	strace $0x8FFFFFFF  }
0x98: {  	s18 =	sld [smem:$0x3FDB];
	_ =	sdelay $0x1  }
0x99: {  	s19 =	simm.s32 $_scs_section_size  }
0x9a: {  	s4 =	simm.s32 $_size__tile_overlayer_lowered;
	s5 =	simm.s32 $_tile_overlayer_lowered  }
0x9b: {  	s22 =	simm.s32 $0x1BFF;
	s21 =	sshll.u32 s5, $0x1;
	s2 =	sadd.s32 s19, s18  }
0x9c: {  	s6 =	simm.s32 $0x0;
	s20 =	sshll.u32 s4, $0x1;
	s4 =	sadd.s32 s21, s2  }
0x9d: {  	[timem:s6], [sflag:s22] =	dma.local [hbm:s4], s20  }
0x9e: {  	_ =	swait.ge [sflag:s22], s20  }
0x9f: {  	s3 =	ssub.s32 $0x0, s20;
	[sflag:s22] =	ssyncset.done $0x0  }
0xa0: {  	[sflag:s22] =	ssyncadd.s32 s3;
	_ =	sdelay $0x1  }
0xa1: {  	s23 =	simm.s32 $0x1B8B  }
0xa2: {  	_ =	swait.ge [sflag:s23], $0x1  }
0xa3: {  	[sflag:s23] =	ssyncset.done $0x0  }
0xa4: {  	s25 =	simm.s32 $0x1B8E;
	s24 =	sld [smem:$0x3FFE];
	[sflag:s23] =	ssyncadd.s32 $0xFFFFFFFF  }
0xa5: {  	s26 =	simm.s32 $execute0_lowered;
	[smem:$0x3FD2] =	sst s25  }
0xa6: {  	s4 =	sshll.u32 s26, $0x1;
	_ =	strace $0x8000004C;
	[dreg:$0x1] =	wrdreg $0xFFFFFFFF  }
0xa7: {  	s28 =	simm.s32 $_size_execute0_lowered;
	s2 =	sadd.s32 s2, s4;
	[dreg:$0x0] =	wrdreg $0x0  }
0xa8: {  	s4 =	sshll.u32 s28, $0x1;
	[dreg:$0x2] =	wrdreg s2  }
0xa9: {  	[dreg:$0x3] =	wrdreg s4  }
0xaa: {  	[dreg:$0x4] =	wrdreg $0xC0  }
0xab: {  	_ =	task [dreg:s6], $0x5FFFF  }
0xac: {  	[dreg:$0x1] =	wrdreg $0xFFFFFFFF  }
0xad: {  	[dreg:$0x0] =	wrdreg $0x60  }
0xae: {  	[dreg:$0x2] =	wrdreg s24  }
0xaf: {  	[dreg:$0x3] =	wrdreg $0x9  }
0xb0: {  	_ =	task.clear_ibuf [dreg:s6], $0x4FFFF;
	_ =	strace $0x9000004C  }
0xb1: {  	s29 =	simm.s32 $0x9;
	_ =	strace $0x8000004E  }
0xb2: {  	_ =	swait.ge [sflag:s29], $0x1  }
0xb3: {  	[sflag:s29] =	ssyncadd.s32 $0xFFFFFFFF  }
0xb4: {  	_ =	strace $0x9000004E  }
0xb5: {  	_ =	sfence  }
0xb6: {  	s30 =	sld [smem:$0x0];
	_ =	sdelay $0x2  }
0xb7: {  	s31 =	sshll.u32 s1, $0xD;
	s1 =	sshrl.u32 s1, $0x2  }
0xb8: {  	s3 =	sand.u32 $0x4000, s31;
	s1 =	sadd.s32 s1, s30  }
0xb9: {  	s0 =	sor.u32 s3, s0;
	s1 =	sshll.u32 s1, $0x11  }
0xba: {  	s0 =	sor.u32 s1, s0  }
0xbb: {  	s0 =	sadd.s32 $0x8F2B, s0  }
0xbc: {  	[sflag:s0] =	ssyncadd.remote.s32 $0x1  }
0xbd: {  	_ =	sfence.sel $0xFFFF  }
0xbe: {  	[dreg:$0x0] =	wrdreg $0xFFFFFFFF;
	(pc) =	sbr.abs _section_cstart, $3  }
0xbf: {  	[dreg:$0x1] =	wrdreg $0xFFFFFFFF  }
0xc0: {  	_ =	task.clear_ibuf [dreg:s6], $0x2FFFF;
	_ =	strace $0x9FFFFFFF  }
0xc1: {  	(tm) =	ssettm $0x7FFFFFFF  }
tec
execute0_lowered:
.L_overlay_start_1:
0x0: {  	(tag) =	ssettag $0x1  }
0x1: {  	s1 =	srdreg.scid  }
0x2: {  	s0 =	stileid.u32;
	s4 =	rddreg [dreg:$0x0]  }
0x3: {  	s2 =	simm.s32 $0x0;
	s9 =	simm.s32 $0x80;
	s10 =	simm.s32 $0x2800  }
0x4: {  	s11 =	simm.s32 $0x4800;
	s12 =	simm.s32 $0x1;
	s13 =	simm.s32 $0x6800  }
0x5: {  	s14 =	simm.s32 $0x8800;
	s15 =	simm.s32 $0xA800;
	s16 =	simm.s32 $0x2  }
0x6: {  	s17 =	simm.s32 $0xE800;
	s18 =	simm.s32 $0x3;
	s19 =	simm.s32 $0x4  }
0x7: {  	s3 =	sand.u32 $0x1, s1;
	s5 =	sshll.u32 s0, $0x1;
	s1 =	rddreg [dreg:$0x1]  }
0x8: {  	s20 =	simm.s32 $0x0;
	[smem:$0x7FF] =	sst s2;
	s6 =	sor.u32 s3, s5  }
0x9: {  	_ =	strace $0x8000004D;
	s7 =	ssub.s32 $0x2, s3;
	s5 =	smul.u32 $0x500, s6  }
0xa: {  	s3 =	sadd.s32 $0x314E00, s4;
	s8 =	sshrl.u32 s7, $0x1;
	s6 =	smul.u32 $0xA0000, s6  }
0xb: {  	s7 =	ssub.s32 s7, s8;
	s8 =	simm.s32 $0x5;
	s5 =	sadd.s32 s5, s4  }
0xc: {  	s4 =	sadd.s32 $0x57A00, s4;
	s7 =	smax.u32 s7, $0x1;
	s5 =	sadd.s32 $0x4DA00, s5  }
.LBB2_1:
0xd: {  	[tilespmem:s2], [sflag:$0x5] =	stream.linear.gather [hbm4b:s5+s2], $0x2800, $0x38;
	[tilespmem:$0x12800] =	vst v63  }
0xe: {  	_ =	swait.ge [sflag:s8], $0x2800  }
0xf: {  	[sflag:s8] =	ssyncset.done $0x0  }
0x10: {  	[sflag:s8] =	ssyncadd.s32 $0xFFFFD800  }
0x11: {  	[tilespmem:s10], [sflag:$0x1] =	stream.indirect.gather [hbm4b:s3+s9], $0x40, s2, s9, $0xb8;
	[tilespmem:$0x12800] =	vst v63  }
0x12: {  	s21 =	simm.s32 $0x0  }
0x13: {  	[tilespmem:s11], [sflag:$0x1] =	stream.indirect.gather [hbm4b:s3+s9], $0x40, s9, s9, $0xb8;
	[tilespmem:$0x12800] =	vst v63  }
.LBB2_2:
0x14: {  	_ =	swait.ge [sflag:s12], $0x4000;
	s22 =	sshllo.u32 s21, $0x1  }
0x15: {  	[sflag:s12] =	ssyncset.done $0x0;
	s23 =	sshll.u32 s22, $0x8  }
0x16: {  	[sflag:s12] =	ssyncadd.s32 $0xFFFFC000;
	s23 =	sand.u32 $0x3FFFFF00, s23  }
0x17: {  	[tilespmem:s13], [sflag:$0x2] =	stream.indirect.gather [hbm4b:s3+s9], $0x40, s23, s9, $0xb8;
	[tilespmem:$0x12800] =	vst v63  }
0x18: {  	p0 =	seq.s32 s21, $0x0;
	s23 =	sor.u32 $0x80, s23  }
0x19: {  	[tilespmem:s14], [sflag:$0x2] =	stream.indirect.gather [hbm4b:s3+s9], $0x40, s23, s9, $0xb8;
	[tilespmem:$0x12800] =	vst v63  }
0x1a: {  	s23 =	simm.s32 @!p0 $0x3  }
0x1b: {  	_ =	swait.ge @!p0 [sflag:s23], $0x4000  }
0x1c: {  	[sflag:s23] =	ssyncset.done @!p0 $0x0  }
0x1d: {  	[sflag:s23] =	ssyncadd.s32 @!p0 $0xFFFFC000;
	s23 =	simm.s32 $0x0  }
0x1e: {  	v3 =	vld [tilespmem:s23+$0x2870]  }
0x1f: {  	v4 =	vld [tilespmem:s23+$0x2800]  }
0x20: {  	v5 =	vld [tilespmem:s23+$0x2810]  }
0x21: {  	v2 =	vld [tilespmem:s23+$0x2820]  }
0x22: {  	v0 =	vld [tilespmem:s23+$0x2830]  }
0x23: {  	v1 =	vld [tilespmem:s23+$0x2840];
	[tilespmem:s23+$0xA870] =	vst v3  }
0x24: {  	[tilespmem:s23+$0xA800] =	vst v4;
	v3 =	vld [tilespmem:s23+$0x2850]  }
0x25: {  	s24 =	simm.s32 $0x80;
	s25 =	simm.s32 $0x400;
	[tilespmem:s23+$0xA810] =	vst v5;
	v4 =	vld [tilespmem:s23+$0x2860]  }
.LBB2_3:
0x26: {  	p0 =	sne.s32 s25, $0xFE00;
	v5 =	vld [tilespmem:s24+$0x2870];
	[tilespmem:s23+$0xA820] =	vst v2  }
0x27: {  	v6 =	vld [tilespmem:s24+$0x2800];
	[tilespmem:s23+$0xA830] =	vst v0  }
0x28: {  	v7 =	vld [tilespmem:s24+$0x2810];
	[tilespmem:s23+$0xA840] =	vst v1  }
.Ltmp0:
0x29: {  	v2 =	vld [tilespmem:s24+$0x2820];
	[tilespmem:s23+$0xA850] =	vst v3;
	(pc) =	sbr.rel @p0 .LBB2_3-.Ltmp0, $4  }
0x2a: {  	v0 =	vld [tilespmem:s24+$0x2830];
	[tilespmem:s23+$0xA860] =	vst v4;
	s23 =	smov.u32 s24  }
0x2b: {  	v1 =	vld [tilespmem:s23+$0x2840];
	[tilespmem:s23+$0xA870] =	vst v5  }
0x2c: {  	[tilespmem:s23+$0xA800] =	vst v6;
	v3 =	vld [tilespmem:s23+$0x2850]  }
0x2d: {  	s24 =	sshra.s32 s25, $0x2;
	s25 =	sadd.s32 $0x200, s25;
	[tilespmem:s23+$0xA810] =	vst v7;
	v4 =	vld [tilespmem:s23+$0x2860]  }
0x2e: {  	v5 =	vld [tilespmem:s24+$0x2870];
	[tilespmem:s23+$0xA820] =	vst v2  }
0x2f: {  	v2 =	vld [tilespmem:s24+$0x2800];
	[tilespmem:s23+$0xA830] =	vst v0  }
0x30: {  	v0 =	vld [tilespmem:s24+$0x2810];
	[tilespmem:s23+$0xA840] =	vst v1  }
0x31: {  	v1 =	vld [tilespmem:s24+$0x2820];
	[tilespmem:s23+$0xA850] =	vst v3  }
0x32: {  	v3 =	vld [tilespmem:s24+$0x2830];
	[tilespmem:s23+$0xA860] =	vst v4  }
0x33: {  	v4 =	vld [tilespmem:s24+$0x2840];
	[tilespmem:s24+$0xA870] =	vst v5  }
0x34: {  	[tilespmem:s24+$0xA800] =	vst v2;
	v2 =	vld [tilespmem:s24+$0x2850]  }
0x35: {  	[tilespmem:s24+$0xA810] =	vst v0;
	v0 =	vld [tilespmem:s24+$0x2860]  }
0x36: {  	[tilespmem:s24+$0xA820] =	vst v1  }
0x37: {  	s31 =	sshll.u32 s21, $0xF;
	[tilespmem:s24+$0xA830] =	vst v3  }
0x38: {  	s23 =	sadd.s32 s6, s31;
	[tilespmem:s24+$0xA840] =	vst v4  }
0x39: {  	s23 =	sshrl.u32 s23, $0x3;
	[tilespmem:s24+$0xA850] =	vst v2  }
0x3a: {  	p0 =	seq.s32 s21, $0x13;
	s23 =	sadd.s32 s4, s23;
	[tilespmem:s24+$0xA860] =	vst v0  }
0x3b: {  	[hbm4b:s23+s2] =	stream.linear.scatter [tilespmem:s15], [sflag:$0x3], $0x4000, $0x38;
	[tilespmem:$0x12800] =	vst v63  }
0x3c: {  	s23 =	sshll.u32 @!p0 s21, $0x9;
	_ =	swait.ge [sflag:s16], $0x4000  }
0x3d: {  	s25 =	simm.s32 @!p0 $0x80;
	s23 =	sand.u32 @!p0 $0x3FFFFE00, s23;
	[sflag:s16] =	ssyncset.done $0x0  }
0x3e: {  	s26 =	simm.s32 @!p0 $0x2800;
	s24 =	sadd.s32 @!p0 $0x200, s23;
	[sflag:s16] =	ssyncadd.s32 $0xFFFFC000  }
0x3f: {  	[tilespmem:s26], [sflag:$0x1] =	stream.indirect.gather @!p0 [hbm4b:s3+s25], $0x40, s24, s25, $0xb8;
	[tilespmem:$0x12800] =	vst v63  }
0x40: {  	p1 =	seq.s32 @!p0 s21, $0x0;
	s23 =	sadd.s32 @!p0 $0x280, s23;
	s24 =	simm.s32 @!p0 $0x4800  }
0x41: {  	[tilespmem:s24], [sflag:$0x1] =	stream.indirect.gather @!p0 [hbm4b:s3+s25], $0x40, s23, s25, $0xb8;
	[tilespmem:$0x12800] =	vst v63  }
0x42: {  	p0 =	por p0, !p1  }
0x43: {  	_ =	swait.ge @p0 [sflag:s19], $0x4000  }
0x44: {  	[sflag:s19] =	ssyncset.done @p0 $0x0  }
0x45: {  	s23 =	simm.s32 $0x0;
	[sflag:s19] =	ssyncadd.s32 @p0 $0xFFFFC000  }
0x46: {  	v3 =	vld [tilespmem:s23+$0x6870]  }
0x47: {  	v4 =	vld [tilespmem:s23+$0x6800]  }
0x48: {  	v5 =	vld [tilespmem:s23+$0x6810]  }
0x49: {  	v2 =	vld [tilespmem:s23+$0x6820]  }
0x4a: {  	v0 =	vld [tilespmem:s23+$0x6830]  }
0x4b: {  	v1 =	vld [tilespmem:s23+$0x6840];
	[tilespmem:s23+$0xE870] =	vst v3  }
0x4c: {  	[tilespmem:s23+$0xE800] =	vst v4;
	v3 =	vld [tilespmem:s23+$0x6850]  }
0x4d: {  	s24 =	simm.s32 $0x80;
	s25 =	simm.s32 $0x400;
	[tilespmem:s23+$0xE810] =	vst v5;
	v4 =	vld [tilespmem:s23+$0x6860]  }
.LBB2_5:
0x4e: {  	p0 =	sne.s32 s25, $0xFE00;
	v5 =	vld [tilespmem:s24+$0x6870];
	[tilespmem:s23+$0xE820] =	vst v2  }
0x4f: {  	v6 =	vld [tilespmem:s24+$0x6800];
	[tilespmem:s23+$0xE830] =	vst v0  }
0x50: {  	v7 =	vld [tilespmem:s24+$0x6810];
	[tilespmem:s23+$0xE840] =	vst v1  }
.Ltmp1:
0x51: {  	v2 =	vld [tilespmem:s24+$0x6820];
	[tilespmem:s23+$0xE850] =	vst v3;
	(pc) =	sbr.rel @p0 .LBB2_5-.Ltmp1, $4  }
0x52: {  	v0 =	vld [tilespmem:s24+$0x6830];
	[tilespmem:s23+$0xE860] =	vst v4;
	s23 =	smov.u32 s24  }
0x53: {  	v1 =	vld [tilespmem:s23+$0x6840];
	[tilespmem:s23+$0xE870] =	vst v5  }
0x54: {  	[tilespmem:s23+$0xE800] =	vst v6;
	v3 =	vld [tilespmem:s23+$0x6850]  }
0x55: {  	s24 =	sshra.s32 s25, $0x2;
	s25 =	sadd.s32 $0x200, s25;
	[tilespmem:s23+$0xE810] =	vst v7;
	v4 =	vld [tilespmem:s23+$0x6860]  }
0x56: {  	v5 =	vld [tilespmem:s24+$0x6870];
	[tilespmem:s23+$0xE820] =	vst v2  }
0x57: {  	v2 =	vld [tilespmem:s24+$0x6800];
	[tilespmem:s23+$0xE830] =	vst v0  }
0x58: {  	v0 =	vld [tilespmem:s24+$0x6810];
	[tilespmem:s23+$0xE840] =	vst v1  }
0x59: {  	v1 =	vld [tilespmem:s24+$0x6820];
	[tilespmem:s23+$0xE850] =	vst v3  }
0x5a: {  	v3 =	vld [tilespmem:s24+$0x6830];
	[tilespmem:s23+$0xE860] =	vst v4  }
0x5b: {  	v4 =	vld [tilespmem:s24+$0x6840];
	[tilespmem:s24+$0xE870] =	vst v5  }
0x5c: {  	v62 =	vld [tilespmem:s24+$0x6850];
	[tilespmem:s24+$0xE800] =	vst v2  }
0x5d: {  	s21 =	sadd.s32 $0x1, s21;
	v63 =	vld [tilespmem:s24+$0x6860];
	[tilespmem:s24+$0xE810] =	vst v0  }
0x5e: {  	p0 =	sne.s32 s21, $0x14;
	[tilespmem:s24+$0xE820] =	vst v1  }
.Ltmp2:
0x5f: {  	s22 =	sshll.u32 s22, $0xE;
	[tilespmem:s24+$0xE830] =	vst v3;
	(pc) =	sbr.rel @p0 .LBB2_2-.Ltmp2, $4  }
0x60: {  	s22 =	sadd.s32 s6, s22;
	[tilespmem:s24+$0xE840] =	vst v4  }
0x61: {  	s22 =	sshrl.u32 s22, $0x3;
	[tilespmem:s24+$0xE850] =	vst v62  }
0x62: {  	s22 =	sadd.s32 s4, s22;
	[tilespmem:s24+$0xE860] =	vst v63  }
0x63: {  	[hbm4b:s22+s2] =	stream.linear.scatter [tilespmem:s17], [sflag:$0x4], $0x4000, $0x38;
	[tilespmem:$0x12800] =	vst v63  }
0x64: {  	s20 =	sadd.s32 $0x1, s20  }
0x65: {  	_ =	swait.ge [sflag:s18], $0x4000;
	p0 =	sne.s32 s20, s7  }
.Ltmp3:
0x66: {  	[sflag:s18] =	ssyncset.done $0x0;
	(pc) =	sbr.rel @p0 .LBB2_1-.Ltmp3, $4  }
0x67: {  	[sflag:s18] =	ssyncadd.s32 $0xFFFFC000  }
0x68: {  	_ =	swait.ge [sflag:s19], $0x4000  }
0x69: {  	[sflag:s19] =	ssyncset.done $0x0  }
0x6a: {  	[sflag:s19] =	ssyncadd.s32 $0xFFFFC000  }
0x6b: {  	_ =	sfence.sel $0x180000  }
0x6c: {  	[bflag:$0x0] =	sbarrier.arrive $0xFFFF  }
0x6d: {  	p0 =	sne.s32 s0, $0x0;
	_ =	strace $0x9000004D  }
0x6e: {  	s0 =	sadd.s32 @!p0 $0x100000, s1;
	[bflag:$0x2] =	sbarrier.arrive $0xFFFF  }
0x6f: {  	[sflag:s0] =	ssyncadd.tile.s32 @!p0 $0x1;
	_ =	shalt  }
.Lfunc_end2:
_tile_overlayer_lowered:
.L_overlay_start_2:
0x70: {  	(tag) =	ssettag $0x2  }
0x71: {  	s0 =	rddreg [dreg:$0x0];
	s2 =	stileid.u32  }
0x72: {  	s1 =	rddreg [dreg:$0x1];
	p0 =	sne.s32 s2, $0x0  }
0x73: {  	s3 =	rddreg [dreg:$0x2];
	[bflag:$0x3] =	sbarrier.arrive $0xFFFF;
	s2 =	simm.s32 @!p0 $0x1C05  }
0x74: {  	[timem:s3], [sflag:s2] =	dma.local @!p0 [hbm:s0], s1  }
0x75: {  	s0 =	simm.s32 @!p0 $0x5  }
0x76: {  	_ =	swait.ge @!p0 [sflag:s0], s1  }
0x77: {  	s1 =	ssub.s32 @!p0 $0x0, s1;
	[sflag:s0] =	ssyncset.done @!p0 $0x0  }
0x78: {  	[sflag:s0] =	ssyncadd.s32 @!p0 s1  }
0x79: {  	[bflag:$0x3] =	sbarrier.arrive $0xFFFF  }
0x7a: {  	_ =	shalt  }

// kernel: kernel.26.cloned.1.call-start
scs
__scs_entry_jumppad:
0x0: {  	(pc) =	sbr.rel $0x88, $3  }
0x1: {  	(tag) =	ssettag $0x0;
	lr =	simm.s32 $0x1  }
0x2: {  	[smem:$0x3F7C] =	sst lr;
	_ =	strace $0xD0000000  }
0x3: {  	_ = 	snop  }
0x4: {  	_ = 	snop  }
0x5: {  	_ = 	snop  }
0x6: {  	_ = 	snop  }
0x7: {  	_ = 	snop  }
__scs_overlays_trampoline_lowered:
0x8: {  	[smem:$0x3F8B] =	sst s0  }
0x9: {  	[smem:$0x3F8C] =	sst s1  }
0xa: {  	[smem:$0x3F8D] =	sst s2  }
0xb: {  	[smem:$0x3F8E] =	sst s3  }
0xc: {  	[smem:$0x3F8F] =	sst s4  }
0xd: {  	[smem:$0x3F90] =	sst s5  }
0xe: {  	[smem:$0x3F91] =	sst s6  }
0xf: {  	[smem:$0x3F92] =	sst s7  }
0x10: {  	[smem:$0x3F93] =	sst s8  }
0x11: {  	[smem:$0x3F94] =	sst s9;
	s0 =	simm.s32 @!p0 $0x0  }
0x12: {  	s1 =	sld [smem:$0x3F7A];
	s0 =	simm.s32 @p0 $0x1  }
0x13: {  	[smem:$0x3F95] =	sst s0;
	s0 =	simm.s32 @!p1 $0x0  }
0x14: {  	s2 =	sld [smem:$0x3F79];
	s0 =	simm.s32 @p1 $0x1  }
0x15: {  	[smem:$0x3F96] =	sst s0;
	s0 =	simm.s32 @!p2 $0x0  }
0x16: {  	s3 =	sld [smem:$0x3FDB];
	s0 =	simm.s32 @p2 $0x1  }
0x17: {  	s4 =	simm.s32 $0x1BF5;
	[smem:$0x3F98] =	sst s0  }
0x18: {  	s0 =	sld [smem:$0x3F7B];
	_ =	swait.ge [sflag:s4], $0x0  }
0x19: {  	s7 =	sld [smem:$0x3F7C]  }
0x1a: {  	s8 =	sadd.s32 $0xFFFFE003, lr  }
0x1b: {  	s9 =	sadd.s32 $0xFFFFFEF7, lr;
	s5 =	simm.s32 $0xFFFFFFFF;
	p2 =	slt.u32 s8, $0xFFFFF086  }
0x1c: {  	p1 =	slt.u32 s9, $0xF7A;
	s5 =	simm.s32 @!p2 $0x0  }
0x1d: {  	s5 =	simm.s32 @p1 $0x1;
	p0 =	seq.s32 s7, s2  }
0x1e: {  	s7 =	smul.u32 @!p0 $0xF7A, s2;
	p2 =	seq.s32 @!p0 s5, $0x0  }
0x1f: {  	s9 =	smul.u32 $0xF7A, s1;
	s8 =	simm.s32 @!p0 $0x1BF5;
	p2 =	por !p2, p0  }
0x20: {  	[sflag:s8] =	ssyncset.s32 @!p0 $0xFFFFF086;
	s6 =	sadd.s32 @!p0 s3, s7;
	s7 =	simm.s32 @!p0 $0x108  }
0x21: {  	s3 =	sadd.s32 s3, s9;
	s6 =	sadd.s32 @!p0 $0x88, s6;
	s7 =	simm.s32 @p2 $0x1082  }
0x22: {  	[simem:s7], [sflag:s8] =	dma.local @!p0 [hbm:s6], $0xF7A  }
0x23: {  	s9 =	sor.u32 $0xD0000000, s2;
	s6 =	simm.s32 $0x108;
	_ =	swait.ge @!p0 [sflag:s8], $0x0  }
0x24: {  	s3 =	sadd.s32 $0x88, s3;
	s6 =	simm.s32 @!p1 $0x1082;
	[sflag:s4] =	ssyncset.s32 $0xFFFFF086  }
0x25: {  	[simem:s6], [sflag:s4] =	dma.local [hbm:s3], $0xF7A  }
0x26: {  	[smem:$0x3F7C] =	sst s1;
	(tag) =	ssettag s2;
	_ =	strace s9  }
0x27: {  	s1 =	sld [smem:$0x3F8C]  }
0x28: {  	s2 =	sld [smem:$0x3F8D]  }
0x29: {  	s4 =	sld [smem:$0x3F8F]  }
0x2a: {  	p0 =	seq.s32 s5, $0x0;
	s5 =	sld [smem:$0x3F90]  }
0x2b: {  	s6 =	sld [smem:$0x3F91]  }
0x2c: {  	s7 =	sld [smem:$0x3F92]  }
0x2d: {  	s3 =	simm.s32 $0x108;
	s8 =	sld [smem:$0x3F93]  }
0x2e: {  	s3 =	simm.s32 @!p0 $0x1082;
	s9 =	sld [smem:$0x3F94]  }
0x2f: {  	lr =	sadd.s32 s0, s3;
	s0 =	sld [smem:$0x3F8B]  }
0x30: {  	s3 =	sld [smem:$0x3F8E]  }
0x31: {  	[smem:$0x3F97] =	sst s10  }
0x32: {  	s10 =	sld [smem:$0x3F95];
	_ =	sdelay $0x3  }
0x33: {  	p0 =	seq.s32 s10, $0x1;
	s10 =	sld [smem:$0x3F97];
	_ =	sdelay $0x3  }
0x34: {  	[smem:$0x3F97] =	sst s10  }
0x35: {  	s10 =	sld [smem:$0x3F96];
	_ =	sdelay $0x3  }
0x36: {  	p1 =	seq.s32 s10, $0x1;
	s10 =	sld [smem:$0x3F97];
	_ =	sdelay $0x3  }
0x37: {  	[smem:$0x3F97] =	sst s10  }
0x38: {  	s10 =	sld [smem:$0x3F98]  }
0x39: {  	_ = 	snop;
	(pc) =	sbr.ind lr, $3  }
0x3a: {  	_ = 	snop  }
0x3b: {  	_ = 	snop  }
0x3c: {  	p2 =	seq.s32 s10, $0x1;
	s10 =	sld [smem:$0x3F97]  }
0x3d: {  	_ =	shalt  }
0x3e: {  	_ =	shalt  }
0x3f: {  	_ =	shalt  }
0x40: {  	_ =	shalt  }
0x41: {  	_ =	shalt  }
0x42: {  	_ =	shalt  }
0x43: {  	_ =	shalt  }
0x44: {  	_ =	shalt  }
0x45: {  	_ =	shalt  }
0x46: {  	_ =	shalt  }
0x47: {  	_ =	shalt  }
0x48: {  	_ =	shalt  }
0x49: {  	_ =	shalt  }
0x4a: {  	_ =	shalt  }
0x4b: {  	_ =	shalt  }
0x4c: {  	_ =	shalt  }
0x4d: {  	_ =	shalt  }
0x4e: {  	_ =	shalt  }
0x4f: {  	_ =	shalt  }
0x50: {  	_ =	shalt  }
0x51: {  	_ =	shalt  }
0x52: {  	_ =	shalt  }
0x53: {  	_ =	shalt  }
0x54: {  	_ =	shalt  }
0x55: {  	_ =	shalt  }
0x56: {  	_ =	shalt  }
0x57: {  	_ =	shalt  }
0x58: {  	_ =	shalt  }
0x59: {  	_ =	shalt  }
0x5a: {  	_ =	shalt  }
0x5b: {  	_ =	shalt  }
0x5c: {  	_ =	shalt  }
0x5d: {  	_ =	shalt  }
0x5e: {  	_ =	shalt  }
0x5f: {  	_ =	shalt  }
0x60: {  	_ =	shalt  }
0x61: {  	_ =	shalt  }
0x62: {  	_ =	shalt  }
0x63: {  	_ =	shalt  }
0x64: {  	_ =	shalt  }
0x65: {  	_ =	shalt  }
0x66: {  	_ =	shalt  }
0x67: {  	_ =	shalt  }
0x68: {  	_ =	shalt  }
0x69: {  	_ =	shalt  }
0x6a: {  	_ =	shalt  }
0x6b: {  	_ =	shalt  }
0x6c: {  	_ =	shalt  }
0x6d: {  	_ =	shalt  }
0x6e: {  	_ =	shalt  }
0x6f: {  	_ =	shalt  }
0x70: {  	_ =	shalt  }
0x71: {  	_ =	shalt  }
0x72: {  	_ =	shalt  }
0x73: {  	_ =	shalt  }
0x74: {  	_ =	shalt  }
0x75: {  	_ =	shalt  }
0x76: {  	_ =	shalt  }
0x77: {  	_ =	shalt  }
0x78: {  	_ =	shalt  }
0x79: {  	_ =	shalt  }
0x7a: {  	_ =	shalt  }
0x7b: {  	_ =	shalt  }
0x7c: {  	_ =	shalt  }
0x7d: {  	_ =	shalt  }
0x7e: {  	_ =	shalt  }
0x7f: {  	_ =	shalt  }
0x80: {  	_ =	shalt  }
0x81: {  	_ =	shalt  }
0x82: {  	_ =	shalt  }
0x83: {  	_ =	shalt  }
0x84: {  	_ =	shalt  }
0x85: {  	_ =	shalt  }
0x86: {  	_ =	shalt  }
0x87: {  	_ =	shalt  }
.Lfunc_end0:
.L_simem_size_0:
called_computation.3_lowered:
.L_overlay_start_0:
0x88: {  	s2 =	sld [smem:$0x3FD9]  }
0x89: {  	s3 =	sld [smem:$0x3FFE];
	_ =	sdelay $0x1  }
0x8a: {  	s1 =	srdreg.scid  }
0x8b: {  	s0 =	sand.u32 $0x1, s1  }
0x8c: {  	s16 =	sshll.u32 s0, $0xA;
	s2 =	sadd.s32 s3, s2  }
0x8d: {  	s2 =	sadd.s32 s2, s16  }
0x8e: {  	[smem:$0x3FA3] =	sst s2  }
0x8f: {  	_ = 	snop  }
0x90: {  	(tm) =	ssettm $0x1  }
0x91: {  	s17 =	sld [smem:$0x3FFB];
	_ =	sdelay $0x3  }
0x92: {  	_ =	strace s17  }
0x93: {  	s2 =	sld [smem:$0x3FFC];
	_ =	sdelay $0x3  }
0x94: {  	_ =	strace s2  }
0x95: {  	s2 =	sld [smem:$0x3FFD];
	_ =	sdelay $0x3  }
0x96: {  	_ =	strace s2  }
0x97: {  	_ =	strace $0x8FFFFFFF  }
0x98: {  	s18 =	sld [smem:$0x3FDB];
	_ =	sdelay $0x1  }
0x99: {  	s19 =	simm.s32 $_scs_section_size  }
0x9a: {  	s4 =	simm.s32 $_size__tile_overlayer_lowered;
	s5 =	simm.s32 $_tile_overlayer_lowered  }
0x9b: {  	s22 =	simm.s32 $0x1BFF;
	s21 =	sshll.u32 s5, $0x1;
	s2 =	sadd.s32 s19, s18  }
0x9c: {  	s6 =	simm.s32 $0x0;
	s20 =	sshll.u32 s4, $0x1;
	s4 =	sadd.s32 s21, s2  }
0x9d: {  	[timem:s6], [sflag:s22] =	dma.local [hbm:s4], s20  }
0x9e: {  	_ =	swait.ge [sflag:s22], s20  }
0x9f: {  	s3 =	ssub.s32 $0x0, s20;
	[sflag:s22] =	ssyncset.done $0x0  }
0xa0: {  	[sflag:s22] =	ssyncadd.s32 s3;
	_ =	sdelay $0x1  }
0xa1: {  	s23 =	simm.s32 $0x1B8B  }
0xa2: {  	_ =	swait.ge [sflag:s23], $0x1  }
0xa3: {  	[sflag:s23] =	ssyncset.done $0x0  }
0xa4: {  	s25 =	simm.s32 $0x1B8E;
	s24 =	sld [smem:$0x3FFE];
	[sflag:s23] =	ssyncadd.s32 $0xFFFFFFFF  }
0xa5: {  	s26 =	simm.s32 $execute0_lowered;
	[smem:$0x3FD2] =	sst s25  }
0xa6: {  	s4 =	sshll.u32 s26, $0x1;
	_ =	strace $0x8000004F;
	[dreg:$0x1] =	wrdreg $0xFFFFFFFF  }
0xa7: {  	s28 =	simm.s32 $_size_execute0_lowered;
	s2 =	sadd.s32 s2, s4;
	[dreg:$0x0] =	wrdreg $0x0  }
0xa8: {  	s4 =	sshll.u32 s28, $0x1;
	[dreg:$0x2] =	wrdreg s2  }
0xa9: {  	[dreg:$0x3] =	wrdreg s4  }
0xaa: {  	[dreg:$0x4] =	wrdreg $0xC0  }
0xab: {  	_ =	task [dreg:s6], $0x5FFFF  }
0xac: {  	[dreg:$0x1] =	wrdreg $0xFFFFFFFF  }
0xad: {  	[dreg:$0x0] =	wrdreg $0x60  }
0xae: {  	[dreg:$0x2] =	wrdreg s24  }
0xaf: {  	[dreg:$0x3] =	wrdreg $0xD4000  }
0xb0: {  	[dreg:$0x4] =	wrdreg $0x9  }
0xb1: {  	_ =	task.clear_ibuf [dreg:s6], $0x5FFFF;
	_ =	strace $0x9000004F  }
0xb2: {  	s29 =	simm.s32 $0x9;
	_ =	strace $0x80000051  }
0xb3: {  	_ =	swait.ge [sflag:s29], $0x1  }
0xb4: {  	[sflag:s29] =	ssyncadd.s32 $0xFFFFFFFF  }
0xb5: {  	_ =	strace $0x90000051  }
0xb6: {  	_ =	sfence  }
0xb7: {  	s30 =	sld [smem:$0x0];
	_ =	sdelay $0x2  }
0xb8: {  	s31 =	sshll.u32 s1, $0xD;
	s1 =	sshrl.u32 s1, $0x2  }
0xb9: {  	s3 =	sand.u32 $0x4000, s31;
	s1 =	sadd.s32 s1, s30  }
0xba: {  	s0 =	sor.u32 s3, s0;
	s1 =	sshll.u32 s1, $0x11  }
0xbb: {  	s0 =	sor.u32 s1, s0  }
0xbc: {  	s0 =	sadd.s32 $0x8F2B, s0  }
0xbd: {  	[sflag:s0] =	ssyncadd.remote.s32 $0x1  }
0xbe: {  	_ =	sfence.sel $0xFFFF  }
0xbf: {  	[dreg:$0x0] =	wrdreg $0xFFFFFFFF;
	(pc) =	sbr.abs _section_cstart, $3  }
0xc0: {  	[dreg:$0x1] =	wrdreg $0xFFFFFFFF  }
0xc1: {  	_ =	task.clear_ibuf [dreg:s6], $0x2FFFF;
	_ =	strace $0x9FFFFFFF  }
0xc2: {  	(tm) =	ssettm $0x7FFFFFFF  }
0xc3: {  	_ =	shalt  }
tec
execute0_lowered:
.L_overlay_start_1:
0x0: {  	(tag) =	ssettag $0x1  }
0x1: {  	s1 =	srdreg.scid  }
0x2: {  	s0 =	stileid.u32;
	s6 =	rddreg [dreg:$0x0]  }
0x3: {  	s2 =	rddreg [dreg:$0x1];
	s3 =	simm.s32 $0x0;
	s16 =	simm.s32 $0x1  }
0x4: {  	s17 =	simm.s32 $0x5400;
	s18 =	simm.s32 $0x80;
	s19 =	simm.s32 $0x9400  }
0x5: {  	s20 =	simm.s32 $0xB400;
	s21 =	simm.s32 $0x2;
	s22 =	simm.s32 $0x0  }
0x6: {  	s5 =	sand.u32 $0x1, s1;
	s29 =	sshll.u32 s0, $0x1;
	s1 =	rddreg [dreg:$0x2]  }
0x7: {  	s9 =	smul.u32 $0x9C80, s0;
	[smem:$0x7FF] =	sst s3;
	s4 =	sadd.s32 $0x314E00, s6  }
0x8: {  	s14 =	sshll.u32 s0, $0x6;
	s7 =	sor.u32 s5, s29;
	s10 =	smul.u32 $0x9C800, s5  }
0x9: {  	_ =	strace $0x80000050;
	s5 =	ssub.s32 $0x2, s5;
	s8 =	smul.u32 $0x280, s7  }
0xa: {  	s11 =	sshrl.u32 s9, $0x3;
	s30 =	sshrl.u32 s5, $0x1;
	s31 =	smul.u32 $0xA000, s7  }
0xb: {  	s15 =	sadd.s32 s9, s2;
	s10 =	sadd.s32 s9, s10;
	s11 =	sadd.s32 s11, s6  }
0xc: {  	s13 =	ssub.s32 s5, s30;
	s5 =	smul.u32 $0x50000, s7;
	s7 =	sor.u32 $0x1C03, s14  }
0xd: {  	s14 =	simm.s32 $0x3;
	s8 =	sadd.s32 s8, s6;
	s10 =	sshrl.u32 s10, $0x3  }
0xe: {  	s9 =	sadd.s32 s4, s31;
	s12 =	sadd.s32 s10, s6;
	s6 =	sadd.s32 $0x2DA200, s11  }
0xf: {  	s8 =	sadd.s32 $0xDE00, s8;
	s10 =	sor.u32 $0x8000, s5;
	s11 =	sadd.s32 $0x454E00, s12  }
0x10: {  	s12 =	smax.u32 s13, $0x1;
	s13 =	sshrl.u32 s15, $0x3;
	s15 =	simm.s32 $0x1400  }
.LBB2_1:
0x11: {  	[spmem:s13], [sflag:s7] =	dma.local [hbm:s6], $0x1390  }
0x12: {  	_ =	swait.ge [sflag:s14], $0x1390  }
0x13: {  	[sflag:s14] =	ssyncset.done $0x0  }
0x14: {  	[sflag:s14] =	ssyncadd.s32 $0xFFFFEC70  }
0x15: {  	[tilespmem:s3], [sflag:$0x3] =	stream.linear.gather [hbm4b:s8+s3], $0x1400, $0x38;
	[tilespmem:$0x17080] =	vst v63  }
0x16: {  	_ =	swait.ge [sflag:s14], $0x1400  }
0x17: {  	[sflag:s14] =	ssyncset.done $0x0  }
0x18: {  	[sflag:s14] =	ssyncadd.s32 $0xFFFFEC00  }
0x19: {  	s23 =	simm.s32 $0x0;
	[bflag:$0x0] =	sbarrier.arrive $0xFFFF  }
0x1a: {  	[tilespmem:s15], [sflag:$0x1] =	stream.linear.gather [hbm4b:s9+s3], $0x4000, $0x38;
	[tilespmem:$0x17080] =	vst v63  }
.LBB2_2:
0x1b: {  	s24 =	sshllo.u32 s23, $0x1  }
0x1c: {  	s25 =	sshll.u32 s24, $0xE  }
0x1d: {  	_ =	swait.ge [sflag:s16], $0x4000;
	s25 =	sadd.s32 s5, s25  }
0x1e: {  	[sflag:s16] =	ssyncset.done $0x0;
	s25 =	sshrl.u32 s25, $0x3  }
0x1f: {  	s26 =	simm.s32 $0x0;
	[sflag:s16] =	ssyncadd.s32 $0xFFFFC000;
	s25 =	sadd.s32 s4, s25  }
0x20: {  	[tilespmem:s17], [sflag:$0x2] =	stream.linear.gather [hbm4b:s25+s26], $0x4000, $0x38;
	[tilespmem:$0x17080] =	vst v63  }
0x21: {  	s25 =	simm.s32 $0x0  }
0x22: {  	v3 =	vld [tilespmem:s25+$0x1470]  }
0x23: {  	v4 =	vld [tilespmem:s25+$0x1400]  }
0x24: {  	v5 =	vld [tilespmem:s25+$0x1410]  }
0x25: {  	v2 =	vld [tilespmem:s25+$0x1420]  }
0x26: {  	v0 =	vld [tilespmem:s25+$0x1430]  }
0x27: {  	v1 =	vld [tilespmem:s25+$0x1440];
	[tilespmem:s25+$0x9470] =	vst v3  }
0x28: {  	[tilespmem:s25+$0x9400] =	vst v4;
	v3 =	vld [tilespmem:s25+$0x1450]  }
0x29: {  	s28 =	simm.s32 $0x400;
	s26 =	simm.s32 $0x80;
	[tilespmem:s25+$0x9410] =	vst v5;
	v4 =	vld [tilespmem:s25+$0x1460]  }
.LBB2_3:
0x2a: {  	p0 =	sne.s32 s28, $0xFE00;
	v5 =	vld [tilespmem:s26+$0x1470];
	[tilespmem:s25+$0x9420] =	vst v2  }
0x2b: {  	v6 =	vld [tilespmem:s26+$0x1400];
	[tilespmem:s25+$0x9430] =	vst v0  }
0x2c: {  	v7 =	vld [tilespmem:s26+$0x1410];
	[tilespmem:s25+$0x9440] =	vst v1  }
.Ltmp0:
0x2d: {  	v2 =	vld [tilespmem:s26+$0x1420];
	[tilespmem:s25+$0x9450] =	vst v3;
	(pc) =	sbr.rel @p0 .LBB2_3-.Ltmp0, $4  }
0x2e: {  	v0 =	vld [tilespmem:s26+$0x1430];
	[tilespmem:s25+$0x9460] =	vst v4;
	s25 =	smov.u32 s26  }
0x2f: {  	v1 =	vld [tilespmem:s25+$0x1440];
	[tilespmem:s25+$0x9470] =	vst v5  }
0x30: {  	[tilespmem:s25+$0x9400] =	vst v6;
	v3 =	vld [tilespmem:s25+$0x1450]  }
0x31: {  	s26 =	sshra.s32 s28, $0x2;
	s28 =	sadd.s32 $0x200, s28;
	[tilespmem:s25+$0x9410] =	vst v7;
	v4 =	vld [tilespmem:s25+$0x1460]  }
0x32: {  	v5 =	vld [tilespmem:s26+$0x1470];
	[tilespmem:s25+$0x9420] =	vst v2  }
0x33: {  	v2 =	vld [tilespmem:s26+$0x1400];
	[tilespmem:s25+$0x9430] =	vst v0  }
0x34: {  	v0 =	vld [tilespmem:s26+$0x1410];
	[tilespmem:s25+$0x9440] =	vst v1  }
0x35: {  	v1 =	vld [tilespmem:s26+$0x1420];
	[tilespmem:s25+$0x9450] =	vst v3  }
0x36: {  	v3 =	vld [tilespmem:s26+$0x1430];
	[tilespmem:s25+$0x9460] =	vst v4  }
0x37: {  	v4 =	vld [tilespmem:s26+$0x1440];
	[tilespmem:s26+$0x9470] =	vst v5  }
0x38: {  	[tilespmem:s26+$0x9400] =	vst v2;
	v2 =	vld [tilespmem:s26+$0x1450]  }
0x39: {  	[tilespmem:s26+$0x9410] =	vst v0;
	v0 =	vld [tilespmem:s26+$0x1460]  }
0x3a: {  	[tilespmem:s26+$0x9420] =	vst v1  }
0x3b: {  	[tilespmem:s26+$0x9430] =	vst v3  }
0x3c: {  	[tilespmem:s26+$0x9440] =	vst v4  }
0x3d: {  	s31 =	sshll.u32 s23, $0x9;
	[tilespmem:s26+$0x9450] =	vst v2  }
0x3e: {  	s25 =	sand.u32 $0x3FFFFE00, s31;
	[tilespmem:s26+$0x9460] =	vst v0  }
0x3f: {  	[spmem:s2] =	stream.indirect.scatter.add.f32 [tilespmem:s19], [sflag:$0x3], $0x40, s25, s18, $0xb8;
	[tilespmem:$0x17080] =	vst v63  }
0x40: {  	_ =	swait.ge [sflag:s14], $0x2000  }
0x41: {  	[sflag:s14] =	ssyncset.done $0x0  }
0x42: {  	s25 =	sor.u32 $0x80, s25;
	[sflag:s14] =	ssyncadd.s32 $0xFFFFE000  }
0x43: {  	[spmem:s2] =	stream.indirect.scatter.add.f32 [tilespmem:s20], [sflag:$0x3], $0x40, s25, s18, $0xb8;
	[tilespmem:$0x17080] =	vst v63  }
0x44: {  	_ =	swait.ge [sflag:s14], $0x2000  }
0x45: {  	p0 =	seq.s32 s23, $0x9;
	[sflag:s14] =	ssyncset.done $0x0  }
0x46: {  	s25 =	sshll.u32 @!p0 s23, $0xF;
	[sflag:s14] =	ssyncadd.s32 $0xFFFFE000  }
0x47: {  	s25 =	sadd.s32 @!p0 s25, s10;
	_ =	swait.ge [sflag:s21], $0x4000  }
0x48: {  	s28 =	simm.s32 @!p0 $0x1400;
	s25 =	sshrl.u32 @!p0 s25, $0x3;
	[sflag:s21] =	ssyncset.done $0x0  }
0x49: {  	s26 =	simm.s32 @!p0 $0x0;
	s25 =	sadd.s32 @!p0 s4, s25;
	[sflag:s21] =	ssyncadd.s32 $0xFFFFC000  }
0x4a: {  	[tilespmem:s28], [sflag:$0x1] =	stream.linear.gather @!p0 [hbm4b:s25+s26], $0x4000, $0x38;
	[tilespmem:$0x17080] =	vst v63  }
0x4b: {  	s25 =	simm.s32 $0x0  }
0x4c: {  	v3 =	vld [tilespmem:s25+$0x5470]  }
0x4d: {  	v4 =	vld [tilespmem:s25+$0x5400]  }
0x4e: {  	v5 =	vld [tilespmem:s25+$0x5410]  }
0x4f: {  	v2 =	vld [tilespmem:s25+$0x5420]  }
0x50: {  	v0 =	vld [tilespmem:s25+$0x5430]  }
0x51: {  	v1 =	vld [tilespmem:s25+$0x5440];
	[tilespmem:s25+$0x9470] =	vst v3  }
0x52: {  	[tilespmem:s25+$0x9400] =	vst v4;
	v3 =	vld [tilespmem:s25+$0x5450]  }
0x53: {  	s26 =	simm.s32 $0x80;
	s28 =	simm.s32 $0x400;
	[tilespmem:s25+$0x9410] =	vst v5;
	v4 =	vld [tilespmem:s25+$0x5460]  }
.LBB2_5:
0x54: {  	p0 =	sne.s32 s28, $0xFE00;
	v5 =	vld [tilespmem:s26+$0x5470];
	[tilespmem:s25+$0x9420] =	vst v2  }
0x55: {  	v6 =	vld [tilespmem:s26+$0x5400];
	[tilespmem:s25+$0x9430] =	vst v0  }
0x56: {  	v7 =	vld [tilespmem:s26+$0x5410];
	[tilespmem:s25+$0x9440] =	vst v1  }
.Ltmp1:
0x57: {  	v2 =	vld [tilespmem:s26+$0x5420];
	[tilespmem:s25+$0x9450] =	vst v3;
	(pc) =	sbr.rel @p0 .LBB2_5-.Ltmp1, $4  }
0x58: {  	v0 =	vld [tilespmem:s26+$0x5430];
	[tilespmem:s25+$0x9460] =	vst v4;
	s25 =	smov.u32 s26  }
0x59: {  	v1 =	vld [tilespmem:s25+$0x5440];
	[tilespmem:s25+$0x9470] =	vst v5  }
0x5a: {  	[tilespmem:s25+$0x9400] =	vst v6;
	v3 =	vld [tilespmem:s25+$0x5450]  }
0x5b: {  	s26 =	sshra.s32 s28, $0x2;
	s28 =	sadd.s32 $0x200, s28;
	[tilespmem:s25+$0x9410] =	vst v7;
	v4 =	vld [tilespmem:s25+$0x5460]  }
0x5c: {  	v5 =	vld [tilespmem:s26+$0x5470];
	[tilespmem:s25+$0x9420] =	vst v2  }
0x5d: {  	v2 =	vld [tilespmem:s26+$0x5400];
	[tilespmem:s25+$0x9430] =	vst v0  }
0x5e: {  	v0 =	vld [tilespmem:s26+$0x5410];
	[tilespmem:s25+$0x9440] =	vst v1  }
0x5f: {  	v1 =	vld [tilespmem:s26+$0x5420];
	[tilespmem:s25+$0x9450] =	vst v3  }
0x60: {  	v3 =	vld [tilespmem:s26+$0x5430];
	[tilespmem:s25+$0x9460] =	vst v4  }
0x61: {  	v4 =	vld [tilespmem:s26+$0x5440];
	[tilespmem:s26+$0x9470] =	vst v5  }
0x62: {  	v62 =	vld [tilespmem:s26+$0x5450];
	[tilespmem:s26+$0x9400] =	vst v2  }
0x63: {  	v63 =	vld [tilespmem:s26+$0x5460];
	[tilespmem:s26+$0x9410] =	vst v0  }
0x64: {  	[tilespmem:s26+$0x9420] =	vst v1  }
0x65: {  	[tilespmem:s26+$0x9430] =	vst v3  }
0x66: {  	[tilespmem:s26+$0x9440] =	vst v4  }
0x67: {  	s24 =	sshll.u32 s24, $0x8;
	[tilespmem:s26+$0x9450] =	vst v62  }
0x68: {  	s24 =	sand.u32 $0x3FFFFF00, s24;
	[tilespmem:s26+$0x9460] =	vst v63  }
0x69: {  	[spmem:s2] =	stream.indirect.scatter.add.f32 [tilespmem:s19], [sflag:$0x3], $0x40, s24, s18, $0xb8;
	[tilespmem:$0x17080] =	vst v63  }
0x6a: {  	s23 =	sadd.s32 $0x1, s23;
	_ =	swait.ge [sflag:s14], $0x2000  }
0x6b: {  	p0 =	sne.s32 s23, $0xA;
	[sflag:s14] =	ssyncset.done $0x0  }
.Ltmp2:
0x6c: {  	s24 =	sor.u32 $0x80, s24;
	[sflag:s14] =	ssyncadd.s32 $0xFFFFE000;
	(pc) =	sbr.rel @p0 .LBB2_2-.Ltmp2, $4  }
0x6d: {  	[spmem:s2] =	stream.indirect.scatter.add.f32 [tilespmem:s20], [sflag:$0x3], $0x40, s24, s18, $0xb8;
	[tilespmem:$0x17080] =	vst v63  }
0x6e: {  	_ =	swait.ge [sflag:s14], $0x2000  }
0x6f: {  	[sflag:s14] =	ssyncset.done $0x0  }
0x70: {  	[sflag:s14] =	ssyncadd.s32 $0xFFFFE000  }
0x71: {  	s22 =	sadd.s32 $0x1, s22  }
0x72: {  	p0 =	sne.s32 s22, s12  }
.Ltmp3:
0x73: {  	[bflag:$0x0] =	sbarrier.arrive $0xFFFF;
	(pc) =	sbr.rel @p0 .LBB2_1-.Ltmp3, $4  }
0x74: {  	[hbm:s11], [sflag:s7] =	dma.local [spmem:s13], $0x1390  }
0x75: {  	_ =	swait.ge [sflag:s14], $0x1390  }
0x76: {  	[sflag:s14] =	ssyncset.done $0x0  }
0x77: {  	[sflag:s14] =	ssyncadd.s32 $0xFFFFEC70  }
0x78: {  	_ =	sfence.sel $0x180000  }
0x79: {  	[bflag:$0x0] =	sbarrier.arrive $0xFFFF  }
0x7a: {  	p0 =	sne.s32 s0, $0x0;
	_ =	strace $0x90000050  }
0x7b: {  	s0 =	sadd.s32 @!p0 $0x100000, s1;
	[bflag:$0x2] =	sbarrier.arrive $0xFFFF  }
0x7c: {  	[sflag:s0] =	ssyncadd.tile.s32 @!p0 $0x1;
	_ =	shalt  }
.Lfunc_end2:
_tile_overlayer_lowered:
.L_overlay_start_2:
0x7d: {  	(tag) =	ssettag $0x2  }
0x7e: {  	s0 =	rddreg [dreg:$0x0];
	s2 =	stileid.u32  }
0x7f: {  	s1 =	rddreg [dreg:$0x1];
	p0 =	sne.s32 s2, $0x0  }
0x80: {  	s3 =	rddreg [dreg:$0x2];
	[bflag:$0x3] =	sbarrier.arrive $0xFFFF;
	s2 =	simm.s32 @!p0 $0x1C03  }
0x81: {  	[timem:s3], [sflag:s2] =	dma.local @!p0 [hbm:s0], s1  }
0x82: {  	s0 =	simm.s32 @!p0 $0x3  }
0x83: {  	_ =	swait.ge @!p0 [sflag:s0], s1  }
0x84: {  	s1 =	ssub.s32 @!p0 $0x0, s1;
	[sflag:s0] =	ssyncset.done @!p0 $0x0  }
0x85: {  	[sflag:s0] =	ssyncadd.s32 @!p0 s1  }
0x86: {  	[bflag:$0x3] =	sbarrier.arrive $0xFFFF  }
0x87: {  	_ =	shalt  }

// kernel: kernel.29.cloned.1.call-start
scs
__scs_entry_jumppad:
0x0: {  	(pc) =	sbr.rel $0x88, $3  }
0x1: {  	(tag) =	ssettag $0x0;
	lr =	simm.s32 $0x1  }
0x2: {  	[smem:$0x3F7C] =	sst lr;
	_ =	strace $0xD0000000  }
0x3: {  	_ = 	snop  }
0x4: {  	_ = 	snop  }
0x5: {  	_ = 	snop  }
0x6: {  	_ = 	snop  }
0x7: {  	_ = 	snop  }
__scs_overlays_trampoline_lowered:
0x8: {  	[smem:$0x3F8B] =	sst s0  }
0x9: {  	[smem:$0x3F8C] =	sst s1  }
0xa: {  	[smem:$0x3F8D] =	sst s2  }
0xb: {  	[smem:$0x3F8E] =	sst s3  }
0xc: {  	[smem:$0x3F8F] =	sst s4  }
0xd: {  	[smem:$0x3F90] =	sst s5  }
0xe: {  	[smem:$0x3F91] =	sst s6  }
0xf: {  	[smem:$0x3F92] =	sst s7  }
0x10: {  	[smem:$0x3F93] =	sst s8  }
0x11: {  	[smem:$0x3F94] =	sst s9;
	s0 =	simm.s32 @!p0 $0x0  }
0x12: {  	s1 =	sld [smem:$0x3F7A];
	s0 =	simm.s32 @p0 $0x1  }
0x13: {  	[smem:$0x3F95] =	sst s0;
	s0 =	simm.s32 @!p1 $0x0  }
0x14: {  	s2 =	sld [smem:$0x3F79];
	s0 =	simm.s32 @p1 $0x1  }
0x15: {  	[smem:$0x3F96] =	sst s0;
	s0 =	simm.s32 @!p2 $0x0  }
0x16: {  	s3 =	sld [smem:$0x3FDB];
	s0 =	simm.s32 @p2 $0x1  }
0x17: {  	s4 =	simm.s32 $0x1BF5;
	[smem:$0x3F98] =	sst s0  }
0x18: {  	s0 =	sld [smem:$0x3F7B];
	_ =	swait.ge [sflag:s4], $0x0  }
0x19: {  	s7 =	sld [smem:$0x3F7C]  }
0x1a: {  	s8 =	sadd.s32 $0xFFFFE003, lr  }
0x1b: {  	s9 =	sadd.s32 $0xFFFFFEF7, lr;
	s5 =	simm.s32 $0xFFFFFFFF;
	p2 =	slt.u32 s8, $0xFFFFF086  }
0x1c: {  	p1 =	slt.u32 s9, $0xF7A;
	s5 =	simm.s32 @!p2 $0x0  }
0x1d: {  	s5 =	simm.s32 @p1 $0x1;
	p0 =	seq.s32 s7, s2  }
0x1e: {  	s7 =	smul.u32 @!p0 $0xF7A, s2;
	p2 =	seq.s32 @!p0 s5, $0x0  }
0x1f: {  	s9 =	smul.u32 $0xF7A, s1;
	s8 =	simm.s32 @!p0 $0x1BF5;
	p2 =	por !p2, p0  }
0x20: {  	[sflag:s8] =	ssyncset.s32 @!p0 $0xFFFFF086;
	s6 =	sadd.s32 @!p0 s3, s7;
	s7 =	simm.s32 @!p0 $0x108  }
0x21: {  	s3 =	sadd.s32 s3, s9;
	s6 =	sadd.s32 @!p0 $0x88, s6;
	s7 =	simm.s32 @p2 $0x1082  }
0x22: {  	[simem:s7], [sflag:s8] =	dma.local @!p0 [hbm:s6], $0xF7A  }
0x23: {  	s9 =	sor.u32 $0xD0000000, s2;
	s6 =	simm.s32 $0x108;
	_ =	swait.ge @!p0 [sflag:s8], $0x0  }
0x24: {  	s3 =	sadd.s32 $0x88, s3;
	s6 =	simm.s32 @!p1 $0x1082;
	[sflag:s4] =	ssyncset.s32 $0xFFFFF086  }
0x25: {  	[simem:s6], [sflag:s4] =	dma.local [hbm:s3], $0xF7A  }
0x26: {  	[smem:$0x3F7C] =	sst s1;
	(tag) =	ssettag s2;
	_ =	strace s9  }
0x27: {  	s1 =	sld [smem:$0x3F8C]  }
0x28: {  	s2 =	sld [smem:$0x3F8D]  }
0x29: {  	s4 =	sld [smem:$0x3F8F]  }
0x2a: {  	p0 =	seq.s32 s5, $0x0;
	s5 =	sld [smem:$0x3F90]  }
0x2b: {  	s6 =	sld [smem:$0x3F91]  }
0x2c: {  	s7 =	sld [smem:$0x3F92]  }
0x2d: {  	s3 =	simm.s32 $0x108;
	s8 =	sld [smem:$0x3F93]  }
0x2e: {  	s3 =	simm.s32 @!p0 $0x1082;
	s9 =	sld [smem:$0x3F94]  }
0x2f: {  	lr =	sadd.s32 s0, s3;
	s0 =	sld [smem:$0x3F8B]  }
0x30: {  	s3 =	sld [smem:$0x3F8E]  }
0x31: {  	[smem:$0x3F97] =	sst s10  }
0x32: {  	s10 =	sld [smem:$0x3F95];
	_ =	sdelay $0x3  }
0x33: {  	p0 =	seq.s32 s10, $0x1;
	s10 =	sld [smem:$0x3F97];
	_ =	sdelay $0x3  }
0x34: {  	[smem:$0x3F97] =	sst s10  }
0x35: {  	s10 =	sld [smem:$0x3F96];
	_ =	sdelay $0x3  }
0x36: {  	p1 =	seq.s32 s10, $0x1;
	s10 =	sld [smem:$0x3F97];
	_ =	sdelay $0x3  }
0x37: {  	[smem:$0x3F97] =	sst s10  }
0x38: {  	s10 =	sld [smem:$0x3F98]  }
0x39: {  	_ = 	snop;
	(pc) =	sbr.ind lr, $3  }
0x3a: {  	_ = 	snop  }
0x3b: {  	_ = 	snop  }
0x3c: {  	p2 =	seq.s32 s10, $0x1;
	s10 =	sld [smem:$0x3F97]  }
0x3d: {  	_ =	shalt  }
0x3e: {  	_ =	shalt  }
0x3f: {  	_ =	shalt  }
0x40: {  	_ =	shalt  }
0x41: {  	_ =	shalt  }
0x42: {  	_ =	shalt  }
0x43: {  	_ =	shalt  }
0x44: {  	_ =	shalt  }
0x45: {  	_ =	shalt  }
0x46: {  	_ =	shalt  }
0x47: {  	_ =	shalt  }
0x48: {  	_ =	shalt  }
0x49: {  	_ =	shalt  }
0x4a: {  	_ =	shalt  }
0x4b: {  	_ =	shalt  }
0x4c: {  	_ =	shalt  }
0x4d: {  	_ =	shalt  }
0x4e: {  	_ =	shalt  }
0x4f: {  	_ =	shalt  }
0x50: {  	_ =	shalt  }
0x51: {  	_ =	shalt  }
0x52: {  	_ =	shalt  }
0x53: {  	_ =	shalt  }
0x54: {  	_ =	shalt  }
0x55: {  	_ =	shalt  }
0x56: {  	_ =	shalt  }
0x57: {  	_ =	shalt  }
0x58: {  	_ =	shalt  }
0x59: {  	_ =	shalt  }
0x5a: {  	_ =	shalt  }
0x5b: {  	_ =	shalt  }
0x5c: {  	_ =	shalt  }
0x5d: {  	_ =	shalt  }
0x5e: {  	_ =	shalt  }
0x5f: {  	_ =	shalt  }
0x60: {  	_ =	shalt  }
0x61: {  	_ =	shalt  }
0x62: {  	_ =	shalt  }
0x63: {  	_ =	shalt  }
0x64: {  	_ =	shalt  }
0x65: {  	_ =	shalt  }
0x66: {  	_ =	shalt  }
0x67: {  	_ =	shalt  }
0x68: {  	_ =	shalt  }
0x69: {  	_ =	shalt  }
0x6a: {  	_ =	shalt  }
0x6b: {  	_ =	shalt  }
0x6c: {  	_ =	shalt  }
0x6d: {  	_ =	shalt  }
0x6e: {  	_ =	shalt  }
0x6f: {  	_ =	shalt  }
0x70: {  	_ =	shalt  }
0x71: {  	_ =	shalt  }
0x72: {  	_ =	shalt  }
0x73: {  	_ =	shalt  }
0x74: {  	_ =	shalt  }
0x75: {  	_ =	shalt  }
0x76: {  	_ =	shalt  }
0x77: {  	_ =	shalt  }
0x78: {  	_ =	shalt  }
0x79: {  	_ =	shalt  }
0x7a: {  	_ =	shalt  }
0x7b: {  	_ =	shalt  }
0x7c: {  	_ =	shalt  }
0x7d: {  	_ =	shalt  }
0x7e: {  	_ =	shalt  }
0x7f: {  	_ =	shalt  }
0x80: {  	_ =	shalt  }
0x81: {  	_ =	shalt  }
0x82: {  	_ =	shalt  }
0x83: {  	_ =	shalt  }
0x84: {  	_ =	shalt  }
0x85: {  	_ =	shalt  }
0x86: {  	_ =	shalt  }
0x87: {  	_ =	shalt  }
.Lfunc_end0:
.L_simem_size_0:
called_computation.4_lowered:
.L_overlay_start_0:
0x88: {  	s2 =	sld [smem:$0x3FD9]  }
0x89: {  	s3 =	sld [smem:$0x3FFE];
	_ =	sdelay $0x1  }
0x8a: {  	s1 =	srdreg.scid  }
0x8b: {  	s0 =	sand.u32 $0x1, s1  }
0x8c: {  	s16 =	sshll.u32 s0, $0xA;
	s2 =	sadd.s32 s3, s2  }
0x8d: {  	s2 =	sadd.s32 s2, s16  }
0x8e: {  	[smem:$0x3FA3] =	sst s2  }
0x8f: {  	_ = 	snop  }
0x90: {  	(tm) =	ssettm $0x1  }
0x91: {  	s17 =	sld [smem:$0x3FFB];
	_ =	sdelay $0x3  }
0x92: {  	_ =	strace s17  }
0x93: {  	s2 =	sld [smem:$0x3FFC];
	_ =	sdelay $0x3  }
0x94: {  	_ =	strace s2  }
0x95: {  	s2 =	sld [smem:$0x3FFD];
	_ =	sdelay $0x3  }
0x96: {  	_ =	strace s2  }
0x97: {  	_ =	strace $0x8FFFFFFF  }
0x98: {  	s18 =	sld [smem:$0x3FDB];
	_ =	sdelay $0x1  }
0x99: {  	s19 =	simm.s32 $_scs_section_size  }
0x9a: {  	s4 =	simm.s32 $_size__tile_overlayer_lowered;
	s5 =	simm.s32 $_tile_overlayer_lowered  }
0x9b: {  	s22 =	simm.s32 $0x1BFF;
	s21 =	sshll.u32 s5, $0x1;
	s2 =	sadd.s32 s19, s18  }
0x9c: {  	s6 =	simm.s32 $0x0;
	s20 =	sshll.u32 s4, $0x1;
	s4 =	sadd.s32 s21, s2  }
0x9d: {  	[timem:s6], [sflag:s22] =	dma.local [hbm:s4], s20  }
0x9e: {  	_ =	swait.ge [sflag:s22], s20  }
0x9f: {  	s3 =	ssub.s32 $0x0, s20;
	[sflag:s22] =	ssyncset.done $0x0  }
0xa0: {  	[sflag:s22] =	ssyncadd.s32 s3;
	_ =	sdelay $0x1  }
0xa1: {  	s23 =	simm.s32 $0x1B8B  }
0xa2: {  	_ =	swait.ge [sflag:s23], $0x1  }
0xa3: {  	[sflag:s23] =	ssyncset.done $0x0  }
0xa4: {  	s25 =	simm.s32 $0x1B8E;
	s24 =	sld [smem:$0x3FFE];
	[sflag:s23] =	ssyncadd.s32 $0xFFFFFFFF  }
0xa5: {  	s26 =	simm.s32 $execute0_lowered;
	[smem:$0x3FD2] =	sst s25  }
0xa6: {  	s4 =	sshll.u32 s26, $0x1;
	_ =	strace $0x80000052;
	[dreg:$0x1] =	wrdreg $0xFFFFFFFF  }
0xa7: {  	s28 =	simm.s32 $_size_execute0_lowered;
	s2 =	sadd.s32 s2, s4;
	[dreg:$0x0] =	wrdreg $0x0  }
0xa8: {  	s4 =	sshll.u32 s28, $0x1;
	[dreg:$0x2] =	wrdreg s2  }
0xa9: {  	[dreg:$0x3] =	wrdreg s4  }
0xaa: {  	[dreg:$0x4] =	wrdreg $0xC0  }
0xab: {  	_ =	task [dreg:s6], $0x5FFFF  }
0xac: {  	[dreg:$0x1] =	wrdreg $0xFFFFFFFF  }
0xad: {  	[dreg:$0x0] =	wrdreg $0x60  }
0xae: {  	[dreg:$0x2] =	wrdreg s24  }
0xaf: {  	[dreg:$0x3] =	wrdreg $0x9  }
0xb0: {  	_ =	task.clear_ibuf [dreg:s6], $0x4FFFF;
	_ =	strace $0x90000052  }
0xb1: {  	s29 =	simm.s32 $0x9;
	_ =	strace $0x80000054  }
0xb2: {  	_ =	swait.ge [sflag:s29], $0x1  }
0xb3: {  	[sflag:s29] =	ssyncadd.s32 $0xFFFFFFFF  }
0xb4: {  	_ =	strace $0x90000054  }
0xb5: {  	_ =	sfence  }
0xb6: {  	s30 =	sld [smem:$0x0];
	_ =	sdelay $0x2  }
0xb7: {  	s31 =	sshll.u32 s1, $0xD;
	s1 =	sshrl.u32 s1, $0x2  }
0xb8: {  	s3 =	sand.u32 $0x4000, s31;
	s1 =	sadd.s32 s1, s30  }
0xb9: {  	s0 =	sor.u32 s3, s0;
	s1 =	sshll.u32 s1, $0x11  }
0xba: {  	s0 =	sor.u32 s1, s0  }
0xbb: {  	s0 =	sadd.s32 $0x8F2B, s0  }
0xbc: {  	[sflag:s0] =	ssyncadd.remote.s32 $0x1  }
0xbd: {  	_ =	sfence.sel $0xFFFF  }
0xbe: {  	[dreg:$0x0] =	wrdreg $0xFFFFFFFF;
	(pc) =	sbr.abs _section_cstart, $3  }
0xbf: {  	[dreg:$0x1] =	wrdreg $0xFFFFFFFF  }
0xc0: {  	_ =	task.clear_ibuf [dreg:s6], $0x2FFFF;
	_ =	strace $0x9FFFFFFF  }
0xc1: {  	(tm) =	ssettm $0x7FFFFFFF  }
tec
execute0_lowered:
.L_overlay_start_1:
0x0: {  	(tag) =	ssettag $0x1  }
0x1: {  	s1 =	srdreg.scid  }
0x2: {  	s0 =	stileid.u32;
	s4 =	rddreg [dreg:$0x0]  }
0x3: {  	s2 =	simm.s32 $0x0;
	s9 =	simm.s32 $0x80;
	s10 =	simm.s32 $0x2800  }
0x4: {  	s11 =	simm.s32 $0x4800;
	s12 =	simm.s32 $0x1;
	s13 =	simm.s32 $0x6800  }
0x5: {  	s14 =	simm.s32 $0x8800;
	s15 =	simm.s32 $0xA800;
	s16 =	simm.s32 $0x2  }
0x6: {  	s17 =	simm.s32 $0xE800;
	s18 =	simm.s32 $0x3;
	s19 =	simm.s32 $0x4  }
0x7: {  	s3 =	sand.u32 $0x1, s1;
	s5 =	sshll.u32 s0, $0x1;
	s1 =	rddreg [dreg:$0x1]  }
0x8: {  	s20 =	simm.s32 $0x0;
	[smem:$0x7FF] =	sst s2;
	s6 =	sor.u32 s3, s5  }
0x9: {  	_ =	strace $0x80000053;
	s7 =	ssub.s32 $0x2, s3;
	s5 =	smul.u32 $0x500, s6  }
0xa: {  	s3 =	sadd.s32 $0x7EC00, s4;
	s8 =	sshrl.u32 s7, $0x1;
	s6 =	smul.u32 $0xA0000, s6  }
0xb: {  	s7 =	ssub.s32 s7, s8;
	s8 =	simm.s32 $0x5;
	s5 =	sadd.s32 s5, s4  }
0xc: {  	s4 =	sadd.s32 $0x2EDC00, s4;
	s7 =	smax.u32 s7, $0x1;
	s5 =	sadd.s32 $0x4DA00, s5  }
.LBB2_1:
0xd: {  	[tilespmem:s2], [sflag:$0x5] =	stream.linear.gather [hbm4b:s5+s2], $0x2800, $0x38;
	[tilespmem:$0x12800] =	vst v63  }
0xe: {  	_ =	swait.ge [sflag:s8], $0x2800  }
0xf: {  	[sflag:s8] =	ssyncset.done $0x0  }
0x10: {  	[sflag:s8] =	ssyncadd.s32 $0xFFFFD800  }
0x11: {  	[tilespmem:s10], [sflag:$0x1] =	stream.indirect.gather [hbm4b:s3+s9], $0x40, s2, s9, $0xb8;
	[tilespmem:$0x12800] =	vst v63  }
0x12: {  	s21 =	simm.s32 $0x0  }
0x13: {  	[tilespmem:s11], [sflag:$0x1] =	stream.indirect.gather [hbm4b:s3+s9], $0x40, s9, s9, $0xb8;
	[tilespmem:$0x12800] =	vst v63  }
.LBB2_2:
0x14: {  	_ =	swait.ge [sflag:s12], $0x4000;
	s22 =	sshllo.u32 s21, $0x1  }
0x15: {  	[sflag:s12] =	ssyncset.done $0x0;
	s23 =	sshll.u32 s22, $0x8  }
0x16: {  	[sflag:s12] =	ssyncadd.s32 $0xFFFFC000;
	s23 =	sand.u32 $0x3FFFFF00, s23  }
0x17: {  	[tilespmem:s13], [sflag:$0x2] =	stream.indirect.gather [hbm4b:s3+s9], $0x40, s23, s9, $0xb8;
	[tilespmem:$0x12800] =	vst v63  }
0x18: {  	p0 =	seq.s32 s21, $0x0;
	s23 =	sor.u32 $0x80, s23  }
0x19: {  	[tilespmem:s14], [sflag:$0x2] =	stream.indirect.gather [hbm4b:s3+s9], $0x40, s23, s9, $0xb8;
	[tilespmem:$0x12800] =	vst v63  }
0x1a: {  	s23 =	simm.s32 @!p0 $0x3  }
0x1b: {  	_ =	swait.ge @!p0 [sflag:s23], $0x4000  }
0x1c: {  	[sflag:s23] =	ssyncset.done @!p0 $0x0  }
0x1d: {  	[sflag:s23] =	ssyncadd.s32 @!p0 $0xFFFFC000;
	s23 =	simm.s32 $0x0  }
0x1e: {  	v3 =	vld [tilespmem:s23+$0x2870]  }
0x1f: {  	v4 =	vld [tilespmem:s23+$0x2800]  }
0x20: {  	v5 =	vld [tilespmem:s23+$0x2810]  }
0x21: {  	v2 =	vld [tilespmem:s23+$0x2820]  }
0x22: {  	v0 =	vld [tilespmem:s23+$0x2830]  }
0x23: {  	v1 =	vld [tilespmem:s23+$0x2840];
	[tilespmem:s23+$0xA870] =	vst v3  }
0x24: {  	[tilespmem:s23+$0xA800] =	vst v4;
	v3 =	vld [tilespmem:s23+$0x2850]  }
0x25: {  	s24 =	simm.s32 $0x80;
	s25 =	simm.s32 $0x400;
	[tilespmem:s23+$0xA810] =	vst v5;
	v4 =	vld [tilespmem:s23+$0x2860]  }
.LBB2_3:
0x26: {  	p0 =	sne.s32 s25, $0xFE00;
	v5 =	vld [tilespmem:s24+$0x2870];
	[tilespmem:s23+$0xA820] =	vst v2  }
0x27: {  	v6 =	vld [tilespmem:s24+$0x2800];
	[tilespmem:s23+$0xA830] =	vst v0  }
0x28: {  	v7 =	vld [tilespmem:s24+$0x2810];
	[tilespmem:s23+$0xA840] =	vst v1  }
.Ltmp0:
0x29: {  	v2 =	vld [tilespmem:s24+$0x2820];
	[tilespmem:s23+$0xA850] =	vst v3;
	(pc) =	sbr.rel @p0 .LBB2_3-.Ltmp0, $4  }
0x2a: {  	v0 =	vld [tilespmem:s24+$0x2830];
	[tilespmem:s23+$0xA860] =	vst v4;
	s23 =	smov.u32 s24  }
0x2b: {  	v1 =	vld [tilespmem:s23+$0x2840];
	[tilespmem:s23+$0xA870] =	vst v5  }
0x2c: {  	[tilespmem:s23+$0xA800] =	vst v6;
	v3 =	vld [tilespmem:s23+$0x2850]  }
0x2d: {  	s24 =	sshra.s32 s25, $0x2;
	s25 =	sadd.s32 $0x200, s25;
	[tilespmem:s23+$0xA810] =	vst v7;
	v4 =	vld [tilespmem:s23+$0x2860]  }
0x2e: {  	v5 =	vld [tilespmem:s24+$0x2870];
	[tilespmem:s23+$0xA820] =	vst v2  }
0x2f: {  	v2 =	vld [tilespmem:s24+$0x2800];
	[tilespmem:s23+$0xA830] =	vst v0  }
0x30: {  	v0 =	vld [tilespmem:s24+$0x2810];
	[tilespmem:s23+$0xA840] =	vst v1  }
0x31: {  	v1 =	vld [tilespmem:s24+$0x2820];
	[tilespmem:s23+$0xA850] =	vst v3  }
0x32: {  	v3 =	vld [tilespmem:s24+$0x2830];
	[tilespmem:s23+$0xA860] =	vst v4  }
0x33: {  	v4 =	vld [tilespmem:s24+$0x2840];
	[tilespmem:s24+$0xA870] =	vst v5  }
0x34: {  	[tilespmem:s24+$0xA800] =	vst v2;
	v2 =	vld [tilespmem:s24+$0x2850]  }
0x35: {  	[tilespmem:s24+$0xA810] =	vst v0;
	v0 =	vld [tilespmem:s24+$0x2860]  }
0x36: {  	[tilespmem:s24+$0xA820] =	vst v1  }
0x37: {  	s31 =	sshll.u32 s21, $0xF;
	[tilespmem:s24+$0xA830] =	vst v3  }
0x38: {  	s23 =	sadd.s32 s6, s31;
	[tilespmem:s24+$0xA840] =	vst v4  }
0x39: {  	s23 =	sshrl.u32 s23, $0x3;
	[tilespmem:s24+$0xA850] =	vst v2  }
0x3a: {  	p0 =	seq.s32 s21, $0x13;
	s23 =	sadd.s32 s4, s23;
	[tilespmem:s24+$0xA860] =	vst v0  }
0x3b: {  	[hbm4b:s23+s2] =	stream.linear.scatter [tilespmem:s15], [sflag:$0x3], $0x4000, $0x38;
	[tilespmem:$0x12800] =	vst v63  }
0x3c: {  	s23 =	sshll.u32 @!p0 s21, $0x9;
	_ =	swait.ge [sflag:s16], $0x4000  }
0x3d: {  	s25 =	simm.s32 @!p0 $0x80;
	s23 =	sand.u32 @!p0 $0x3FFFFE00, s23;
	[sflag:s16] =	ssyncset.done $0x0  }
0x3e: {  	s26 =	simm.s32 @!p0 $0x2800;
	s24 =	sadd.s32 @!p0 $0x200, s23;
	[sflag:s16] =	ssyncadd.s32 $0xFFFFC000  }
0x3f: {  	[tilespmem:s26], [sflag:$0x1] =	stream.indirect.gather @!p0 [hbm4b:s3+s25], $0x40, s24, s25, $0xb8;
	[tilespmem:$0x12800] =	vst v63  }
0x40: {  	p1 =	seq.s32 @!p0 s21, $0x0;
	s23 =	sadd.s32 @!p0 $0x280, s23;
	s24 =	simm.s32 @!p0 $0x4800  }
0x41: {  	[tilespmem:s24], [sflag:$0x1] =	stream.indirect.gather @!p0 [hbm4b:s3+s25], $0x40, s23, s25, $0xb8;
	[tilespmem:$0x12800] =	vst v63  }
0x42: {  	p0 =	por p0, !p1  }
0x43: {  	_ =	swait.ge @p0 [sflag:s19], $0x4000  }
0x44: {  	[sflag:s19] =	ssyncset.done @p0 $0x0  }
0x45: {  	s23 =	simm.s32 $0x0;
	[sflag:s19] =	ssyncadd.s32 @p0 $0xFFFFC000  }
0x46: {  	v3 =	vld [tilespmem:s23+$0x6870]  }
0x47: {  	v4 =	vld [tilespmem:s23+$0x6800]  }
0x48: {  	v5 =	vld [tilespmem:s23+$0x6810]  }
0x49: {  	v2 =	vld [tilespmem:s23+$0x6820]  }
0x4a: {  	v0 =	vld [tilespmem:s23+$0x6830]  }
0x4b: {  	v1 =	vld [tilespmem:s23+$0x6840];
	[tilespmem:s23+$0xE870] =	vst v3  }
0x4c: {  	[tilespmem:s23+$0xE800] =	vst v4;
	v3 =	vld [tilespmem:s23+$0x6850]  }
0x4d: {  	s24 =	simm.s32 $0x80;
	s25 =	simm.s32 $0x400;
	[tilespmem:s23+$0xE810] =	vst v5;
	v4 =	vld [tilespmem:s23+$0x6860]  }
.LBB2_5:
0x4e: {  	p0 =	sne.s32 s25, $0xFE00;
	v5 =	vld [tilespmem:s24+$0x6870];
	[tilespmem:s23+$0xE820] =	vst v2  }
0x4f: {  	v6 =	vld [tilespmem:s24+$0x6800];
	[tilespmem:s23+$0xE830] =	vst v0  }
0x50: {  	v7 =	vld [tilespmem:s24+$0x6810];
	[tilespmem:s23+$0xE840] =	vst v1  }
.Ltmp1:
0x51: {  	v2 =	vld [tilespmem:s24+$0x6820];
	[tilespmem:s23+$0xE850] =	vst v3;
	(pc) =	sbr.rel @p0 .LBB2_5-.Ltmp1, $4  }
0x52: {  	v0 =	vld [tilespmem:s24+$0x6830];
	[tilespmem:s23+$0xE860] =	vst v4;
	s23 =	smov.u32 s24  }
0x53: {  	v1 =	vld [tilespmem:s23+$0x6840];
	[tilespmem:s23+$0xE870] =	vst v5  }
0x54: {  	[tilespmem:s23+$0xE800] =	vst v6;
	v3 =	vld [tilespmem:s23+$0x6850]  }
0x55: {  	s24 =	sshra.s32 s25, $0x2;
	s25 =	sadd.s32 $0x200, s25;
	[tilespmem:s23+$0xE810] =	vst v7;
	v4 =	vld [tilespmem:s23+$0x6860]  }
0x56: {  	v5 =	vld [tilespmem:s24+$0x6870];
	[tilespmem:s23+$0xE820] =	vst v2  }
0x57: {  	v2 =	vld [tilespmem:s24+$0x6800];
	[tilespmem:s23+$0xE830] =	vst v0  }
0x58: {  	v0 =	vld [tilespmem:s24+$0x6810];
	[tilespmem:s23+$0xE840] =	vst v1  }
0x59: {  	v1 =	vld [tilespmem:s24+$0x6820];
	[tilespmem:s23+$0xE850] =	vst v3  }
0x5a: {  	v3 =	vld [tilespmem:s24+$0x6830];
	[tilespmem:s23+$0xE860] =	vst v4  }
0x5b: {  	v4 =	vld [tilespmem:s24+$0x6840];
	[tilespmem:s24+$0xE870] =	vst v5  }
0x5c: {  	v62 =	vld [tilespmem:s24+$0x6850];
	[tilespmem:s24+$0xE800] =	vst v2  }
0x5d: {  	s21 =	sadd.s32 $0x1, s21;
	v63 =	vld [tilespmem:s24+$0x6860];
	[tilespmem:s24+$0xE810] =	vst v0  }
0x5e: {  	p0 =	sne.s32 s21, $0x14;
	[tilespmem:s24+$0xE820] =	vst v1  }
.Ltmp2:
0x5f: {  	s22 =	sshll.u32 s22, $0xE;
	[tilespmem:s24+$0xE830] =	vst v3;
	(pc) =	sbr.rel @p0 .LBB2_2-.Ltmp2, $4  }
0x60: {  	s22 =	sadd.s32 s6, s22;
	[tilespmem:s24+$0xE840] =	vst v4  }
0x61: {  	s22 =	sshrl.u32 s22, $0x3;
	[tilespmem:s24+$0xE850] =	vst v62  }
0x62: {  	s22 =	sadd.s32 s4, s22;
	[tilespmem:s24+$0xE860] =	vst v63  }
0x63: {  	[hbm4b:s22+s2] =	stream.linear.scatter [tilespmem:s17], [sflag:$0x4], $0x4000, $0x38;
	[tilespmem:$0x12800] =	vst v63  }
0x64: {  	s20 =	sadd.s32 $0x1, s20  }
0x65: {  	_ =	swait.ge [sflag:s18], $0x4000;
	p0 =	sne.s32 s20, s7  }
.Ltmp3:
0x66: {  	[sflag:s18] =	ssyncset.done $0x0;
	(pc) =	sbr.rel @p0 .LBB2_1-.Ltmp3, $4  }
0x67: {  	[sflag:s18] =	ssyncadd.s32 $0xFFFFC000  }
0x68: {  	_ =	swait.ge [sflag:s19], $0x4000  }
0x69: {  	[sflag:s19] =	ssyncset.done $0x0  }
0x6a: {  	[sflag:s19] =	ssyncadd.s32 $0xFFFFC000  }
0x6b: {  	_ =	sfence.sel $0x180000  }
0x6c: {  	[bflag:$0x0] =	sbarrier.arrive $0xFFFF  }
0x6d: {  	p0 =	sne.s32 s0, $0x0;
	_ =	strace $0x90000053  }
0x6e: {  	s0 =	sadd.s32 @!p0 $0x100000, s1;
	[bflag:$0x2] =	sbarrier.arrive $0xFFFF  }
0x6f: {  	[sflag:s0] =	ssyncadd.tile.s32 @!p0 $0x1;
	_ =	shalt  }
.Lfunc_end2:
_tile_overlayer_lowered:
.L_overlay_start_2:
0x70: {  	(tag) =	ssettag $0x2  }
0x71: {  	s0 =	rddreg [dreg:$0x0];
	s2 =	stileid.u32  }
0x72: {  	s1 =	rddreg [dreg:$0x1];
	p0 =	sne.s32 s2, $0x0  }
0x73: {  	s3 =	rddreg [dreg:$0x2];
	[bflag:$0x3] =	sbarrier.arrive $0xFFFF;
	s2 =	simm.s32 @!p0 $0x1C05  }
0x74: {  	[timem:s3], [sflag:s2] =	dma.local @!p0 [hbm:s0], s1  }
0x75: {  	s0 =	simm.s32 @!p0 $0x5  }
0x76: {  	_ =	swait.ge @!p0 [sflag:s0], s1  }
0x77: {  	s1 =	ssub.s32 @!p0 $0x0, s1;
	[sflag:s0] =	ssyncset.done @!p0 $0x0  }
0x78: {  	[sflag:s0] =	ssyncadd.s32 @!p0 s1  }
0x79: {  	[bflag:$0x3] =	sbarrier.arrive $0xFFFF  }
0x7a: {  	_ =	shalt  }

// kernel: kernel.32.cloned.1.call-start
scs
__scs_entry_jumppad:
0x0: {  	(pc) =	sbr.rel $0x88, $3  }
0x1: {  	(tag) =	ssettag $0x0;
	lr =	simm.s32 $0x1  }
0x2: {  	[smem:$0x3F7C] =	sst lr;
	_ =	strace $0xD0000000  }
0x3: {  	_ = 	snop  }
0x4: {  	_ = 	snop  }
0x5: {  	_ = 	snop  }
0x6: {  	_ = 	snop  }
0x7: {  	_ = 	snop  }
__scs_overlays_trampoline_lowered:
0x8: {  	[smem:$0x3F8B] =	sst s0  }
0x9: {  	[smem:$0x3F8C] =	sst s1  }
0xa: {  	[smem:$0x3F8D] =	sst s2  }
0xb: {  	[smem:$0x3F8E] =	sst s3  }
0xc: {  	[smem:$0x3F8F] =	sst s4  }
0xd: {  	[smem:$0x3F90] =	sst s5  }
0xe: {  	[smem:$0x3F91] =	sst s6  }
0xf: {  	[smem:$0x3F92] =	sst s7  }
0x10: {  	[smem:$0x3F93] =	sst s8  }
0x11: {  	[smem:$0x3F94] =	sst s9;
	s0 =	simm.s32 @!p0 $0x0  }
0x12: {  	s1 =	sld [smem:$0x3F7A];
	s0 =	simm.s32 @p0 $0x1  }
0x13: {  	[smem:$0x3F95] =	sst s0;
	s0 =	simm.s32 @!p1 $0x0  }
0x14: {  	s2 =	sld [smem:$0x3F79];
	s0 =	simm.s32 @p1 $0x1  }
0x15: {  	[smem:$0x3F96] =	sst s0;
	s0 =	simm.s32 @!p2 $0x0  }
0x16: {  	s3 =	sld [smem:$0x3FDB];
	s0 =	simm.s32 @p2 $0x1  }
0x17: {  	s4 =	simm.s32 $0x1BF5;
	[smem:$0x3F98] =	sst s0  }
0x18: {  	s0 =	sld [smem:$0x3F7B];
	_ =	swait.ge [sflag:s4], $0x0  }
0x19: {  	s7 =	sld [smem:$0x3F7C]  }
0x1a: {  	s8 =	sadd.s32 $0xFFFFE003, lr  }
0x1b: {  	s9 =	sadd.s32 $0xFFFFFEF7, lr;
	s5 =	simm.s32 $0xFFFFFFFF;
	p2 =	slt.u32 s8, $0xFFFFF086  }
0x1c: {  	p1 =	slt.u32 s9, $0xF7A;
	s5 =	simm.s32 @!p2 $0x0  }
0x1d: {  	s5 =	simm.s32 @p1 $0x1;
	p0 =	seq.s32 s7, s2  }
0x1e: {  	s7 =	smul.u32 @!p0 $0xF7A, s2;
	p2 =	seq.s32 @!p0 s5, $0x0  }
0x1f: {  	s9 =	smul.u32 $0xF7A, s1;
	s8 =	simm.s32 @!p0 $0x1BF5;
	p2 =	por !p2, p0  }
0x20: {  	[sflag:s8] =	ssyncset.s32 @!p0 $0xFFFFF086;
	s6 =	sadd.s32 @!p0 s3, s7;
	s7 =	simm.s32 @!p0 $0x108  }
0x21: {  	s3 =	sadd.s32 s3, s9;
	s6 =	sadd.s32 @!p0 $0x88, s6;
	s7 =	simm.s32 @p2 $0x1082  }
0x22: {  	[simem:s7], [sflag:s8] =	dma.local @!p0 [hbm:s6], $0xF7A  }
0x23: {  	s9 =	sor.u32 $0xD0000000, s2;
	s6 =	simm.s32 $0x108;
	_ =	swait.ge @!p0 [sflag:s8], $0x0  }
0x24: {  	s3 =	sadd.s32 $0x88, s3;
	s6 =	simm.s32 @!p1 $0x1082;
	[sflag:s4] =	ssyncset.s32 $0xFFFFF086  }
0x25: {  	[simem:s6], [sflag:s4] =	dma.local [hbm:s3], $0xF7A  }
0x26: {  	[smem:$0x3F7C] =	sst s1;
	(tag) =	ssettag s2;
	_ =	strace s9  }
0x27: {  	s1 =	sld [smem:$0x3F8C]  }
0x28: {  	s2 =	sld [smem:$0x3F8D]  }
0x29: {  	s4 =	sld [smem:$0x3F8F]  }
0x2a: {  	p0 =	seq.s32 s5, $0x0;
	s5 =	sld [smem:$0x3F90]  }
0x2b: {  	s6 =	sld [smem:$0x3F91]  }
0x2c: {  	s7 =	sld [smem:$0x3F92]  }
0x2d: {  	s3 =	simm.s32 $0x108;
	s8 =	sld [smem:$0x3F93]  }
0x2e: {  	s3 =	simm.s32 @!p0 $0x1082;
	s9 =	sld [smem:$0x3F94]  }
0x2f: {  	lr =	sadd.s32 s0, s3;
	s0 =	sld [smem:$0x3F8B]  }
0x30: {  	s3 =	sld [smem:$0x3F8E]  }
0x31: {  	[smem:$0x3F97] =	sst s10  }
0x32: {  	s10 =	sld [smem:$0x3F95];
	_ =	sdelay $0x3  }
0x33: {  	p0 =	seq.s32 s10, $0x1;
	s10 =	sld [smem:$0x3F97];
	_ =	sdelay $0x3  }
0x34: {  	[smem:$0x3F97] =	sst s10  }
0x35: {  	s10 =	sld [smem:$0x3F96];
	_ =	sdelay $0x3  }
0x36: {  	p1 =	seq.s32 s10, $0x1;
	s10 =	sld [smem:$0x3F97];
	_ =	sdelay $0x3  }
0x37: {  	[smem:$0x3F97] =	sst s10  }
0x38: {  	s10 =	sld [smem:$0x3F98]  }
0x39: {  	_ = 	snop;
	(pc) =	sbr.ind lr, $3  }
0x3a: {  	_ = 	snop  }
0x3b: {  	_ = 	snop  }
0x3c: {  	p2 =	seq.s32 s10, $0x1;
	s10 =	sld [smem:$0x3F97]  }
0x3d: {  	_ =	shalt  }
0x3e: {  	_ =	shalt  }
0x3f: {  	_ =	shalt  }
0x40: {  	_ =	shalt  }
0x41: {  	_ =	shalt  }
0x42: {  	_ =	shalt  }
0x43: {  	_ =	shalt  }
0x44: {  	_ =	shalt  }
0x45: {  	_ =	shalt  }
0x46: {  	_ =	shalt  }
0x47: {  	_ =	shalt  }
0x48: {  	_ =	shalt  }
0x49: {  	_ =	shalt  }
0x4a: {  	_ =	shalt  }
0x4b: {  	_ =	shalt  }
0x4c: {  	_ =	shalt  }
0x4d: {  	_ =	shalt  }
0x4e: {  	_ =	shalt  }
0x4f: {  	_ =	shalt  }
0x50: {  	_ =	shalt  }
0x51: {  	_ =	shalt  }
0x52: {  	_ =	shalt  }
0x53: {  	_ =	shalt  }
0x54: {  	_ =	shalt  }
0x55: {  	_ =	shalt  }
0x56: {  	_ =	shalt  }
0x57: {  	_ =	shalt  }
0x58: {  	_ =	shalt  }
0x59: {  	_ =	shalt  }
0x5a: {  	_ =	shalt  }
0x5b: {  	_ =	shalt  }
0x5c: {  	_ =	shalt  }
0x5d: {  	_ =	shalt  }
0x5e: {  	_ =	shalt  }
0x5f: {  	_ =	shalt  }
0x60: {  	_ =	shalt  }
0x61: {  	_ =	shalt  }
0x62: {  	_ =	shalt  }
0x63: {  	_ =	shalt  }
0x64: {  	_ =	shalt  }
0x65: {  	_ =	shalt  }
0x66: {  	_ =	shalt  }
0x67: {  	_ =	shalt  }
0x68: {  	_ =	shalt  }
0x69: {  	_ =	shalt  }
0x6a: {  	_ =	shalt  }
0x6b: {  	_ =	shalt  }
0x6c: {  	_ =	shalt  }
0x6d: {  	_ =	shalt  }
0x6e: {  	_ =	shalt  }
0x6f: {  	_ =	shalt  }
0x70: {  	_ =	shalt  }
0x71: {  	_ =	shalt  }
0x72: {  	_ =	shalt  }
0x73: {  	_ =	shalt  }
0x74: {  	_ =	shalt  }
0x75: {  	_ =	shalt  }
0x76: {  	_ =	shalt  }
0x77: {  	_ =	shalt  }
0x78: {  	_ =	shalt  }
0x79: {  	_ =	shalt  }
0x7a: {  	_ =	shalt  }
0x7b: {  	_ =	shalt  }
0x7c: {  	_ =	shalt  }
0x7d: {  	_ =	shalt  }
0x7e: {  	_ =	shalt  }
0x7f: {  	_ =	shalt  }
0x80: {  	_ =	shalt  }
0x81: {  	_ =	shalt  }
0x82: {  	_ =	shalt  }
0x83: {  	_ =	shalt  }
0x84: {  	_ =	shalt  }
0x85: {  	_ =	shalt  }
0x86: {  	_ =	shalt  }
0x87: {  	_ =	shalt  }
.Lfunc_end0:
.L_simem_size_0:
called_computation.5_lowered:
.L_overlay_start_0:
0x88: {  	s2 =	sld [smem:$0x3FD9]  }
0x89: {  	s3 =	sld [smem:$0x3FFE];
	_ =	sdelay $0x1  }
0x8a: {  	s1 =	srdreg.scid  }
0x8b: {  	s0 =	sand.u32 $0x1, s1  }
0x8c: {  	s16 =	sshll.u32 s0, $0xA;
	s2 =	sadd.s32 s3, s2  }
0x8d: {  	s2 =	sadd.s32 s2, s16  }
0x8e: {  	[smem:$0x3FA3] =	sst s2  }
0x8f: {  	_ = 	snop  }
0x90: {  	(tm) =	ssettm $0x1  }
0x91: {  	s17 =	sld [smem:$0x3FFB];
	_ =	sdelay $0x3  }
0x92: {  	_ =	strace s17  }
0x93: {  	s2 =	sld [smem:$0x3FFC];
	_ =	sdelay $0x3  }
0x94: {  	_ =	strace s2  }
0x95: {  	s2 =	sld [smem:$0x3FFD];
	_ =	sdelay $0x3  }
0x96: {  	_ =	strace s2  }
0x97: {  	_ =	strace $0x8FFFFFFF  }
0x98: {  	s18 =	sld [smem:$0x3FDB];
	_ =	sdelay $0x1  }
0x99: {  	s19 =	simm.s32 $_scs_section_size  }
0x9a: {  	s4 =	simm.s32 $_size__tile_overlayer_lowered;
	s5 =	simm.s32 $_tile_overlayer_lowered  }
0x9b: {  	s22 =	simm.s32 $0x1BFF;
	s21 =	sshll.u32 s5, $0x1;
	s2 =	sadd.s32 s19, s18  }
0x9c: {  	s6 =	simm.s32 $0x0;
	s20 =	sshll.u32 s4, $0x1;
	s4 =	sadd.s32 s21, s2  }
0x9d: {  	[timem:s6], [sflag:s22] =	dma.local [hbm:s4], s20  }
0x9e: {  	_ =	swait.ge [sflag:s22], s20  }
0x9f: {  	s3 =	ssub.s32 $0x0, s20;
	[sflag:s22] =	ssyncset.done $0x0  }
0xa0: {  	[sflag:s22] =	ssyncadd.s32 s3;
	_ =	sdelay $0x1  }
0xa1: {  	s23 =	simm.s32 $0x1B8B  }
0xa2: {  	_ =	swait.ge [sflag:s23], $0x1  }
0xa3: {  	[sflag:s23] =	ssyncset.done $0x0  }
0xa4: {  	s25 =	simm.s32 $0x1B8E;
	s24 =	sld [smem:$0x3FFE];
	[sflag:s23] =	ssyncadd.s32 $0xFFFFFFFF  }
0xa5: {  	s26 =	simm.s32 $execute0_lowered;
	[smem:$0x3FD2] =	sst s25  }
0xa6: {  	s4 =	sshll.u32 s26, $0x1;
	_ =	strace $0x80000055;
	[dreg:$0x1] =	wrdreg $0xFFFFFFFF  }
0xa7: {  	s28 =	simm.s32 $_size_execute0_lowered;
	s2 =	sadd.s32 s2, s4;
	[dreg:$0x0] =	wrdreg $0x0  }
0xa8: {  	s4 =	sshll.u32 s28, $0x1;
	[dreg:$0x2] =	wrdreg s2  }
0xa9: {  	[dreg:$0x3] =	wrdreg s4  }
0xaa: {  	[dreg:$0x4] =	wrdreg $0xC0  }
0xab: {  	_ =	task [dreg:s6], $0x5FFFF  }
0xac: {  	[dreg:$0x1] =	wrdreg $0xFFFFFFFF  }
0xad: {  	[dreg:$0x0] =	wrdreg $0x60  }
0xae: {  	[dreg:$0x2] =	wrdreg s24  }
0xaf: {  	[dreg:$0x3] =	wrdreg $0xD4000  }
0xb0: {  	[dreg:$0x4] =	wrdreg $0x9  }
0xb1: {  	_ =	task.clear_ibuf [dreg:s6], $0x5FFFF;
	_ =	strace $0x90000055  }
0xb2: {  	s29 =	simm.s32 $0x9;
	_ =	strace $0x80000057  }
0xb3: {  	_ =	swait.ge [sflag:s29], $0x1  }
0xb4: {  	[sflag:s29] =	ssyncadd.s32 $0xFFFFFFFF  }
0xb5: {  	_ =	strace $0x90000057  }
0xb6: {  	_ =	sfence  }
0xb7: {  	s30 =	sld [smem:$0x0];
	_ =	sdelay $0x2  }
0xb8: {  	s31 =	sshll.u32 s1, $0xD;
	s1 =	sshrl.u32 s1, $0x2  }
0xb9: {  	s3 =	sand.u32 $0x4000, s31;
	s1 =	sadd.s32 s1, s30  }
0xba: {  	s0 =	sor.u32 s3, s0;
	s1 =	sshll.u32 s1, $0x11  }
0xbb: {  	s0 =	sor.u32 s1, s0  }
0xbc: {  	s0 =	sadd.s32 $0x8F2B, s0  }
0xbd: {  	[sflag:s0] =	ssyncadd.remote.s32 $0x1  }
0xbe: {  	_ =	sfence.sel $0xFFFF  }
0xbf: {  	[dreg:$0x0] =	wrdreg $0xFFFFFFFF;
	(pc) =	sbr.abs _section_cstart, $3  }
0xc0: {  	[dreg:$0x1] =	wrdreg $0xFFFFFFFF  }
0xc1: {  	_ =	task.clear_ibuf [dreg:s6], $0x2FFFF;
	_ =	strace $0x9FFFFFFF  }
0xc2: {  	(tm) =	ssettm $0x7FFFFFFF  }
0xc3: {  	_ =	shalt  }
tec
execute0_lowered:
.L_overlay_start_1:
0x0: {  	(tag) =	ssettag $0x1  }
0x1: {  	s1 =	srdreg.scid  }
0x2: {  	s0 =	stileid.u32;
	s6 =	rddreg [dreg:$0x0]  }
0x3: {  	s2 =	rddreg [dreg:$0x1];
	s3 =	simm.s32 $0x0;
	s16 =	simm.s32 $0x1  }
0x4: {  	s17 =	simm.s32 $0x5400;
	s18 =	simm.s32 $0x80;
	s19 =	simm.s32 $0x9400  }
0x5: {  	s20 =	simm.s32 $0xB400;
	s21 =	simm.s32 $0x2;
	s22 =	simm.s32 $0x0  }
0x6: {  	s5 =	sand.u32 $0x1, s1;
	s29 =	sshll.u32 s0, $0x1;
	s1 =	rddreg [dreg:$0x2]  }
0x7: {  	s9 =	smul.u32 $0x9C80, s0;
	[smem:$0x7FF] =	sst s3;
	s4 =	sadd.s32 $0x7DA200, s6  }
0x8: {  	s14 =	sshll.u32 s0, $0x6;
	s7 =	sor.u32 s5, s29;
	s10 =	smul.u32 $0x9C800, s5  }
0x9: {  	_ =	strace $0x80000056;
	s5 =	ssub.s32 $0x2, s5;
	s8 =	smul.u32 $0x280, s7  }
0xa: {  	s11 =	sshrl.u32 s9, $0x3;
	s30 =	sshrl.u32 s5, $0x1;
	s31 =	smul.u32 $0xA000, s7  }
0xb: {  	s15 =	sadd.s32 s9, s2;
	s10 =	sadd.s32 s9, s10;
	s11 =	sadd.s32 s11, s6  }
0xc: {  	s13 =	ssub.s32 s5, s30;
	s5 =	smul.u32 $0x50000, s7;
	s7 =	sor.u32 $0x1C03, s14  }
0xd: {  	s14 =	simm.s32 $0x3;
	s8 =	sadd.s32 s8, s6;
	s10 =	sshrl.u32 s10, $0x3  }
0xe: {  	s9 =	sadd.s32 s4, s31;
	s12 =	sadd.s32 s10, s6;
	s6 =	sadd.s32 $0x2DA200, s11  }
0xf: {  	s8 =	sadd.s32 $0xDE00, s8;
	s10 =	sor.u32 $0x8000, s5;
	s11 =	sadd.s32 $0x7EC00, s12  }
0x10: {  	s12 =	smax.u32 s13, $0x1;
	s13 =	sshrl.u32 s15, $0x3;
	s15 =	simm.s32 $0x1400  }
.LBB2_1:
0x11: {  	[spmem:s13], [sflag:s7] =	dma.local [hbm:s6], $0x1390  }
0x12: {  	_ =	swait.ge [sflag:s14], $0x1390  }
0x13: {  	[sflag:s14] =	ssyncset.done $0x0  }
0x14: {  	[sflag:s14] =	ssyncadd.s32 $0xFFFFEC70  }
0x15: {  	[tilespmem:s3], [sflag:$0x3] =	stream.linear.gather [hbm4b:s8+s3], $0x1400, $0x38;
	[tilespmem:$0x17080] =	vst v63  }
0x16: {  	_ =	swait.ge [sflag:s14], $0x1400  }
0x17: {  	[sflag:s14] =	ssyncset.done $0x0  }
0x18: {  	[sflag:s14] =	ssyncadd.s32 $0xFFFFEC00  }
0x19: {  	s23 =	simm.s32 $0x0;
	[bflag:$0x0] =	sbarrier.arrive $0xFFFF  }
0x1a: {  	[tilespmem:s15], [sflag:$0x1] =	stream.linear.gather [hbm4b:s9+s3], $0x4000, $0x38;
	[tilespmem:$0x17080] =	vst v63  }
.LBB2_2:
0x1b: {  	s24 =	sshllo.u32 s23, $0x1  }
0x1c: {  	s25 =	sshll.u32 s24, $0xE  }
0x1d: {  	_ =	swait.ge [sflag:s16], $0x4000;
	s25 =	sadd.s32 s5, s25  }
0x1e: {  	[sflag:s16] =	ssyncset.done $0x0;
	s25 =	sshrl.u32 s25, $0x3  }
0x1f: {  	s26 =	simm.s32 $0x0;
	[sflag:s16] =	ssyncadd.s32 $0xFFFFC000;
	s25 =	sadd.s32 s4, s25  }
0x20: {  	[tilespmem:s17], [sflag:$0x2] =	stream.linear.gather [hbm4b:s25+s26], $0x4000, $0x38;
	[tilespmem:$0x17080] =	vst v63  }
0x21: {  	s25 =	simm.s32 $0x0  }
0x22: {  	v3 =	vld [tilespmem:s25+$0x1470]  }
0x23: {  	v4 =	vld [tilespmem:s25+$0x1400]  }
0x24: {  	v5 =	vld [tilespmem:s25+$0x1410]  }
0x25: {  	v2 =	vld [tilespmem:s25+$0x1420]  }
0x26: {  	v0 =	vld [tilespmem:s25+$0x1430]  }
0x27: {  	v1 =	vld [tilespmem:s25+$0x1440];
	[tilespmem:s25+$0x9470] =	vst v3  }
0x28: {  	[tilespmem:s25+$0x9400] =	vst v4;
	v3 =	vld [tilespmem:s25+$0x1450]  }
0x29: {  	s28 =	simm.s32 $0x400;
	s26 =	simm.s32 $0x80;
	[tilespmem:s25+$0x9410] =	vst v5;
	v4 =	vld [tilespmem:s25+$0x1460]  }
.LBB2_3:
0x2a: {  	p0 =	sne.s32 s28, $0xFE00;
	v5 =	vld [tilespmem:s26+$0x1470];
	[tilespmem:s25+$0x9420] =	vst v2  }
0x2b: {  	v6 =	vld [tilespmem:s26+$0x1400];
	[tilespmem:s25+$0x9430] =	vst v0  }
0x2c: {  	v7 =	vld [tilespmem:s26+$0x1410];
	[tilespmem:s25+$0x9440] =	vst v1  }
.Ltmp0:
0x2d: {  	v2 =	vld [tilespmem:s26+$0x1420];
	[tilespmem:s25+$0x9450] =	vst v3;
	(pc) =	sbr.rel @p0 .LBB2_3-.Ltmp0, $4  }
0x2e: {  	v0 =	vld [tilespmem:s26+$0x1430];
	[tilespmem:s25+$0x9460] =	vst v4;
	s25 =	smov.u32 s26  }
0x2f: {  	v1 =	vld [tilespmem:s25+$0x1440];
	[tilespmem:s25+$0x9470] =	vst v5  }
0x30: {  	[tilespmem:s25+$0x9400] =	vst v6;
	v3 =	vld [tilespmem:s25+$0x1450]  }
0x31: {  	s26 =	sshra.s32 s28, $0x2;
	s28 =	sadd.s32 $0x200, s28;
	[tilespmem:s25+$0x9410] =	vst v7;
	v4 =	vld [tilespmem:s25+$0x1460]  }
0x32: {  	v5 =	vld [tilespmem:s26+$0x1470];
	[tilespmem:s25+$0x9420] =	vst v2  }
0x33: {  	v2 =	vld [tilespmem:s26+$0x1400];
	[tilespmem:s25+$0x9430] =	vst v0  }
0x34: {  	v0 =	vld [tilespmem:s26+$0x1410];
	[tilespmem:s25+$0x9440] =	vst v1  }
0x35: {  	v1 =	vld [tilespmem:s26+$0x1420];
	[tilespmem:s25+$0x9450] =	vst v3  }
0x36: {  	v3 =	vld [tilespmem:s26+$0x1430];
	[tilespmem:s25+$0x9460] =	vst v4  }
0x37: {  	v4 =	vld [tilespmem:s26+$0x1440];
	[tilespmem:s26+$0x9470] =	vst v5  }
0x38: {  	[tilespmem:s26+$0x9400] =	vst v2;
	v2 =	vld [tilespmem:s26+$0x1450]  }
0x39: {  	[tilespmem:s26+$0x9410] =	vst v0;
	v0 =	vld [tilespmem:s26+$0x1460]  }
0x3a: {  	[tilespmem:s26+$0x9420] =	vst v1  }
0x3b: {  	[tilespmem:s26+$0x9430] =	vst v3  }
0x3c: {  	[tilespmem:s26+$0x9440] =	vst v4  }
0x3d: {  	s31 =	sshll.u32 s23, $0x9;
	[tilespmem:s26+$0x9450] =	vst v2  }
0x3e: {  	s25 =	sand.u32 $0x3FFFFE00, s31;
	[tilespmem:s26+$0x9460] =	vst v0  }
0x3f: {  	[spmem:s2] =	stream.indirect.scatter.add.f32 [tilespmem:s19], [sflag:$0x3], $0x40, s25, s18, $0xb8;
	[tilespmem:$0x17080] =	vst v63  }
0x40: {  	_ =	swait.ge [sflag:s14], $0x2000  }
0x41: {  	[sflag:s14] =	ssyncset.done $0x0  }
0x42: {  	s25 =	sor.u32 $0x80, s25;
	[sflag:s14] =	ssyncadd.s32 $0xFFFFE000  }
0x43: {  	[spmem:s2] =	stream.indirect.scatter.add.f32 [tilespmem:s20], [sflag:$0x3], $0x40, s25, s18, $0xb8;
	[tilespmem:$0x17080] =	vst v63  }
0x44: {  	_ =	swait.ge [sflag:s14], $0x2000  }
0x45: {  	p0 =	seq.s32 s23, $0x9;
	[sflag:s14] =	ssyncset.done $0x0  }
0x46: {  	s25 =	sshll.u32 @!p0 s23, $0xF;
	[sflag:s14] =	ssyncadd.s32 $0xFFFFE000  }
0x47: {  	s25 =	sadd.s32 @!p0 s25, s10;
	_ =	swait.ge [sflag:s21], $0x4000  }
0x48: {  	s28 =	simm.s32 @!p0 $0x1400;
	s25 =	sshrl.u32 @!p0 s25, $0x3;
	[sflag:s21] =	ssyncset.done $0x0  }
0x49: {  	s26 =	simm.s32 @!p0 $0x0;
	s25 =	sadd.s32 @!p0 s4, s25;
	[sflag:s21] =	ssyncadd.s32 $0xFFFFC000  }
0x4a: {  	[tilespmem:s28], [sflag:$0x1] =	stream.linear.gather @!p0 [hbm4b:s25+s26], $0x4000, $0x38;
	[tilespmem:$0x17080] =	vst v63  }
0x4b: {  	s25 =	simm.s32 $0x0  }
0x4c: {  	v3 =	vld [tilespmem:s25+$0x5470]  }
0x4d: {  	v4 =	vld [tilespmem:s25+$0x5400]  }
0x4e: {  	v5 =	vld [tilespmem:s25+$0x5410]  }
0x4f: {  	v2 =	vld [tilespmem:s25+$0x5420]  }
0x50: {  	v0 =	vld [tilespmem:s25+$0x5430]  }
0x51: {  	v1 =	vld [tilespmem:s25+$0x5440];
	[tilespmem:s25+$0x9470] =	vst v3  }
0x52: {  	[tilespmem:s25+$0x9400] =	vst v4;
	v3 =	vld [tilespmem:s25+$0x5450]  }
0x53: {  	s26 =	simm.s32 $0x80;
	s28 =	simm.s32 $0x400;
	[tilespmem:s25+$0x9410] =	vst v5;
	v4 =	vld [tilespmem:s25+$0x5460]  }
.LBB2_5:
0x54: {  	p0 =	sne.s32 s28, $0xFE00;
	v5 =	vld [tilespmem:s26+$0x5470];
	[tilespmem:s25+$0x9420] =	vst v2  }
0x55: {  	v6 =	vld [tilespmem:s26+$0x5400];
	[tilespmem:s25+$0x9430] =	vst v0  }
0x56: {  	v7 =	vld [tilespmem:s26+$0x5410];
	[tilespmem:s25+$0x9440] =	vst v1  }
.Ltmp1:
0x57: {  	v2 =	vld [tilespmem:s26+$0x5420];
	[tilespmem:s25+$0x9450] =	vst v3;
	(pc) =	sbr.rel @p0 .LBB2_5-.Ltmp1, $4  }
0x58: {  	v0 =	vld [tilespmem:s26+$0x5430];
	[tilespmem:s25+$0x9460] =	vst v4;
	s25 =	smov.u32 s26  }
0x59: {  	v1 =	vld [tilespmem:s25+$0x5440];
	[tilespmem:s25+$0x9470] =	vst v5  }
0x5a: {  	[tilespmem:s25+$0x9400] =	vst v6;
	v3 =	vld [tilespmem:s25+$0x5450]  }
0x5b: {  	s26 =	sshra.s32 s28, $0x2;
	s28 =	sadd.s32 $0x200, s28;
	[tilespmem:s25+$0x9410] =	vst v7;
	v4 =	vld [tilespmem:s25+$0x5460]  }
0x5c: {  	v5 =	vld [tilespmem:s26+$0x5470];
	[tilespmem:s25+$0x9420] =	vst v2  }
0x5d: {  	v2 =	vld [tilespmem:s26+$0x5400];
	[tilespmem:s25+$0x9430] =	vst v0  }
0x5e: {  	v0 =	vld [tilespmem:s26+$0x5410];
	[tilespmem:s25+$0x9440] =	vst v1  }
0x5f: {  	v1 =	vld [tilespmem:s26+$0x5420];
	[tilespmem:s25+$0x9450] =	vst v3  }
0x60: {  	v3 =	vld [tilespmem:s26+$0x5430];
	[tilespmem:s25+$0x9460] =	vst v4  }
0x61: {  	v4 =	vld [tilespmem:s26+$0x5440];
	[tilespmem:s26+$0x9470] =	vst v5  }
0x62: {  	v62 =	vld [tilespmem:s26+$0x5450];
	[tilespmem:s26+$0x9400] =	vst v2  }
0x63: {  	v63 =	vld [tilespmem:s26+$0x5460];
	[tilespmem:s26+$0x9410] =	vst v0  }
0x64: {  	[tilespmem:s26+$0x9420] =	vst v1  }
0x65: {  	[tilespmem:s26+$0x9430] =	vst v3  }
0x66: {  	[tilespmem:s26+$0x9440] =	vst v4  }
0x67: {  	s24 =	sshll.u32 s24, $0x8;
	[tilespmem:s26+$0x9450] =	vst v62  }
0x68: {  	s24 =	sand.u32 $0x3FFFFF00, s24;
	[tilespmem:s26+$0x9460] =	vst v63  }
0x69: {  	[spmem:s2] =	stream.indirect.scatter.add.f32 [tilespmem:s19], [sflag:$0x3], $0x40, s24, s18, $0xb8;
	[tilespmem:$0x17080] =	vst v63  }
0x6a: {  	s23 =	sadd.s32 $0x1, s23;
	_ =	swait.ge [sflag:s14], $0x2000  }
0x6b: {  	p0 =	sne.s32 s23, $0xA;
	[sflag:s14] =	ssyncset.done $0x0  }
.Ltmp2:
0x6c: {  	s24 =	sor.u32 $0x80, s24;
	[sflag:s14] =	ssyncadd.s32 $0xFFFFE000;
	(pc) =	sbr.rel @p0 .LBB2_2-.Ltmp2, $4  }
0x6d: {  	[spmem:s2] =	stream.indirect.scatter.add.f32 [tilespmem:s20], [sflag:$0x3], $0x40, s24, s18, $0xb8;
	[tilespmem:$0x17080] =	vst v63  }
0x6e: {  	_ =	swait.ge [sflag:s14], $0x2000  }
0x6f: {  	[sflag:s14] =	ssyncset.done $0x0  }
0x70: {  	[sflag:s14] =	ssyncadd.s32 $0xFFFFE000  }
0x71: {  	s22 =	sadd.s32 $0x1, s22  }
0x72: {  	p0 =	sne.s32 s22, s12  }
.Ltmp3:
0x73: {  	[bflag:$0x0] =	sbarrier.arrive $0xFFFF;
	(pc) =	sbr.rel @p0 .LBB2_1-.Ltmp3, $4  }
0x74: {  	[hbm:s11], [sflag:s7] =	dma.local [spmem:s13], $0x1390  }
0x75: {  	_ =	swait.ge [sflag:s14], $0x1390  }
0x76: {  	[sflag:s14] =	ssyncset.done $0x0  }
0x77: {  	[sflag:s14] =	ssyncadd.s32 $0xFFFFEC70  }
0x78: {  	_ =	sfence.sel $0x180000  }
0x79: {  	[bflag:$0x0] =	sbarrier.arrive $0xFFFF  }
0x7a: {  	p0 =	sne.s32 s0, $0x0;
	_ =	strace $0x90000056  }
0x7b: {  	s0 =	sadd.s32 @!p0 $0x100000, s1;
	[bflag:$0x2] =	sbarrier.arrive $0xFFFF  }
0x7c: {  	[sflag:s0] =	ssyncadd.tile.s32 @!p0 $0x1;
	_ =	shalt  }
.Lfunc_end2:
_tile_overlayer_lowered:
.L_overlay_start_2:
0x7d: {  	(tag) =	ssettag $0x2  }
0x7e: {  	s0 =	rddreg [dreg:$0x0];
	s2 =	stileid.u32  }
0x7f: {  	s1 =	rddreg [dreg:$0x1];
	p0 =	sne.s32 s2, $0x0  }
0x80: {  	s3 =	rddreg [dreg:$0x2];
	[bflag:$0x3] =	sbarrier.arrive $0xFFFF;
	s2 =	simm.s32 @!p0 $0x1C03  }
0x81: {  	[timem:s3], [sflag:s2] =	dma.local @!p0 [hbm:s0], s1  }
0x82: {  	s0 =	simm.s32 @!p0 $0x3  }
0x83: {  	_ =	swait.ge @!p0 [sflag:s0], s1  }
0x84: {  	s1 =	ssub.s32 @!p0 $0x0, s1;
	[sflag:s0] =	ssyncset.done @!p0 $0x0  }
0x85: {  	[sflag:s0] =	ssyncadd.s32 @!p0 s1  }
0x86: {  	[bflag:$0x3] =	sbarrier.arrive $0xFFFF  }
0x87: {  	_ =	shalt  }

</sc_bundles>
